<compile_context>
chip_gen: v7x
topology: tpu7x:2x2x1
jax: 0.10.2.dev20260603
libtpu: 0.0.44.dev20260713+nightly
codegen_flags: <defaults>
</compile_context>

<pallas_src>
import functools

import numpy as np
import jax
import jax.numpy as jnp
from jax import lax
from jax.experimental import pallas as pl
from jax.experimental.pallas import tpu as pltpu
from jax.experimental.pallas import tpu_sc as plsc

_NB = 1280
_NCH = 30
_NS = 361
_SC_SLICES = 64
_TC_SLICES = _NS - _SC_SLICES
_TC_BLOCK = 27
_W = 32
_SPW = _SC_SLICES // _W

_t = np.arange(_NCH) % 6
_P = np.where((_t < 2) | (_t == 4), 0.25, 0.0).astype(np.float32)
_Q = np.where(_t == 4, 1.0, 0.0).astype(np.float32)
_C = np.where((_t == 2) | (_t == 3), 1.0, 0.0).astype(np.float32)
_PLANE_P = np.broadcast_to(_P[None, :, None], (1, _NCH, _NB)).copy()
_PLANE_Q = np.broadcast_to(_Q[None, :, None], (1, _NCH, _NB)).copy()
_PLANE_C = np.broadcast_to(_C[None, :, None], (1, _NCH, _NB)).copy()


def _tc_body(x_ref, p_ref, q_ref, c_ref, o_ref):
    v = x_ref[...]
    u = jnp.tanh(v * 0.5)
    w = u + q_ref[...]
    term = p_ref[...] * (w * w) + c_ref[...] * (v * v)
    part = jnp.sum(term)

    @pl.when(pl.program_id(0) == 0)
    def _():
        o_ref[0, 0] = 0.0

    o_ref[0, 0] += part


def _tc_part(x):
    plane = pl.BlockSpec((1, _NCH, _NB), lambda i: (0, 0, 0))
    total = pl.pallas_call(
        _tc_body,
        grid=(_TC_SLICES // _TC_BLOCK,),
        in_specs=[pl.BlockSpec((_TC_BLOCK, _NCH, _NB), lambda i: (i, 0, 0)),
                  plane, plane, plane],
        out_specs=pl.BlockSpec(memory_space=pltpu.SMEM),
        out_shape=jax.ShapeDtypeStruct((1, 1), jnp.float32),
    )(x, _PLANE_P, _PLANE_Q, _PLANE_C)
    return total[0, 0]


def _sc_vec_term(v, ch):
    t = ch % 6
    if t in (2, 3):
        return v * v
    if t == 5:
        return None
    e = jnp.exp(-v)
    if t < 2:
        d = (1.0 - e) / (1.0 + e)
        return 0.25 * (d * d)
    s = 1.0 / (1.0 + e)
    return s * s


def _sc_kernel_body(x_hbm, out_hbm, buf, acc_vmem, sem):
    cid = lax.axis_index("c")
    sid = lax.axis_index("s")
    wid = sid * 2 + cid
    acc = jnp.zeros((16,), jnp.float32)
    for j in range(_SPW):
        s = _TC_SLICES + wid * _SPW + j
        for r in range(4):
            g = min(8, _NCH - 8 * r)
            pltpu.sync_copy(x_hbm.at[s, pl.ds(8 * r, g)], buf.at[pl.ds(0, g)])
            for i in range(g):
                ch = 8 * r + i

                def vec_body(k, a, i=i, ch=ch):
                    v = buf[i, pl.ds(k * 16, 16)]
                    term = _sc_vec_term(v, ch)
                    return a if term is None else a + term

                if _sc_vec_term(jnp.zeros((16,), jnp.float32), ch) is not None:
                    acc = lax.fori_loop(0, _NB // 16, vec_body, acc)
    acc_vmem[...] = acc
    pltpu.sync_copy(acc_vmem, out_hbm.at[wid])


def _sc_part(x):
    mesh = plsc.VectorSubcoreMesh(core_axis_name="c", subcore_axis_name="s")
    run = functools.partial(
        pl.kernel,
        mesh=mesh,
        out_type=jax.ShapeDtypeStruct((_W, 16), jnp.float32),
        scratch_types=[
            pltpu.VMEM((8, _NB), jnp.float32),
            pltpu.VMEM((16,), jnp.float32),
            pltpu.SemaphoreType.DMA,
        ],
        compiler_params=pltpu.CompilerParams(use_tc_tiling_on_sc=True),
    )(_sc_kernel_body)
    return jnp.sum(run(x))


def kernel(output, target):
    del target
    x = jnp.transpose(output, (2, 3, 1, 0)).reshape(_NS, _NCH, _NB)
    sc = _sc_part(x)
    tc = _tc_part(x)
    return (tc + sc) * 0.5

# --- scband reference (transcript-rebuilt; emitter-appended) ---
"""Pipeline reference for scband-region-loss-v2-62921270886753 (READ-ONLY COPY).

The authoritative reference and input builder live on the scoring server;
editing this copy changes nothing except your own understanding.
"""

import jax, jax.numpy as jnp
import numpy as np

BS, CS = 64, 20
NA, NC = 5, 1
NH, NW = 19, 19
ANCHORS = jnp.array([1.3221, 1.73145, 3.19275, 4.00944, 5.05587, 8.09892, 9.47112, 4.84053, 11.2364, 10.0071], dtype=jnp.float32)
COORD_SCALE = 1.0
NOOBJECT_SCALE = 1.0
OBJECT_SCALE = 5.0
CLASS_SCALE = 1.0


def setup_inputs(seed: int = 0) -> dict:
    key = jax.random.key(seed)
    k1 = jax.random.fold_in(key, 1)
    output = jax.random.normal(k1, (BS * CS, NA * (5 + NC), NH, NW), dtype=jnp.float32)
    # target is all-zeros: no ground-truth boxes present (target[b, t*5+1]==0 breaks
    # both loops in build_targets immediately), matching the specified fill.
    target = jnp.zeros((BS, CS, 250), dtype=jnp.float32)
    return {"output": output, "target": target}


def reference(output, target):
    bs = target.shape[0]
    cs = target.shape[1]
    nA, nC = NA, NC
    nH, nW = output.shape[2], output.shape[3]

    # cls branch (meta-class logits): select channels [5, 5+nC)
    cls = output.reshape(output.shape[0], nA, 5 + nC, nH, nW)[:, :, 5:5 + nC]
    cls = cls.reshape(bs, cs, nA * nC * nH * nW).transpose(0, 2, 1).reshape(bs * nA * nC * nH * nW, cs)

    target2 = target.reshape(-1, target.shape[-1])
    # neg_filter with cfg.neg_ratio == 'full': keep all rows
    nB = output.shape[0]

    out5 = output.reshape(nB, nA, 5 + nC, nH, nW)
    x = jax.nn.sigmoid(out5[:, :, 0])
    y = jax.nn.sigmoid(out5[:, :, 1])
    w = out5[:, :, 2]
    h = out5[:, :, 3]
    conf = jax.nn.sigmoid(out5[:, :, 4])

    # pred_boxes (computed under no_grad in torch; stop_gradient here)
    grid_x = jnp.tile(jnp.tile(jnp.arange(nW, dtype=jnp.float32)[None, :], (nH, 1)).reshape(-1), (nB * nA,))
    grid_y = jnp.tile(jnp.tile(jnp.arange(nH, dtype=jnp.float32)[:, None], (1, nW)).reshape(-1), (nB * nA,))
    a = ANCHORS.reshape(nA, 2)
    anchor_w = jnp.tile(jnp.repeat(a[:, 0], nH * nW), (nB,))
    anchor_h = jnp.tile(jnp.repeat(a[:, 1], nH * nW), (nB,))
    px = jax.lax.stop_gradient(x).reshape(-1) + grid_x
    py = jax.lax.stop_gradient(y).reshape(-1) + grid_y
    pw = jnp.exp(jax.lax.stop_gradient(w)).reshape(-1) * anchor_w
    ph = jnp.exp(jax.lax.stop_gradient(h)).reshape(-1) * anchor_h
    pred_boxes = jnp.stack([px, py, pw, ph], axis=1)  # kept for faithfulness; unused when no GT

    # build_targets with all-zero target (zero GT boxes) and seen=0 < 12800:
    #   conf_mask = noobject_scale everywhere (genConfMask loop never fires)
    #   coord_mask = 1 everywhere, tx = ty = 0.5, tw = th = 0, tconf = 0, cls_mask = 0
    coord_mask = jnp.ones((nB, nA, nH, nW), dtype=jnp.float32)
    conf_mask = jnp.sqrt(jnp.full((nB, nA, nH, nW), NOOBJECT_SCALE, dtype=jnp.float32))
    tx = jnp.full((nB, nA, nH, nW), 0.5, dtype=jnp.float32)
    ty = jnp.full((nB, nA, nH, nW), 0.5, dtype=jnp.float32)
    tw = jnp.zeros((nB, nA, nH, nW), dtype=jnp.float32)
    th = jnp.zeros((nB, nA, nH, nW), dtype=jnp.float32)
    tconf = jnp.zeros((nB, nA, nH, nW), dtype=jnp.float32)

    loss_x = COORD_SCALE * jnp.sum((x * coord_mask - tx * coord_mask) ** 2) / 2.0
    loss_y = COORD_SCALE * jnp.sum((y * coord_mask - ty * coord_mask) ** 2) / 2.0
    loss_w = COORD_SCALE * jnp.sum((w * coord_mask - tw * coord_mask) ** 2) / 2.0
    loss_h = COORD_SCALE * jnp.sum((h * coord_mask - th * coord_mask) ** 2) / 2.0
    loss_conf = jnp.sum((conf * conf_mask - tconf * conf_mask) ** 2) / 2.0
    # cls_mask is all-zero with no GT -> cross-entropy over empty selection = 0
    loss_cls = CLASS_SCALE * (jnp.sum(cls) * 0.0 + jnp.sum(target2) * 0.0)

    return loss_x + loss_y + loss_w + loss_h + loss_conf + loss_cls

if __name__ == "__main__":
    import jax
    _d = setup_inputs()
    print(jax.jit(kernel)(*tuple(_d.values())))

</pallas_src>

<mosaic_0001>
#map = affine_map<(d0, d1) -> (0, 0, 0)>
#map1 = affine_map<(d0, d1) -> (0, 0)>
module attributes {stable_mosaic.version = 14 : i64} {
  func.func @_sc_kernel_body(%arg0: i32, %arg1: i32, %arg2: memref<361x30x1280xf32, #tpu.memory_space<hbm>>, %arg3: memref<32x16xf32, #tpu.memory_space<hbm>>, %arg4: memref<8x1280xf32, #tpu.memory_space<vmem>>, %arg5: memref<16xf32, #tpu.memory_space<vmem>>, %arg6: memref<!tpu.dma_semaphore, #tpu.memory_space<semaphore_mem>>) attributes {dimension_semantics = [#tpu.dimension_semantics<core_parallel>, #tpu.dimension_semantics<subcore_parallel>], iteration_bounds = array<i64: 2, 16>, scalar_prefetch = 0 : i64, scratch_operands = 3 : i64, tpu.core_type = #tpu.core_type<sc_vector_subcore>, window_params = [{transform_indices = #map}, {transform_indices = #map1}]} {
    %mul3A = arith.constant 2 : i32
    %mul3A_0 = arith.muli %arg1, %mul3A : i32
    %add3A = arith.addi %mul3A_0, %arg0 : i32
    %broadcast_in_dim3A = arith.constant 0.000000e+00 : f32
    %broadcast_in_dim3A_1 = vector.broadcast %broadcast_in_dim3A : f32 to vector<16xf32>
    %mul3A_2 = arith.constant 2 : i32
    %mul3A_3 = arith.muli %add3A, %mul3A_2 : i32
    %add3A_4 = arith.constant 297 : i32
    %add3A_5 = arith.addi %add3A_4, %mul3A_3 : i32
    %add3A_6 = arith.constant 0 : i32
    %add3A_7 = arith.addi %add3A_5, %add3A_6 : i32
    "tpu.region"() ({
      %run_scoped3A = tpu.sem_alloc : memref<!tpu.dma_semaphore, #tpu.memory_space<semaphore_mem>>
      %dma_start3A = arith.constant 0 : i32
      %dma_start3A_862 = arith.constant 0 : i32
      %dma_start3A_863 = tpu.memref_slice %arg4[%dma_start3A, %dma_start3A_862] : memref<8x1280xf32, #tpu.memory_space<vmem>> -> memref<8x1280xf32, #tpu.memory_space<vmem>>
      %dma_start3A_864 = arith.constant 0 : i32
      %dma_start3A_865 = arith.constant 0 : i32
      %dma_start3A_866 = tpu.memref_slice %arg2[%add3A_7, %dma_start3A_864, %dma_start3A_865] : memref<361x30x1280xf32, #tpu.memory_space<hbm>> -> memref<1x8x1280xf32, #tpu.memory_space<hbm>>
      %dma_start3A_867 = tpu.memref_squeeze %dma_start3A_866 : memref<1x8x1280xf32, #tpu.memory_space<hbm>> -> memref<8x1280xf32, #tpu.memory_space<hbm>>
      %dma_start3A_868 = arith.constant 0 : i32
      %dma_start3A_869 = arith.constant 0 : i32
      %dma_start3A_870 = tpu.memref_slice %arg4[%dma_start3A_868, %dma_start3A_869] : memref<8x1280xf32, #tpu.memory_space<vmem>> -> memref<8x1280xf32, #tpu.memory_space<vmem>>
      %dma_start3A_871 = arith.constant 0 : i32
      %dma_start3A_872 = arith.constant 0 : i32
      %dma_start3A_873 = tpu.memref_slice %arg2[%add3A_7, %dma_start3A_871, %dma_start3A_872] : memref<361x30x1280xf32, #tpu.memory_space<hbm>> -> memref<1x8x1280xf32, #tpu.memory_space<hbm>>
      %dma_start3A_874 = tpu.memref_squeeze %dma_start3A_873 : memref<1x8x1280xf32, #tpu.memory_space<hbm>> -> memref<8x1280xf32, #tpu.memory_space<hbm>>
      tpu.enqueue_dma source(%dma_start3A_874 : memref<8x1280xf32, #tpu.memory_space<hbm>>) target(%dma_start3A_870 : memref<8x1280xf32, #tpu.memory_space<vmem>>) target_semaphore(%run_scoped3A : memref<!tpu.dma_semaphore, #tpu.memory_space<semaphore_mem>>)
      %dma_wait3A = arith.constant 0 : i32
      %dma_wait3A_875 = arith.constant 0 : i32
      %dma_wait3A_876 = tpu.memref_slice %arg4[%dma_wait3A, %dma_wait3A_875] : memref<8x1280xf32, #tpu.memory_space<vmem>> -> memref<8x1280xf32, #tpu.memory_space<vmem>>
      %dma_wait3A_877 = arith.constant 0 : i32
      %dma_wait3A_878 = arith.constant 0 : i32
      %dma_wait3A_879 = tpu.memref_slice %arg2[%add3A_7, %dma_wait3A_877, %dma_wait3A_878] : memref<361x30x1280xf32, #tpu.memory_space<hbm>> -> memref<1x8x1280xf32, #tpu.memory_space<hbm>>
      %dma_wait3A_880 = tpu.memref_squeeze %dma_wait3A_879 : memref<1x8x1280xf32, #tpu.memory_space<hbm>> -> memref<8x1280xf32, #tpu.memory_space<hbm>>
      %dma_wait3A_881 = arith.constant 0 : i32
      %dma_wait3A_882 = arith.constant 0 : i32
      %dma_wait3A_883 = tpu.memref_slice %arg4[%dma_wait3A_881, %dma_wait3A_882] : memref<8x1280xf32, #tpu.memory_space<vmem>> -> memref<8x1280xf32, #tpu.memory_space<vmem>>
      %dma_wait3A_884 = arith.constant 0 : i32
      %dma_wait3A_885 = arith.constant 0 : i32
      %dma_wait3A_886 = tpu.memref_slice %arg2[%add3A_7, %dma_wait3A_884, %dma_wait3A_885] : memref<361x30x1280xf32, #tpu.memory_space<hbm>> -> memref<1x8x1280xf32, #tpu.memory_space<hbm>>
      %dma_wait3A_887 = tpu.memref_squeeze %dma_wait3A_886 : memref<1x8x1280xf32, #tpu.memory_space<hbm>> -> memref<8x1280xf32, #tpu.memory_space<hbm>>
      tpu.wait_dma2 semaphore(%run_scoped3A : memref<!tpu.dma_semaphore, #tpu.memory_space<semaphore_mem>>) src(%dma_wait3A_887 : memref<8x1280xf32, #tpu.memory_space<hbm>>) dst(%dma_wait3A_883 : memref<8x1280xf32, #tpu.memory_space<vmem>>)
      tpu.yield
    }) : () -> ()
    %broadcast_in_dim3A_8 = arith.constant 0.000000e+00 : f32
    %broadcast_in_dim3A_9 = vector.broadcast %broadcast_in_dim3A_8 : f32 to vector<16xf32>
    %neg3A = arith.constant 0.000000e+00 : f32
    %neg3A_10 = vector.broadcast %neg3A : f32 to vector<16xf32>
    %neg3A_11 = arith.subf %neg3A_10, %broadcast_in_dim3A_9 : vector<16xf32>
    %exp3A = math.exp %neg3A_11 : vector<16xf32>
    %sub3A = arith.constant 1.000000e+00 : f32
    %sub3A_12 = vector.broadcast %sub3A : f32 to vector<16xf32>
    %sub3A_13 = arith.subf %sub3A_12, %exp3A : vector<16xf32>
    %add3A_14 = arith.constant 1.000000e+00 : f32
    %add3A_15 = vector.broadcast %add3A_14 : f32 to vector<16xf32>
    %add3A_16 = arith.addf %add3A_15, %exp3A : vector<16xf32>
    %div3A = arith.divf %sub3A_13, %add3A_16 : vector<16xf32>
    %mul3A_17 = arith.mulf %div3A, %div3A : vector<16xf32>
    %mul3A_18 = arith.constant 2.500000e-01 : f32
    %mul3A_19 = vector.broadcast %mul3A_18 : f32 to vector<16xf32>
    %mul3A_20 = arith.mulf %mul3A_19, %mul3A_17 : vector<16xf32>
    %scan3A = arith.constant 0 : i32
    %scan3A_21 = arith.constant 80 : i32
    %scan3A_22 = arith.addi %scan3A, %scan3A_21 : i32
    %scan3A_23 = arith.constant 1 : i32
    %scan3A_24 = scf.for %scan3A_862 = %scan3A to %scan3A_22 step %scan3A_23 iter_args(%scan3A_863 = %broadcast_in_dim3A_1) -> (vector<16xf32>)  : i32 {
      %mul3A_864 = arith.constant 16 : i32
      %mul3A_865 = arith.muli %scan3A_862, %mul3A_864 : i32
      %get3A = arith.constant 0 : i32
      %get3A_866 = arith.index_cast %get3A : i32 to index
      %get3A_867 = arith.index_cast %mul3A_865 : i32 to index
      %get3A_868 = tpu.vector_load %arg4[%get3A_866, %get3A_867] {strides = array<i32>} : memref<8x1280xf32, #tpu.memory_space<vmem>>, vector<1x16xf32>,
      %get3A_869 = vector.shape_cast %get3A_868 : vector<1x16xf32> to vector<16xf32>
      %neg3A_870 = arith.constant 0.000000e+00 : f32
      %neg3A_871 = vector.broadcast %neg3A_870 : f32 to vector<16xf32>
      %neg3A_872 = arith.subf %neg3A_871, %get3A_869 : vector<16xf32>
      %exp3A_873 = math.exp %neg3A_872 : vector<16xf32>
      %sub3A_874 = arith.constant 1.000000e+00 : f32
      %sub3A_875 = vector.broadcast %sub3A_874 : f32 to vector<16xf32>
      %sub3A_876 = arith.subf %sub3A_875, %exp3A_873 : vector<16xf32>
      %add3A_877 = arith.constant 1.000000e+00 : f32
      %add3A_878 = vector.broadcast %add3A_877 : f32 to vector<16xf32>
      %add3A_879 = arith.addf %add3A_878, %exp3A_873 : vector<16xf32>
      %div3A_880 = arith.divf %sub3A_876, %add3A_879 : vector<16xf32>
      %mul3A_881 = arith.mulf %div3A_880, %div3A_880 : vector<16xf32>
      %mul3A_882 = arith.constant 2.500000e-01 : f32
      %mul3A_883 = vector.broadcast %mul3A_882 : f32 to vector<16xf32>
      %mul3A_884 = arith.mulf %mul3A_883, %mul3A_881 : vector<16xf32>
      %add3A_885 = arith.addf %scan3A_863, %mul3A_884 : vector<16xf32>
      scf.yield %add3A_885 : vector<16xf32>
    }
    %scan3A_25 = arith.constant 80 : i32
    %broadcast_in_dim3A_26 = arith.constant 0.000000e+00 : f32
    %broadcast_in_dim3A_27 = vector.broadcast %broadcast_in_dim3A_26 : f32 to vector<16xf32>
    %neg3A_28 = arith.constant 0.000000e+00 : f32
    %neg3A_29 = vector.broadcast %neg3A_28 : f32 to vector<16xf32>
    %neg3A_30 = arith.subf %neg3A_29, %broadcast_in_dim3A_27 : vector<16xf32>
    %exp3A_31 = math.exp %neg3A_30 : vector<16xf32>
    %sub3A_32 = arith.constant 1.000000e+00 : f32
    %sub3A_33 = vector.broadcast %sub3A_32 : f32 to vector<16xf32>
    %sub3A_34 = arith.subf %sub3A_33, %exp3A_31 : vector<16xf32>
    %add3A_35 = arith.constant 1.000000e+00 : f32
    %add3A_36 = vector.broadcast %add3A_35 : f32 to vector<16xf32>
    %add3A_37 = arith.addf %add3A_36, %exp3A_31 : vector<16xf32>
    %div3A_38 = arith.divf %sub3A_34, %add3A_37 : vector<16xf32>
    %mul3A_39 = arith.mulf %div3A_38, %div3A_38 : vector<16xf32>
    %mul3A_40 = arith.constant 2.500000e-01 : f32
    %mul3A_41 = vector.broadcast %mul3A_40 : f32 to vector<16xf32>
    %mul3A_42 = arith.mulf %mul3A_41, %mul3A_39 : vector<16xf32>
    %scan3A_43 = arith.constant 0 : i32
    %scan3A_44 = arith.constant 80 : i32
    %scan3A_45 = arith.addi %scan3A_43, %scan3A_44 : i32
    %scan3A_46 = arith.constant 1 : i32
    %scan3A_47 = scf.for %scan3A_862 = %scan3A_43 to %scan3A_45 step %scan3A_46 iter_args(%scan3A_863 = %scan3A_24) -> (vector<16xf32>)  : i32 {
      %mul3A_864 = arith.constant 16 : i32
      %mul3A_865 = arith.muli %scan3A_862, %mul3A_864 : i32
      %get3A = arith.constant 1 : i32
      %get3A_866 = arith.index_cast %get3A : i32 to index
      %get3A_867 = arith.index_cast %mul3A_865 : i32 to index
      %get3A_868 = tpu.vector_load %arg4[%get3A_866, %get3A_867] {strides = array<i32>} : memref<8x1280xf32, #tpu.memory_space<vmem>>, vector<1x16xf32>,
      %get3A_869 = vector.shape_cast %get3A_868 : vector<1x16xf32> to vector<16xf32>
      %neg3A_870 = arith.constant 0.000000e+00 : f32
      %neg3A_871 = vector.broadcast %neg3A_870 : f32 to vector<16xf32>
      %neg3A_872 = arith.subf %neg3A_871, %get3A_869 : vector<16xf32>
      %exp3A_873 = math.exp %neg3A_872 : vector<16xf32>
      %sub3A_874 = arith.constant 1.000000e+00 : f32
      %sub3A_875 = vector.broadcast %sub3A_874 : f32 to vector<16xf32>
      %sub3A_876 = arith.subf %sub3A_875, %exp3A_873 : vector<16xf32>
      %add3A_877 = arith.constant 1.000000e+00 : f32
      %add3A_878 = vector.broadcast %add3A_877 : f32 to vector<16xf32>
      %add3A_879 = arith.addf %add3A_878, %exp3A_873 : vector<16xf32>
      %div3A_880 = arith.divf %sub3A_876, %add3A_879 : vector<16xf32>
      %mul3A_881 = arith.mulf %div3A_880, %div3A_880 : vector<16xf32>
      %mul3A_882 = arith.constant 2.500000e-01 : f32
      %mul3A_883 = vector.broadcast %mul3A_882 : f32 to vector<16xf32>
      %mul3A_884 = arith.mulf %mul3A_883, %mul3A_881 : vector<16xf32>
      %add3A_885 = arith.addf %scan3A_863, %mul3A_884 : vector<16xf32>
      scf.yield %add3A_885 : vector<16xf32>
    }
    %scan3A_48 = arith.constant 80 : i32
    %broadcast_in_dim3A_49 = arith.constant 0.000000e+00 : f32
    %broadcast_in_dim3A_50 = vector.broadcast %broadcast_in_dim3A_49 : f32 to vector<16xf32>
    %mul3A_51 = arith.mulf %broadcast_in_dim3A_50, %broadcast_in_dim3A_50 : vector<16xf32>
    %scan3A_52 = arith.constant 0 : i32
    %scan3A_53 = arith.constant 80 : i32
    %scan3A_54 = arith.addi %scan3A_52, %scan3A_53 : i32
    %scan3A_55 = arith.constant 1 : i32
    %scan3A_56 = scf.for %scan3A_862 = %scan3A_52 to %scan3A_54 step %scan3A_55 iter_args(%scan3A_863 = %scan3A_47) -> (vector<16xf32>)  : i32 {
      %mul3A_864 = arith.constant 16 : i32
      %mul3A_865 = arith.muli %scan3A_862, %mul3A_864 : i32
      %get3A = arith.constant 2 : i32
      %get3A_866 = arith.index_cast %get3A : i32 to index
      %get3A_867 = arith.index_cast %mul3A_865 : i32 to index
      %get3A_868 = tpu.vector_load %arg4[%get3A_866, %get3A_867] {strides = array<i32>} : memref<8x1280xf32, #tpu.memory_space<vmem>>, vector<1x16xf32>,
      %get3A_869 = vector.shape_cast %get3A_868 : vector<1x16xf32> to vector<16xf32>
      %mul3A_870 = arith.mulf %get3A_869, %get3A_869 : vector<16xf32>
      %add3A_871 = arith.addf %scan3A_863, %mul3A_870 : vector<16xf32>
      scf.yield %add3A_871 : vector<16xf32>
    }
    %scan3A_57 = arith.constant 80 : i32
    %broadcast_in_dim3A_58 = arith.constant 0.000000e+00 : f32
    %broadcast_in_dim3A_59 = vector.broadcast %broadcast_in_dim3A_58 : f32 to vector<16xf32>
    %mul3A_60 = arith.mulf %broadcast_in_dim3A_59, %broadcast_in_dim3A_59 : vector<16xf32>
    %scan3A_61 = arith.constant 0 : i32
    %scan3A_62 = arith.constant 80 : i32
    %scan3A_63 = arith.addi %scan3A_61, %scan3A_62 : i32
    %scan3A_64 = arith.constant 1 : i32
    %scan3A_65 = scf.for %scan3A_862 = %scan3A_61 to %scan3A_63 step %scan3A_64 iter_args(%scan3A_863 = %scan3A_56) -> (vector<16xf32>)  : i32 {
      %mul3A_864 = arith.constant 16 : i32
      %mul3A_865 = arith.muli %scan3A_862, %mul3A_864 : i32
      %get3A = arith.constant 3 : i32
      %get3A_866 = arith.index_cast %get3A : i32 to index
      %get3A_867 = arith.index_cast %mul3A_865 : i32 to index
      %get3A_868 = tpu.vector_load %arg4[%get3A_866, %get3A_867] {strides = array<i32>} : memref<8x1280xf32, #tpu.memory_space<vmem>>, vector<1x16xf32>,
      %get3A_869 = vector.shape_cast %get3A_868 : vector<1x16xf32> to vector<16xf32>
      %mul3A_870 = arith.mulf %get3A_869, %get3A_869 : vector<16xf32>
      %add3A_871 = arith.addf %scan3A_863, %mul3A_870 : vector<16xf32>
      scf.yield %add3A_871 : vector<16xf32>
    }
    %scan3A_66 = arith.constant 80 : i32
    %broadcast_in_dim3A_67 = arith.constant 0.000000e+00 : f32
    %broadcast_in_dim3A_68 = vector.broadcast %broadcast_in_dim3A_67 : f32 to vector<16xf32>
    %neg3A_69 = arith.constant 0.000000e+00 : f32
    %neg3A_70 = vector.broadcast %neg3A_69 : f32 to vector<16xf32>
    %neg3A_71 = arith.subf %neg3A_70, %broadcast_in_dim3A_68 : vector<16xf32>
    %exp3A_72 = math.exp %neg3A_71 : vector<16xf32>
    %add3A_73 = arith.constant 1.000000e+00 : f32
    %add3A_74 = vector.broadcast %add3A_73 : f32 to vector<16xf32>
    %add3A_75 = arith.addf %add3A_74, %exp3A_72 : vector<16xf32>
    %div3A_76 = arith.constant 1.000000e+00 : f32
    %div3A_77 = vector.broadcast %div3A_76 : f32 to vector<16xf32>
    %div3A_78 = arith.divf %div3A_77, %add3A_75 : vector<16xf32>
    %mul3A_79 = arith.mulf %div3A_78, %div3A_78 : vector<16xf32>
    %scan3A_80 = arith.constant 0 : i32
    %scan3A_81 = arith.constant 80 : i32
    %scan3A_82 = arith.addi %scan3A_80, %scan3A_81 : i32
    %scan3A_83 = arith.constant 1 : i32
    %scan3A_84 = scf.for %scan3A_862 = %scan3A_80 to %scan3A_82 step %scan3A_83 iter_args(%scan3A_863 = %scan3A_65) -> (vector<16xf32>)  : i32 {
      %mul3A_864 = arith.constant 16 : i32
      %mul3A_865 = arith.muli %scan3A_862, %mul3A_864 : i32
      %get3A = arith.constant 4 : i32
      %get3A_866 = arith.index_cast %get3A : i32 to index
      %get3A_867 = arith.index_cast %mul3A_865 : i32 to index
      %get3A_868 = tpu.vector_load %arg4[%get3A_866, %get3A_867] {strides = array<i32>} : memref<8x1280xf32, #tpu.memory_space<vmem>>, vector<1x16xf32>,
      %get3A_869 = vector.shape_cast %get3A_868 : vector<1x16xf32> to vector<16xf32>
      %neg3A_870 = arith.constant 0.000000e+00 : f32
      %neg3A_871 = vector.broadcast %neg3A_870 : f32 to vector<16xf32>
      %neg3A_872 = arith.subf %neg3A_871, %get3A_869 : vector<16xf32>
      %exp3A_873 = math.exp %neg3A_872 : vector<16xf32>
      %add3A_874 = arith.constant 1.000000e+00 : f32
      %add3A_875 = vector.broadcast %add3A_874 : f32 to vector<16xf32>
      %add3A_876 = arith.addf %add3A_875, %exp3A_873 : vector<16xf32>
      %div3A_877 = arith.constant 1.000000e+00 : f32
      %div3A_878 = vector.broadcast %div3A_877 : f32 to vector<16xf32>
      %div3A_879 = arith.divf %div3A_878, %add3A_876 : vector<16xf32>
      %mul3A_880 = arith.mulf %div3A_879, %div3A_879 : vector<16xf32>
      %add3A_881 = arith.addf %scan3A_863, %mul3A_880 : vector<16xf32>
      scf.yield %add3A_881 : vector<16xf32>
    }
    %scan3A_85 = arith.constant 80 : i32
    %broadcast_in_dim3A_86 = arith.constant 0.000000e+00 : f32
    %broadcast_in_dim3A_87 = vector.broadcast %broadcast_in_dim3A_86 : f32 to vector<16xf32>
    %broadcast_in_dim3A_88 = arith.constant 0.000000e+00 : f32
    %broadcast_in_dim3A_89 = vector.broadcast %broadcast_in_dim3A_88 : f32 to vector<16xf32>
    %neg3A_90 = arith.constant 0.000000e+00 : f32
    %neg3A_91 = vector.broadcast %neg3A_90 : f32 to vector<16xf32>
    %neg3A_92 = arith.subf %neg3A_91, %broadcast_in_dim3A_89 : vector<16xf32>
    %exp3A_93 = math.exp %neg3A_92 : vector<16xf32>
    %sub3A_94 = arith.constant 1.000000e+00 : f32
    %sub3A_95 = vector.broadcast %sub3A_94 : f32 to vector<16xf32>
    %sub3A_96 = arith.subf %sub3A_95, %exp3A_93 : vector<16xf32>
    %add3A_97 = arith.constant 1.000000e+00 : f32
    %add3A_98 = vector.broadcast %add3A_97 : f32 to vector<16xf32>
    %add3A_99 = arith.addf %add3A_98, %exp3A_93 : vector<16xf32>
    %div3A_100 = arith.divf %sub3A_96, %add3A_99 : vector<16xf32>
    %mul3A_101 = arith.mulf %div3A_100, %div3A_100 : vector<16xf32>
    %mul3A_102 = arith.constant 2.500000e-01 : f32
    %mul3A_103 = vector.broadcast %mul3A_102 : f32 to vector<16xf32>
    %mul3A_104 = arith.mulf %mul3A_103, %mul3A_101 : vector<16xf32>
    %scan3A_105 = arith.constant 0 : i32
    %scan3A_106 = arith.constant 80 : i32
    %scan3A_107 = arith.addi %scan3A_105, %scan3A_106 : i32
    %scan3A_108 = arith.constant 1 : i32
    %scan3A_109 = scf.for %scan3A_862 = %scan3A_105 to %scan3A_107 step %scan3A_108 iter_args(%scan3A_863 = %scan3A_84) -> (vector<16xf32>)  : i32 {
      %mul3A_864 = arith.constant 16 : i32
      %mul3A_865 = arith.muli %scan3A_862, %mul3A_864 : i32
      %get3A = arith.constant 6 : i32
      %get3A_866 = arith.index_cast %get3A : i32 to index
      %get3A_867 = arith.index_cast %mul3A_865 : i32 to index
      %get3A_868 = tpu.vector_load %arg4[%get3A_866, %get3A_867] {strides = array<i32>} : memref<8x1280xf32, #tpu.memory_space<vmem>>, vector<1x16xf32>,
      %get3A_869 = vector.shape_cast %get3A_868 : vector<1x16xf32> to vector<16xf32>
      %neg3A_870 = arith.constant 0.000000e+00 : f32
      %neg3A_871 = vector.broadcast %neg3A_870 : f32 to vector<16xf32>
      %neg3A_872 = arith.subf %neg3A_871, %get3A_869 : vector<16xf32>
      %exp3A_873 = math.exp %neg3A_872 : vector<16xf32>
      %sub3A_874 = arith.constant 1.000000e+00 : f32
      %sub3A_875 = vector.broadcast %sub3A_874 : f32 to vector<16xf32>
      %sub3A_876 = arith.subf %sub3A_875, %exp3A_873 : vector<16xf32>
      %add3A_877 = arith.constant 1.000000e+00 : f32
      %add3A_878 = vector.broadcast %add3A_877 : f32 to vector<16xf32>
      %add3A_879 = arith.addf %add3A_878, %exp3A_873 : vector<16xf32>
      %div3A_880 = arith.divf %sub3A_876, %add3A_879 : vector<16xf32>
      %mul3A_881 = arith.mulf %div3A_880, %div3A_880 : vector<16xf32>
      %mul3A_882 = arith.constant 2.500000e-01 : f32
      %mul3A_883 = vector.broadcast %mul3A_882 : f32 to vector<16xf32>
      %mul3A_884 = arith.mulf %mul3A_883, %mul3A_881 : vector<16xf32>
      %add3A_885 = arith.addf %scan3A_863, %mul3A_884 : vector<16xf32>
      scf.yield %add3A_885 : vector<16xf32>
    }
    %scan3A_110 = arith.constant 80 : i32
    %broadcast_in_dim3A_111 = arith.constant 0.000000e+00 : f32
    %broadcast_in_dim3A_112 = vector.broadcast %broadcast_in_dim3A_111 : f32 to vector<16xf32>
    %neg3A_113 = arith.constant 0.000000e+00 : f32
    %neg3A_114 = vector.broadcast %neg3A_113 : f32 to vector<16xf32>
    %neg3A_115 = arith.subf %neg3A_114, %broadcast_in_dim3A_112 : vector<16xf32>
    %exp3A_116 = math.exp %neg3A_115 : vector<16xf32>
    %sub3A_117 = arith.constant 1.000000e+00 : f32
    %sub3A_118 = vector.broadcast %sub3A_117 : f32 to vector<16xf32>
    %sub3A_119 = arith.subf %sub3A_118, %exp3A_116 : vector<16xf32>
    %add3A_120 = arith.constant 1.000000e+00 : f32
    %add3A_121 = vector.broadcast %add3A_120 : f32 to vector<16xf32>
    %add3A_122 = arith.addf %add3A_121, %exp3A_116 : vector<16xf32>
    %div3A_123 = arith.divf %sub3A_119, %add3A_122 : vector<16xf32>
    %mul3A_124 = arith.mulf %div3A_123, %div3A_123 : vector<16xf32>
    %mul3A_125 = arith.constant 2.500000e-01 : f32
    %mul3A_126 = vector.broadcast %mul3A_125 : f32 to vector<16xf32>
    %mul3A_127 = arith.mulf %mul3A_126, %mul3A_124 : vector<16xf32>
    %scan3A_128 = arith.constant 0 : i32
    %scan3A_129 = arith.constant 80 : i32
    %scan3A_130 = arith.addi %scan3A_128, %scan3A_129 : i32
    %scan3A_131 = arith.constant 1 : i32
    %scan3A_132 = scf.for %scan3A_862 = %scan3A_128 to %scan3A_130 step %scan3A_131 iter_args(%scan3A_863 = %scan3A_109) -> (vector<16xf32>)  : i32 {
      %mul3A_864 = arith.constant 16 : i32
      %mul3A_865 = arith.muli %scan3A_862, %mul3A_864 : i32
      %get3A = arith.constant 7 : i32
      %get3A_866 = arith.index_cast %get3A : i32 to index
      %get3A_867 = arith.index_cast %mul3A_865 : i32 to index
      %get3A_868 = tpu.vector_load %arg4[%get3A_866, %get3A_867] {strides = array<i32>} : memref<8x1280xf32, #tpu.memory_space<vmem>>, vector<1x16xf32>,
      %get3A_869 = vector.shape_cast %get3A_868 : vector<1x16xf32> to vector<16xf32>
      %neg3A_870 = arith.constant 0.000000e+00 : f32
      %neg3A_871 = vector.broadcast %neg3A_870 : f32 to vector<16xf32>
      %neg3A_872 = arith.subf %neg3A_871, %get3A_869 : vector<16xf32>
      %exp3A_873 = math.exp %neg3A_872 : vector<16xf32>
      %sub3A_874 = arith.constant 1.000000e+00 : f32
      %sub3A_875 = vector.broadcast %sub3A_874 : f32 to vector<16xf32>
      %sub3A_876 = arith.subf %sub3A_875, %exp3A_873 : vector<16xf32>
      %add3A_877 = arith.constant 1.000000e+00 : f32
      %add3A_878 = vector.broadcast %add3A_877 : f32 to vector<16xf32>
      %add3A_879 = arith.addf %add3A_878, %exp3A_873 : vector<16xf32>
      %div3A_880 = arith.divf %sub3A_876, %add3A_879 : vector<16xf32>
      %mul3A_881 = arith.mulf %div3A_880, %div3A_880 : vector<16xf32>
      %mul3A_882 = arith.constant 2.500000e-01 : f32
      %mul3A_883 = vector.broadcast %mul3A_882 : f32 to vector<16xf32>
      %mul3A_884 = arith.mulf %mul3A_883, %mul3A_881 : vector<16xf32>
      %add3A_885 = arith.addf %scan3A_863, %mul3A_884 : vector<16xf32>
      scf.yield %add3A_885 : vector<16xf32>
    }
    %scan3A_133 = arith.constant 80 : i32
    "tpu.region"() ({
      %run_scoped3A = tpu.sem_alloc : memref<!tpu.dma_semaphore, #tpu.memory_space<semaphore_mem>>
      %dma_start3A = arith.constant 0 : i32
      %dma_start3A_862 = arith.constant 0 : i32
      %dma_start3A_863 = tpu.memref_slice %arg4[%dma_start3A, %dma_start3A_862] : memref<8x1280xf32, #tpu.memory_space<vmem>> -> memref<8x1280xf32, #tpu.memory_space<vmem>>
      %dma_start3A_864 = arith.constant 8 : i32
      %dma_start3A_865 = arith.constant 0 : i32
      %dma_start3A_866 = tpu.memref_slice %arg2[%add3A_7, %dma_start3A_864, %dma_start3A_865] : memref<361x30x1280xf32, #tpu.memory_space<hbm>> -> memref<1x8x1280xf32, #tpu.memory_space<hbm>>
      %dma_start3A_867 = tpu.memref_squeeze %dma_start3A_866 : memref<1x8x1280xf32, #tpu.memory_space<hbm>> -> memref<8x1280xf32, #tpu.memory_space<hbm>>
      %dma_start3A_868 = arith.constant 0 : i32
      %dma_start3A_869 = arith.constant 0 : i32
      %dma_start3A_870 = tpu.memref_slice %arg4[%dma_start3A_868, %dma_start3A_869] : memref<8x1280xf32, #tpu.memory_space<vmem>> -> memref<8x1280xf32, #tpu.memory_space<vmem>>
      %dma_start3A_871 = arith.constant 8 : i32
      %dma_start3A_872 = arith.constant 0 : i32
      %dma_start3A_873 = tpu.memref_slice %arg2[%add3A_7, %dma_start3A_871, %dma_start3A_872] : memref<361x30x1280xf32, #tpu.memory_space<hbm>> -> memref<1x8x1280xf32, #tpu.memory_space<hbm>>
      %dma_start3A_874 = tpu.memref_squeeze %dma_start3A_873 : memref<1x8x1280xf32, #tpu.memory_space<hbm>> -> memref<8x1280xf32, #tpu.memory_space<hbm>>
      tpu.enqueue_dma source(%dma_start3A_874 : memref<8x1280xf32, #tpu.memory_space<hbm>>) target(%dma_start3A_870 : memref<8x1280xf32, #tpu.memory_space<vmem>>) target_semaphore(%run_scoped3A : memref<!tpu.dma_semaphore, #tpu.memory_space<semaphore_mem>>)
      %dma_wait3A = arith.constant 0 : i32
      %dma_wait3A_875 = arith.constant 0 : i32
      %dma_wait3A_876 = tpu.memref_slice %arg4[%dma_wait3A, %dma_wait3A_875] : memref<8x1280xf32, #tpu.memory_space<vmem>> -> memref<8x1280xf32, #tpu.memory_space<vmem>>
      %dma_wait3A_877 = arith.constant 8 : i32
      %dma_wait3A_878 = arith.constant 0 : i32
      %dma_wait3A_879 = tpu.memref_slice %arg2[%add3A_7, %dma_wait3A_877, %dma_wait3A_878] : memref<361x30x1280xf32, #tpu.memory_space<hbm>> -> memref<1x8x1280xf32, #tpu.memory_space<hbm>>
      %dma_wait3A_880 = tpu.memref_squeeze %dma_wait3A_879 : memref<1x8x1280xf32, #tpu.memory_space<hbm>> -> memref<8x1280xf32, #tpu.memory_space<hbm>>
      %dma_wait3A_881 = arith.constant 0 : i32
      %dma_wait3A_882 = arith.constant 0 : i32
      %dma_wait3A_883 = tpu.memref_slice %arg4[%dma_wait3A_881, %dma_wait3A_882] : memref<8x1280xf32, #tpu.memory_space<vmem>> -> memref<8x1280xf32, #tpu.memory_space<vmem>>
      %dma_wait3A_884 = arith.constant 8 : i32
      %dma_wait3A_885 = arith.constant 0 : i32
      %dma_wait3A_886 = tpu.memref_slice %arg2[%add3A_7, %dma_wait3A_884, %dma_wait3A_885] : memref<361x30x1280xf32, #tpu.memory_space<hbm>> -> memref<1x8x1280xf32, #tpu.memory_space<hbm>>
      %dma_wait3A_887 = tpu.memref_squeeze %dma_wait3A_886 : memref<1x8x1280xf32, #tpu.memory_space<hbm>> -> memref<8x1280xf32, #tpu.memory_space<hbm>>
      tpu.wait_dma2 semaphore(%run_scoped3A : memref<!tpu.dma_semaphore, #tpu.memory_space<semaphore_mem>>) src(%dma_wait3A_887 : memref<8x1280xf32, #tpu.memory_space<hbm>>) dst(%dma_wait3A_883 : memref<8x1280xf32, #tpu.memory_space<vmem>>)
      tpu.yield
    }) : () -> ()
    %broadcast_in_dim3A_134 = arith.constant 0.000000e+00 : f32
    %broadcast_in_dim3A_135 = vector.broadcast %broadcast_in_dim3A_134 : f32 to vector<16xf32>
    %mul3A_136 = arith.mulf %broadcast_in_dim3A_135, %broadcast_in_dim3A_135 : vector<16xf32>
    %scan3A_137 = arith.constant 0 : i32
    %scan3A_138 = arith.constant 80 : i32
    %scan3A_139 = arith.addi %scan3A_137, %scan3A_138 : i32
    %scan3A_140 = arith.constant 1 : i32
    %scan3A_141 = scf.for %scan3A_862 = %scan3A_137 to %scan3A_139 step %scan3A_140 iter_args(%scan3A_863 = %scan3A_132) -> (vector<16xf32>)  : i32 {
      %mul3A_864 = arith.constant 16 : i32
      %mul3A_865 = arith.muli %scan3A_862, %mul3A_864 : i32
      %get3A = arith.constant 0 : i32
      %get3A_866 = arith.index_cast %get3A : i32 to index
      %get3A_867 = arith.index_cast %mul3A_865 : i32 to index
      %get3A_868 = tpu.vector_load %arg4[%get3A_866, %get3A_867] {strides = array<i32>} : memref<8x1280xf32, #tpu.memory_space<vmem>>, vector<1x16xf32>,
      %get3A_869 = vector.shape_cast %get3A_868 : vector<1x16xf32> to vector<16xf32>
      %mul3A_870 = arith.mulf %get3A_869, %get3A_869 : vector<16xf32>
      %add3A_871 = arith.addf %scan3A_863, %mul3A_870 : vector<16xf32>
      scf.yield %add3A_871 : vector<16xf32>
    }
    %scan3A_142 = arith.constant 80 : i32
    %broadcast_in_dim3A_143 = arith.constant 0.000000e+00 : f32
    %broadcast_in_dim3A_144 = vector.broadcast %broadcast_in_dim3A_143 : f32 to vector<16xf32>
    %mul3A_145 = arith.mulf %broadcast_in_dim3A_144, %broadcast_in_dim3A_144 : vector<16xf32>
    %scan3A_146 = arith.constant 0 : i32
    %scan3A_147 = arith.constant 80 : i32
    %scan3A_148 = arith.addi %scan3A_146, %scan3A_147 : i32
    %scan3A_149 = arith.constant 1 : i32
    %scan3A_150 = scf.for %scan3A_862 = %scan3A_146 to %scan3A_148 step %scan3A_149 iter_args(%scan3A_863 = %scan3A_141) -> (vector<16xf32>)  : i32 {
      %mul3A_864 = arith.constant 16 : i32
      %mul3A_865 = arith.muli %scan3A_862, %mul3A_864 : i32
      %get3A = arith.constant 1 : i32
      %get3A_866 = arith.index_cast %get3A : i32 to index
      %get3A_867 = arith.index_cast %mul3A_865 : i32 to index
      %get3A_868 = tpu.vector_load %arg4[%get3A_866, %get3A_867] {strides = array<i32>} : memref<8x1280xf32, #tpu.memory_space<vmem>>, vector<1x16xf32>,
      %get3A_869 = vector.shape_cast %get3A_868 : vector<1x16xf32> to vector<16xf32>
      %mul3A_870 = arith.mulf %get3A_869, %get3A_869 : vector<16xf32>
      %add3A_871 = arith.addf %scan3A_863, %mul3A_870 : vector<16xf32>
      scf.yield %add3A_871 : vector<16xf32>
    }
    %scan3A_151 = arith.constant 80 : i32
    %broadcast_in_dim3A_152 = arith.constant 0.000000e+00 : f32
    %broadcast_in_dim3A_153 = vector.broadcast %broadcast_in_dim3A_152 : f32 to vector<16xf32>
    %neg3A_154 = arith.constant 0.000000e+00 : f32
    %neg3A_155 = vector.broadcast %neg3A_154 : f32 to vector<16xf32>
    %neg3A_156 = arith.subf %neg3A_155, %broadcast_in_dim3A_153 : vector<16xf32>
    %exp3A_157 = math.exp %neg3A_156 : vector<16xf32>
    %add3A_158 = arith.constant 1.000000e+00 : f32
    %add3A_159 = vector.broadcast %add3A_158 : f32 to vector<16xf32>
    %add3A_160 = arith.addf %add3A_159, %exp3A_157 : vector<16xf32>
    %div3A_161 = arith.constant 1.000000e+00 : f32
    %div3A_162 = vector.broadcast %div3A_161 : f32 to vector<16xf32>
    %div3A_163 = arith.divf %div3A_162, %add3A_160 : vector<16xf32>
    %mul3A_164 = arith.mulf %div3A_163, %div3A_163 : vector<16xf32>
    %scan3A_165 = arith.constant 0 : i32
    %scan3A_166 = arith.constant 80 : i32
    %scan3A_167 = arith.addi %scan3A_165, %scan3A_166 : i32
    %scan3A_168 = arith.constant 1 : i32
    %scan3A_169 = scf.for %scan3A_862 = %scan3A_165 to %scan3A_167 step %scan3A_168 iter_args(%scan3A_863 = %scan3A_150) -> (vector<16xf32>)  : i32 {
      %mul3A_864 = arith.constant 16 : i32
      %mul3A_865 = arith.muli %scan3A_862, %mul3A_864 : i32
      %get3A = arith.constant 2 : i32
      %get3A_866 = arith.index_cast %get3A : i32 to index
      %get3A_867 = arith.index_cast %mul3A_865 : i32 to index
      %get3A_868 = tpu.vector_load %arg4[%get3A_866, %get3A_867] {strides = array<i32>} : memref<8x1280xf32, #tpu.memory_space<vmem>>, vector<1x16xf32>,
      %get3A_869 = vector.shape_cast %get3A_868 : vector<1x16xf32> to vector<16xf32>
      %neg3A_870 = arith.constant 0.000000e+00 : f32
      %neg3A_871 = vector.broadcast %neg3A_870 : f32 to vector<16xf32>
      %neg3A_872 = arith.subf %neg3A_871, %get3A_869 : vector<16xf32>
      %exp3A_873 = math.exp %neg3A_872 : vector<16xf32>
      %add3A_874 = arith.constant 1.000000e+00 : f32
      %add3A_875 = vector.broadcast %add3A_874 : f32 to vector<16xf32>
      %add3A_876 = arith.addf %add3A_875, %exp3A_873 : vector<16xf32>
      %div3A_877 = arith.constant 1.000000e+00 : f32
      %div3A_878 = vector.broadcast %div3A_877 : f32 to vector<16xf32>
      %div3A_879 = arith.divf %div3A_878, %add3A_876 : vector<16xf32>
      %mul3A_880 = arith.mulf %div3A_879, %div3A_879 : vector<16xf32>
      %add3A_881 = arith.addf %scan3A_863, %mul3A_880 : vector<16xf32>
      scf.yield %add3A_881 : vector<16xf32>
    }
    %scan3A_170 = arith.constant 80 : i32
    %broadcast_in_dim3A_171 = arith.constant 0.000000e+00 : f32
    %broadcast_in_dim3A_172 = vector.broadcast %broadcast_in_dim3A_171 : f32 to vector<16xf32>
    %broadcast_in_dim3A_173 = arith.constant 0.000000e+00 : f32
    %broadcast_in_dim3A_174 = vector.broadcast %broadcast_in_dim3A_173 : f32 to vector<16xf32>
    %neg3A_175 = arith.constant 0.000000e+00 : f32
    %neg3A_176 = vector.broadcast %neg3A_175 : f32 to vector<16xf32>
    %neg3A_177 = arith.subf %neg3A_176, %broadcast_in_dim3A_174 : vector<16xf32>
    %exp3A_178 = math.exp %neg3A_177 : vector<16xf32>
    %sub3A_179 = arith.constant 1.000000e+00 : f32
    %sub3A_180 = vector.broadcast %sub3A_179 : f32 to vector<16xf32>
    %sub3A_181 = arith.subf %sub3A_180, %exp3A_178 : vector<16xf32>
    %add3A_182 = arith.constant 1.000000e+00 : f32
    %add3A_183 = vector.broadcast %add3A_182 : f32 to vector<16xf32>
    %add3A_184 = arith.addf %add3A_183, %exp3A_178 : vector<16xf32>
    %div3A_185 = arith.divf %sub3A_181, %add3A_184 : vector<16xf32>
    %mul3A_186 = arith.mulf %div3A_185, %div3A_185 : vector<16xf32>
    %mul3A_187 = arith.constant 2.500000e-01 : f32
    %mul3A_188 = vector.broadcast %mul3A_187 : f32 to vector<16xf32>
    %mul3A_189 = arith.mulf %mul3A_188, %mul3A_186 : vector<16xf32>
    %scan3A_190 = arith.constant 0 : i32
    %scan3A_191 = arith.constant 80 : i32
    %scan3A_192 = arith.addi %scan3A_190, %scan3A_191 : i32
    %scan3A_193 = arith.constant 1 : i32
    %scan3A_194 = scf.for %scan3A_862 = %scan3A_190 to %scan3A_192 step %scan3A_193 iter_args(%scan3A_863 = %scan3A_169) -> (vector<16xf32>)  : i32 {
      %mul3A_864 = arith.constant 16 : i32
      %mul3A_865 = arith.muli %scan3A_862, %mul3A_864 : i32
      %get3A = arith.constant 4 : i32
      %get3A_866 = arith.index_cast %get3A : i32 to index
      %get3A_867 = arith.index_cast %mul3A_865 : i32 to index
      %get3A_868 = tpu.vector_load %arg4[%get3A_866, %get3A_867] {strides = array<i32>} : memref<8x1280xf32, #tpu.memory_space<vmem>>, vector<1x16xf32>,
      %get3A_869 = vector.shape_cast %get3A_868 : vector<1x16xf32> to vector<16xf32>
      %neg3A_870 = arith.constant 0.000000e+00 : f32
      %neg3A_871 = vector.broadcast %neg3A_870 : f32 to vector<16xf32>
      %neg3A_872 = arith.subf %neg3A_871, %get3A_869 : vector<16xf32>
      %exp3A_873 = math.exp %neg3A_872 : vector<16xf32>
      %sub3A_874 = arith.constant 1.000000e+00 : f32
      %sub3A_875 = vector.broadcast %sub3A_874 : f32 to vector<16xf32>
      %sub3A_876 = arith.subf %sub3A_875, %exp3A_873 : vector<16xf32>
      %add3A_877 = arith.constant 1.000000e+00 : f32
      %add3A_878 = vector.broadcast %add3A_877 : f32 to vector<16xf32>
      %add3A_879 = arith.addf %add3A_878, %exp3A_873 : vector<16xf32>
      %div3A_880 = arith.divf %sub3A_876, %add3A_879 : vector<16xf32>
      %mul3A_881 = arith.mulf %div3A_880, %div3A_880 : vector<16xf32>
      %mul3A_882 = arith.constant 2.500000e-01 : f32
      %mul3A_883 = vector.broadcast %mul3A_882 : f32 to vector<16xf32>
      %mul3A_884 = arith.mulf %mul3A_883, %mul3A_881 : vector<16xf32>
      %add3A_885 = arith.addf %scan3A_863, %mul3A_884 : vector<16xf32>
      scf.yield %add3A_885 : vector<16xf32>
    }
    %scan3A_195 = arith.constant 80 : i32
    %broadcast_in_dim3A_196 = arith.constant 0.000000e+00 : f32
    %broadcast_in_dim3A_197 = vector.broadcast %broadcast_in_dim3A_196 : f32 to vector<16xf32>
    %neg3A_198 = arith.constant 0.000000e+00 : f32
    %neg3A_199 = vector.broadcast %neg3A_198 : f32 to vector<16xf32>
    %neg3A_200 = arith.subf %neg3A_199, %broadcast_in_dim3A_197 : vector<16xf32>
    %exp3A_201 = math.exp %neg3A_200 : vector<16xf32>
    %sub3A_202 = arith.constant 1.000000e+00 : f32
    %sub3A_203 = vector.broadcast %sub3A_202 : f32 to vector<16xf32>
    %sub3A_204 = arith.subf %sub3A_203, %exp3A_201 : vector<16xf32>
    %add3A_205 = arith.constant 1.000000e+00 : f32
    %add3A_206 = vector.broadcast %add3A_205 : f32 to vector<16xf32>
    %add3A_207 = arith.addf %add3A_206, %exp3A_201 : vector<16xf32>
    %div3A_208 = arith.divf %sub3A_204, %add3A_207 : vector<16xf32>
    %mul3A_209 = arith.mulf %div3A_208, %div3A_208 : vector<16xf32>
    %mul3A_210 = arith.constant 2.500000e-01 : f32
    %mul3A_211 = vector.broadcast %mul3A_210 : f32 to vector<16xf32>
    %mul3A_212 = arith.mulf %mul3A_211, %mul3A_209 : vector<16xf32>
    %scan3A_213 = arith.constant 0 : i32
    %scan3A_214 = arith.constant 80 : i32
    %scan3A_215 = arith.addi %scan3A_213, %scan3A_214 : i32
    %scan3A_216 = arith.constant 1 : i32
    %scan3A_217 = scf.for %scan3A_862 = %scan3A_213 to %scan3A_215 step %scan3A_216 iter_args(%scan3A_863 = %scan3A_194) -> (vector<16xf32>)  : i32 {
      %mul3A_864 = arith.constant 16 : i32
      %mul3A_865 = arith.muli %scan3A_862, %mul3A_864 : i32
      %get3A = arith.constant 5 : i32
      %get3A_866 = arith.index_cast %get3A : i32 to index
      %get3A_867 = arith.index_cast %mul3A_865 : i32 to index
      %get3A_868 = tpu.vector_load %arg4[%get3A_866, %get3A_867] {strides = array<i32>} : memref<8x1280xf32, #tpu.memory_space<vmem>>, vector<1x16xf32>,
      %get3A_869 = vector.shape_cast %get3A_868 : vector<1x16xf32> to vector<16xf32>
      %neg3A_870 = arith.constant 0.000000e+00 : f32
      %neg3A_871 = vector.broadcast %neg3A_870 : f32 to vector<16xf32>
      %neg3A_872 = arith.subf %neg3A_871, %get3A_869 : vector<16xf32>
      %exp3A_873 = math.exp %neg3A_872 : vector<16xf32>
      %sub3A_874 = arith.constant 1.000000e+00 : f32
      %sub3A_875 = vector.broadcast %sub3A_874 : f32 to vector<16xf32>
      %sub3A_876 = arith.subf %sub3A_875, %exp3A_873 : vector<16xf32>
      %add3A_877 = arith.constant 1.000000e+00 : f32
      %add3A_878 = vector.broadcast %add3A_877 : f32 to vector<16xf32>
      %add3A_879 = arith.addf %add3A_878, %exp3A_873 : vector<16xf32>
      %div3A_880 = arith.divf %sub3A_876, %add3A_879 : vector<16xf32>
      %mul3A_881 = arith.mulf %div3A_880, %div3A_880 : vector<16xf32>
      %mul3A_882 = arith.constant 2.500000e-01 : f32
      %mul3A_883 = vector.broadcast %mul3A_882 : f32 to vector<16xf32>
      %mul3A_884 = arith.mulf %mul3A_883, %mul3A_881 : vector<16xf32>
      %add3A_885 = arith.addf %scan3A_863, %mul3A_884 : vector<16xf32>
      scf.yield %add3A_885 : vector<16xf32>
    }
    %scan3A_218 = arith.constant 80 : i32
    %broadcast_in_dim3A_219 = arith.constant 0.000000e+00 : f32
    %broadcast_in_dim3A_220 = vector.broadcast %broadcast_in_dim3A_219 : f32 to vector<16xf32>
    %mul3A_221 = arith.mulf %broadcast_in_dim3A_220, %broadcast_in_dim3A_220 : vector<16xf32>
    %scan3A_222 = arith.constant 0 : i32
    %scan3A_223 = arith.constant 80 : i32
    %scan3A_224 = arith.addi %scan3A_222, %scan3A_223 : i32
    %scan3A_225 = arith.constant 1 : i32
    %scan3A_226 = scf.for %scan3A_862 = %scan3A_222 to %scan3A_224 step %scan3A_225 iter_args(%scan3A_863 = %scan3A_217) -> (vector<16xf32>)  : i32 {
      %mul3A_864 = arith.constant 16 : i32
      %mul3A_865 = arith.muli %scan3A_862, %mul3A_864 : i32
      %get3A = arith.constant 6 : i32
      %get3A_866 = arith.index_cast %get3A : i32 to index
      %get3A_867 = arith.index_cast %mul3A_865 : i32 to index
      %get3A_868 = tpu.vector_load %arg4[%get3A_866, %get3A_867] {strides = array<i32>} : memref<8x1280xf32, #tpu.memory_space<vmem>>, vector<1x16xf32>,
      %get3A_869 = vector.shape_cast %get3A_868 : vector<1x16xf32> to vector<16xf32>
      %mul3A_870 = arith.mulf %get3A_869, %get3A_869 : vector<16xf32>
      %add3A_871 = arith.addf %scan3A_863, %mul3A_870 : vector<16xf32>
      scf.yield %add3A_871 : vector<16xf32>
    }
    %scan3A_227 = arith.constant 80 : i32
    %broadcast_in_dim3A_228 = arith.constant 0.000000e+00 : f32
    %broadcast_in_dim3A_229 = vector.broadcast %broadcast_in_dim3A_228 : f32 to vector<16xf32>
    %mul3A_230 = arith.mulf %broadcast_in_dim3A_229, %broadcast_in_dim3A_229 : vector<16xf32>
    %scan3A_231 = arith.constant 0 : i32
    %scan3A_232 = arith.constant 80 : i32
    %scan3A_233 = arith.addi %scan3A_231, %scan3A_232 : i32
    %scan3A_234 = arith.constant 1 : i32
    %scan3A_235 = scf.for %scan3A_862 = %scan3A_231 to %scan3A_233 step %scan3A_234 iter_args(%scan3A_863 = %scan3A_226) -> (vector<16xf32>)  : i32 {
      %mul3A_864 = arith.constant 16 : i32
      %mul3A_865 = arith.muli %scan3A_862, %mul3A_864 : i32
      %get3A = arith.constant 7 : i32
      %get3A_866 = arith.index_cast %get3A : i32 to index
      %get3A_867 = arith.index_cast %mul3A_865 : i32 to index
      %get3A_868 = tpu.vector_load %arg4[%get3A_866, %get3A_867] {strides = array<i32>} : memref<8x1280xf32, #tpu.memory_space<vmem>>, vector<1x16xf32>,
      %get3A_869 = vector.shape_cast %get3A_868 : vector<1x16xf32> to vector<16xf32>
      %mul3A_870 = arith.mulf %get3A_869, %get3A_869 : vector<16xf32>
      %add3A_871 = arith.addf %scan3A_863, %mul3A_870 : vector<16xf32>
      scf.yield %add3A_871 : vector<16xf32>
    }
    %scan3A_236 = arith.constant 80 : i32
    "tpu.region"() ({
      %run_scoped3A = tpu.sem_alloc : memref<!tpu.dma_semaphore, #tpu.memory_space<semaphore_mem>>
      %dma_start3A = arith.constant 0 : i32
      %dma_start3A_862 = arith.constant 0 : i32
      %dma_start3A_863 = tpu.memref_slice %arg4[%dma_start3A, %dma_start3A_862] : memref<8x1280xf32, #tpu.memory_space<vmem>> -> memref<8x1280xf32, #tpu.memory_space<vmem>>
      %dma_start3A_864 = arith.constant 16 : i32
      %dma_start3A_865 = arith.constant 0 : i32
      %dma_start3A_866 = tpu.memref_slice %arg2[%add3A_7, %dma_start3A_864, %dma_start3A_865] : memref<361x30x1280xf32, #tpu.memory_space<hbm>> -> memref<1x8x1280xf32, #tpu.memory_space<hbm>>
      %dma_start3A_867 = tpu.memref_squeeze %dma_start3A_866 : memref<1x8x1280xf32, #tpu.memory_space<hbm>> -> memref<8x1280xf32, #tpu.memory_space<hbm>>
      %dma_start3A_868 = arith.constant 0 : i32
      %dma_start3A_869 = arith.constant 0 : i32
      %dma_start3A_870 = tpu.memref_slice %arg4[%dma_start3A_868, %dma_start3A_869] : memref<8x1280xf32, #tpu.memory_space<vmem>> -> memref<8x1280xf32, #tpu.memory_space<vmem>>
      %dma_start3A_871 = arith.constant 16 : i32
      %dma_start3A_872 = arith.constant 0 : i32
      %dma_start3A_873 = tpu.memref_slice %arg2[%add3A_7, %dma_start3A_871, %dma_start3A_872] : memref<361x30x1280xf32, #tpu.memory_space<hbm>> -> memref<1x8x1280xf32, #tpu.memory_space<hbm>>
      %dma_start3A_874 = tpu.memref_squeeze %dma_start3A_873 : memref<1x8x1280xf32, #tpu.memory_space<hbm>> -> memref<8x1280xf32, #tpu.memory_space<hbm>>
      tpu.enqueue_dma source(%dma_start3A_874 : memref<8x1280xf32, #tpu.memory_space<hbm>>) target(%dma_start3A_870 : memref<8x1280xf32, #tpu.memory_space<vmem>>) target_semaphore(%run_scoped3A : memref<!tpu.dma_semaphore, #tpu.memory_space<semaphore_mem>>)
      %dma_wait3A = arith.constant 0 : i32
      %dma_wait3A_875 = arith.constant 0 : i32
      %dma_wait3A_876 = tpu.memref_slice %arg4[%dma_wait3A, %dma_wait3A_875] : memref<8x1280xf32, #tpu.memory_space<vmem>> -> memref<8x1280xf32, #tpu.memory_space<vmem>>
      %dma_wait3A_877 = arith.constant 16 : i32
      %dma_wait3A_878 = arith.constant 0 : i32
      %dma_wait3A_879 = tpu.memref_slice %arg2[%add3A_7, %dma_wait3A_877, %dma_wait3A_878] : memref<361x30x1280xf32, #tpu.memory_space<hbm>> -> memref<1x8x1280xf32, #tpu.memory_space<hbm>>
      %dma_wait3A_880 = tpu.memref_squeeze %dma_wait3A_879 : memref<1x8x1280xf32, #tpu.memory_space<hbm>> -> memref<8x1280xf32, #tpu.memory_space<hbm>>
      %dma_wait3A_881 = arith.constant 0 : i32
      %dma_wait3A_882 = arith.constant 0 : i32
      %dma_wait3A_883 = tpu.memref_slice %arg4[%dma_wait3A_881, %dma_wait3A_882] : memref<8x1280xf32, #tpu.memory_space<vmem>> -> memref<8x1280xf32, #tpu.memory_space<vmem>>
      %dma_wait3A_884 = arith.constant 16 : i32
      %dma_wait3A_885 = arith.constant 0 : i32
      %dma_wait3A_886 = tpu.memref_slice %arg2[%add3A_7, %dma_wait3A_884, %dma_wait3A_885] : memref<361x30x1280xf32, #tpu.memory_space<hbm>> -> memref<1x8x1280xf32, #tpu.memory_space<hbm>>
      %dma_wait3A_887 = tpu.memref_squeeze %dma_wait3A_886 : memref<1x8x1280xf32, #tpu.memory_space<hbm>> -> memref<8x1280xf32, #tpu.memory_space<hbm>>
      tpu.wait_dma2 semaphore(%run_scoped3A : memref<!tpu.dma_semaphore, #tpu.memory_space<semaphore_mem>>) src(%dma_wait3A_887 : memref<8x1280xf32, #tpu.memory_space<hbm>>) dst(%dma_wait3A_883 : memref<8x1280xf32, #tpu.memory_space<vmem>>)
      tpu.yield
    }) : () -> ()
    %broadcast_in_dim3A_237 = arith.constant 0.000000e+00 : f32
    %broadcast_in_dim3A_238 = vector.broadcast %broadcast_in_dim3A_237 : f32 to vector<16xf32>
    %neg3A_239 = arith.constant 0.000000e+00 : f32
    %neg3A_240 = vector.broadcast %neg3A_239 : f32 to vector<16xf32>
    %neg3A_241 = arith.subf %neg3A_240, %broadcast_in_dim3A_238 : vector<16xf32>
    %exp3A_242 = math.exp %neg3A_241 : vector<16xf32>
    %add3A_243 = arith.constant 1.000000e+00 : f32
    %add3A_244 = vector.broadcast %add3A_243 : f32 to vector<16xf32>
    %add3A_245 = arith.addf %add3A_244, %exp3A_242 : vector<16xf32>
    %div3A_246 = arith.constant 1.000000e+00 : f32
    %div3A_247 = vector.broadcast %div3A_246 : f32 to vector<16xf32>
    %div3A_248 = arith.divf %div3A_247, %add3A_245 : vector<16xf32>
    %mul3A_249 = arith.mulf %div3A_248, %div3A_248 : vector<16xf32>
    %scan3A_250 = arith.constant 0 : i32
    %scan3A_251 = arith.constant 80 : i32
    %scan3A_252 = arith.addi %scan3A_250, %scan3A_251 : i32
    %scan3A_253 = arith.constant 1 : i32
    %scan3A_254 = scf.for %scan3A_862 = %scan3A_250 to %scan3A_252 step %scan3A_253 iter_args(%scan3A_863 = %scan3A_235) -> (vector<16xf32>)  : i32 {
      %mul3A_864 = arith.constant 16 : i32
      %mul3A_865 = arith.muli %scan3A_862, %mul3A_864 : i32
      %get3A = arith.constant 0 : i32
      %get3A_866 = arith.index_cast %get3A : i32 to index
      %get3A_867 = arith.index_cast %mul3A_865 : i32 to index
      %get3A_868 = tpu.vector_load %arg4[%get3A_866, %get3A_867] {strides = array<i32>} : memref<8x1280xf32, #tpu.memory_space<vmem>>, vector<1x16xf32>,
      %get3A_869 = vector.shape_cast %get3A_868 : vector<1x16xf32> to vector<16xf32>
      %neg3A_870 = arith.constant 0.000000e+00 : f32
      %neg3A_871 = vector.broadcast %neg3A_870 : f32 to vector<16xf32>
      %neg3A_872 = arith.subf %neg3A_871, %get3A_869 : vector<16xf32>
      %exp3A_873 = math.exp %neg3A_872 : vector<16xf32>
      %add3A_874 = arith.constant 1.000000e+00 : f32
      %add3A_875 = vector.broadcast %add3A_874 : f32 to vector<16xf32>
      %add3A_876 = arith.addf %add3A_875, %exp3A_873 : vector<16xf32>
      %div3A_877 = arith.constant 1.000000e+00 : f32
      %div3A_878 = vector.broadcast %div3A_877 : f32 to vector<16xf32>
      %div3A_879 = arith.divf %div3A_878, %add3A_876 : vector<16xf32>
      %mul3A_880 = arith.mulf %div3A_879, %div3A_879 : vector<16xf32>
      %add3A_881 = arith.addf %scan3A_863, %mul3A_880 : vector<16xf32>
      scf.yield %add3A_881 : vector<16xf32>
    }
    %scan3A_255 = arith.constant 80 : i32
    %broadcast_in_dim3A_256 = arith.constant 0.000000e+00 : f32
    %broadcast_in_dim3A_257 = vector.broadcast %broadcast_in_dim3A_256 : f32 to vector<16xf32>
    %broadcast_in_dim3A_258 = arith.constant 0.000000e+00 : f32
    %broadcast_in_dim3A_259 = vector.broadcast %broadcast_in_dim3A_258 : f32 to vector<16xf32>
    %neg3A_260 = arith.constant 0.000000e+00 : f32
    %neg3A_261 = vector.broadcast %neg3A_260 : f32 to vector<16xf32>
    %neg3A_262 = arith.subf %neg3A_261, %broadcast_in_dim3A_259 : vector<16xf32>
    %exp3A_263 = math.exp %neg3A_262 : vector<16xf32>
    %sub3A_264 = arith.constant 1.000000e+00 : f32
    %sub3A_265 = vector.broadcast %sub3A_264 : f32 to vector<16xf32>
    %sub3A_266 = arith.subf %sub3A_265, %exp3A_263 : vector<16xf32>
    %add3A_267 = arith.constant 1.000000e+00 : f32
    %add3A_268 = vector.broadcast %add3A_267 : f32 to vector<16xf32>
    %add3A_269 = arith.addf %add3A_268, %exp3A_263 : vector<16xf32>
    %div3A_270 = arith.divf %sub3A_266, %add3A_269 : vector<16xf32>
    %mul3A_271 = arith.mulf %div3A_270, %div3A_270 : vector<16xf32>
    %mul3A_272 = arith.constant 2.500000e-01 : f32
    %mul3A_273 = vector.broadcast %mul3A_272 : f32 to vector<16xf32>
    %mul3A_274 = arith.mulf %mul3A_273, %mul3A_271 : vector<16xf32>
    %scan3A_275 = arith.constant 0 : i32
    %scan3A_276 = arith.constant 80 : i32
    %scan3A_277 = arith.addi %scan3A_275, %scan3A_276 : i32
    %scan3A_278 = arith.constant 1 : i32
    %scan3A_279 = scf.for %scan3A_862 = %scan3A_275 to %scan3A_277 step %scan3A_278 iter_args(%scan3A_863 = %scan3A_254) -> (vector<16xf32>)  : i32 {
      %mul3A_864 = arith.constant 16 : i32
      %mul3A_865 = arith.muli %scan3A_862, %mul3A_864 : i32
      %get3A = arith.constant 2 : i32
      %get3A_866 = arith.index_cast %get3A : i32 to index
      %get3A_867 = arith.index_cast %mul3A_865 : i32 to index
      %get3A_868 = tpu.vector_load %arg4[%get3A_866, %get3A_867] {strides = array<i32>} : memref<8x1280xf32, #tpu.memory_space<vmem>>, vector<1x16xf32>,
      %get3A_869 = vector.shape_cast %get3A_868 : vector<1x16xf32> to vector<16xf32>
      %neg3A_870 = arith.constant 0.000000e+00 : f32
      %neg3A_871 = vector.broadcast %neg3A_870 : f32 to vector<16xf32>
      %neg3A_872 = arith.subf %neg3A_871, %get3A_869 : vector<16xf32>
      %exp3A_873 = math.exp %neg3A_872 : vector<16xf32>
      %sub3A_874 = arith.constant 1.000000e+00 : f32
      %sub3A_875 = vector.broadcast %sub3A_874 : f32 to vector<16xf32>
      %sub3A_876 = arith.subf %sub3A_875, %exp3A_873 : vector<16xf32>
      %add3A_877 = arith.constant 1.000000e+00 : f32
      %add3A_878 = vector.broadcast %add3A_877 : f32 to vector<16xf32>
      %add3A_879 = arith.addf %add3A_878, %exp3A_873 : vector<16xf32>
      %div3A_880 = arith.divf %sub3A_876, %add3A_879 : vector<16xf32>
      %mul3A_881 = arith.mulf %div3A_880, %div3A_880 : vector<16xf32>
      %mul3A_882 = arith.constant 2.500000e-01 : f32
      %mul3A_883 = vector.broadcast %mul3A_882 : f32 to vector<16xf32>
      %mul3A_884 = arith.mulf %mul3A_883, %mul3A_881 : vector<16xf32>
      %add3A_885 = arith.addf %scan3A_863, %mul3A_884 : vector<16xf32>
      scf.yield %add3A_885 : vector<16xf32>
    }
    %scan3A_280 = arith.constant 80 : i32
    %broadcast_in_dim3A_281 = arith.constant 0.000000e+00 : f32
    %broadcast_in_dim3A_282 = vector.broadcast %broadcast_in_dim3A_281 : f32 to vector<16xf32>
    %neg3A_283 = arith.constant 0.000000e+00 : f32
    %neg3A_284 = vector.broadcast %neg3A_283 : f32 to vector<16xf32>
    %neg3A_285 = arith.subf %neg3A_284, %broadcast_in_dim3A_282 : vector<16xf32>
    %exp3A_286 = math.exp %neg3A_285 : vector<16xf32>
    %sub3A_287 = arith.constant 1.000000e+00 : f32
    %sub3A_288 = vector.broadcast %sub3A_287 : f32 to vector<16xf32>
    %sub3A_289 = arith.subf %sub3A_288, %exp3A_286 : vector<16xf32>
    %add3A_290 = arith.constant 1.000000e+00 : f32
    %add3A_291 = vector.broadcast %add3A_290 : f32 to vector<16xf32>
    %add3A_292 = arith.addf %add3A_291, %exp3A_286 : vector<16xf32>
    %div3A_293 = arith.divf %sub3A_289, %add3A_292 : vector<16xf32>
    %mul3A_294 = arith.mulf %div3A_293, %div3A_293 : vector<16xf32>
    %mul3A_295 = arith.constant 2.500000e-01 : f32
    %mul3A_296 = vector.broadcast %mul3A_295 : f32 to vector<16xf32>
    %mul3A_297 = arith.mulf %mul3A_296, %mul3A_294 : vector<16xf32>
    %scan3A_298 = arith.constant 0 : i32
    %scan3A_299 = arith.constant 80 : i32
    %scan3A_300 = arith.addi %scan3A_298, %scan3A_299 : i32
    %scan3A_301 = arith.constant 1 : i32
    %scan3A_302 = scf.for %scan3A_862 = %scan3A_298 to %scan3A_300 step %scan3A_301 iter_args(%scan3A_863 = %scan3A_279) -> (vector<16xf32>)  : i32 {
      %mul3A_864 = arith.constant 16 : i32
      %mul3A_865 = arith.muli %scan3A_862, %mul3A_864 : i32
      %get3A = arith.constant 3 : i32
      %get3A_866 = arith.index_cast %get3A : i32 to index
      %get3A_867 = arith.index_cast %mul3A_865 : i32 to index
      %get3A_868 = tpu.vector_load %arg4[%get3A_866, %get3A_867] {strides = array<i32>} : memref<8x1280xf32, #tpu.memory_space<vmem>>, vector<1x16xf32>,
      %get3A_869 = vector.shape_cast %get3A_868 : vector<1x16xf32> to vector<16xf32>
      %neg3A_870 = arith.constant 0.000000e+00 : f32
      %neg3A_871 = vector.broadcast %neg3A_870 : f32 to vector<16xf32>
      %neg3A_872 = arith.subf %neg3A_871, %get3A_869 : vector<16xf32>
      %exp3A_873 = math.exp %neg3A_872 : vector<16xf32>
      %sub3A_874 = arith.constant 1.000000e+00 : f32
      %sub3A_875 = vector.broadcast %sub3A_874 : f32 to vector<16xf32>
      %sub3A_876 = arith.subf %sub3A_875, %exp3A_873 : vector<16xf32>
      %add3A_877 = arith.constant 1.000000e+00 : f32
      %add3A_878 = vector.broadcast %add3A_877 : f32 to vector<16xf32>
      %add3A_879 = arith.addf %add3A_878, %exp3A_873 : vector<16xf32>
      %div3A_880 = arith.divf %sub3A_876, %add3A_879 : vector<16xf32>
      %mul3A_881 = arith.mulf %div3A_880, %div3A_880 : vector<16xf32>
      %mul3A_882 = arith.constant 2.500000e-01 : f32
      %mul3A_883 = vector.broadcast %mul3A_882 : f32 to vector<16xf32>
      %mul3A_884 = arith.mulf %mul3A_883, %mul3A_881 : vector<16xf32>
      %add3A_885 = arith.addf %scan3A_863, %mul3A_884 : vector<16xf32>
      scf.yield %add3A_885 : vector<16xf32>
    }
    %scan3A_303 = arith.constant 80 : i32
    %broadcast_in_dim3A_304 = arith.constant 0.000000e+00 : f32
    %broadcast_in_dim3A_305 = vector.broadcast %broadcast_in_dim3A_304 : f32 to vector<16xf32>
    %mul3A_306 = arith.mulf %broadcast_in_dim3A_305, %broadcast_in_dim3A_305 : vector<16xf32>
    %scan3A_307 = arith.constant 0 : i32
    %scan3A_308 = arith.constant 80 : i32
    %scan3A_309 = arith.addi %scan3A_307, %scan3A_308 : i32
    %scan3A_310 = arith.constant 1 : i32
    %scan3A_311 = scf.for %scan3A_862 = %scan3A_307 to %scan3A_309 step %scan3A_310 iter_args(%scan3A_863 = %scan3A_302) -> (vector<16xf32>)  : i32 {
      %mul3A_864 = arith.constant 16 : i32
      %mul3A_865 = arith.muli %scan3A_862, %mul3A_864 : i32
      %get3A = arith.constant 4 : i32
      %get3A_866 = arith.index_cast %get3A : i32 to index
      %get3A_867 = arith.index_cast %mul3A_865 : i32 to index
      %get3A_868 = tpu.vector_load %arg4[%get3A_866, %get3A_867] {strides = array<i32>} : memref<8x1280xf32, #tpu.memory_space<vmem>>, vector<1x16xf32>,
      %get3A_869 = vector.shape_cast %get3A_868 : vector<1x16xf32> to vector<16xf32>
      %mul3A_870 = arith.mulf %get3A_869, %get3A_869 : vector<16xf32>
      %add3A_871 = arith.addf %scan3A_863, %mul3A_870 : vector<16xf32>
      scf.yield %add3A_871 : vector<16xf32>
    }
    %scan3A_312 = arith.constant 80 : i32
    %broadcast_in_dim3A_313 = arith.constant 0.000000e+00 : f32
    %broadcast_in_dim3A_314 = vector.broadcast %broadcast_in_dim3A_313 : f32 to vector<16xf32>
    %mul3A_315 = arith.mulf %broadcast_in_dim3A_314, %broadcast_in_dim3A_314 : vector<16xf32>
    %scan3A_316 = arith.constant 0 : i32
    %scan3A_317 = arith.constant 80 : i32
    %scan3A_318 = arith.addi %scan3A_316, %scan3A_317 : i32
    %scan3A_319 = arith.constant 1 : i32
    %scan3A_320 = scf.for %scan3A_862 = %scan3A_316 to %scan3A_318 step %scan3A_319 iter_args(%scan3A_863 = %scan3A_311) -> (vector<16xf32>)  : i32 {
      %mul3A_864 = arith.constant 16 : i32
      %mul3A_865 = arith.muli %scan3A_862, %mul3A_864 : i32
      %get3A = arith.constant 5 : i32
      %get3A_866 = arith.index_cast %get3A : i32 to index
      %get3A_867 = arith.index_cast %mul3A_865 : i32 to index
      %get3A_868 = tpu.vector_load %arg4[%get3A_866, %get3A_867] {strides = array<i32>} : memref<8x1280xf32, #tpu.memory_space<vmem>>, vector<1x16xf32>,
      %get3A_869 = vector.shape_cast %get3A_868 : vector<1x16xf32> to vector<16xf32>
      %mul3A_870 = arith.mulf %get3A_869, %get3A_869 : vector<16xf32>
      %add3A_871 = arith.addf %scan3A_863, %mul3A_870 : vector<16xf32>
      scf.yield %add3A_871 : vector<16xf32>
    }
    %scan3A_321 = arith.constant 80 : i32
    %broadcast_in_dim3A_322 = arith.constant 0.000000e+00 : f32
    %broadcast_in_dim3A_323 = vector.broadcast %broadcast_in_dim3A_322 : f32 to vector<16xf32>
    %neg3A_324 = arith.constant 0.000000e+00 : f32
    %neg3A_325 = vector.broadcast %neg3A_324 : f32 to vector<16xf32>
    %neg3A_326 = arith.subf %neg3A_325, %broadcast_in_dim3A_323 : vector<16xf32>
    %exp3A_327 = math.exp %neg3A_326 : vector<16xf32>
    %add3A_328 = arith.constant 1.000000e+00 : f32
    %add3A_329 = vector.broadcast %add3A_328 : f32 to vector<16xf32>
    %add3A_330 = arith.addf %add3A_329, %exp3A_327 : vector<16xf32>
    %div3A_331 = arith.constant 1.000000e+00 : f32
    %div3A_332 = vector.broadcast %div3A_331 : f32 to vector<16xf32>
    %div3A_333 = arith.divf %div3A_332, %add3A_330 : vector<16xf32>
    %mul3A_334 = arith.mulf %div3A_333, %div3A_333 : vector<16xf32>
    %scan3A_335 = arith.constant 0 : i32
    %scan3A_336 = arith.constant 80 : i32
    %scan3A_337 = arith.addi %scan3A_335, %scan3A_336 : i32
    %scan3A_338 = arith.constant 1 : i32
    %scan3A_339 = scf.for %scan3A_862 = %scan3A_335 to %scan3A_337 step %scan3A_338 iter_args(%scan3A_863 = %scan3A_320) -> (vector<16xf32>)  : i32 {
      %mul3A_864 = arith.constant 16 : i32
      %mul3A_865 = arith.muli %scan3A_862, %mul3A_864 : i32
      %get3A = arith.constant 6 : i32
      %get3A_866 = arith.index_cast %get3A : i32 to index
      %get3A_867 = arith.index_cast %mul3A_865 : i32 to index
      %get3A_868 = tpu.vector_load %arg4[%get3A_866, %get3A_867] {strides = array<i32>} : memref<8x1280xf32, #tpu.memory_space<vmem>>, vector<1x16xf32>,
      %get3A_869 = vector.shape_cast %get3A_868 : vector<1x16xf32> to vector<16xf32>
      %neg3A_870 = arith.constant 0.000000e+00 : f32
      %neg3A_871 = vector.broadcast %neg3A_870 : f32 to vector<16xf32>
      %neg3A_872 = arith.subf %neg3A_871, %get3A_869 : vector<16xf32>
      %exp3A_873 = math.exp %neg3A_872 : vector<16xf32>
      %add3A_874 = arith.constant 1.000000e+00 : f32
      %add3A_875 = vector.broadcast %add3A_874 : f32 to vector<16xf32>
      %add3A_876 = arith.addf %add3A_875, %exp3A_873 : vector<16xf32>
      %div3A_877 = arith.constant 1.000000e+00 : f32
      %div3A_878 = vector.broadcast %div3A_877 : f32 to vector<16xf32>
      %div3A_879 = arith.divf %div3A_878, %add3A_876 : vector<16xf32>
      %mul3A_880 = arith.mulf %div3A_879, %div3A_879 : vector<16xf32>
      %add3A_881 = arith.addf %scan3A_863, %mul3A_880 : vector<16xf32>
      scf.yield %add3A_881 : vector<16xf32>
    }
    %scan3A_340 = arith.constant 80 : i32
    %broadcast_in_dim3A_341 = arith.constant 0.000000e+00 : f32
    %broadcast_in_dim3A_342 = vector.broadcast %broadcast_in_dim3A_341 : f32 to vector<16xf32>
    "tpu.region"() ({
      %run_scoped3A = tpu.sem_alloc : memref<!tpu.dma_semaphore, #tpu.memory_space<semaphore_mem>>
      %dma_start3A = arith.constant 0 : i32
      %dma_start3A_862 = arith.constant 0 : i32
      %dma_start3A_863 = tpu.memref_slice %arg4[%dma_start3A, %dma_start3A_862] : memref<8x1280xf32, #tpu.memory_space<vmem>> -> memref<6x1280xf32, #tpu.memory_space<vmem>>
      %dma_start3A_864 = arith.constant 24 : i32
      %dma_start3A_865 = arith.constant 0 : i32
      %dma_start3A_866 = tpu.memref_slice %arg2[%add3A_7, %dma_start3A_864, %dma_start3A_865] : memref<361x30x1280xf32, #tpu.memory_space<hbm>> -> memref<1x6x1280xf32, #tpu.memory_space<hbm>>
      %dma_start3A_867 = tpu.memref_squeeze %dma_start3A_866 : memref<1x6x1280xf32, #tpu.memory_space<hbm>> -> memref<6x1280xf32, #tpu.memory_space<hbm>>
      %dma_start3A_868 = arith.constant 0 : i32
      %dma_start3A_869 = arith.constant 0 : i32
      %dma_start3A_870 = tpu.memref_slice %arg4[%dma_start3A_868, %dma_start3A_869] : memref<8x1280xf32, #tpu.memory_space<vmem>> -> memref<6x1280xf32, #tpu.memory_space<vmem>>
      %dma_start3A_871 = arith.constant 24 : i32
      %dma_start3A_872 = arith.constant 0 : i32
      %dma_start3A_873 = tpu.memref_slice %arg2[%add3A_7, %dma_start3A_871, %dma_start3A_872] : memref<361x30x1280xf32, #tpu.memory_space<hbm>> -> memref<1x6x1280xf32, #tpu.memory_space<hbm>>
      %dma_start3A_874 = tpu.memref_squeeze %dma_start3A_873 : memref<1x6x1280xf32, #tpu.memory_space<hbm>> -> memref<6x1280xf32, #tpu.memory_space<hbm>>
      tpu.enqueue_dma source(%dma_start3A_874 : memref<6x1280xf32, #tpu.memory_space<hbm>>) target(%dma_start3A_870 : memref<6x1280xf32, #tpu.memory_space<vmem>>) target_semaphore(%run_scoped3A : memref<!tpu.dma_semaphore, #tpu.memory_space<semaphore_mem>>)
      %dma_wait3A = arith.constant 0 : i32
      %dma_wait3A_875 = arith.constant 0 : i32
      %dma_wait3A_876 = tpu.memref_slice %arg4[%dma_wait3A, %dma_wait3A_875] : memref<8x1280xf32, #tpu.memory_space<vmem>> -> memref<6x1280xf32, #tpu.memory_space<vmem>>
      %dma_wait3A_877 = arith.constant 24 : i32
      %dma_wait3A_878 = arith.constant 0 : i32
      %dma_wait3A_879 = tpu.memref_slice %arg2[%add3A_7, %dma_wait3A_877, %dma_wait3A_878] : memref<361x30x1280xf32, #tpu.memory_space<hbm>> -> memref<1x6x1280xf32, #tpu.memory_space<hbm>>
      %dma_wait3A_880 = tpu.memref_squeeze %dma_wait3A_879 : memref<1x6x1280xf32, #tpu.memory_space<hbm>> -> memref<6x1280xf32, #tpu.memory_space<hbm>>
      %dma_wait3A_881 = arith.constant 0 : i32
      %dma_wait3A_882 = arith.constant 0 : i32
      %dma_wait3A_883 = tpu.memref_slice %arg4[%dma_wait3A_881, %dma_wait3A_882] : memref<8x1280xf32, #tpu.memory_space<vmem>> -> memref<6x1280xf32, #tpu.memory_space<vmem>>
      %dma_wait3A_884 = arith.constant 24 : i32
      %dma_wait3A_885 = arith.constant 0 : i32
      %dma_wait3A_886 = tpu.memref_slice %arg2[%add3A_7, %dma_wait3A_884, %dma_wait3A_885] : memref<361x30x1280xf32, #tpu.memory_space<hbm>> -> memref<1x6x1280xf32, #tpu.memory_space<hbm>>
      %dma_wait3A_887 = tpu.memref_squeeze %dma_wait3A_886 : memref<1x6x1280xf32, #tpu.memory_space<hbm>> -> memref<6x1280xf32, #tpu.memory_space<hbm>>
      tpu.wait_dma2 semaphore(%run_scoped3A : memref<!tpu.dma_semaphore, #tpu.memory_space<semaphore_mem>>) src(%dma_wait3A_887 : memref<6x1280xf32, #tpu.memory_space<hbm>>) dst(%dma_wait3A_883 : memref<6x1280xf32, #tpu.memory_space<vmem>>)
      tpu.yield
    }) : () -> ()
    %broadcast_in_dim3A_343 = arith.constant 0.000000e+00 : f32
    %broadcast_in_dim3A_344 = vector.broadcast %broadcast_in_dim3A_343 : f32 to vector<16xf32>
    %neg3A_345 = arith.constant 0.000000e+00 : f32
    %neg3A_346 = vector.broadcast %neg3A_345 : f32 to vector<16xf32>
    %neg3A_347 = arith.subf %neg3A_346, %broadcast_in_dim3A_344 : vector<16xf32>
    %exp3A_348 = math.exp %neg3A_347 : vector<16xf32>
    %sub3A_349 = arith.constant 1.000000e+00 : f32
    %sub3A_350 = vector.broadcast %sub3A_349 : f32 to vector<16xf32>
    %sub3A_351 = arith.subf %sub3A_350, %exp3A_348 : vector<16xf32>
    %add3A_352 = arith.constant 1.000000e+00 : f32
    %add3A_353 = vector.broadcast %add3A_352 : f32 to vector<16xf32>
    %add3A_354 = arith.addf %add3A_353, %exp3A_348 : vector<16xf32>
    %div3A_355 = arith.divf %sub3A_351, %add3A_354 : vector<16xf32>
    %mul3A_356 = arith.mulf %div3A_355, %div3A_355 : vector<16xf32>
    %mul3A_357 = arith.constant 2.500000e-01 : f32
    %mul3A_358 = vector.broadcast %mul3A_357 : f32 to vector<16xf32>
    %mul3A_359 = arith.mulf %mul3A_358, %mul3A_356 : vector<16xf32>
    %scan3A_360 = arith.constant 0 : i32
    %scan3A_361 = arith.constant 80 : i32
    %scan3A_362 = arith.addi %scan3A_360, %scan3A_361 : i32
    %scan3A_363 = arith.constant 1 : i32
    %scan3A_364 = scf.for %scan3A_862 = %scan3A_360 to %scan3A_362 step %scan3A_363 iter_args(%scan3A_863 = %scan3A_339) -> (vector<16xf32>)  : i32 {
      %mul3A_864 = arith.constant 16 : i32
      %mul3A_865 = arith.muli %scan3A_862, %mul3A_864 : i32
      %get3A = arith.constant 0 : i32
      %get3A_866 = arith.index_cast %get3A : i32 to index
      %get3A_867 = arith.index_cast %mul3A_865 : i32 to index
      %get3A_868 = tpu.vector_load %arg4[%get3A_866, %get3A_867] {strides = array<i32>} : memref<8x1280xf32, #tpu.memory_space<vmem>>, vector<1x16xf32>,
      %get3A_869 = vector.shape_cast %get3A_868 : vector<1x16xf32> to vector<16xf32>
      %neg3A_870 = arith.constant 0.000000e+00 : f32
      %neg3A_871 = vector.broadcast %neg3A_870 : f32 to vector<16xf32>
      %neg3A_872 = arith.subf %neg3A_871, %get3A_869 : vector<16xf32>
      %exp3A_873 = math.exp %neg3A_872 : vector<16xf32>
      %sub3A_874 = arith.constant 1.000000e+00 : f32
      %sub3A_875 = vector.broadcast %sub3A_874 : f32 to vector<16xf32>
      %sub3A_876 = arith.subf %sub3A_875, %exp3A_873 : vector<16xf32>
      %add3A_877 = arith.constant 1.000000e+00 : f32
      %add3A_878 = vector.broadcast %add3A_877 : f32 to vector<16xf32>
      %add3A_879 = arith.addf %add3A_878, %exp3A_873 : vector<16xf32>
      %div3A_880 = arith.divf %sub3A_876, %add3A_879 : vector<16xf32>
      %mul3A_881 = arith.mulf %div3A_880, %div3A_880 : vector<16xf32>
      %mul3A_882 = arith.constant 2.500000e-01 : f32
      %mul3A_883 = vector.broadcast %mul3A_882 : f32 to vector<16xf32>
      %mul3A_884 = arith.mulf %mul3A_883, %mul3A_881 : vector<16xf32>
      %add3A_885 = arith.addf %scan3A_863, %mul3A_884 : vector<16xf32>
      scf.yield %add3A_885 : vector<16xf32>
    }
    %scan3A_365 = arith.constant 80 : i32
    %broadcast_in_dim3A_366 = arith.constant 0.000000e+00 : f32
    %broadcast_in_dim3A_367 = vector.broadcast %broadcast_in_dim3A_366 : f32 to vector<16xf32>
    %neg3A_368 = arith.constant 0.000000e+00 : f32
    %neg3A_369 = vector.broadcast %neg3A_368 : f32 to vector<16xf32>
    %neg3A_370 = arith.subf %neg3A_369, %broadcast_in_dim3A_367 : vector<16xf32>
    %exp3A_371 = math.exp %neg3A_370 : vector<16xf32>
    %sub3A_372 = arith.constant 1.000000e+00 : f32
    %sub3A_373 = vector.broadcast %sub3A_372 : f32 to vector<16xf32>
    %sub3A_374 = arith.subf %sub3A_373, %exp3A_371 : vector<16xf32>
    %add3A_375 = arith.constant 1.000000e+00 : f32
    %add3A_376 = vector.broadcast %add3A_375 : f32 to vector<16xf32>
    %add3A_377 = arith.addf %add3A_376, %exp3A_371 : vector<16xf32>
    %div3A_378 = arith.divf %sub3A_374, %add3A_377 : vector<16xf32>
    %mul3A_379 = arith.mulf %div3A_378, %div3A_378 : vector<16xf32>
    %mul3A_380 = arith.constant 2.500000e-01 : f32
    %mul3A_381 = vector.broadcast %mul3A_380 : f32 to vector<16xf32>
    %mul3A_382 = arith.mulf %mul3A_381, %mul3A_379 : vector<16xf32>
    %scan3A_383 = arith.constant 0 : i32
    %scan3A_384 = arith.constant 80 : i32
    %scan3A_385 = arith.addi %scan3A_383, %scan3A_384 : i32
    %scan3A_386 = arith.constant 1 : i32
    %scan3A_387 = scf.for %scan3A_862 = %scan3A_383 to %scan3A_385 step %scan3A_386 iter_args(%scan3A_863 = %scan3A_364) -> (vector<16xf32>)  : i32 {
      %mul3A_864 = arith.constant 16 : i32
      %mul3A_865 = arith.muli %scan3A_862, %mul3A_864 : i32
      %get3A = arith.constant 1 : i32
      %get3A_866 = arith.index_cast %get3A : i32 to index
      %get3A_867 = arith.index_cast %mul3A_865 : i32 to index
      %get3A_868 = tpu.vector_load %arg4[%get3A_866, %get3A_867] {strides = array<i32>} : memref<8x1280xf32, #tpu.memory_space<vmem>>, vector<1x16xf32>,
      %get3A_869 = vector.shape_cast %get3A_868 : vector<1x16xf32> to vector<16xf32>
      %neg3A_870 = arith.constant 0.000000e+00 : f32
      %neg3A_871 = vector.broadcast %neg3A_870 : f32 to vector<16xf32>
      %neg3A_872 = arith.subf %neg3A_871, %get3A_869 : vector<16xf32>
      %exp3A_873 = math.exp %neg3A_872 : vector<16xf32>
      %sub3A_874 = arith.constant 1.000000e+00 : f32
      %sub3A_875 = vector.broadcast %sub3A_874 : f32 to vector<16xf32>
      %sub3A_876 = arith.subf %sub3A_875, %exp3A_873 : vector<16xf32>
      %add3A_877 = arith.constant 1.000000e+00 : f32
      %add3A_878 = vector.broadcast %add3A_877 : f32 to vector<16xf32>
      %add3A_879 = arith.addf %add3A_878, %exp3A_873 : vector<16xf32>
      %div3A_880 = arith.divf %sub3A_876, %add3A_879 : vector<16xf32>
      %mul3A_881 = arith.mulf %div3A_880, %div3A_880 : vector<16xf32>
      %mul3A_882 = arith.constant 2.500000e-01 : f32
      %mul3A_883 = vector.broadcast %mul3A_882 : f32 to vector<16xf32>
      %mul3A_884 = arith.mulf %mul3A_883, %mul3A_881 : vector<16xf32>
      %add3A_885 = arith.addf %scan3A_863, %mul3A_884 : vector<16xf32>
      scf.yield %add3A_885 : vector<16xf32>
    }
    %scan3A_388 = arith.constant 80 : i32
    %broadcast_in_dim3A_389 = arith.constant 0.000000e+00 : f32
    %broadcast_in_dim3A_390 = vector.broadcast %broadcast_in_dim3A_389 : f32 to vector<16xf32>
    %mul3A_391 = arith.mulf %broadcast_in_dim3A_390, %broadcast_in_dim3A_390 : vector<16xf32>
    %scan3A_392 = arith.constant 0 : i32
    %scan3A_393 = arith.constant 80 : i32
    %scan3A_394 = arith.addi %scan3A_392, %scan3A_393 : i32
    %scan3A_395 = arith.constant 1 : i32
    %scan3A_396 = scf.for %scan3A_862 = %scan3A_392 to %scan3A_394 step %scan3A_395 iter_args(%scan3A_863 = %scan3A_387) -> (vector<16xf32>)  : i32 {
      %mul3A_864 = arith.constant 16 : i32
      %mul3A_865 = arith.muli %scan3A_862, %mul3A_864 : i32
      %get3A = arith.constant 2 : i32
      %get3A_866 = arith.index_cast %get3A : i32 to index
      %get3A_867 = arith.index_cast %mul3A_865 : i32 to index
      %get3A_868 = tpu.vector_load %arg4[%get3A_866, %get3A_867] {strides = array<i32>} : memref<8x1280xf32, #tpu.memory_space<vmem>>, vector<1x16xf32>,
      %get3A_869 = vector.shape_cast %get3A_868 : vector<1x16xf32> to vector<16xf32>
      %mul3A_870 = arith.mulf %get3A_869, %get3A_869 : vector<16xf32>
      %add3A_871 = arith.addf %scan3A_863, %mul3A_870 : vector<16xf32>
      scf.yield %add3A_871 : vector<16xf32>
    }
    %scan3A_397 = arith.constant 80 : i32
    %broadcast_in_dim3A_398 = arith.constant 0.000000e+00 : f32
    %broadcast_in_dim3A_399 = vector.broadcast %broadcast_in_dim3A_398 : f32 to vector<16xf32>
    %mul3A_400 = arith.mulf %broadcast_in_dim3A_399, %broadcast_in_dim3A_399 : vector<16xf32>
    %scan3A_401 = arith.constant 0 : i32
    %scan3A_402 = arith.constant 80 : i32
    %scan3A_403 = arith.addi %scan3A_401, %scan3A_402 : i32
    %scan3A_404 = arith.constant 1 : i32
    %scan3A_405 = scf.for %scan3A_862 = %scan3A_401 to %scan3A_403 step %scan3A_404 iter_args(%scan3A_863 = %scan3A_396) -> (vector<16xf32>)  : i32 {
      %mul3A_864 = arith.constant 16 : i32
      %mul3A_865 = arith.muli %scan3A_862, %mul3A_864 : i32
      %get3A = arith.constant 3 : i32
      %get3A_866 = arith.index_cast %get3A : i32 to index
      %get3A_867 = arith.index_cast %mul3A_865 : i32 to index
      %get3A_868 = tpu.vector_load %arg4[%get3A_866, %get3A_867] {strides = array<i32>} : memref<8x1280xf32, #tpu.memory_space<vmem>>, vector<1x16xf32>,
      %get3A_869 = vector.shape_cast %get3A_868 : vector<1x16xf32> to vector<16xf32>
      %mul3A_870 = arith.mulf %get3A_869, %get3A_869 : vector<16xf32>
      %add3A_871 = arith.addf %scan3A_863, %mul3A_870 : vector<16xf32>
      scf.yield %add3A_871 : vector<16xf32>
    }
    %scan3A_406 = arith.constant 80 : i32
    %broadcast_in_dim3A_407 = arith.constant 0.000000e+00 : f32
    %broadcast_in_dim3A_408 = vector.broadcast %broadcast_in_dim3A_407 : f32 to vector<16xf32>
    %neg3A_409 = arith.constant 0.000000e+00 : f32
    %neg3A_410 = vector.broadcast %neg3A_409 : f32 to vector<16xf32>
    %neg3A_411 = arith.subf %neg3A_410, %broadcast_in_dim3A_408 : vector<16xf32>
    %exp3A_412 = math.exp %neg3A_411 : vector<16xf32>
    %add3A_413 = arith.constant 1.000000e+00 : f32
    %add3A_414 = vector.broadcast %add3A_413 : f32 to vector<16xf32>
    %add3A_415 = arith.addf %add3A_414, %exp3A_412 : vector<16xf32>
    %div3A_416 = arith.constant 1.000000e+00 : f32
    %div3A_417 = vector.broadcast %div3A_416 : f32 to vector<16xf32>
    %div3A_418 = arith.divf %div3A_417, %add3A_415 : vector<16xf32>
    %mul3A_419 = arith.mulf %div3A_418, %div3A_418 : vector<16xf32>
    %scan3A_420 = arith.constant 0 : i32
    %scan3A_421 = arith.constant 80 : i32
    %scan3A_422 = arith.addi %scan3A_420, %scan3A_421 : i32
    %scan3A_423 = arith.constant 1 : i32
    %scan3A_424 = scf.for %scan3A_862 = %scan3A_420 to %scan3A_422 step %scan3A_423 iter_args(%scan3A_863 = %scan3A_405) -> (vector<16xf32>)  : i32 {
      %mul3A_864 = arith.constant 16 : i32
      %mul3A_865 = arith.muli %scan3A_862, %mul3A_864 : i32
      %get3A = arith.constant 4 : i32
      %get3A_866 = arith.index_cast %get3A : i32 to index
      %get3A_867 = arith.index_cast %mul3A_865 : i32 to index
      %get3A_868 = tpu.vector_load %arg4[%get3A_866, %get3A_867] {strides = array<i32>} : memref<8x1280xf32, #tpu.memory_space<vmem>>, vector<1x16xf32>,
      %get3A_869 = vector.shape_cast %get3A_868 : vector<1x16xf32> to vector<16xf32>
      %neg3A_870 = arith.constant 0.000000e+00 : f32
      %neg3A_871 = vector.broadcast %neg3A_870 : f32 to vector<16xf32>
      %neg3A_872 = arith.subf %neg3A_871, %get3A_869 : vector<16xf32>
      %exp3A_873 = math.exp %neg3A_872 : vector<16xf32>
      %add3A_874 = arith.constant 1.000000e+00 : f32
      %add3A_875 = vector.broadcast %add3A_874 : f32 to vector<16xf32>
      %add3A_876 = arith.addf %add3A_875, %exp3A_873 : vector<16xf32>
      %div3A_877 = arith.constant 1.000000e+00 : f32
      %div3A_878 = vector.broadcast %div3A_877 : f32 to vector<16xf32>
      %div3A_879 = arith.divf %div3A_878, %add3A_876 : vector<16xf32>
      %mul3A_880 = arith.mulf %div3A_879, %div3A_879 : vector<16xf32>
      %add3A_881 = arith.addf %scan3A_863, %mul3A_880 : vector<16xf32>
      scf.yield %add3A_881 : vector<16xf32>
    }
    %scan3A_425 = arith.constant 80 : i32
    %broadcast_in_dim3A_426 = arith.constant 0.000000e+00 : f32
    %broadcast_in_dim3A_427 = vector.broadcast %broadcast_in_dim3A_426 : f32 to vector<16xf32>
    %mul3A_428 = arith.constant 2 : i32
    %mul3A_429 = arith.muli %add3A, %mul3A_428 : i32
    %add3A_430 = arith.constant 297 : i32
    %add3A_431 = arith.addi %add3A_430, %mul3A_429 : i32
    %add3A_432 = arith.constant 1 : i32
    %add3A_433 = arith.addi %add3A_431, %add3A_432 : i32
    "tpu.region"() ({
      %run_scoped3A = tpu.sem_alloc : memref<!tpu.dma_semaphore, #tpu.memory_space<semaphore_mem>>
      %dma_start3A = arith.constant 0 : i32
      %dma_start3A_862 = arith.constant 0 : i32
      %dma_start3A_863 = tpu.memref_slice %arg4[%dma_start3A, %dma_start3A_862] : memref<8x1280xf32, #tpu.memory_space<vmem>> -> memref<8x1280xf32, #tpu.memory_space<vmem>>
      %dma_start3A_864 = arith.constant 0 : i32
      %dma_start3A_865 = arith.constant 0 : i32
      %dma_start3A_866 = tpu.memref_slice %arg2[%add3A_433, %dma_start3A_864, %dma_start3A_865] : memref<361x30x1280xf32, #tpu.memory_space<hbm>> -> memref<1x8x1280xf32, #tpu.memory_space<hbm>>
      %dma_start3A_867 = tpu.memref_squeeze %dma_start3A_866 : memref<1x8x1280xf32, #tpu.memory_space<hbm>> -> memref<8x1280xf32, #tpu.memory_space<hbm>>
      %dma_start3A_868 = arith.constant 0 : i32
      %dma_start3A_869 = arith.constant 0 : i32
      %dma_start3A_870 = tpu.memref_slice %arg4[%dma_start3A_868, %dma_start3A_869] : memref<8x1280xf32, #tpu.memory_space<vmem>> -> memref<8x1280xf32, #tpu.memory_space<vmem>>
      %dma_start3A_871 = arith.constant 0 : i32
      %dma_start3A_872 = arith.constant 0 : i32
      %dma_start3A_873 = tpu.memref_slice %arg2[%add3A_433, %dma_start3A_871, %dma_start3A_872] : memref<361x30x1280xf32, #tpu.memory_space<hbm>> -> memref<1x8x1280xf32, #tpu.memory_space<hbm>>
      %dma_start3A_874 = tpu.memref_squeeze %dma_start3A_873 : memref<1x8x1280xf32, #tpu.memory_space<hbm>> -> memref<8x1280xf32, #tpu.memory_space<hbm>>
      tpu.enqueue_dma source(%dma_start3A_874 : memref<8x1280xf32, #tpu.memory_space<hbm>>) target(%dma_start3A_870 : memref<8x1280xf32, #tpu.memory_space<vmem>>) target_semaphore(%run_scoped3A : memref<!tpu.dma_semaphore, #tpu.memory_space<semaphore_mem>>)
      %dma_wait3A = arith.constant 0 : i32
      %dma_wait3A_875 = arith.constant 0 : i32
      %dma_wait3A_876 = tpu.memref_slice %arg4[%dma_wait3A, %dma_wait3A_875] : memref<8x1280xf32, #tpu.memory_space<vmem>> -> memref<8x1280xf32, #tpu.memory_space<vmem>>
      %dma_wait3A_877 = arith.constant 0 : i32
      %dma_wait3A_878 = arith.constant 0 : i32
      %dma_wait3A_879 = tpu.memref_slice %arg2[%add3A_433, %dma_wait3A_877, %dma_wait3A_878] : memref<361x30x1280xf32, #tpu.memory_space<hbm>> -> memref<1x8x1280xf32, #tpu.memory_space<hbm>>
      %dma_wait3A_880 = tpu.memref_squeeze %dma_wait3A_879 : memref<1x8x1280xf32, #tpu.memory_space<hbm>> -> memref<8x1280xf32, #tpu.memory_space<hbm>>
      %dma_wait3A_881 = arith.constant 0 : i32
      %dma_wait3A_882 = arith.constant 0 : i32
      %dma_wait3A_883 = tpu.memref_slice %arg4[%dma_wait3A_881, %dma_wait3A_882] : memref<8x1280xf32, #tpu.memory_space<vmem>> -> memref<8x1280xf32, #tpu.memory_space<vmem>>
      %dma_wait3A_884 = arith.constant 0 : i32
      %dma_wait3A_885 = arith.constant 0 : i32
      %dma_wait3A_886 = tpu.memref_slice %arg2[%add3A_433, %dma_wait3A_884, %dma_wait3A_885] : memref<361x30x1280xf32, #tpu.memory_space<hbm>> -> memref<1x8x1280xf32, #tpu.memory_space<hbm>>
      %dma_wait3A_887 = tpu.memref_squeeze %dma_wait3A_886 : memref<1x8x1280xf32, #tpu.memory_space<hbm>> -> memref<8x1280xf32, #tpu.memory_space<hbm>>
      tpu.wait_dma2 semaphore(%run_scoped3A : memref<!tpu.dma_semaphore, #tpu.memory_space<semaphore_mem>>) src(%dma_wait3A_887 : memref<8x1280xf32, #tpu.memory_space<hbm>>) dst(%dma_wait3A_883 : memref<8x1280xf32, #tpu.memory_space<vmem>>)
      tpu.yield
    }) : () -> ()
    %broadcast_in_dim3A_434 = arith.constant 0.000000e+00 : f32
    %broadcast_in_dim3A_435 = vector.broadcast %broadcast_in_dim3A_434 : f32 to vector<16xf32>
    %neg3A_436 = arith.constant 0.000000e+00 : f32
    %neg3A_437 = vector.broadcast %neg3A_436 : f32 to vector<16xf32>
    %neg3A_438 = arith.subf %neg3A_437, %broadcast_in_dim3A_435 : vector<16xf32>
    %exp3A_439 = math.exp %neg3A_438 : vector<16xf32>
    %sub3A_440 = arith.constant 1.000000e+00 : f32
    %sub3A_441 = vector.broadcast %sub3A_440 : f32 to vector<16xf32>
    %sub3A_442 = arith.subf %sub3A_441, %exp3A_439 : vector<16xf32>
    %add3A_443 = arith.constant 1.000000e+00 : f32
    %add3A_444 = vector.broadcast %add3A_443 : f32 to vector<16xf32>
    %add3A_445 = arith.addf %add3A_444, %exp3A_439 : vector<16xf32>
    %div3A_446 = arith.divf %sub3A_442, %add3A_445 : vector<16xf32>
    %mul3A_447 = arith.mulf %div3A_446, %div3A_446 : vector<16xf32>
    %mul3A_448 = arith.constant 2.500000e-01 : f32
    %mul3A_449 = vector.broadcast %mul3A_448 : f32 to vector<16xf32>
    %mul3A_450 = arith.mulf %mul3A_449, %mul3A_447 : vector<16xf32>
    %scan3A_451 = arith.constant 0 : i32
    %scan3A_452 = arith.constant 80 : i32
    %scan3A_453 = arith.addi %scan3A_451, %scan3A_452 : i32
    %scan3A_454 = arith.constant 1 : i32
    %scan3A_455 = scf.for %scan3A_862 = %scan3A_451 to %scan3A_453 step %scan3A_454 iter_args(%scan3A_863 = %scan3A_424) -> (vector<16xf32>)  : i32 {
      %mul3A_864 = arith.constant 16 : i32
      %mul3A_865 = arith.muli %scan3A_862, %mul3A_864 : i32
      %get3A = arith.constant 0 : i32
      %get3A_866 = arith.index_cast %get3A : i32 to index
      %get3A_867 = arith.index_cast %mul3A_865 : i32 to index
      %get3A_868 = tpu.vector_load %arg4[%get3A_866, %get3A_867] {strides = array<i32>} : memref<8x1280xf32, #tpu.memory_space<vmem>>, vector<1x16xf32>,
      %get3A_869 = vector.shape_cast %get3A_868 : vector<1x16xf32> to vector<16xf32>
      %neg3A_870 = arith.constant 0.000000e+00 : f32
      %neg3A_871 = vector.broadcast %neg3A_870 : f32 to vector<16xf32>
      %neg3A_872 = arith.subf %neg3A_871, %get3A_869 : vector<16xf32>
      %exp3A_873 = math.exp %neg3A_872 : vector<16xf32>
      %sub3A_874 = arith.constant 1.000000e+00 : f32
      %sub3A_875 = vector.broadcast %sub3A_874 : f32 to vector<16xf32>
      %sub3A_876 = arith.subf %sub3A_875, %exp3A_873 : vector<16xf32>
      %add3A_877 = arith.constant 1.000000e+00 : f32
      %add3A_878 = vector.broadcast %add3A_877 : f32 to vector<16xf32>
      %add3A_879 = arith.addf %add3A_878, %exp3A_873 : vector<16xf32>
      %div3A_880 = arith.divf %sub3A_876, %add3A_879 : vector<16xf32>
      %mul3A_881 = arith.mulf %div3A_880, %div3A_880 : vector<16xf32>
      %mul3A_882 = arith.constant 2.500000e-01 : f32
      %mul3A_883 = vector.broadcast %mul3A_882 : f32 to vector<16xf32>
      %mul3A_884 = arith.mulf %mul3A_883, %mul3A_881 : vector<16xf32>
      %add3A_885 = arith.addf %scan3A_863, %mul3A_884 : vector<16xf32>
      scf.yield %add3A_885 : vector<16xf32>
    }
    %scan3A_456 = arith.constant 80 : i32
    %broadcast_in_dim3A_457 = arith.constant 0.000000e+00 : f32
    %broadcast_in_dim3A_458 = vector.broadcast %broadcast_in_dim3A_457 : f32 to vector<16xf32>
    %neg3A_459 = arith.constant 0.000000e+00 : f32
    %neg3A_460 = vector.broadcast %neg3A_459 : f32 to vector<16xf32>
    %neg3A_461 = arith.subf %neg3A_460, %broadcast_in_dim3A_458 : vector<16xf32>
    %exp3A_462 = math.exp %neg3A_461 : vector<16xf32>
    %sub3A_463 = arith.constant 1.000000e+00 : f32
    %sub3A_464 = vector.broadcast %sub3A_463 : f32 to vector<16xf32>
    %sub3A_465 = arith.subf %sub3A_464, %exp3A_462 : vector<16xf32>
    %add3A_466 = arith.constant 1.000000e+00 : f32
    %add3A_467 = vector.broadcast %add3A_466 : f32 to vector<16xf32>
    %add3A_468 = arith.addf %add3A_467, %exp3A_462 : vector<16xf32>
    %div3A_469 = arith.divf %sub3A_465, %add3A_468 : vector<16xf32>
    %mul3A_470 = arith.mulf %div3A_469, %div3A_469 : vector<16xf32>
    %mul3A_471 = arith.constant 2.500000e-01 : f32
    %mul3A_472 = vector.broadcast %mul3A_471 : f32 to vector<16xf32>
    %mul3A_473 = arith.mulf %mul3A_472, %mul3A_470 : vector<16xf32>
    %scan3A_474 = arith.constant 0 : i32
    %scan3A_475 = arith.constant 80 : i32
    %scan3A_476 = arith.addi %scan3A_474, %scan3A_475 : i32
    %scan3A_477 = arith.constant 1 : i32
    %scan3A_478 = scf.for %scan3A_862 = %scan3A_474 to %scan3A_476 step %scan3A_477 iter_args(%scan3A_863 = %scan3A_455) -> (vector<16xf32>)  : i32 {
      %mul3A_864 = arith.constant 16 : i32
      %mul3A_865 = arith.muli %scan3A_862, %mul3A_864 : i32
      %get3A = arith.constant 1 : i32
      %get3A_866 = arith.index_cast %get3A : i32 to index
      %get3A_867 = arith.index_cast %mul3A_865 : i32 to index
      %get3A_868 = tpu.vector_load %arg4[%get3A_866, %get3A_867] {strides = array<i32>} : memref<8x1280xf32, #tpu.memory_space<vmem>>, vector<1x16xf32>,
      %get3A_869 = vector.shape_cast %get3A_868 : vector<1x16xf32> to vector<16xf32>
      %neg3A_870 = arith.constant 0.000000e+00 : f32
      %neg3A_871 = vector.broadcast %neg3A_870 : f32 to vector<16xf32>
      %neg3A_872 = arith.subf %neg3A_871, %get3A_869 : vector<16xf32>
      %exp3A_873 = math.exp %neg3A_872 : vector<16xf32>
      %sub3A_874 = arith.constant 1.000000e+00 : f32
      %sub3A_875 = vector.broadcast %sub3A_874 : f32 to vector<16xf32>
      %sub3A_876 = arith.subf %sub3A_875, %exp3A_873 : vector<16xf32>
      %add3A_877 = arith.constant 1.000000e+00 : f32
      %add3A_878 = vector.broadcast %add3A_877 : f32 to vector<16xf32>
      %add3A_879 = arith.addf %add3A_878, %exp3A_873 : vector<16xf32>
      %div3A_880 = arith.divf %sub3A_876, %add3A_879 : vector<16xf32>
      %mul3A_881 = arith.mulf %div3A_880, %div3A_880 : vector<16xf32>
      %mul3A_882 = arith.constant 2.500000e-01 : f32
      %mul3A_883 = vector.broadcast %mul3A_882 : f32 to vector<16xf32>
      %mul3A_884 = arith.mulf %mul3A_883, %mul3A_881 : vector<16xf32>
      %add3A_885 = arith.addf %scan3A_863, %mul3A_884 : vector<16xf32>
      scf.yield %add3A_885 : vector<16xf32>
    }
    %scan3A_479 = arith.constant 80 : i32
    %broadcast_in_dim3A_480 = arith.constant 0.000000e+00 : f32
    %broadcast_in_dim3A_481 = vector.broadcast %broadcast_in_dim3A_480 : f32 to vector<16xf32>
    %mul3A_482 = arith.mulf %broadcast_in_dim3A_481, %broadcast_in_dim3A_481 : vector<16xf32>
    %scan3A_483 = arith.constant 0 : i32
    %scan3A_484 = arith.constant 80 : i32
    %scan3A_485 = arith.addi %scan3A_483, %scan3A_484 : i32
    %scan3A_486 = arith.constant 1 : i32
    %scan3A_487 = scf.for %scan3A_862 = %scan3A_483 to %scan3A_485 step %scan3A_486 iter_args(%scan3A_863 = %scan3A_478) -> (vector<16xf32>)  : i32 {
      %mul3A_864 = arith.constant 16 : i32
      %mul3A_865 = arith.muli %scan3A_862, %mul3A_864 : i32
      %get3A = arith.constant 2 : i32
      %get3A_866 = arith.index_cast %get3A : i32 to index
      %get3A_867 = arith.index_cast %mul3A_865 : i32 to index
      %get3A_868 = tpu.vector_load %arg4[%get3A_866, %get3A_867] {strides = array<i32>} : memref<8x1280xf32, #tpu.memory_space<vmem>>, vector<1x16xf32>,
      %get3A_869 = vector.shape_cast %get3A_868 : vector<1x16xf32> to vector<16xf32>
      %mul3A_870 = arith.mulf %get3A_869, %get3A_869 : vector<16xf32>
      %add3A_871 = arith.addf %scan3A_863, %mul3A_870 : vector<16xf32>
      scf.yield %add3A_871 : vector<16xf32>
    }
    %scan3A_488 = arith.constant 80 : i32
    %broadcast_in_dim3A_489 = arith.constant 0.000000e+00 : f32
    %broadcast_in_dim3A_490 = vector.broadcast %broadcast_in_dim3A_489 : f32 to vector<16xf32>
    %mul3A_491 = arith.mulf %broadcast_in_dim3A_490, %broadcast_in_dim3A_490 : vector<16xf32>
    %scan3A_492 = arith.constant 0 : i32
    %scan3A_493 = arith.constant 80 : i32
    %scan3A_494 = arith.addi %scan3A_492, %scan3A_493 : i32
    %scan3A_495 = arith.constant 1 : i32
    %scan3A_496 = scf.for %scan3A_862 = %scan3A_492 to %scan3A_494 step %scan3A_495 iter_args(%scan3A_863 = %scan3A_487) -> (vector<16xf32>)  : i32 {
      %mul3A_864 = arith.constant 16 : i32
      %mul3A_865 = arith.muli %scan3A_862, %mul3A_864 : i32
      %get3A = arith.constant 3 : i32
      %get3A_866 = arith.index_cast %get3A : i32 to index
      %get3A_867 = arith.index_cast %mul3A_865 : i32 to index
      %get3A_868 = tpu.vector_load %arg4[%get3A_866, %get3A_867] {strides = array<i32>} : memref<8x1280xf32, #tpu.memory_space<vmem>>, vector<1x16xf32>,
      %get3A_869 = vector.shape_cast %get3A_868 : vector<1x16xf32> to vector<16xf32>
      %mul3A_870 = arith.mulf %get3A_869, %get3A_869 : vector<16xf32>
      %add3A_871 = arith.addf %scan3A_863, %mul3A_870 : vector<16xf32>
      scf.yield %add3A_871 : vector<16xf32>
    }
    %scan3A_497 = arith.constant 80 : i32
    %broadcast_in_dim3A_498 = arith.constant 0.000000e+00 : f32
    %broadcast_in_dim3A_499 = vector.broadcast %broadcast_in_dim3A_498 : f32 to vector<16xf32>
    %neg3A_500 = arith.constant 0.000000e+00 : f32
    %neg3A_501 = vector.broadcast %neg3A_500 : f32 to vector<16xf32>
    %neg3A_502 = arith.subf %neg3A_501, %broadcast_in_dim3A_499 : vector<16xf32>
    %exp3A_503 = math.exp %neg3A_502 : vector<16xf32>
    %add3A_504 = arith.constant 1.000000e+00 : f32
    %add3A_505 = vector.broadcast %add3A_504 : f32 to vector<16xf32>
    %add3A_506 = arith.addf %add3A_505, %exp3A_503 : vector<16xf32>
    %div3A_507 = arith.constant 1.000000e+00 : f32
    %div3A_508 = vector.broadcast %div3A_507 : f32 to vector<16xf32>
    %div3A_509 = arith.divf %div3A_508, %add3A_506 : vector<16xf32>
    %mul3A_510 = arith.mulf %div3A_509, %div3A_509 : vector<16xf32>
    %scan3A_511 = arith.constant 0 : i32
    %scan3A_512 = arith.constant 80 : i32
    %scan3A_513 = arith.addi %scan3A_511, %scan3A_512 : i32
    %scan3A_514 = arith.constant 1 : i32
    %scan3A_515 = scf.for %scan3A_862 = %scan3A_511 to %scan3A_513 step %scan3A_514 iter_args(%scan3A_863 = %scan3A_496) -> (vector<16xf32>)  : i32 {
      %mul3A_864 = arith.constant 16 : i32
      %mul3A_865 = arith.muli %scan3A_862, %mul3A_864 : i32
      %get3A = arith.constant 4 : i32
      %get3A_866 = arith.index_cast %get3A : i32 to index
      %get3A_867 = arith.index_cast %mul3A_865 : i32 to index
      %get3A_868 = tpu.vector_load %arg4[%get3A_866, %get3A_867] {strides = array<i32>} : memref<8x1280xf32, #tpu.memory_space<vmem>>, vector<1x16xf32>,
      %get3A_869 = vector.shape_cast %get3A_868 : vector<1x16xf32> to vector<16xf32>
      %neg3A_870 = arith.constant 0.000000e+00 : f32
      %neg3A_871 = vector.broadcast %neg3A_870 : f32 to vector<16xf32>
      %neg3A_872 = arith.subf %neg3A_871, %get3A_869 : vector<16xf32>
      %exp3A_873 = math.exp %neg3A_872 : vector<16xf32>
      %add3A_874 = arith.constant 1.000000e+00 : f32
      %add3A_875 = vector.broadcast %add3A_874 : f32 to vector<16xf32>
      %add3A_876 = arith.addf %add3A_875, %exp3A_873 : vector<16xf32>
      %div3A_877 = arith.constant 1.000000e+00 : f32
      %div3A_878 = vector.broadcast %div3A_877 : f32 to vector<16xf32>
      %div3A_879 = arith.divf %div3A_878, %add3A_876 : vector<16xf32>
      %mul3A_880 = arith.mulf %div3A_879, %div3A_879 : vector<16xf32>
      %add3A_881 = arith.addf %scan3A_863, %mul3A_880 : vector<16xf32>
      scf.yield %add3A_881 : vector<16xf32>
    }
    %scan3A_516 = arith.constant 80 : i32
    %broadcast_in_dim3A_517 = arith.constant 0.000000e+00 : f32
    %broadcast_in_dim3A_518 = vector.broadcast %broadcast_in_dim3A_517 : f32 to vector<16xf32>
    %broadcast_in_dim3A_519 = arith.constant 0.000000e+00 : f32
    %broadcast_in_dim3A_520 = vector.broadcast %broadcast_in_dim3A_519 : f32 to vector<16xf32>
    %neg3A_521 = arith.constant 0.000000e+00 : f32
    %neg3A_522 = vector.broadcast %neg3A_521 : f32 to vector<16xf32>
    %neg3A_523 = arith.subf %neg3A_522, %broadcast_in_dim3A_520 : vector<16xf32>
    %exp3A_524 = math.exp %neg3A_523 : vector<16xf32>
    %sub3A_525 = arith.constant 1.000000e+00 : f32
    %sub3A_526 = vector.broadcast %sub3A_525 : f32 to vector<16xf32>
    %sub3A_527 = arith.subf %sub3A_526, %exp3A_524 : vector<16xf32>
    %add3A_528 = arith.constant 1.000000e+00 : f32
    %add3A_529 = vector.broadcast %add3A_528 : f32 to vector<16xf32>
    %add3A_530 = arith.addf %add3A_529, %exp3A_524 : vector<16xf32>
    %div3A_531 = arith.divf %sub3A_527, %add3A_530 : vector<16xf32>
    %mul3A_532 = arith.mulf %div3A_531, %div3A_531 : vector<16xf32>
    %mul3A_533 = arith.constant 2.500000e-01 : f32
    %mul3A_534 = vector.broadcast %mul3A_533 : f32 to vector<16xf32>
    %mul3A_535 = arith.mulf %mul3A_534, %mul3A_532 : vector<16xf32>
    %scan3A_536 = arith.constant 0 : i32
    %scan3A_537 = arith.constant 80 : i32
    %scan3A_538 = arith.addi %scan3A_536, %scan3A_537 : i32
    %scan3A_539 = arith.constant 1 : i32
    %scan3A_540 = scf.for %scan3A_862 = %scan3A_536 to %scan3A_538 step %scan3A_539 iter_args(%scan3A_863 = %scan3A_515) -> (vector<16xf32>)  : i32 {
      %mul3A_864 = arith.constant 16 : i32
      %mul3A_865 = arith.muli %scan3A_862, %mul3A_864 : i32
      %get3A = arith.constant 6 : i32
      %get3A_866 = arith.index_cast %get3A : i32 to index
      %get3A_867 = arith.index_cast %mul3A_865 : i32 to index
      %get3A_868 = tpu.vector_load %arg4[%get3A_866, %get3A_867] {strides = array<i32>} : memref<8x1280xf32, #tpu.memory_space<vmem>>, vector<1x16xf32>,
      %get3A_869 = vector.shape_cast %get3A_868 : vector<1x16xf32> to vector<16xf32>
      %neg3A_870 = arith.constant 0.000000e+00 : f32
      %neg3A_871 = vector.broadcast %neg3A_870 : f32 to vector<16xf32>
      %neg3A_872 = arith.subf %neg3A_871, %get3A_869 : vector<16xf32>
      %exp3A_873 = math.exp %neg3A_872 : vector<16xf32>
      %sub3A_874 = arith.constant 1.000000e+00 : f32
      %sub3A_875 = vector.broadcast %sub3A_874 : f32 to vector<16xf32>
      %sub3A_876 = arith.subf %sub3A_875, %exp3A_873 : vector<16xf32>
      %add3A_877 = arith.constant 1.000000e+00 : f32
      %add3A_878 = vector.broadcast %add3A_877 : f32 to vector<16xf32>
      %add3A_879 = arith.addf %add3A_878, %exp3A_873 : vector<16xf32>
      %div3A_880 = arith.divf %sub3A_876, %add3A_879 : vector<16xf32>
      %mul3A_881 = arith.mulf %div3A_880, %div3A_880 : vector<16xf32>
      %mul3A_882 = arith.constant 2.500000e-01 : f32
      %mul3A_883 = vector.broadcast %mul3A_882 : f32 to vector<16xf32>
      %mul3A_884 = arith.mulf %mul3A_883, %mul3A_881 : vector<16xf32>
      %add3A_885 = arith.addf %scan3A_863, %mul3A_884 : vector<16xf32>
      scf.yield %add3A_885 : vector<16xf32>
    }
    %scan3A_541 = arith.constant 80 : i32
    %broadcast_in_dim3A_542 = arith.constant 0.000000e+00 : f32
    %broadcast_in_dim3A_543 = vector.broadcast %broadcast_in_dim3A_542 : f32 to vector<16xf32>
    %neg3A_544 = arith.constant 0.000000e+00 : f32
    %neg3A_545 = vector.broadcast %neg3A_544 : f32 to vector<16xf32>
    %neg3A_546 = arith.subf %neg3A_545, %broadcast_in_dim3A_543 : vector<16xf32>
    %exp3A_547 = math.exp %neg3A_546 : vector<16xf32>
    %sub3A_548 = arith.constant 1.000000e+00 : f32
    %sub3A_549 = vector.broadcast %sub3A_548 : f32 to vector<16xf32>
    %sub3A_550 = arith.subf %sub3A_549, %exp3A_547 : vector<16xf32>
    %add3A_551 = arith.constant 1.000000e+00 : f32
    %add3A_552 = vector.broadcast %add3A_551 : f32 to vector<16xf32>
    %add3A_553 = arith.addf %add3A_552, %exp3A_547 : vector<16xf32>
    %div3A_554 = arith.divf %sub3A_550, %add3A_553 : vector<16xf32>
    %mul3A_555 = arith.mulf %div3A_554, %div3A_554 : vector<16xf32>
    %mul3A_556 = arith.constant 2.500000e-01 : f32
    %mul3A_557 = vector.broadcast %mul3A_556 : f32 to vector<16xf32>
    %mul3A_558 = arith.mulf %mul3A_557, %mul3A_555 : vector<16xf32>
    %scan3A_559 = arith.constant 0 : i32
    %scan3A_560 = arith.constant 80 : i32
    %scan3A_561 = arith.addi %scan3A_559, %scan3A_560 : i32
    %scan3A_562 = arith.constant 1 : i32
    %scan3A_563 = scf.for %scan3A_862 = %scan3A_559 to %scan3A_561 step %scan3A_562 iter_args(%scan3A_863 = %scan3A_540) -> (vector<16xf32>)  : i32 {
      %mul3A_864 = arith.constant 16 : i32
      %mul3A_865 = arith.muli %scan3A_862, %mul3A_864 : i32
      %get3A = arith.constant 7 : i32
      %get3A_866 = arith.index_cast %get3A : i32 to index
      %get3A_867 = arith.index_cast %mul3A_865 : i32 to index
      %get3A_868 = tpu.vector_load %arg4[%get3A_866, %get3A_867] {strides = array<i32>} : memref<8x1280xf32, #tpu.memory_space<vmem>>, vector<1x16xf32>,
      %get3A_869 = vector.shape_cast %get3A_868 : vector<1x16xf32> to vector<16xf32>
      %neg3A_870 = arith.constant 0.000000e+00 : f32
      %neg3A_871 = vector.broadcast %neg3A_870 : f32 to vector<16xf32>
      %neg3A_872 = arith.subf %neg3A_871, %get3A_869 : vector<16xf32>
      %exp3A_873 = math.exp %neg3A_872 : vector<16xf32>
      %sub3A_874 = arith.constant 1.000000e+00 : f32
      %sub3A_875 = vector.broadcast %sub3A_874 : f32 to vector<16xf32>
      %sub3A_876 = arith.subf %sub3A_875, %exp3A_873 : vector<16xf32>
      %add3A_877 = arith.constant 1.000000e+00 : f32
      %add3A_878 = vector.broadcast %add3A_877 : f32 to vector<16xf32>
      %add3A_879 = arith.addf %add3A_878, %exp3A_873 : vector<16xf32>
      %div3A_880 = arith.divf %sub3A_876, %add3A_879 : vector<16xf32>
      %mul3A_881 = arith.mulf %div3A_880, %div3A_880 : vector<16xf32>
      %mul3A_882 = arith.constant 2.500000e-01 : f32
      %mul3A_883 = vector.broadcast %mul3A_882 : f32 to vector<16xf32>
      %mul3A_884 = arith.mulf %mul3A_883, %mul3A_881 : vector<16xf32>
      %add3A_885 = arith.addf %scan3A_863, %mul3A_884 : vector<16xf32>
      scf.yield %add3A_885 : vector<16xf32>
    }
    %scan3A_564 = arith.constant 80 : i32
    "tpu.region"() ({
      %run_scoped3A = tpu.sem_alloc : memref<!tpu.dma_semaphore, #tpu.memory_space<semaphore_mem>>
      %dma_start3A = arith.constant 0 : i32
      %dma_start3A_862 = arith.constant 0 : i32
      %dma_start3A_863 = tpu.memref_slice %arg4[%dma_start3A, %dma_start3A_862] : memref<8x1280xf32, #tpu.memory_space<vmem>> -> memref<8x1280xf32, #tpu.memory_space<vmem>>
      %dma_start3A_864 = arith.constant 8 : i32
      %dma_start3A_865 = arith.constant 0 : i32
      %dma_start3A_866 = tpu.memref_slice %arg2[%add3A_433, %dma_start3A_864, %dma_start3A_865] : memref<361x30x1280xf32, #tpu.memory_space<hbm>> -> memref<1x8x1280xf32, #tpu.memory_space<hbm>>
      %dma_start3A_867 = tpu.memref_squeeze %dma_start3A_866 : memref<1x8x1280xf32, #tpu.memory_space<hbm>> -> memref<8x1280xf32, #tpu.memory_space<hbm>>
      %dma_start3A_868 = arith.constant 0 : i32
      %dma_start3A_869 = arith.constant 0 : i32
      %dma_start3A_870 = tpu.memref_slice %arg4[%dma_start3A_868, %dma_start3A_869] : memref<8x1280xf32, #tpu.memory_space<vmem>> -> memref<8x1280xf32, #tpu.memory_space<vmem>>
      %dma_start3A_871 = arith.constant 8 : i32
      %dma_start3A_872 = arith.constant 0 : i32
      %dma_start3A_873 = tpu.memref_slice %arg2[%add3A_433, %dma_start3A_871, %dma_start3A_872] : memref<361x30x1280xf32, #tpu.memory_space<hbm>> -> memref<1x8x1280xf32, #tpu.memory_space<hbm>>
      %dma_start3A_874 = tpu.memref_squeeze %dma_start3A_873 : memref<1x8x1280xf32, #tpu.memory_space<hbm>> -> memref<8x1280xf32, #tpu.memory_space<hbm>>
      tpu.enqueue_dma source(%dma_start3A_874 : memref<8x1280xf32, #tpu.memory_space<hbm>>) target(%dma_start3A_870 : memref<8x1280xf32, #tpu.memory_space<vmem>>) target_semaphore(%run_scoped3A : memref<!tpu.dma_semaphore, #tpu.memory_space<semaphore_mem>>)
      %dma_wait3A = arith.constant 0 : i32
      %dma_wait3A_875 = arith.constant 0 : i32
      %dma_wait3A_876 = tpu.memref_slice %arg4[%dma_wait3A, %dma_wait3A_875] : memref<8x1280xf32, #tpu.memory_space<vmem>> -> memref<8x1280xf32, #tpu.memory_space<vmem>>
      %dma_wait3A_877 = arith.constant 8 : i32
      %dma_wait3A_878 = arith.constant 0 : i32
      %dma_wait3A_879 = tpu.memref_slice %arg2[%add3A_433, %dma_wait3A_877, %dma_wait3A_878] : memref<361x30x1280xf32, #tpu.memory_space<hbm>> -> memref<1x8x1280xf32, #tpu.memory_space<hbm>>
      %dma_wait3A_880 = tpu.memref_squeeze %dma_wait3A_879 : memref<1x8x1280xf32, #tpu.memory_space<hbm>> -> memref<8x1280xf32, #tpu.memory_space<hbm>>
      %dma_wait3A_881 = arith.constant 0 : i32
      %dma_wait3A_882 = arith.constant 0 : i32
      %dma_wait3A_883 = tpu.memref_slice %arg4[%dma_wait3A_881, %dma_wait3A_882] : memref<8x1280xf32, #tpu.memory_space<vmem>> -> memref<8x1280xf32, #tpu.memory_space<vmem>>
      %dma_wait3A_884 = arith.constant 8 : i32
      %dma_wait3A_885 = arith.constant 0 : i32
      %dma_wait3A_886 = tpu.memref_slice %arg2[%add3A_433, %dma_wait3A_884, %dma_wait3A_885] : memref<361x30x1280xf32, #tpu.memory_space<hbm>> -> memref<1x8x1280xf32, #tpu.memory_space<hbm>>
      %dma_wait3A_887 = tpu.memref_squeeze %dma_wait3A_886 : memref<1x8x1280xf32, #tpu.memory_space<hbm>> -> memref<8x1280xf32, #tpu.memory_space<hbm>>
      tpu.wait_dma2 semaphore(%run_scoped3A : memref<!tpu.dma_semaphore, #tpu.memory_space<semaphore_mem>>) src(%dma_wait3A_887 : memref<8x1280xf32, #tpu.memory_space<hbm>>) dst(%dma_wait3A_883 : memref<8x1280xf32, #tpu.memory_space<vmem>>)
      tpu.yield
    }) : () -> ()
    %broadcast_in_dim3A_565 = arith.constant 0.000000e+00 : f32
    %broadcast_in_dim3A_566 = vector.broadcast %broadcast_in_dim3A_565 : f32 to vector<16xf32>
    %mul3A_567 = arith.mulf %broadcast_in_dim3A_566, %broadcast_in_dim3A_566 : vector<16xf32>
    %scan3A_568 = arith.constant 0 : i32
    %scan3A_569 = arith.constant 80 : i32
    %scan3A_570 = arith.addi %scan3A_568, %scan3A_569 : i32
    %scan3A_571 = arith.constant 1 : i32
    %scan3A_572 = scf.for %scan3A_862 = %scan3A_568 to %scan3A_570 step %scan3A_571 iter_args(%scan3A_863 = %scan3A_563) -> (vector<16xf32>)  : i32 {
      %mul3A_864 = arith.constant 16 : i32
      %mul3A_865 = arith.muli %scan3A_862, %mul3A_864 : i32
      %get3A = arith.constant 0 : i32
      %get3A_866 = arith.index_cast %get3A : i32 to index
      %get3A_867 = arith.index_cast %mul3A_865 : i32 to index
      %get3A_868 = tpu.vector_load %arg4[%get3A_866, %get3A_867] {strides = array<i32>} : memref<8x1280xf32, #tpu.memory_space<vmem>>, vector<1x16xf32>,
      %get3A_869 = vector.shape_cast %get3A_868 : vector<1x16xf32> to vector<16xf32>
      %mul3A_870 = arith.mulf %get3A_869, %get3A_869 : vector<16xf32>
      %add3A_871 = arith.addf %scan3A_863, %mul3A_870 : vector<16xf32>
      scf.yield %add3A_871 : vector<16xf32>
    }
    %scan3A_573 = arith.constant 80 : i32
    %broadcast_in_dim3A_574 = arith.constant 0.000000e+00 : f32
    %broadcast_in_dim3A_575 = vector.broadcast %broadcast_in_dim3A_574 : f32 to vector<16xf32>
    %mul3A_576 = arith.mulf %broadcast_in_dim3A_575, %broadcast_in_dim3A_575 : vector<16xf32>
    %scan3A_577 = arith.constant 0 : i32
    %scan3A_578 = arith.constant 80 : i32
    %scan3A_579 = arith.addi %scan3A_577, %scan3A_578 : i32
    %scan3A_580 = arith.constant 1 : i32
    %scan3A_581 = scf.for %scan3A_862 = %scan3A_577 to %scan3A_579 step %scan3A_580 iter_args(%scan3A_863 = %scan3A_572) -> (vector<16xf32>)  : i32 {
      %mul3A_864 = arith.constant 16 : i32
      %mul3A_865 = arith.muli %scan3A_862, %mul3A_864 : i32
      %get3A = arith.constant 1 : i32
      %get3A_866 = arith.index_cast %get3A : i32 to index
      %get3A_867 = arith.index_cast %mul3A_865 : i32 to index
      %get3A_868 = tpu.vector_load %arg4[%get3A_866, %get3A_867] {strides = array<i32>} : memref<8x1280xf32, #tpu.memory_space<vmem>>, vector<1x16xf32>,
      %get3A_869 = vector.shape_cast %get3A_868 : vector<1x16xf32> to vector<16xf32>
      %mul3A_870 = arith.mulf %get3A_869, %get3A_869 : vector<16xf32>
      %add3A_871 = arith.addf %scan3A_863, %mul3A_870 : vector<16xf32>
      scf.yield %add3A_871 : vector<16xf32>
    }
    %scan3A_582 = arith.constant 80 : i32
    %broadcast_in_dim3A_583 = arith.constant 0.000000e+00 : f32
    %broadcast_in_dim3A_584 = vector.broadcast %broadcast_in_dim3A_583 : f32 to vector<16xf32>
    %neg3A_585 = arith.constant 0.000000e+00 : f32
    %neg3A_586 = vector.broadcast %neg3A_585 : f32 to vector<16xf32>
    %neg3A_587 = arith.subf %neg3A_586, %broadcast_in_dim3A_584 : vector<16xf32>
    %exp3A_588 = math.exp %neg3A_587 : vector<16xf32>
    %add3A_589 = arith.constant 1.000000e+00 : f32
    %add3A_590 = vector.broadcast %add3A_589 : f32 to vector<16xf32>
    %add3A_591 = arith.addf %add3A_590, %exp3A_588 : vector<16xf32>
    %div3A_592 = arith.constant 1.000000e+00 : f32
    %div3A_593 = vector.broadcast %div3A_592 : f32 to vector<16xf32>
    %div3A_594 = arith.divf %div3A_593, %add3A_591 : vector<16xf32>
    %mul3A_595 = arith.mulf %div3A_594, %div3A_594 : vector<16xf32>
    %scan3A_596 = arith.constant 0 : i32
    %scan3A_597 = arith.constant 80 : i32
    %scan3A_598 = arith.addi %scan3A_596, %scan3A_597 : i32
    %scan3A_599 = arith.constant 1 : i32
    %scan3A_600 = scf.for %scan3A_862 = %scan3A_596 to %scan3A_598 step %scan3A_599 iter_args(%scan3A_863 = %scan3A_581) -> (vector<16xf32>)  : i32 {
      %mul3A_864 = arith.constant 16 : i32
      %mul3A_865 = arith.muli %scan3A_862, %mul3A_864 : i32
      %get3A = arith.constant 2 : i32
      %get3A_866 = arith.index_cast %get3A : i32 to index
      %get3A_867 = arith.index_cast %mul3A_865 : i32 to index
      %get3A_868 = tpu.vector_load %arg4[%get3A_866, %get3A_867] {strides = array<i32>} : memref<8x1280xf32, #tpu.memory_space<vmem>>, vector<1x16xf32>,
      %get3A_869 = vector.shape_cast %get3A_868 : vector<1x16xf32> to vector<16xf32>
      %neg3A_870 = arith.constant 0.000000e+00 : f32
      %neg3A_871 = vector.broadcast %neg3A_870 : f32 to vector<16xf32>
      %neg3A_872 = arith.subf %neg3A_871, %get3A_869 : vector<16xf32>
      %exp3A_873 = math.exp %neg3A_872 : vector<16xf32>
      %add3A_874 = arith.constant 1.000000e+00 : f32
      %add3A_875 = vector.broadcast %add3A_874 : f32 to vector<16xf32>
      %add3A_876 = arith.addf %add3A_875, %exp3A_873 : vector<16xf32>
      %div3A_877 = arith.constant 1.000000e+00 : f32
      %div3A_878 = vector.broadcast %div3A_877 : f32 to vector<16xf32>
      %div3A_879 = arith.divf %div3A_878, %add3A_876 : vector<16xf32>
      %mul3A_880 = arith.mulf %div3A_879, %div3A_879 : vector<16xf32>
      %add3A_881 = arith.addf %scan3A_863, %mul3A_880 : vector<16xf32>
      scf.yield %add3A_881 : vector<16xf32>
    }
    %scan3A_601 = arith.constant 80 : i32
    %broadcast_in_dim3A_602 = arith.constant 0.000000e+00 : f32
    %broadcast_in_dim3A_603 = vector.broadcast %broadcast_in_dim3A_602 : f32 to vector<16xf32>
    %broadcast_in_dim3A_604 = arith.constant 0.000000e+00 : f32
    %broadcast_in_dim3A_605 = vector.broadcast %broadcast_in_dim3A_604 : f32 to vector<16xf32>
    %neg3A_606 = arith.constant 0.000000e+00 : f32
    %neg3A_607 = vector.broadcast %neg3A_606 : f32 to vector<16xf32>
    %neg3A_608 = arith.subf %neg3A_607, %broadcast_in_dim3A_605 : vector<16xf32>
    %exp3A_609 = math.exp %neg3A_608 : vector<16xf32>
    %sub3A_610 = arith.constant 1.000000e+00 : f32
    %sub3A_611 = vector.broadcast %sub3A_610 : f32 to vector<16xf32>
    %sub3A_612 = arith.subf %sub3A_611, %exp3A_609 : vector<16xf32>
    %add3A_613 = arith.constant 1.000000e+00 : f32
    %add3A_614 = vector.broadcast %add3A_613 : f32 to vector<16xf32>
    %add3A_615 = arith.addf %add3A_614, %exp3A_609 : vector<16xf32>
    %div3A_616 = arith.divf %sub3A_612, %add3A_615 : vector<16xf32>
    %mul3A_617 = arith.mulf %div3A_616, %div3A_616 : vector<16xf32>
    %mul3A_618 = arith.constant 2.500000e-01 : f32
    %mul3A_619 = vector.broadcast %mul3A_618 : f32 to vector<16xf32>
    %mul3A_620 = arith.mulf %mul3A_619, %mul3A_617 : vector<16xf32>
    %scan3A_621 = arith.constant 0 : i32
    %scan3A_622 = arith.constant 80 : i32
    %scan3A_623 = arith.addi %scan3A_621, %scan3A_622 : i32
    %scan3A_624 = arith.constant 1 : i32
    %scan3A_625 = scf.for %scan3A_862 = %scan3A_621 to %scan3A_623 step %scan3A_624 iter_args(%scan3A_863 = %scan3A_600) -> (vector<16xf32>)  : i32 {
      %mul3A_864 = arith.constant 16 : i32
      %mul3A_865 = arith.muli %scan3A_862, %mul3A_864 : i32
      %get3A = arith.constant 4 : i32
      %get3A_866 = arith.index_cast %get3A : i32 to index
      %get3A_867 = arith.index_cast %mul3A_865 : i32 to index
      %get3A_868 = tpu.vector_load %arg4[%get3A_866, %get3A_867] {strides = array<i32>} : memref<8x1280xf32, #tpu.memory_space<vmem>>, vector<1x16xf32>,
      %get3A_869 = vector.shape_cast %get3A_868 : vector<1x16xf32> to vector<16xf32>
      %neg3A_870 = arith.constant 0.000000e+00 : f32
      %neg3A_871 = vector.broadcast %neg3A_870 : f32 to vector<16xf32>
      %neg3A_872 = arith.subf %neg3A_871, %get3A_869 : vector<16xf32>
      %exp3A_873 = math.exp %neg3A_872 : vector<16xf32>
      %sub3A_874 = arith.constant 1.000000e+00 : f32
      %sub3A_875 = vector.broadcast %sub3A_874 : f32 to vector<16xf32>
      %sub3A_876 = arith.subf %sub3A_875, %exp3A_873 : vector<16xf32>
      %add3A_877 = arith.constant 1.000000e+00 : f32
      %add3A_878 = vector.broadcast %add3A_877 : f32 to vector<16xf32>
      %add3A_879 = arith.addf %add3A_878, %exp3A_873 : vector<16xf32>
      %div3A_880 = arith.divf %sub3A_876, %add3A_879 : vector<16xf32>
      %mul3A_881 = arith.mulf %div3A_880, %div3A_880 : vector<16xf32>
      %mul3A_882 = arith.constant 2.500000e-01 : f32
      %mul3A_883 = vector.broadcast %mul3A_882 : f32 to vector<16xf32>
      %mul3A_884 = arith.mulf %mul3A_883, %mul3A_881 : vector<16xf32>
      %add3A_885 = arith.addf %scan3A_863, %mul3A_884 : vector<16xf32>
      scf.yield %add3A_885 : vector<16xf32>
    }
    %scan3A_626 = arith.constant 80 : i32
    %broadcast_in_dim3A_627 = arith.constant 0.000000e+00 : f32
    %broadcast_in_dim3A_628 = vector.broadcast %broadcast_in_dim3A_627 : f32 to vector<16xf32>
    %neg3A_629 = arith.constant 0.000000e+00 : f32
    %neg3A_630 = vector.broadcast %neg3A_629 : f32 to vector<16xf32>
    %neg3A_631 = arith.subf %neg3A_630, %broadcast_in_dim3A_628 : vector<16xf32>
    %exp3A_632 = math.exp %neg3A_631 : vector<16xf32>
    %sub3A_633 = arith.constant 1.000000e+00 : f32
    %sub3A_634 = vector.broadcast %sub3A_633 : f32 to vector<16xf32>
    %sub3A_635 = arith.subf %sub3A_634, %exp3A_632 : vector<16xf32>
    %add3A_636 = arith.constant 1.000000e+00 : f32
    %add3A_637 = vector.broadcast %add3A_636 : f32 to vector<16xf32>
    %add3A_638 = arith.addf %add3A_637, %exp3A_632 : vector<16xf32>
    %div3A_639 = arith.divf %sub3A_635, %add3A_638 : vector<16xf32>
    %mul3A_640 = arith.mulf %div3A_639, %div3A_639 : vector<16xf32>
    %mul3A_641 = arith.constant 2.500000e-01 : f32
    %mul3A_642 = vector.broadcast %mul3A_641 : f32 to vector<16xf32>
    %mul3A_643 = arith.mulf %mul3A_642, %mul3A_640 : vector<16xf32>
    %scan3A_644 = arith.constant 0 : i32
    %scan3A_645 = arith.constant 80 : i32
    %scan3A_646 = arith.addi %scan3A_644, %scan3A_645 : i32
    %scan3A_647 = arith.constant 1 : i32
    %scan3A_648 = scf.for %scan3A_862 = %scan3A_644 to %scan3A_646 step %scan3A_647 iter_args(%scan3A_863 = %scan3A_625) -> (vector<16xf32>)  : i32 {
      %mul3A_864 = arith.constant 16 : i32
      %mul3A_865 = arith.muli %scan3A_862, %mul3A_864 : i32
      %get3A = arith.constant 5 : i32
      %get3A_866 = arith.index_cast %get3A : i32 to index
      %get3A_867 = arith.index_cast %mul3A_865 : i32 to index
      %get3A_868 = tpu.vector_load %arg4[%get3A_866, %get3A_867] {strides = array<i32>} : memref<8x1280xf32, #tpu.memory_space<vmem>>, vector<1x16xf32>,
      %get3A_869 = vector.shape_cast %get3A_868 : vector<1x16xf32> to vector<16xf32>
      %neg3A_870 = arith.constant 0.000000e+00 : f32
      %neg3A_871 = vector.broadcast %neg3A_870 : f32 to vector<16xf32>
      %neg3A_872 = arith.subf %neg3A_871, %get3A_869 : vector<16xf32>
      %exp3A_873 = math.exp %neg3A_872 : vector<16xf32>
      %sub3A_874 = arith.constant 1.000000e+00 : f32
      %sub3A_875 = vector.broadcast %sub3A_874 : f32 to vector<16xf32>
      %sub3A_876 = arith.subf %sub3A_875, %exp3A_873 : vector<16xf32>
      %add3A_877 = arith.constant 1.000000e+00 : f32
      %add3A_878 = vector.broadcast %add3A_877 : f32 to vector<16xf32>
      %add3A_879 = arith.addf %add3A_878, %exp3A_873 : vector<16xf32>
      %div3A_880 = arith.divf %sub3A_876, %add3A_879 : vector<16xf32>
      %mul3A_881 = arith.mulf %div3A_880, %div3A_880 : vector<16xf32>
      %mul3A_882 = arith.constant 2.500000e-01 : f32
      %mul3A_883 = vector.broadcast %mul3A_882 : f32 to vector<16xf32>
      %mul3A_884 = arith.mulf %mul3A_883, %mul3A_881 : vector<16xf32>
      %add3A_885 = arith.addf %scan3A_863, %mul3A_884 : vector<16xf32>
      scf.yield %add3A_885 : vector<16xf32>
    }
    %scan3A_649 = arith.constant 80 : i32
    %broadcast_in_dim3A_650 = arith.constant 0.000000e+00 : f32
    %broadcast_in_dim3A_651 = vector.broadcast %broadcast_in_dim3A_650 : f32 to vector<16xf32>
    %mul3A_652 = arith.mulf %broadcast_in_dim3A_651, %broadcast_in_dim3A_651 : vector<16xf32>
    %scan3A_653 = arith.constant 0 : i32
    %scan3A_654 = arith.constant 80 : i32
    %scan3A_655 = arith.addi %scan3A_653, %scan3A_654 : i32
    %scan3A_656 = arith.constant 1 : i32
    %scan3A_657 = scf.for %scan3A_862 = %scan3A_653 to %scan3A_655 step %scan3A_656 iter_args(%scan3A_863 = %scan3A_648) -> (vector<16xf32>)  : i32 {
      %mul3A_864 = arith.constant 16 : i32
      %mul3A_865 = arith.muli %scan3A_862, %mul3A_864 : i32
      %get3A = arith.constant 6 : i32
      %get3A_866 = arith.index_cast %get3A : i32 to index
      %get3A_867 = arith.index_cast %mul3A_865 : i32 to index
      %get3A_868 = tpu.vector_load %arg4[%get3A_866, %get3A_867] {strides = array<i32>} : memref<8x1280xf32, #tpu.memory_space<vmem>>, vector<1x16xf32>,
      %get3A_869 = vector.shape_cast %get3A_868 : vector<1x16xf32> to vector<16xf32>
      %mul3A_870 = arith.mulf %get3A_869, %get3A_869 : vector<16xf32>
      %add3A_871 = arith.addf %scan3A_863, %mul3A_870 : vector<16xf32>
      scf.yield %add3A_871 : vector<16xf32>
    }
    %scan3A_658 = arith.constant 80 : i32
    %broadcast_in_dim3A_659 = arith.constant 0.000000e+00 : f32
    %broadcast_in_dim3A_660 = vector.broadcast %broadcast_in_dim3A_659 : f32 to vector<16xf32>
    %mul3A_661 = arith.mulf %broadcast_in_dim3A_660, %broadcast_in_dim3A_660 : vector<16xf32>
    %scan3A_662 = arith.constant 0 : i32
    %scan3A_663 = arith.constant 80 : i32
    %scan3A_664 = arith.addi %scan3A_662, %scan3A_663 : i32
    %scan3A_665 = arith.constant 1 : i32
    %scan3A_666 = scf.for %scan3A_862 = %scan3A_662 to %scan3A_664 step %scan3A_665 iter_args(%scan3A_863 = %scan3A_657) -> (vector<16xf32>)  : i32 {
      %mul3A_864 = arith.constant 16 : i32
      %mul3A_865 = arith.muli %scan3A_862, %mul3A_864 : i32
      %get3A = arith.constant 7 : i32
      %get3A_866 = arith.index_cast %get3A : i32 to index
      %get3A_867 = arith.index_cast %mul3A_865 : i32 to index
      %get3A_868 = tpu.vector_load %arg4[%get3A_866, %get3A_867] {strides = array<i32>} : memref<8x1280xf32, #tpu.memory_space<vmem>>, vector<1x16xf32>,
      %get3A_869 = vector.shape_cast %get3A_868 : vector<1x16xf32> to vector<16xf32>
      %mul3A_870 = arith.mulf %get3A_869, %get3A_869 : vector<16xf32>
      %add3A_871 = arith.addf %scan3A_863, %mul3A_870 : vector<16xf32>
      scf.yield %add3A_871 : vector<16xf32>
    }
    %scan3A_667 = arith.constant 80 : i32
    "tpu.region"() ({
      %run_scoped3A = tpu.sem_alloc : memref<!tpu.dma_semaphore, #tpu.memory_space<semaphore_mem>>
      %dma_start3A = arith.constant 0 : i32
      %dma_start3A_862 = arith.constant 0 : i32
      %dma_start3A_863 = tpu.memref_slice %arg4[%dma_start3A, %dma_start3A_862] : memref<8x1280xf32, #tpu.memory_space<vmem>> -> memref<8x1280xf32, #tpu.memory_space<vmem>>
      %dma_start3A_864 = arith.constant 16 : i32
      %dma_start3A_865 = arith.constant 0 : i32
      %dma_start3A_866 = tpu.memref_slice %arg2[%add3A_433, %dma_start3A_864, %dma_start3A_865] : memref<361x30x1280xf32, #tpu.memory_space<hbm>> -> memref<1x8x1280xf32, #tpu.memory_space<hbm>>
      %dma_start3A_867 = tpu.memref_squeeze %dma_start3A_866 : memref<1x8x1280xf32, #tpu.memory_space<hbm>> -> memref<8x1280xf32, #tpu.memory_space<hbm>>
      %dma_start3A_868 = arith.constant 0 : i32
      %dma_start3A_869 = arith.constant 0 : i32
      %dma_start3A_870 = tpu.memref_slice %arg4[%dma_start3A_868, %dma_start3A_869] : memref<8x1280xf32, #tpu.memory_space<vmem>> -> memref<8x1280xf32, #tpu.memory_space<vmem>>
      %dma_start3A_871 = arith.constant 16 : i32
      %dma_start3A_872 = arith.constant 0 : i32
      %dma_start3A_873 = tpu.memref_slice %arg2[%add3A_433, %dma_start3A_871, %dma_start3A_872] : memref<361x30x1280xf32, #tpu.memory_space<hbm>> -> memref<1x8x1280xf32, #tpu.memory_space<hbm>>
      %dma_start3A_874 = tpu.memref_squeeze %dma_start3A_873 : memref<1x8x1280xf32, #tpu.memory_space<hbm>> -> memref<8x1280xf32, #tpu.memory_space<hbm>>
      tpu.enqueue_dma source(%dma_start3A_874 : memref<8x1280xf32, #tpu.memory_space<hbm>>) target(%dma_start3A_870 : memref<8x1280xf32, #tpu.memory_space<vmem>>) target_semaphore(%run_scoped3A : memref<!tpu.dma_semaphore, #tpu.memory_space<semaphore_mem>>)
      %dma_wait3A = arith.constant 0 : i32
      %dma_wait3A_875 = arith.constant 0 : i32
      %dma_wait3A_876 = tpu.memref_slice %arg4[%dma_wait3A, %dma_wait3A_875] : memref<8x1280xf32, #tpu.memory_space<vmem>> -> memref<8x1280xf32, #tpu.memory_space<vmem>>
      %dma_wait3A_877 = arith.constant 16 : i32
      %dma_wait3A_878 = arith.constant 0 : i32
      %dma_wait3A_879 = tpu.memref_slice %arg2[%add3A_433, %dma_wait3A_877, %dma_wait3A_878] : memref<361x30x1280xf32, #tpu.memory_space<hbm>> -> memref<1x8x1280xf32, #tpu.memory_space<hbm>>
      %dma_wait3A_880 = tpu.memref_squeeze %dma_wait3A_879 : memref<1x8x1280xf32, #tpu.memory_space<hbm>> -> memref<8x1280xf32, #tpu.memory_space<hbm>>
      %dma_wait3A_881 = arith.constant 0 : i32
      %dma_wait3A_882 = arith.constant 0 : i32
      %dma_wait3A_883 = tpu.memref_slice %arg4[%dma_wait3A_881, %dma_wait3A_882] : memref<8x1280xf32, #tpu.memory_space<vmem>> -> memref<8x1280xf32, #tpu.memory_space<vmem>>
      %dma_wait3A_884 = arith.constant 16 : i32
      %dma_wait3A_885 = arith.constant 0 : i32
      %dma_wait3A_886 = tpu.memref_slice %arg2[%add3A_433, %dma_wait3A_884, %dma_wait3A_885] : memref<361x30x1280xf32, #tpu.memory_space<hbm>> -> memref<1x8x1280xf32, #tpu.memory_space<hbm>>
      %dma_wait3A_887 = tpu.memref_squeeze %dma_wait3A_886 : memref<1x8x1280xf32, #tpu.memory_space<hbm>> -> memref<8x1280xf32, #tpu.memory_space<hbm>>
      tpu.wait_dma2 semaphore(%run_scoped3A : memref<!tpu.dma_semaphore, #tpu.memory_space<semaphore_mem>>) src(%dma_wait3A_887 : memref<8x1280xf32, #tpu.memory_space<hbm>>) dst(%dma_wait3A_883 : memref<8x1280xf32, #tpu.memory_space<vmem>>)
      tpu.yield
    }) : () -> ()
    %broadcast_in_dim3A_668 = arith.constant 0.000000e+00 : f32
    %broadcast_in_dim3A_669 = vector.broadcast %broadcast_in_dim3A_668 : f32 to vector<16xf32>
    %neg3A_670 = arith.constant 0.000000e+00 : f32
    %neg3A_671 = vector.broadcast %neg3A_670 : f32 to vector<16xf32>
    %neg3A_672 = arith.subf %neg3A_671, %broadcast_in_dim3A_669 : vector<16xf32>
    %exp3A_673 = math.exp %neg3A_672 : vector<16xf32>
    %add3A_674 = arith.constant 1.000000e+00 : f32
    %add3A_675 = vector.broadcast %add3A_674 : f32 to vector<16xf32>
    %add3A_676 = arith.addf %add3A_675, %exp3A_673 : vector<16xf32>
    %div3A_677 = arith.constant 1.000000e+00 : f32
    %div3A_678 = vector.broadcast %div3A_677 : f32 to vector<16xf32>
    %div3A_679 = arith.divf %div3A_678, %add3A_676 : vector<16xf32>
    %mul3A_680 = arith.mulf %div3A_679, %div3A_679 : vector<16xf32>
    %scan3A_681 = arith.constant 0 : i32
    %scan3A_682 = arith.constant 80 : i32
    %scan3A_683 = arith.addi %scan3A_681, %scan3A_682 : i32
    %scan3A_684 = arith.constant 1 : i32
    %scan3A_685 = scf.for %scan3A_862 = %scan3A_681 to %scan3A_683 step %scan3A_684 iter_args(%scan3A_863 = %scan3A_666) -> (vector<16xf32>)  : i32 {
      %mul3A_864 = arith.constant 16 : i32
      %mul3A_865 = arith.muli %scan3A_862, %mul3A_864 : i32
      %get3A = arith.constant 0 : i32
      %get3A_866 = arith.index_cast %get3A : i32 to index
      %get3A_867 = arith.index_cast %mul3A_865 : i32 to index
      %get3A_868 = tpu.vector_load %arg4[%get3A_866, %get3A_867] {strides = array<i32>} : memref<8x1280xf32, #tpu.memory_space<vmem>>, vector<1x16xf32>,
      %get3A_869 = vector.shape_cast %get3A_868 : vector<1x16xf32> to vector<16xf32>
      %neg3A_870 = arith.constant 0.000000e+00 : f32
      %neg3A_871 = vector.broadcast %neg3A_870 : f32 to vector<16xf32>
      %neg3A_872 = arith.subf %neg3A_871, %get3A_869 : vector<16xf32>
      %exp3A_873 = math.exp %neg3A_872 : vector<16xf32>
      %add3A_874 = arith.constant 1.000000e+00 : f32
      %add3A_875 = vector.broadcast %add3A_874 : f32 to vector<16xf32>
      %add3A_876 = arith.addf %add3A_875, %exp3A_873 : vector<16xf32>
      %div3A_877 = arith.constant 1.000000e+00 : f32
      %div3A_878 = vector.broadcast %div3A_877 : f32 to vector<16xf32>
      %div3A_879 = arith.divf %div3A_878, %add3A_876 : vector<16xf32>
      %mul3A_880 = arith.mulf %div3A_879, %div3A_879 : vector<16xf32>
      %add3A_881 = arith.addf %scan3A_863, %mul3A_880 : vector<16xf32>
      scf.yield %add3A_881 : vector<16xf32>
    }
    %scan3A_686 = arith.constant 80 : i32
    %broadcast_in_dim3A_687 = arith.constant 0.000000e+00 : f32
    %broadcast_in_dim3A_688 = vector.broadcast %broadcast_in_dim3A_687 : f32 to vector<16xf32>
    %broadcast_in_dim3A_689 = arith.constant 0.000000e+00 : f32
    %broadcast_in_dim3A_690 = vector.broadcast %broadcast_in_dim3A_689 : f32 to vector<16xf32>
    %neg3A_691 = arith.constant 0.000000e+00 : f32
    %neg3A_692 = vector.broadcast %neg3A_691 : f32 to vector<16xf32>
    %neg3A_693 = arith.subf %neg3A_692, %broadcast_in_dim3A_690 : vector<16xf32>
    %exp3A_694 = math.exp %neg3A_693 : vector<16xf32>
    %sub3A_695 = arith.constant 1.000000e+00 : f32
    %sub3A_696 = vector.broadcast %sub3A_695 : f32 to vector<16xf32>
    %sub3A_697 = arith.subf %sub3A_696, %exp3A_694 : vector<16xf32>
    %add3A_698 = arith.constant 1.000000e+00 : f32
    %add3A_699 = vector.broadcast %add3A_698 : f32 to vector<16xf32>
    %add3A_700 = arith.addf %add3A_699, %exp3A_694 : vector<16xf32>
    %div3A_701 = arith.divf %sub3A_697, %add3A_700 : vector<16xf32>
    %mul3A_702 = arith.mulf %div3A_701, %div3A_701 : vector<16xf32>
    %mul3A_703 = arith.constant 2.500000e-01 : f32
    %mul3A_704 = vector.broadcast %mul3A_703 : f32 to vector<16xf32>
    %mul3A_705 = arith.mulf %mul3A_704, %mul3A_702 : vector<16xf32>
    %scan3A_706 = arith.constant 0 : i32
    %scan3A_707 = arith.constant 80 : i32
    %scan3A_708 = arith.addi %scan3A_706, %scan3A_707 : i32
    %scan3A_709 = arith.constant 1 : i32
    %scan3A_710 = scf.for %scan3A_862 = %scan3A_706 to %scan3A_708 step %scan3A_709 iter_args(%scan3A_863 = %scan3A_685) -> (vector<16xf32>)  : i32 {
      %mul3A_864 = arith.constant 16 : i32
      %mul3A_865 = arith.muli %scan3A_862, %mul3A_864 : i32
      %get3A = arith.constant 2 : i32
      %get3A_866 = arith.index_cast %get3A : i32 to index
      %get3A_867 = arith.index_cast %mul3A_865 : i32 to index
      %get3A_868 = tpu.vector_load %arg4[%get3A_866, %get3A_867] {strides = array<i32>} : memref<8x1280xf32, #tpu.memory_space<vmem>>, vector<1x16xf32>,
      %get3A_869 = vector.shape_cast %get3A_868 : vector<1x16xf32> to vector<16xf32>
      %neg3A_870 = arith.constant 0.000000e+00 : f32
      %neg3A_871 = vector.broadcast %neg3A_870 : f32 to vector<16xf32>
      %neg3A_872 = arith.subf %neg3A_871, %get3A_869 : vector<16xf32>
      %exp3A_873 = math.exp %neg3A_872 : vector<16xf32>
      %sub3A_874 = arith.constant 1.000000e+00 : f32
      %sub3A_875 = vector.broadcast %sub3A_874 : f32 to vector<16xf32>
      %sub3A_876 = arith.subf %sub3A_875, %exp3A_873 : vector<16xf32>
      %add3A_877 = arith.constant 1.000000e+00 : f32
      %add3A_878 = vector.broadcast %add3A_877 : f32 to vector<16xf32>
      %add3A_879 = arith.addf %add3A_878, %exp3A_873 : vector<16xf32>
      %div3A_880 = arith.divf %sub3A_876, %add3A_879 : vector<16xf32>
      %mul3A_881 = arith.mulf %div3A_880, %div3A_880 : vector<16xf32>
      %mul3A_882 = arith.constant 2.500000e-01 : f32
      %mul3A_883 = vector.broadcast %mul3A_882 : f32 to vector<16xf32>
      %mul3A_884 = arith.mulf %mul3A_883, %mul3A_881 : vector<16xf32>
      %add3A_885 = arith.addf %scan3A_863, %mul3A_884 : vector<16xf32>
      scf.yield %add3A_885 : vector<16xf32>
    }
    %scan3A_711 = arith.constant 80 : i32
    %broadcast_in_dim3A_712 = arith.constant 0.000000e+00 : f32
    %broadcast_in_dim3A_713 = vector.broadcast %broadcast_in_dim3A_712 : f32 to vector<16xf32>
    %neg3A_714 = arith.constant 0.000000e+00 : f32
    %neg3A_715 = vector.broadcast %neg3A_714 : f32 to vector<16xf32>
    %neg3A_716 = arith.subf %neg3A_715, %broadcast_in_dim3A_713 : vector<16xf32>
    %exp3A_717 = math.exp %neg3A_716 : vector<16xf32>
    %sub3A_718 = arith.constant 1.000000e+00 : f32
    %sub3A_719 = vector.broadcast %sub3A_718 : f32 to vector<16xf32>
    %sub3A_720 = arith.subf %sub3A_719, %exp3A_717 : vector<16xf32>
    %add3A_721 = arith.constant 1.000000e+00 : f32
    %add3A_722 = vector.broadcast %add3A_721 : f32 to vector<16xf32>
    %add3A_723 = arith.addf %add3A_722, %exp3A_717 : vector<16xf32>
    %div3A_724 = arith.divf %sub3A_720, %add3A_723 : vector<16xf32>
    %mul3A_725 = arith.mulf %div3A_724, %div3A_724 : vector<16xf32>
    %mul3A_726 = arith.constant 2.500000e-01 : f32
    %mul3A_727 = vector.broadcast %mul3A_726 : f32 to vector<16xf32>
    %mul3A_728 = arith.mulf %mul3A_727, %mul3A_725 : vector<16xf32>
    %scan3A_729 = arith.constant 0 : i32
    %scan3A_730 = arith.constant 80 : i32
    %scan3A_731 = arith.addi %scan3A_729, %scan3A_730 : i32
    %scan3A_732 = arith.constant 1 : i32
    %scan3A_733 = scf.for %scan3A_862 = %scan3A_729 to %scan3A_731 step %scan3A_732 iter_args(%scan3A_863 = %scan3A_710) -> (vector<16xf32>)  : i32 {
      %mul3A_864 = arith.constant 16 : i32
      %mul3A_865 = arith.muli %scan3A_862, %mul3A_864 : i32
      %get3A = arith.constant 3 : i32
      %get3A_866 = arith.index_cast %get3A : i32 to index
      %get3A_867 = arith.index_cast %mul3A_865 : i32 to index
      %get3A_868 = tpu.vector_load %arg4[%get3A_866, %get3A_867] {strides = array<i32>} : memref<8x1280xf32, #tpu.memory_space<vmem>>, vector<1x16xf32>,
      %get3A_869 = vector.shape_cast %get3A_868 : vector<1x16xf32> to vector<16xf32>
      %neg3A_870 = arith.constant 0.000000e+00 : f32
      %neg3A_871 = vector.broadcast %neg3A_870 : f32 to vector<16xf32>
      %neg3A_872 = arith.subf %neg3A_871, %get3A_869 : vector<16xf32>
      %exp3A_873 = math.exp %neg3A_872 : vector<16xf32>
      %sub3A_874 = arith.constant 1.000000e+00 : f32
      %sub3A_875 = vector.broadcast %sub3A_874 : f32 to vector<16xf32>
      %sub3A_876 = arith.subf %sub3A_875, %exp3A_873 : vector<16xf32>
      %add3A_877 = arith.constant 1.000000e+00 : f32
      %add3A_878 = vector.broadcast %add3A_877 : f32 to vector<16xf32>
      %add3A_879 = arith.addf %add3A_878, %exp3A_873 : vector<16xf32>
      %div3A_880 = arith.divf %sub3A_876, %add3A_879 : vector<16xf32>
      %mul3A_881 = arith.mulf %div3A_880, %div3A_880 : vector<16xf32>
      %mul3A_882 = arith.constant 2.500000e-01 : f32
      %mul3A_883 = vector.broadcast %mul3A_882 : f32 to vector<16xf32>
      %mul3A_884 = arith.mulf %mul3A_883, %mul3A_881 : vector<16xf32>
      %add3A_885 = arith.addf %scan3A_863, %mul3A_884 : vector<16xf32>
      scf.yield %add3A_885 : vector<16xf32>
    }
    %scan3A_734 = arith.constant 80 : i32
    %broadcast_in_dim3A_735 = arith.constant 0.000000e+00 : f32
    %broadcast_in_dim3A_736 = vector.broadcast %broadcast_in_dim3A_735 : f32 to vector<16xf32>
    %mul3A_737 = arith.mulf %broadcast_in_dim3A_736, %broadcast_in_dim3A_736 : vector<16xf32>
    %scan3A_738 = arith.constant 0 : i32
    %scan3A_739 = arith.constant 80 : i32
    %scan3A_740 = arith.addi %scan3A_738, %scan3A_739 : i32
    %scan3A_741 = arith.constant 1 : i32
    %scan3A_742 = scf.for %scan3A_862 = %scan3A_738 to %scan3A_740 step %scan3A_741 iter_args(%scan3A_863 = %scan3A_733) -> (vector<16xf32>)  : i32 {
      %mul3A_864 = arith.constant 16 : i32
      %mul3A_865 = arith.muli %scan3A_862, %mul3A_864 : i32
      %get3A = arith.constant 4 : i32
      %get3A_866 = arith.index_cast %get3A : i32 to index
      %get3A_867 = arith.index_cast %mul3A_865 : i32 to index
      %get3A_868 = tpu.vector_load %arg4[%get3A_866, %get3A_867] {strides = array<i32>} : memref<8x1280xf32, #tpu.memory_space<vmem>>, vector<1x16xf32>,
      %get3A_869 = vector.shape_cast %get3A_868 : vector<1x16xf32> to vector<16xf32>
      %mul3A_870 = arith.mulf %get3A_869, %get3A_869 : vector<16xf32>
      %add3A_871 = arith.addf %scan3A_863, %mul3A_870 : vector<16xf32>
      scf.yield %add3A_871 : vector<16xf32>
    }
    %scan3A_743 = arith.constant 80 : i32
    %broadcast_in_dim3A_744 = arith.constant 0.000000e+00 : f32
    %broadcast_in_dim3A_745 = vector.broadcast %broadcast_in_dim3A_744 : f32 to vector<16xf32>
    %mul3A_746 = arith.mulf %broadcast_in_dim3A_745, %broadcast_in_dim3A_745 : vector<16xf32>
    %scan3A_747 = arith.constant 0 : i32
    %scan3A_748 = arith.constant 80 : i32
    %scan3A_749 = arith.addi %scan3A_747, %scan3A_748 : i32
    %scan3A_750 = arith.constant 1 : i32
    %scan3A_751 = scf.for %scan3A_862 = %scan3A_747 to %scan3A_749 step %scan3A_750 iter_args(%scan3A_863 = %scan3A_742) -> (vector<16xf32>)  : i32 {
      %mul3A_864 = arith.constant 16 : i32
      %mul3A_865 = arith.muli %scan3A_862, %mul3A_864 : i32
      %get3A = arith.constant 5 : i32
      %get3A_866 = arith.index_cast %get3A : i32 to index
      %get3A_867 = arith.index_cast %mul3A_865 : i32 to index
      %get3A_868 = tpu.vector_load %arg4[%get3A_866, %get3A_867] {strides = array<i32>} : memref<8x1280xf32, #tpu.memory_space<vmem>>, vector<1x16xf32>,
      %get3A_869 = vector.shape_cast %get3A_868 : vector<1x16xf32> to vector<16xf32>
      %mul3A_870 = arith.mulf %get3A_869, %get3A_869 : vector<16xf32>
      %add3A_871 = arith.addf %scan3A_863, %mul3A_870 : vector<16xf32>
      scf.yield %add3A_871 : vector<16xf32>
    }
    %scan3A_752 = arith.constant 80 : i32
    %broadcast_in_dim3A_753 = arith.constant 0.000000e+00 : f32
    %broadcast_in_dim3A_754 = vector.broadcast %broadcast_in_dim3A_753 : f32 to vector<16xf32>
    %neg3A_755 = arith.constant 0.000000e+00 : f32
    %neg3A_756 = vector.broadcast %neg3A_755 : f32 to vector<16xf32>
    %neg3A_757 = arith.subf %neg3A_756, %broadcast_in_dim3A_754 : vector<16xf32>
    %exp3A_758 = math.exp %neg3A_757 : vector<16xf32>
    %add3A_759 = arith.constant 1.000000e+00 : f32
    %add3A_760 = vector.broadcast %add3A_759 : f32 to vector<16xf32>
    %add3A_761 = arith.addf %add3A_760, %exp3A_758 : vector<16xf32>
    %div3A_762 = arith.constant 1.000000e+00 : f32
    %div3A_763 = vector.broadcast %div3A_762 : f32 to vector<16xf32>
    %div3A_764 = arith.divf %div3A_763, %add3A_761 : vector<16xf32>
    %mul3A_765 = arith.mulf %div3A_764, %div3A_764 : vector<16xf32>
    %scan3A_766 = arith.constant 0 : i32
    %scan3A_767 = arith.constant 80 : i32
    %scan3A_768 = arith.addi %scan3A_766, %scan3A_767 : i32
    %scan3A_769 = arith.constant 1 : i32
    %scan3A_770 = scf.for %scan3A_862 = %scan3A_766 to %scan3A_768 step %scan3A_769 iter_args(%scan3A_863 = %scan3A_751) -> (vector<16xf32>)  : i32 {
      %mul3A_864 = arith.constant 16 : i32
      %mul3A_865 = arith.muli %scan3A_862, %mul3A_864 : i32
      %get3A = arith.constant 6 : i32
      %get3A_866 = arith.index_cast %get3A : i32 to index
      %get3A_867 = arith.index_cast %mul3A_865 : i32 to index
      %get3A_868 = tpu.vector_load %arg4[%get3A_866, %get3A_867] {strides = array<i32>} : memref<8x1280xf32, #tpu.memory_space<vmem>>, vector<1x16xf32>,
      %get3A_869 = vector.shape_cast %get3A_868 : vector<1x16xf32> to vector<16xf32>
      %neg3A_870 = arith.constant 0.000000e+00 : f32
      %neg3A_871 = vector.broadcast %neg3A_870 : f32 to vector<16xf32>
      %neg3A_872 = arith.subf %neg3A_871, %get3A_869 : vector<16xf32>
      %exp3A_873 = math.exp %neg3A_872 : vector<16xf32>
      %add3A_874 = arith.constant 1.000000e+00 : f32
      %add3A_875 = vector.broadcast %add3A_874 : f32 to vector<16xf32>
      %add3A_876 = arith.addf %add3A_875, %exp3A_873 : vector<16xf32>
      %div3A_877 = arith.constant 1.000000e+00 : f32
      %div3A_878 = vector.broadcast %div3A_877 : f32 to vector<16xf32>
      %div3A_879 = arith.divf %div3A_878, %add3A_876 : vector<16xf32>
      %mul3A_880 = arith.mulf %div3A_879, %div3A_879 : vector<16xf32>
      %add3A_881 = arith.addf %scan3A_863, %mul3A_880 : vector<16xf32>
      scf.yield %add3A_881 : vector<16xf32>
    }
    %scan3A_771 = arith.constant 80 : i32
    %broadcast_in_dim3A_772 = arith.constant 0.000000e+00 : f32
    %broadcast_in_dim3A_773 = vector.broadcast %broadcast_in_dim3A_772 : f32 to vector<16xf32>
    "tpu.region"() ({
      %run_scoped3A = tpu.sem_alloc : memref<!tpu.dma_semaphore, #tpu.memory_space<semaphore_mem>>
      %dma_start3A = arith.constant 0 : i32
      %dma_start3A_862 = arith.constant 0 : i32
      %dma_start3A_863 = tpu.memref_slice %arg4[%dma_start3A, %dma_start3A_862] : memref<8x1280xf32, #tpu.memory_space<vmem>> -> memref<6x1280xf32, #tpu.memory_space<vmem>>
      %dma_start3A_864 = arith.constant 24 : i32
      %dma_start3A_865 = arith.constant 0 : i32
      %dma_start3A_866 = tpu.memref_slice %arg2[%add3A_433, %dma_start3A_864, %dma_start3A_865] : memref<361x30x1280xf32, #tpu.memory_space<hbm>> -> memref<1x6x1280xf32, #tpu.memory_space<hbm>>
      %dma_start3A_867 = tpu.memref_squeeze %dma_start3A_866 : memref<1x6x1280xf32, #tpu.memory_space<hbm>> -> memref<6x1280xf32, #tpu.memory_space<hbm>>
      %dma_start3A_868 = arith.constant 0 : i32
      %dma_start3A_869 = arith.constant 0 : i32
      %dma_start3A_870 = tpu.memref_slice %arg4[%dma_start3A_868, %dma_start3A_869] : memref<8x1280xf32, #tpu.memory_space<vmem>> -> memref<6x1280xf32, #tpu.memory_space<vmem>>
      %dma_start3A_871 = arith.constant 24 : i32
      %dma_start3A_872 = arith.constant 0 : i32
      %dma_start3A_873 = tpu.memref_slice %arg2[%add3A_433, %dma_start3A_871, %dma_start3A_872] : memref<361x30x1280xf32, #tpu.memory_space<hbm>> -> memref<1x6x1280xf32, #tpu.memory_space<hbm>>
      %dma_start3A_874 = tpu.memref_squeeze %dma_start3A_873 : memref<1x6x1280xf32, #tpu.memory_space<hbm>> -> memref<6x1280xf32, #tpu.memory_space<hbm>>
      tpu.enqueue_dma source(%dma_start3A_874 : memref<6x1280xf32, #tpu.memory_space<hbm>>) target(%dma_start3A_870 : memref<6x1280xf32, #tpu.memory_space<vmem>>) target_semaphore(%run_scoped3A : memref<!tpu.dma_semaphore, #tpu.memory_space<semaphore_mem>>)
      %dma_wait3A = arith.constant 0 : i32
      %dma_wait3A_875 = arith.constant 0 : i32
      %dma_wait3A_876 = tpu.memref_slice %arg4[%dma_wait3A, %dma_wait3A_875] : memref<8x1280xf32, #tpu.memory_space<vmem>> -> memref<6x1280xf32, #tpu.memory_space<vmem>>
      %dma_wait3A_877 = arith.constant 24 : i32
      %dma_wait3A_878 = arith.constant 0 : i32
      %dma_wait3A_879 = tpu.memref_slice %arg2[%add3A_433, %dma_wait3A_877, %dma_wait3A_878] : memref<361x30x1280xf32, #tpu.memory_space<hbm>> -> memref<1x6x1280xf32, #tpu.memory_space<hbm>>
      %dma_wait3A_880 = tpu.memref_squeeze %dma_wait3A_879 : memref<1x6x1280xf32, #tpu.memory_space<hbm>> -> memref<6x1280xf32, #tpu.memory_space<hbm>>
      %dma_wait3A_881 = arith.constant 0 : i32
      %dma_wait3A_882 = arith.constant 0 : i32
      %dma_wait3A_883 = tpu.memref_slice %arg4[%dma_wait3A_881, %dma_wait3A_882] : memref<8x1280xf32, #tpu.memory_space<vmem>> -> memref<6x1280xf32, #tpu.memory_space<vmem>>
      %dma_wait3A_884 = arith.constant 24 : i32
      %dma_wait3A_885 = arith.constant 0 : i32
      %dma_wait3A_886 = tpu.memref_slice %arg2[%add3A_433, %dma_wait3A_884, %dma_wait3A_885] : memref<361x30x1280xf32, #tpu.memory_space<hbm>> -> memref<1x6x1280xf32, #tpu.memory_space<hbm>>
      %dma_wait3A_887 = tpu.memref_squeeze %dma_wait3A_886 : memref<1x6x1280xf32, #tpu.memory_space<hbm>> -> memref<6x1280xf32, #tpu.memory_space<hbm>>
      tpu.wait_dma2 semaphore(%run_scoped3A : memref<!tpu.dma_semaphore, #tpu.memory_space<semaphore_mem>>) src(%dma_wait3A_887 : memref<6x1280xf32, #tpu.memory_space<hbm>>) dst(%dma_wait3A_883 : memref<6x1280xf32, #tpu.memory_space<vmem>>)
      tpu.yield
    }) : () -> ()
    %broadcast_in_dim3A_774 = arith.constant 0.000000e+00 : f32
    %broadcast_in_dim3A_775 = vector.broadcast %broadcast_in_dim3A_774 : f32 to vector<16xf32>
    %neg3A_776 = arith.constant 0.000000e+00 : f32
    %neg3A_777 = vector.broadcast %neg3A_776 : f32 to vector<16xf32>
    %neg3A_778 = arith.subf %neg3A_777, %broadcast_in_dim3A_775 : vector<16xf32>
    %exp3A_779 = math.exp %neg3A_778 : vector<16xf32>
    %sub3A_780 = arith.constant 1.000000e+00 : f32
    %sub3A_781 = vector.broadcast %sub3A_780 : f32 to vector<16xf32>
    %sub3A_782 = arith.subf %sub3A_781, %exp3A_779 : vector<16xf32>
    %add3A_783 = arith.constant 1.000000e+00 : f32
    %add3A_784 = vector.broadcast %add3A_783 : f32 to vector<16xf32>
    %add3A_785 = arith.addf %add3A_784, %exp3A_779 : vector<16xf32>
    %div3A_786 = arith.divf %sub3A_782, %add3A_785 : vector<16xf32>
    %mul3A_787 = arith.mulf %div3A_786, %div3A_786 : vector<16xf32>
    %mul3A_788 = arith.constant 2.500000e-01 : f32
    %mul3A_789 = vector.broadcast %mul3A_788 : f32 to vector<16xf32>
    %mul3A_790 = arith.mulf %mul3A_789, %mul3A_787 : vector<16xf32>
    %scan3A_791 = arith.constant 0 : i32
    %scan3A_792 = arith.constant 80 : i32
    %scan3A_793 = arith.addi %scan3A_791, %scan3A_792 : i32
    %scan3A_794 = arith.constant 1 : i32
    %scan3A_795 = scf.for %scan3A_862 = %scan3A_791 to %scan3A_793 step %scan3A_794 iter_args(%scan3A_863 = %scan3A_770) -> (vector<16xf32>)  : i32 {
      %mul3A_864 = arith.constant 16 : i32
      %mul3A_865 = arith.muli %scan3A_862, %mul3A_864 : i32
      %get3A = arith.constant 0 : i32
      %get3A_866 = arith.index_cast %get3A : i32 to index
      %get3A_867 = arith.index_cast %mul3A_865 : i32 to index
      %get3A_868 = tpu.vector_load %arg4[%get3A_866, %get3A_867] {strides = array<i32>} : memref<8x1280xf32, #tpu.memory_space<vmem>>, vector<1x16xf32>,
      %get3A_869 = vector.shape_cast %get3A_868 : vector<1x16xf32> to vector<16xf32>
      %neg3A_870 = arith.constant 0.000000e+00 : f32
      %neg3A_871 = vector.broadcast %neg3A_870 : f32 to vector<16xf32>
      %neg3A_872 = arith.subf %neg3A_871, %get3A_869 : vector<16xf32>
      %exp3A_873 = math.exp %neg3A_872 : vector<16xf32>
      %sub3A_874 = arith.constant 1.000000e+00 : f32
      %sub3A_875 = vector.broadcast %sub3A_874 : f32 to vector<16xf32>
      %sub3A_876 = arith.subf %sub3A_875, %exp3A_873 : vector<16xf32>
      %add3A_877 = arith.constant 1.000000e+00 : f32
      %add3A_878 = vector.broadcast %add3A_877 : f32 to vector<16xf32>
      %add3A_879 = arith.addf %add3A_878, %exp3A_873 : vector<16xf32>
      %div3A_880 = arith.divf %sub3A_876, %add3A_879 : vector<16xf32>
      %mul3A_881 = arith.mulf %div3A_880, %div3A_880 : vector<16xf32>
      %mul3A_882 = arith.constant 2.500000e-01 : f32
      %mul3A_883 = vector.broadcast %mul3A_882 : f32 to vector<16xf32>
      %mul3A_884 = arith.mulf %mul3A_883, %mul3A_881 : vector<16xf32>
      %add3A_885 = arith.addf %scan3A_863, %mul3A_884 : vector<16xf32>
      scf.yield %add3A_885 : vector<16xf32>
    }
    %scan3A_796 = arith.constant 80 : i32
    %broadcast_in_dim3A_797 = arith.constant 0.000000e+00 : f32
    %broadcast_in_dim3A_798 = vector.broadcast %broadcast_in_dim3A_797 : f32 to vector<16xf32>
    %neg3A_799 = arith.constant 0.000000e+00 : f32
    %neg3A_800 = vector.broadcast %neg3A_799 : f32 to vector<16xf32>
    %neg3A_801 = arith.subf %neg3A_800, %broadcast_in_dim3A_798 : vector<16xf32>
    %exp3A_802 = math.exp %neg3A_801 : vector<16xf32>
    %sub3A_803 = arith.constant 1.000000e+00 : f32
    %sub3A_804 = vector.broadcast %sub3A_803 : f32 to vector<16xf32>
    %sub3A_805 = arith.subf %sub3A_804, %exp3A_802 : vector<16xf32>
    %add3A_806 = arith.constant 1.000000e+00 : f32
    %add3A_807 = vector.broadcast %add3A_806 : f32 to vector<16xf32>
    %add3A_808 = arith.addf %add3A_807, %exp3A_802 : vector<16xf32>
    %div3A_809 = arith.divf %sub3A_805, %add3A_808 : vector<16xf32>
    %mul3A_810 = arith.mulf %div3A_809, %div3A_809 : vector<16xf32>
    %mul3A_811 = arith.constant 2.500000e-01 : f32
    %mul3A_812 = vector.broadcast %mul3A_811 : f32 to vector<16xf32>
    %mul3A_813 = arith.mulf %mul3A_812, %mul3A_810 : vector<16xf32>
    %scan3A_814 = arith.constant 0 : i32
    %scan3A_815 = arith.constant 80 : i32
    %scan3A_816 = arith.addi %scan3A_814, %scan3A_815 : i32
    %scan3A_817 = arith.constant 1 : i32
    %scan3A_818 = scf.for %scan3A_862 = %scan3A_814 to %scan3A_816 step %scan3A_817 iter_args(%scan3A_863 = %scan3A_795) -> (vector<16xf32>)  : i32 {
      %mul3A_864 = arith.constant 16 : i32
      %mul3A_865 = arith.muli %scan3A_862, %mul3A_864 : i32
      %get3A = arith.constant 1 : i32
      %get3A_866 = arith.index_cast %get3A : i32 to index
      %get3A_867 = arith.index_cast %mul3A_865 : i32 to index
      %get3A_868 = tpu.vector_load %arg4[%get3A_866, %get3A_867] {strides = array<i32>} : memref<8x1280xf32, #tpu.memory_space<vmem>>, vector<1x16xf32>,
      %get3A_869 = vector.shape_cast %get3A_868 : vector<1x16xf32> to vector<16xf32>
      %neg3A_870 = arith.constant 0.000000e+00 : f32
      %neg3A_871 = vector.broadcast %neg3A_870 : f32 to vector<16xf32>
      %neg3A_872 = arith.subf %neg3A_871, %get3A_869 : vector<16xf32>
      %exp3A_873 = math.exp %neg3A_872 : vector<16xf32>
      %sub3A_874 = arith.constant 1.000000e+00 : f32
      %sub3A_875 = vector.broadcast %sub3A_874 : f32 to vector<16xf32>
      %sub3A_876 = arith.subf %sub3A_875, %exp3A_873 : vector<16xf32>
      %add3A_877 = arith.constant 1.000000e+00 : f32
      %add3A_878 = vector.broadcast %add3A_877 : f32 to vector<16xf32>
      %add3A_879 = arith.addf %add3A_878, %exp3A_873 : vector<16xf32>
      %div3A_880 = arith.divf %sub3A_876, %add3A_879 : vector<16xf32>
      %mul3A_881 = arith.mulf %div3A_880, %div3A_880 : vector<16xf32>
      %mul3A_882 = arith.constant 2.500000e-01 : f32
      %mul3A_883 = vector.broadcast %mul3A_882 : f32 to vector<16xf32>
      %mul3A_884 = arith.mulf %mul3A_883, %mul3A_881 : vector<16xf32>
      %add3A_885 = arith.addf %scan3A_863, %mul3A_884 : vector<16xf32>
      scf.yield %add3A_885 : vector<16xf32>
    }
    %scan3A_819 = arith.constant 80 : i32
    %broadcast_in_dim3A_820 = arith.constant 0.000000e+00 : f32
    %broadcast_in_dim3A_821 = vector.broadcast %broadcast_in_dim3A_820 : f32 to vector<16xf32>
    %mul3A_822 = arith.mulf %broadcast_in_dim3A_821, %broadcast_in_dim3A_821 : vector<16xf32>
    %scan3A_823 = arith.constant 0 : i32
    %scan3A_824 = arith.constant 80 : i32
    %scan3A_825 = arith.addi %scan3A_823, %scan3A_824 : i32
    %scan3A_826 = arith.constant 1 : i32
    %scan3A_827 = scf.for %scan3A_862 = %scan3A_823 to %scan3A_825 step %scan3A_826 iter_args(%scan3A_863 = %scan3A_818) -> (vector<16xf32>)  : i32 {
      %mul3A_864 = arith.constant 16 : i32
      %mul3A_865 = arith.muli %scan3A_862, %mul3A_864 : i32
      %get3A = arith.constant 2 : i32
      %get3A_866 = arith.index_cast %get3A : i32 to index
      %get3A_867 = arith.index_cast %mul3A_865 : i32 to index
      %get3A_868 = tpu.vector_load %arg4[%get3A_866, %get3A_867] {strides = array<i32>} : memref<8x1280xf32, #tpu.memory_space<vmem>>, vector<1x16xf32>,
      %get3A_869 = vector.shape_cast %get3A_868 : vector<1x16xf32> to vector<16xf32>
      %mul3A_870 = arith.mulf %get3A_869, %get3A_869 : vector<16xf32>
      %add3A_871 = arith.addf %scan3A_863, %mul3A_870 : vector<16xf32>
      scf.yield %add3A_871 : vector<16xf32>
    }
    %scan3A_828 = arith.constant 80 : i32
    %broadcast_in_dim3A_829 = arith.constant 0.000000e+00 : f32
    %broadcast_in_dim3A_830 = vector.broadcast %broadcast_in_dim3A_829 : f32 to vector<16xf32>
    %mul3A_831 = arith.mulf %broadcast_in_dim3A_830, %broadcast_in_dim3A_830 : vector<16xf32>
    %scan3A_832 = arith.constant 0 : i32
    %scan3A_833 = arith.constant 80 : i32
    %scan3A_834 = arith.addi %scan3A_832, %scan3A_833 : i32
    %scan3A_835 = arith.constant 1 : i32
    %scan3A_836 = scf.for %scan3A_862 = %scan3A_832 to %scan3A_834 step %scan3A_835 iter_args(%scan3A_863 = %scan3A_827) -> (vector<16xf32>)  : i32 {
      %mul3A_864 = arith.constant 16 : i32
      %mul3A_865 = arith.muli %scan3A_862, %mul3A_864 : i32
      %get3A = arith.constant 3 : i32
      %get3A_866 = arith.index_cast %get3A : i32 to index
      %get3A_867 = arith.index_cast %mul3A_865 : i32 to index
      %get3A_868 = tpu.vector_load %arg4[%get3A_866, %get3A_867] {strides = array<i32>} : memref<8x1280xf32, #tpu.memory_space<vmem>>, vector<1x16xf32>,
      %get3A_869 = vector.shape_cast %get3A_868 : vector<1x16xf32> to vector<16xf32>
      %mul3A_870 = arith.mulf %get3A_869, %get3A_869 : vector<16xf32>
      %add3A_871 = arith.addf %scan3A_863, %mul3A_870 : vector<16xf32>
      scf.yield %add3A_871 : vector<16xf32>
    }
    %scan3A_837 = arith.constant 80 : i32
    %broadcast_in_dim3A_838 = arith.constant 0.000000e+00 : f32
    %broadcast_in_dim3A_839 = vector.broadcast %broadcast_in_dim3A_838 : f32 to vector<16xf32>
    %neg3A_840 = arith.constant 0.000000e+00 : f32
    %neg3A_841 = vector.broadcast %neg3A_840 : f32 to vector<16xf32>
    %neg3A_842 = arith.subf %neg3A_841, %broadcast_in_dim3A_839 : vector<16xf32>
    %exp3A_843 = math.exp %neg3A_842 : vector<16xf32>
    %add3A_844 = arith.constant 1.000000e+00 : f32
    %add3A_845 = vector.broadcast %add3A_844 : f32 to vector<16xf32>
    %add3A_846 = arith.addf %add3A_845, %exp3A_843 : vector<16xf32>
    %div3A_847 = arith.constant 1.000000e+00 : f32
    %div3A_848 = vector.broadcast %div3A_847 : f32 to vector<16xf32>
    %div3A_849 = arith.divf %div3A_848, %add3A_846 : vector<16xf32>
    %mul3A_850 = arith.mulf %div3A_849, %div3A_849 : vector<16xf32>
    %scan3A_851 = arith.constant 0 : i32
    %scan3A_852 = arith.constant 80 : i32
    %scan3A_853 = arith.addi %scan3A_851, %scan3A_852 : i32
    %scan3A_854 = arith.constant 1 : i32
    %scan3A_855 = scf.for %scan3A_862 = %scan3A_851 to %scan3A_853 step %scan3A_854 iter_args(%scan3A_863 = %scan3A_836) -> (vector<16xf32>)  : i32 {
      %mul3A_864 = arith.constant 16 : i32
      %mul3A_865 = arith.muli %scan3A_862, %mul3A_864 : i32
      %get3A = arith.constant 4 : i32
      %get3A_866 = arith.index_cast %get3A : i32 to index
      %get3A_867 = arith.index_cast %mul3A_865 : i32 to index
      %get3A_868 = tpu.vector_load %arg4[%get3A_866, %get3A_867] {strides = array<i32>} : memref<8x1280xf32, #tpu.memory_space<vmem>>, vector<1x16xf32>,
      %get3A_869 = vector.shape_cast %get3A_868 : vector<1x16xf32> to vector<16xf32>
      %neg3A_870 = arith.constant 0.000000e+00 : f32
      %neg3A_871 = vector.broadcast %neg3A_870 : f32 to vector<16xf32>
      %neg3A_872 = arith.subf %neg3A_871, %get3A_869 : vector<16xf32>
      %exp3A_873 = math.exp %neg3A_872 : vector<16xf32>
      %add3A_874 = arith.constant 1.000000e+00 : f32
      %add3A_875 = vector.broadcast %add3A_874 : f32 to vector<16xf32>
      %add3A_876 = arith.addf %add3A_875, %exp3A_873 : vector<16xf32>
      %div3A_877 = arith.constant 1.000000e+00 : f32
      %div3A_878 = vector.broadcast %div3A_877 : f32 to vector<16xf32>
      %div3A_879 = arith.divf %div3A_878, %add3A_876 : vector<16xf32>
      %mul3A_880 = arith.mulf %div3A_879, %div3A_879 : vector<16xf32>
      %add3A_881 = arith.addf %scan3A_863, %mul3A_880 : vector<16xf32>
      scf.yield %add3A_881 : vector<16xf32>
    }
    %scan3A_856 = arith.constant 80 : i32
    %broadcast_in_dim3A_857 = arith.constant 0.000000e+00 : f32
    %broadcast_in_dim3A_858 = vector.broadcast %broadcast_in_dim3A_857 : f32 to vector<16xf32>
    %swap3A = arith.constant 0 : index
    %swap3A_859 = tpu.vector_load %arg5[%swap3A] {strides = array<i32>} : memref<16xf32, #tpu.memory_space<vmem>>, vector<16xf32>,
    %swap3A_860 = vector.shape_cast %swap3A_859 : vector<16xf32> to vector<16xf32>
    %swap3A_861 = vector.shape_cast %scan3A_855 : vector<16xf32> to vector<16xf32>
    tpu.vector_store %arg5[%swap3A], %swap3A_861 {strides = array<i32>} : memref<16xf32, #tpu.memory_space<vmem>>, vector<16xf32>,
    "tpu.region"() ({
      %run_scoped3A = tpu.sem_alloc : memref<!tpu.dma_semaphore, #tpu.memory_space<semaphore_mem>>
      %dma_start3A = arith.constant 0 : i32
      %dma_start3A_862 = tpu.memref_slice %arg3[%add3A, %dma_start3A] : memref<32x16xf32, #tpu.memory_space<hbm>> -> memref<1x16xf32, #tpu.memory_space<hbm>>
      %dma_start3A_863 = tpu.memref_squeeze %dma_start3A_862 : memref<1x16xf32, #tpu.memory_space<hbm>> -> memref<16xf32, #tpu.memory_space<hbm>>
      %dma_start3A_864 = arith.constant 0 : i32
      %dma_start3A_865 = tpu.memref_slice %arg3[%add3A, %dma_start3A_864] : memref<32x16xf32, #tpu.memory_space<hbm>> -> memref<1x16xf32, #tpu.memory_space<hbm>>
      %dma_start3A_866 = tpu.memref_squeeze %dma_start3A_865 : memref<1x16xf32, #tpu.memory_space<hbm>> -> memref<16xf32, #tpu.memory_space<hbm>>
      tpu.enqueue_dma source(%arg5 : memref<16xf32, #tpu.memory_space<vmem>>) target(%dma_start3A_866 : memref<16xf32, #tpu.memory_space<hbm>>) target_semaphore(%run_scoped3A : memref<!tpu.dma_semaphore, #tpu.memory_space<semaphore_mem>>)
      %dma_wait3A = arith.constant 0 : i32
      %dma_wait3A_867 = tpu.memref_slice %arg3[%add3A, %dma_wait3A] : memref<32x16xf32, #tpu.memory_space<hbm>> -> memref<1x16xf32, #tpu.memory_space<hbm>>
      %dma_wait3A_868 = tpu.memref_squeeze %dma_wait3A_867 : memref<1x16xf32, #tpu.memory_space<hbm>> -> memref<16xf32, #tpu.memory_space<hbm>>
      %dma_wait3A_869 = arith.constant 0 : i32
      %dma_wait3A_870 = tpu.memref_slice %arg3[%add3A, %dma_wait3A_869] : memref<32x16xf32, #tpu.memory_space<hbm>> -> memref<1x16xf32, #tpu.memory_space<hbm>>
      %dma_wait3A_871 = tpu.memref_squeeze %dma_wait3A_870 : memref<1x16xf32, #tpu.memory_space<hbm>> -> memref<16xf32, #tpu.memory_space<hbm>>
      tpu.wait_dma2 semaphore(%run_scoped3A : memref<!tpu.dma_semaphore, #tpu.memory_space<semaphore_mem>>) src(%arg5 : memref<16xf32, #tpu.memory_space<vmem>>) dst(%dma_wait3A_871 : memref<16xf32, #tpu.memory_space<hbm>>)
      tpu.yield
    }) : () -> ()
    return
  }
}

module attributes {stable_mosaic.version = 14 : i64} {
  func.func @_tc_body(%arg0: i32, %arg1: memref<27x30x1280xf32, #tpu.memory_space<vmem>>, %arg2: memref<1x30x1280xf32, #tpu.memory_space<vmem>>, %arg3: memref<1x30x1280xf32, #tpu.memory_space<vmem>>, %arg4: memref<1x30x1280xf32, #tpu.memory_space<vmem>>, %arg5: memref<1x1xf32, #tpu.memory_space<smem>>) attributes {dimension_semantics = [#tpu.dimension_semantics<arbitrary>], iteration_bounds = array<i64: 11>, scalar_prefetch = 0 : i64, scratch_operands = 0 : i64, tpu.core_type = #tpu.core_type<tc>, window_params = [{transform_indices = @transform_0, window_bounds = array<i64: 27, 30, 1280>}, {pipeline_mode = #tpu.pipeline_mode<synchronous>, transform_indices = @transform_1, window_bounds = array<i64: 1, 30, 1280>}, {pipeline_mode = #tpu.pipeline_mode<synchronous>, transform_indices = @transform_2, window_bounds = array<i64: 1, 30, 1280>}, {pipeline_mode = #tpu.pipeline_mode<synchronous>, transform_indices = @transform_3, window_bounds = array<i64: 1, 30, 1280>}, {transform_indices = @transform_4, window_bounds = array<i64: 1, 1>}]} {
    %get3A = arith.constant 0 : index
    %get3A_0 = arith.constant 0 : index
    %get3A_1 = arith.constant 0 : index
    %get3A_2 = vector.load %arg1[%get3A, %get3A_0, %get3A_1] : memref<27x30x1280xf32, #tpu.memory_space<vmem>>, vector<27x30x1280xf32>
    %mul3A = arith.constant 5.000000e-01 : f32
    %mul3A_3 = vector.broadcast %mul3A : f32 to vector<27x30x1280xf32>
    %mul3A_4 = arith.mulf %get3A_2, %mul3A_3 : vector<27x30x1280xf32>
    %tanh3A = math.tanh %mul3A_4 : vector<27x30x1280xf32>
    %get3A_5 = arith.constant 0 : index
    %get3A_6 = arith.constant 0 : index
    %get3A_7 = arith.constant 0 : index
    %get3A_8 = vector.load %arg3[%get3A_5, %get3A_6, %get3A_7] : memref<1x30x1280xf32, #tpu.memory_space<vmem>>, vector<1x30x1280xf32>
    %add3A = vector.broadcast %get3A_8 : vector<1x30x1280xf32> to vector<27x30x1280xf32>
    %add3A_9 = arith.addf %tanh3A, %add3A : vector<27x30x1280xf32>
    %get3A_10 = arith.constant 0 : index
    %get3A_11 = arith.constant 0 : index
    %get3A_12 = arith.constant 0 : index
    %get3A_13 = vector.load %arg2[%get3A_10, %get3A_11, %get3A_12] : memref<1x30x1280xf32, #tpu.memory_space<vmem>>, vector<1x30x1280xf32>
    %mul3A_14 = arith.mulf %add3A_9, %add3A_9 : vector<27x30x1280xf32>
    %mul3A_15 = vector.broadcast %get3A_13 : vector<1x30x1280xf32> to vector<27x30x1280xf32>
    %mul3A_16 = arith.mulf %mul3A_15, %mul3A_14 : vector<27x30x1280xf32>
    %get3A_17 = arith.constant 0 : index
    %get3A_18 = arith.constant 0 : index
    %get3A_19 = arith.constant 0 : index
    %get3A_20 = vector.load %arg4[%get3A_17, %get3A_18, %get3A_19] : memref<1x30x1280xf32, #tpu.memory_space<vmem>>, vector<1x30x1280xf32>
    %mul3A_21 = arith.mulf %get3A_2, %get3A_2 : vector<27x30x1280xf32>
    %mul3A_22 = vector.broadcast %get3A_20 : vector<1x30x1280xf32> to vector<27x30x1280xf32>
    %mul3A_23 = arith.mulf %mul3A_22, %mul3A_21 : vector<27x30x1280xf32>
    %add3A_24 = arith.addf %mul3A_16, %mul3A_23 : vector<27x30x1280xf32>
    %reduce_sum3A = vector.shape_cast %add3A_24 : vector<27x30x1280xf32> to vector<1x27x30x1280xf32>
    %reduce_sum3A_25 = arith.constant dense<0.000000e+00> : vector<1xf32>
    %reduce_sum3A_26 = vector.multi_reduction <add>, %reduce_sum3A, %reduce_sum3A_25 [1, 2, 3] : vector<1x27x30x1280xf32> to vector<1xf32>
    %reduce_sum3A_27 = vector.shape_cast %reduce_sum3A_26 : vector<1xf32> to vector<1x1x1x1xf32>
    %reduce_sum3A_28 = vector.extract %reduce_sum3A_27[0, 0, 0, 0] : f32 from vector<1x1x1x1xf32>
    %eq3A = arith.constant 0 : i32
    %eq3A_29 = arith.cmpi eq, %arg0, %eq3A : i32
    %convert_element_type3A = arith.extui %eq3A_29 : i1 to i32
    %cond3A = arith.constant 0 : i32
    %cond3A_30 = arith.cmpi ne, %convert_element_type3A, %cond3A : i32
    scf.if %cond3A_30 {
      %swap3A_37 = arith.constant 0.000000e+00 : f32
      %swap3A_38 = arith.constant 0 : index
      %swap3A_39 = arith.constant 0 : index
      %swap3A_40 = memref.load %arg5[%swap3A_38, %swap3A_39] : memref<1x1xf32, #tpu.memory_space<smem>>
      memref.store %swap3A_37, %arg5[%swap3A_38, %swap3A_39] : memref<1x1xf32, #tpu.memory_space<smem>>
    } else {
    }
    %get3A_31 = arith.constant 0 : index
    %get3A_32 = arith.constant 0 : index
    %get3A_33 = memref.load %arg5[%get3A_31, %get3A_32] : memref<1x1xf32, #tpu.memory_space<smem>>
    %add3A_34 = arith.addf %get3A_33, %reduce_sum3A_28 : f32
    %swap3A = arith.constant 0 : index
    %swap3A_35 = arith.constant 0 : index
    %swap3A_36 = memref.load %arg5[%swap3A, %swap3A_35] : memref<1x1xf32, #tpu.memory_space<smem>>
    memref.store %add3A_34, %arg5[%swap3A, %swap3A_35] : memref<1x1xf32, #tpu.memory_space<smem>>
    return
  }
  func.func @transform_0(%arg0: i32) -> (i32, i32, i32) {
    %c0_i32 = arith.constant 0 : i32
    %c0_i32_0 = arith.constant 0 : i32
    %c0_i32_1 = arith.constant 0 : i32
    return %arg0, %c0_i32, %c0_i32_0 : i32, i32, i32
  }
  func.func @transform_1(%arg0: i32) -> (i32, i32, i32) {
    %c0_i32 = arith.constant 0 : i32
    %c0_i32_0 = arith.constant 0 : i32
    %c0_i32_1 = arith.constant 0 : i32
    %c0_i32_2 = arith.constant 0 : i32
    return %c0_i32, %c0_i32_0, %c0_i32_1 : i32, i32, i32
  }
  func.func @transform_2(%arg0: i32) -> (i32, i32, i32) {
    %c0_i32 = arith.constant 0 : i32
    %c0_i32_0 = arith.constant 0 : i32
    %c0_i32_1 = arith.constant 0 : i32
    %c0_i32_2 = arith.constant 0 : i32
    return %c0_i32, %c0_i32_0, %c0_i32_1 : i32, i32, i32
  }
  func.func @transform_3(%arg0: i32) -> (i32, i32, i32) {
    %c0_i32 = arith.constant 0 : i32
    %c0_i32_0 = arith.constant 0 : i32
    %c0_i32_1 = arith.constant 0 : i32
    %c0_i32_2 = arith.constant 0 : i32
    return %c0_i32, %c0_i32_0, %c0_i32_1 : i32, i32, i32
  }
  func.func @transform_4(%arg0: i32) -> (i32, i32) {
    %c0_i32 = arith.constant 0 : i32
    %c0_i32_0 = arith.constant 0 : i32
    %c0_i32_1 = arith.constant 0 : i32
    return %c0_i32, %c0_i32_0 : i32, i32
  }
}

</mosaic_0001>

<sc_bundles>
// kernel: kernel.4.cloned.1.call-start
scs
__scs_entry_jumppad:
0x0: {  	(pc) =	sbr.rel $0x88, $3  }
0x1: {  	(tag) =	ssettag $0x0;
	lr =	simm.s32 $0x1  }
0x2: {  	[smem:$0x3FA0] =	sst lr;
	_ =	strace $0xD0000000  }
0x3: {  	_ = 	snop  }
0x4: {  	_ = 	snop  }
0x5: {  	_ = 	snop  }
0x6: {  	_ = 	snop  }
0x7: {  	_ = 	snop  }
__scs_overlays_trampoline_lowered:
0x8: {  	[smem:$0x3FAF] =	sst s0  }
0x9: {  	[smem:$0x3FB0] =	sst s1  }
0xa: {  	[smem:$0x3FB1] =	sst s2  }
0xb: {  	[smem:$0x3FB2] =	sst s3  }
0xc: {  	[smem:$0x3FB3] =	sst s4  }
0xd: {  	[smem:$0x3FB4] =	sst s5  }
0xe: {  	[smem:$0x3FB5] =	sst s6  }
0xf: {  	[smem:$0x3FB6] =	sst s7  }
0x10: {  	[smem:$0x3FB7] =	sst s8  }
0x11: {  	[smem:$0x3FB8] =	sst s9;
	s0 =	simm.s32 @!p0 $0x0  }
0x12: {  	s1 =	sld [smem:$0x3F9E];
	s0 =	simm.s32 @p0 $0x1  }
0x13: {  	[smem:$0x3FB9] =	sst s0;
	s0 =	simm.s32 @!p1 $0x0  }
0x14: {  	s2 =	sld [smem:$0x3F9D];
	s0 =	simm.s32 @p1 $0x1  }
0x15: {  	[smem:$0x3FBA] =	sst s0;
	s0 =	simm.s32 @!p2 $0x0  }
0x16: {  	s3 =	sld [smem:$0x3FDB];
	s0 =	simm.s32 @p2 $0x1  }
0x17: {  	s4 =	simm.s32 $0x1BF5;
	[smem:$0x3FBC] =	sst s0  }
0x18: {  	s0 =	sld [smem:$0x3F9F];
	_ =	swait.ge [sflag:s4], $0x0  }
0x19: {  	s7 =	sld [smem:$0x3FA0]  }
0x1a: {  	s8 =	sadd.s32 $0xFFFFE003, lr  }
0x1b: {  	s9 =	sadd.s32 $0xFFFFFEF7, lr;
	s5 =	simm.s32 $0xFFFFFFFF;
	p2 =	slt.u32 s8, $0xFFFFF086  }
0x1c: {  	p1 =	slt.u32 s9, $0xF7A;
	s5 =	simm.s32 @!p2 $0x0  }
0x1d: {  	s5 =	simm.s32 @p1 $0x1;
	p0 =	seq.s32 s7, s2  }
0x1e: {  	s7 =	smul.u32 @!p0 $0xF7A, s2;
	p2 =	seq.s32 @!p0 s5, $0x0  }
0x1f: {  	s9 =	smul.u32 $0xF7A, s1;
	s8 =	simm.s32 @!p0 $0x1BF5;
	p2 =	por !p2, p0  }
0x20: {  	[sflag:s8] =	ssyncset.s32 @!p0 $0xFFFFF086;
	s6 =	sadd.s32 @!p0 s3, s7;
	s7 =	simm.s32 @!p0 $0x108  }
0x21: {  	s3 =	sadd.s32 s3, s9;
	s6 =	sadd.s32 @!p0 $0x88, s6;
	s7 =	simm.s32 @p2 $0x1082  }
0x22: {  	[simem:s7], [sflag:s8] =	dma.local @!p0 [hbm:s6], $0xF7A  }
0x23: {  	s9 =	sor.u32 $0xD0000000, s2;
	s6 =	simm.s32 $0x108;
	_ =	swait.ge @!p0 [sflag:s8], $0x0  }
0x24: {  	s3 =	sadd.s32 $0x88, s3;
	s6 =	simm.s32 @!p1 $0x1082;
	[sflag:s4] =	ssyncset.s32 $0xFFFFF086  }
0x25: {  	[simem:s6], [sflag:s4] =	dma.local [hbm:s3], $0xF7A  }
0x26: {  	[smem:$0x3FA0] =	sst s1;
	(tag) =	ssettag s2;
	_ =	strace s9  }
0x27: {  	s1 =	sld [smem:$0x3FB0]  }
0x28: {  	s2 =	sld [smem:$0x3FB1]  }
0x29: {  	s4 =	sld [smem:$0x3FB3]  }
0x2a: {  	p0 =	seq.s32 s5, $0x0;
	s5 =	sld [smem:$0x3FB4]  }
0x2b: {  	s6 =	sld [smem:$0x3FB5]  }
0x2c: {  	s7 =	sld [smem:$0x3FB6]  }
0x2d: {  	s3 =	simm.s32 $0x108;
	s8 =	sld [smem:$0x3FB7]  }
0x2e: {  	s3 =	simm.s32 @!p0 $0x1082;
	s9 =	sld [smem:$0x3FB8]  }
0x2f: {  	lr =	sadd.s32 s0, s3;
	s0 =	sld [smem:$0x3FAF]  }
0x30: {  	s3 =	sld [smem:$0x3FB2]  }
0x31: {  	[smem:$0x3FBB] =	sst s10  }
0x32: {  	s10 =	sld [smem:$0x3FB9];
	_ =	sdelay $0x3  }
0x33: {  	p0 =	seq.s32 s10, $0x1;
	s10 =	sld [smem:$0x3FBB];
	_ =	sdelay $0x3  }
0x34: {  	[smem:$0x3FBB] =	sst s10  }
0x35: {  	s10 =	sld [smem:$0x3FBA];
	_ =	sdelay $0x3  }
0x36: {  	p1 =	seq.s32 s10, $0x1;
	s10 =	sld [smem:$0x3FBB];
	_ =	sdelay $0x3  }
0x37: {  	[smem:$0x3FBB] =	sst s10  }
0x38: {  	s10 =	sld [smem:$0x3FBC]  }
0x39: {  	_ = 	snop;
	(pc) =	sbr.ind lr, $3  }
0x3a: {  	_ = 	snop  }
0x3b: {  	_ = 	snop  }
0x3c: {  	p2 =	seq.s32 s10, $0x1;
	s10 =	sld [smem:$0x3FBB]  }
0x3d: {  	_ =	shalt  }
0x3e: {  	_ =	shalt  }
0x3f: {  	_ =	shalt  }
0x40: {  	_ =	shalt  }
0x41: {  	_ =	shalt  }
0x42: {  	_ =	shalt  }
0x43: {  	_ =	shalt  }
0x44: {  	_ =	shalt  }
0x45: {  	_ =	shalt  }
0x46: {  	_ =	shalt  }
0x47: {  	_ =	shalt  }
0x48: {  	_ =	shalt  }
0x49: {  	_ =	shalt  }
0x4a: {  	_ =	shalt  }
0x4b: {  	_ =	shalt  }
0x4c: {  	_ =	shalt  }
0x4d: {  	_ =	shalt  }
0x4e: {  	_ =	shalt  }
0x4f: {  	_ =	shalt  }
0x50: {  	_ =	shalt  }
0x51: {  	_ =	shalt  }
0x52: {  	_ =	shalt  }
0x53: {  	_ =	shalt  }
0x54: {  	_ =	shalt  }
0x55: {  	_ =	shalt  }
0x56: {  	_ =	shalt  }
0x57: {  	_ =	shalt  }
0x58: {  	_ =	shalt  }
0x59: {  	_ =	shalt  }
0x5a: {  	_ =	shalt  }
0x5b: {  	_ =	shalt  }
0x5c: {  	_ =	shalt  }
0x5d: {  	_ =	shalt  }
0x5e: {  	_ =	shalt  }
0x5f: {  	_ =	shalt  }
0x60: {  	_ =	shalt  }
0x61: {  	_ =	shalt  }
0x62: {  	_ =	shalt  }
0x63: {  	_ =	shalt  }
0x64: {  	_ =	shalt  }
0x65: {  	_ =	shalt  }
0x66: {  	_ =	shalt  }
0x67: {  	_ =	shalt  }
0x68: {  	_ =	shalt  }
0x69: {  	_ =	shalt  }
0x6a: {  	_ =	shalt  }
0x6b: {  	_ =	shalt  }
0x6c: {  	_ =	shalt  }
0x6d: {  	_ =	shalt  }
0x6e: {  	_ =	shalt  }
0x6f: {  	_ =	shalt  }
0x70: {  	_ =	shalt  }
0x71: {  	_ =	shalt  }
0x72: {  	_ =	shalt  }
0x73: {  	_ =	shalt  }
0x74: {  	_ =	shalt  }
0x75: {  	_ =	shalt  }
0x76: {  	_ =	shalt  }
0x77: {  	_ =	shalt  }
0x78: {  	_ =	shalt  }
0x79: {  	_ =	shalt  }
0x7a: {  	_ =	shalt  }
0x7b: {  	_ =	shalt  }
0x7c: {  	_ =	shalt  }
0x7d: {  	_ =	shalt  }
0x7e: {  	_ =	shalt  }
0x7f: {  	_ =	shalt  }
0x80: {  	_ =	shalt  }
0x81: {  	_ =	shalt  }
0x82: {  	_ =	shalt  }
0x83: {  	_ =	shalt  }
0x84: {  	_ =	shalt  }
0x85: {  	_ =	shalt  }
0x86: {  	_ =	shalt  }
0x87: {  	_ =	shalt  }
.Lfunc_end0:
.L_simem_size_0:
called_computation_lowered:
.L_overlay_start_0:
0x88: {  	s2 =	sld [smem:$0x3FD9]  }
0x89: {  	s3 =	sld [smem:$0x3FFE];
	_ =	sdelay $0x1  }
0x8a: {  	s1 =	srdreg.scid  }
0x8b: {  	s0 =	sand.u32 $0x1, s1  }
0x8c: {  	s17 =	sshll.u32 s0, $0xA;
	s2 =	sadd.s32 s3, s2  }
0x8d: {  	s2 =	sadd.s32 s2, s17  }
0x8e: {  	[smem:$0x3FC7] =	sst s2  }
0x8f: {  	_ = 	snop  }
0x90: {  	s2 =	sld [smem:$0x3FC9];
	(tm) =	ssettm $0x1  }
0x91: {  	s18 =	sld [smem:$0x3FFB];
	_ =	sdelay $0x3  }
0x92: {  	_ =	strace s18  }
0x93: {  	s3 =	sld [smem:$0x3FFC];
	_ =	sdelay $0x3  }
0x94: {  	_ =	strace s3  }
0x95: {  	s3 =	sld [smem:$0x3FFD];
	_ =	sdelay $0x3  }
0x96: {  	_ =	strace s3  }
0x97: {  	_ =	strace $0x8FFFFFFF  }
0x98: {  	s19 =	sld [smem:$0x3FDB];
	_ =	sdelay $0x1  }
0x99: {  	s4 =	simm.s32 $_scs_section_size  }
0x9a: {  	s5 =	simm.s32 $_size__tile_overlayer_lowered;
	s6 =	simm.s32 $_tile_overlayer_lowered  }
0x9b: {  	s22 =	simm.s32 $0x1BFF;
	s21 =	sshll.u32 s6, $0x1;
	s3 =	sadd.s32 s4, s19  }
0x9c: {  	s7 =	simm.s32 $0x0;
	s20 =	sshll.u32 s5, $0x1;
	s5 =	sadd.s32 s21, s3  }
0x9d: {  	[timem:s7], [sflag:s22] =	dma.local [hbm:s5], s20  }
0x9e: {  	_ =	swait.ge [sflag:s22], s20  }
0x9f: {  	s4 =	ssub.s32 $0x0, s20;
	[sflag:s22] =	ssyncset.done $0x0  }
0xa0: {  	[sflag:s22] =	ssyncadd.s32 s4;
	_ =	sdelay $0x1  }
0xa1: {  	s23 =	simm.s32 $0x1B8B  }
0xa2: {  	_ =	swait.ge [sflag:s23], $0x1  }
0xa3: {  	[sflag:s23] =	ssyncset.done $0x0  }
0xa4: {  	s25 =	simm.s32 $0x1B8E;
	s24 =	sld [smem:$0x3FFE];
	[sflag:s23] =	ssyncadd.s32 $0xFFFFFFFF  }
0xa5: {  	s26 =	simm.s32 $execute0_lowered;
	[smem:$0x3FD2] =	sst s25  }
0xa6: {  	s5 =	sshll.u32 s26, $0x1;
	_ =	strace $0x80000046;
	[dreg:$0x1] =	wrdreg $0xFFFFFFFF  }
0xa7: {  	s28 =	simm.s32 $_size_execute0_lowered;
	s3 =	sadd.s32 s3, s5;
	[dreg:$0x0] =	wrdreg $0x0  }
0xa8: {  	s5 =	sshll.u32 s28, $0x1;
	[dreg:$0x2] =	wrdreg s3  }
0xa9: {  	[dreg:$0x3] =	wrdreg s5  }
0xaa: {  	[dreg:$0x4] =	wrdreg $0xC0  }
0xab: {  	_ =	task [dreg:s7], $0x5FFFF  }
0xac: {  	[dreg:$0x1] =	wrdreg $0xFFFFFFFF  }
0xad: {  	[dreg:$0x0] =	wrdreg $0x60  }
0xae: {  	[dreg:$0x2] =	wrdreg s2  }
0xaf: {  	[dreg:$0x3] =	wrdreg s24  }
0xb0: {  	[dreg:$0x4] =	wrdreg $0x9  }
0xb1: {  	_ =	task.clear_ibuf [dreg:s7], $0x5FFFF;
	_ =	strace $0x90000046  }
0xb2: {  	s29 =	simm.s32 $0x9;
	_ =	strace $0x80000048  }
0xb3: {  	_ =	swait.ge [sflag:s29], $0x1  }
0xb4: {  	[sflag:s29] =	ssyncadd.s32 $0xFFFFFFFF  }
0xb5: {  	_ =	strace $0x90000048  }
0xb6: {  	_ =	sfence  }
0xb7: {  	s30 =	sld [smem:$0x0];
	_ =	sdelay $0x2  }
0xb8: {  	s31 =	sshll.u32 s1, $0xD;
	s1 =	sshrl.u32 s1, $0x2  }
0xb9: {  	s3 =	sand.u32 $0x4000, s31;
	s1 =	sadd.s32 s1, s30  }
0xba: {  	s0 =	sor.u32 s3, s0;
	s1 =	sshll.u32 s1, $0x11  }
0xbb: {  	s0 =	sor.u32 s1, s0  }
0xbc: {  	s0 =	sadd.s32 $0x8F2B, s0  }
0xbd: {  	[sflag:s0] =	ssyncadd.remote.s32 $0x1  }
0xbe: {  	_ =	sfence.sel $0xFFFF  }
0xbf: {  	[dreg:$0x0] =	wrdreg $0xFFFFFFFF;
	(pc) =	sbr.abs _section_cstart, $3  }
0xc0: {  	[dreg:$0x1] =	wrdreg $0xFFFFFFFF  }
0xc1: {  	_ =	task.clear_ibuf [dreg:s7], $0x2FFFF;
	_ =	strace $0x9FFFFFFF  }
0xc2: {  	(tm) =	ssettm $0x7FFFFFFF  }
0xc3: {  	_ =	shalt  }
tec
execute0_lowered:
.L_overlay_start_1:
0x0: {  	(tag) =	ssettag $0x1  }
0x1: {  	s0 =	srdreg.scid;
	s3 =	rddreg [dreg:$0x0]  }
0x2: {  	s1 =	stileid.u32;
	s5 =	rddreg [dreg:$0x1];
	s2 =	simm.s32 $0x0  }
0x3: {  	s13 =	simm.s32 $0x1;
	s15 =	simm.s32 $0x800;
	s16 =	simm.s32 $0xC00  }
0x4: {  	s17 =	simm.s32 $0x1000;
	s0 =	sand.u32 $0x1, s0;
	s1 =	sshll.u32 s1, $0x1  }
0x5: {  	s18 =	simm.s32 $0x1400;
	s19 =	simm.s32 $0x1800;
	s1 =	sor.u32 s0, s1  }
0x6: {  	s20 =	simm.s32 $0x1C00;
	s21 =	simm.s32 $0x2000;
	s4 =	smul.u32 $0x14000, s1  }
0x7: {  	s22 =	simm.s32 $0x2400;
	s24 =	simm.s32 $0x0;
	s1 =	sshll.u32 s1, $0x4  }
0x8: {  	[smem:$0x7FF] =	sst s2;
	s1 =	sadd.s32 s1, s5;
	s4 =	sshrl.u32 s4, $0x3  }
0x9: {  	_ =	strace $0x80000047;
	s11 =	sadd.s32 $0x600, s1;
	s10 =	sadd.s32 s3, s4  }
0xa: {  	s0 =	ssub.s32 $0x2, s0;
	s3 =	sadd.s32 $0x173400, s10;
	s4 =	sadd.s32 $0x173900, s10  }
0xb: {  	s8 =	sshrl.u32 s0, $0x1;
	s5 =	sadd.s32 $0x173E00, s10;
	s6 =	sadd.s32 $0x174300, s10  }
0xc: {  	s0 =	ssub.s32 s0, s8;
	s7 =	sadd.s32 $0x174800, s10;
	s8 =	sadd.s32 $0x174D00, s10  }
0xd: {  	s12 =	smax.u32 s0, $0x1;
	s9 =	sadd.s32 $0x175200, s10;
	s10 =	sadd.s32 $0x175700, s10  }
.LBB2_1:
0xe: {  	[tilespmem:s2], [sflag:$0x1] =	stream.linear.gather [hbm4b:s3+s2], $0x2800, $0x38;
	[tilespmem:$0x2880] =	vst v63  }
0xf: {  	_ =	swait.ge [sflag:s13], $0x2800  }
0x10: {  	s0 =	sand.u32 $0x70, s2;
	s1 =	sand.u32 $0x3C00, s2;
	[sflag:s13] =	ssyncset.done $0x0  }
0x11: {  	s0 =	sor.u32 s0, s1;
	[sflag:s13] =	ssyncadd.s32 $0xFFFFD800  }
0x12: {  	v0 =	vld [tilespmem:s0+$0x0];
	_ =	sdelay $0x2  }
0x13: {  	s26 =	simm.s32 $0x10;
	s28 =	simm.s32 $0x80  }
0x14: {  	s1 =	sand.u32 $0x3C00, s28;
	s0 =	sand.u32 $0x70, s26  }
0x15: {  	s0 =	sor.u32 s0, s1;
	v0 =	vsub.f32 $0.0e+00, v0  }
0x16: {  	v1 =	vld [tilespmem:s0+$0x0]  }
0x17: {  	v0 =	vmul.f32 $1.442695020e+00, v0  }
0x18: {  	s29 =	simm.s32 $0x20;
	s25 =	simm.s32 $0x100  }
0x19: {  	s30 =	sand.u32 $0x70, s29;
	s31 =	sand.u32 $0x3C00, s25;
	(erf) = vpow2.f32 v0  }
0x1a: {  	s0 =	sor.u32 s30, s31  }
0x1b: {  	v1 =	vsub.f32 $0.0e+00, v1;
	v0 =	vld [tilespmem:s0+$0x0];
	_ =	sdelay $0x1  }
0x1c: {  	v1 =	vmul.f32 $1.442695020e+00, v1  }
0x1d: {  	s14 =	simm.s32 $0x30;
	s23 =	simm.s32 $0x180  }
0x1e: {  	s1 =	sand.u32 $0x3C00, s23;
	s0 =	sand.u32 $0x70, s14;
	(erf) = vpow2.f32 v1  }
0x1f: {  	s0 =	sor.u32 s0, s1;
	v0 =	vsub.f32 $0.0e+00, v0  }
0x20: {  	s25 =	simm.s32 $0x40;
	s26 =	simm.s32 $0x200;
	v2 =	vld [tilespmem:s0+$0x0]  }
0x21: {  	s28 =	sand.u32 $0x70, s25;
	s29 =	sand.u32 $0x3C00, s26;
	v0 =	vmul.f32 $1.442695020e+00, v0;
	v3 =	vpop (erf)  }
0x22: {  	s0 =	sor.u32 s28, s29;
	v1 =	vadd.f32 $1.000000000e+00, v3  }
0x23: {  	(erf) = vpow2.f32 v0;
	v0 =	vld [tilespmem:s0+$0x0]  }
0x24: {  	(erf) = vrcp.f32 v1  }
0x25: {  	v2 =	vsub.f32 $0.0e+00, v2;
	_ =	sdelay $0x1  }
0x26: {  	v2 =	vmul.f32 $1.442695020e+00, v2;
	v1 =	vpop (erf)  }
0x27: {  	v0 =	vsub.f32 $0.0e+00, v0;
	v4 =	vadd.f32 $1.000000000e+00, v1  }
0x28: {  	s30 =	simm.s32 $0x50;
	s31 =	simm.s32 $0x280;
	(erf) = vpow2.f32 v2  }
0x29: {  	s1 =	sand.u32 $0x3C00, s31;
	s0 =	sand.u32 $0x70, s30;
	v6 =	vmul.f32 $1.442695020e+00, v0;
	(erf) = vrcp.f32 v4  }
0x2a: {  	s0 =	sor.u32 s0, s1  }
0x2b: {  	v3 =	vsub.f32 $1.000000000e+00, v3;
	v4 =	vld [tilespmem:s0+$0x0];
	v2 =	vpop (erf);
	(erf) = vpow2.f32 v6  }
0x2c: {  	v7 =	vpop (erf)  }
0x2d: {  	v5 =	vadd.f32 $1.000000000e+00, v2;
	v3 =	vmul.f32 v7, v3  }
0x2e: {  	s25 =	simm.s32 $0x60;
	s1 =	simm.s32 $0x300;
	v0 =	vimm.f32 $0.0e+00  }
.LBB2_2:
0x2f: {  	s0 =	sand.u32 $0x70, s25;
	s26 =	sand.u32 $0x3C00, s1;
	(erf) = vrcp.f32 v5;
	v9 =	vmul.f32 v3, v3;
	p0 =	sne.s32 s25, $0x4F0  }
.Ltmp0:
0x30: {  	s25 =	sadd.s32 $0x10, s25;
	s0 =	sor.u32 s0, s26;
	v5 =	vsub.f32 $0.0e+00, v4;
	(pc) =	sbr.rel @p0 .LBB2_2-.Ltmp0, $4  }
0x31: {  	v6 =	vsub.f32 $1.000000000e+00, v1;
	v1 =	vmov v2;
	v4 =	vld [tilespmem:s0+$0x0];
	v7 =	vmul.f32 $2.500000000e-01, v9;
	v2 =	vpop (erf)  }
0x32: {  	v8 =	vmul.f32 $1.442695020e+00, v5;
	v3 =	vpop (erf)  }
0x33: {  	v5 =	vadd.f32 $1.000000000e+00, v2;
	v3 =	vmul.f32 v3, v6;
	v0 =	vadd.f32 v7, v0  }
0x34: {  	s1 =	sadd.s32 $0x80, s1;
	(erf) = vpow2.f32 v8  }
0x35: {  	_ = 	snop  }
0x36: {  	v4 =	vsub.f32 $0.0e+00, v4;
	_ =	sdelay $0x1  }
0x37: {  	v4 =	vmul.f32 $1.442695020e+00, v4  }
0x38: {  	(erf) = vrcp.f32 v5  }
0x39: {  	(erf) = vpow2.f32 v4  }
0x3a: {  	s25 =	simm.s32 $0x0  }
0x3b: {  	s0 =	sand.u32 $0x70, s25;
	s1 =	sand.u32 $0x3C00, s25  }
0x3c: {  	s28 =	sor.u32 s0, s1  }
0x3d: {  	v4 =	vld [tilespmem:s28+$0x80]  }
0x3e: {  	v5 =	vpop (erf)  }
0x3f: {  	v6 =	vpop (erf)  }
0x40: {  	v7 =	vpop (erf)  }
0x41: {  	s26 =	simm.s32 $0x10;
	s23 =	simm.s32 $0x80;
	v8 =	vadd.f32 $1.000000000e+00, v5;
	v9 =	vpop (erf)  }
0x42: {  	s30 =	sand.u32 $0x70, s26;
	s0 =	sand.u32 $0x3C00, s23;
	v10 =	vadd.f32 $1.000000000e+00, v7;
	v4 =	vsub.f32 $0.0e+00, v4;
	v11 =	vpop (erf)  }
0x43: {  	s31 =	simm.s32 $0x20;
	s29 =	simm.s32 $0x100;
	s0 =	sor.u32 s30, s0;
	(erf) = vrcp.f32 v8;
	v60 =	vadd.f32 $1.000000000e+00, v11  }
0x44: {  	s14 =	sand.u32 $0x3C00, s29;
	s1 =	sand.u32 $0x70, s31;
	v61 =	vld [tilespmem:s0+$0x80];
	(erf) = vrcp.f32 v10;
	v4 =	vmul.f32 $1.442695020e+00, v4  }
0x45: {  	s0 =	sor.u32 s1, s14;
	(erf) = vrcp.f32 v60  }
0x46: {  	v1 =	vsub.f32 $1.000000000e+00, v1;
	(erf) = vpow2.f32 v4;
	v4 =	vld [tilespmem:s0+$0x80]  }
0x47: {  	v3 =	vmul.f32 v3, v3  }
0x48: {  	v2 =	vsub.f32 $1.000000000e+00, v2;
	v1 =	vmul.f32 v6, v1  }
0x49: {  	v3 =	vmul.f32 $2.500000000e-01, v3;
	v8 =	vsub.f32 $0.0e+00, v61  }
0x4a: {  	v1 =	vmul.f32 v1, v1;
	v2 =	vmul.f32 v9, v2  }
0x4b: {  	v8 =	vmul.f32 $1.442695020e+00, v8;
	v4 =	vsub.f32 $0.0e+00, v4  }
0x4c: {  	s23 =	simm.s32 $0x30;
	s30 =	simm.s32 $0x180;
	v0 =	vadd.f32 v3, v0;
	v1 =	vmul.f32 $2.500000000e-01, v1;
	v2 =	vmul.f32 v2, v2;
	v6 =	vpop (erf)  }
0x4d: {  	s1 =	sand.u32 $0x3C00, s30;
	s0 =	sand.u32 $0x70, s23;
	(erf) = vpow2.f32 v8;
	v10 =	vpop (erf);
	v4 =	vmul.f32 $1.442695020e+00, v4  }
0x4e: {  	v5 =	vsub.f32 $1.000000000e+00, v5;
	v0 =	vadd.f32 v1, v0;
	s0 =	sor.u32 s0, s1;
	v62 =	vpop (erf)  }
0x4f: {  	s29 =	simm.s32 $0x200;
	s31 =	simm.s32 $0x40;
	v2 =	vmul.f32 $2.500000000e-01, v2;
	v63 =	vld [tilespmem:s0+$0x80];
	v3 =	vpop (erf);
	(erf) = vpow2.f32 v4;
	v4 =	vsub.f32 $1.000000000e+00, v7  }
0x50: {  	s14 =	sand.u32 $0x70, s31;
	v5 =	vmul.f32 v6, v5;
	s23 =	sand.u32 $0x3C00, s29;
	v6 =	vadd.f32 $1.000000000e+00, v3  }
0x51: {  	v0 =	vadd.f32 v2, v0;
	s0 =	sor.u32 s14, s23;
	v4 =	vmul.f32 v10, v4  }
0x52: {  	v1 =	vmul.f32 v5, v5;
	v5 =	vsub.f32 $1.000000000e+00, v11;
	(erf) = vrcp.f32 v6;
	v6 =	vld [tilespmem:s0+$0x80]  }
0x53: {  	v2 =	vmul.f32 v4, v4  }
0x54: {  	v1 =	vmul.f32 $2.500000000e-01, v1;
	v4 =	vmul.f32 v62, v5;
	v5 =	vsub.f32 $0.0e+00, v63  }
0x55: {  	v2 =	vmul.f32 $2.500000000e-01, v2  }
0x56: {  	v1 =	vadd.f32 v1, v0;
	v0 =	vpop (erf);
	v4 =	vmul.f32 v4, v4;
	v5 =	vmul.f32 $1.442695020e+00, v5  }
0x57: {  	v7 =	vadd.f32 $1.000000000e+00, v0;
	v6 =	vsub.f32 $0.0e+00, v6  }
0x58: {  	s30 =	simm.s32 $0x50;
	s31 =	simm.s32 $0x280;
	v4 =	vmul.f32 $2.500000000e-01, v4;
	(erf) = vpow2.f32 v5  }
0x59: {  	s1 =	sand.u32 $0x3C00, s31;
	s0 =	sand.u32 $0x70, s30;
	v1 =	vadd.f32 v2, v1;
	v2 =	vpop (erf);
	v6 =	vmul.f32 $1.442695020e+00, v6;
	(erf) = vrcp.f32 v7  }
0x5a: {  	s0 =	sor.u32 s0, s1  }
0x5b: {  	v3 =	vsub.f32 $1.000000000e+00, v3;
	v1 =	vadd.f32 v4, v1;
	v4 =	vld [tilespmem:s0+$0x80];
	v7 =	vpop (erf);
	(erf) = vpow2.f32 v6;
	_ =	sdelay $0x1  }
0x5c: {  	v5 =	vadd.f32 $1.000000000e+00, v2;
	v3 =	vmul.f32 v7, v3  }
0x5d: {  	s29 =	simm.s32 $0x60;
	s1 =	simm.s32 $0x300  }
.LBB2_4:
0x5e: {  	s0 =	sand.u32 $0x70, s29;
	s30 =	sand.u32 $0x3C00, s1;
	(erf) = vrcp.f32 v5;
	v9 =	vmul.f32 v3, v3;
	p0 =	sne.s32 s29, $0x4F0  }
.Ltmp1:
0x5f: {  	s29 =	sadd.s32 $0x10, s29;
	s0 =	sor.u32 s0, s30;
	v5 =	vsub.f32 $0.0e+00, v4;
	(pc) =	sbr.rel @p0 .LBB2_4-.Ltmp1, $4  }
0x60: {  	v6 =	vsub.f32 $1.000000000e+00, v0;
	v0 =	vmov v2;
	v4 =	vld [tilespmem:s0+$0x80];
	v7 =	vmul.f32 $2.500000000e-01, v9;
	v2 =	vpop (erf)  }
0x61: {  	v8 =	vmul.f32 $1.442695020e+00, v5;
	v3 =	vpop (erf)  }
0x62: {  	v5 =	vadd.f32 $1.000000000e+00, v2;
	v3 =	vmul.f32 v3, v6;
	v1 =	vadd.f32 v7, v1  }
0x63: {  	s1 =	sadd.s32 $0x80, s1;
	(erf) = vpow2.f32 v8  }
0x64: {  	_ = 	snop  }
0x65: {  	v4 =	vsub.f32 $0.0e+00, v4;
	_ =	sdelay $0x1  }
0x66: {  	v4 =	vmul.f32 $1.442695020e+00, v4  }
0x67: {  	(erf) = vrcp.f32 v5  }
0x68: {  	(erf) = vpow2.f32 v4;
	_ =	sdelay $0x1  }
0x69: {  	v56 =	vpop (erf)  }
0x6a: {  	v57 =	vadd.f32 $1.000000000e+00, v56;
	_ =	sdelay $0x1  }
0x6b: {  	(erf) = vrcp.f32 v57  }
0x6c: {  	v6 =	vpop (erf)  }
0x6d: {  	v58 =	vpop (erf)  }
0x6e: {  	v7 =	vpop (erf);
	v8 =	vadd.f32 $1.000000000e+00, v58  }
0x6f: {  	v9 =	vpop (erf)  }
0x70: {  	(erf) = vrcp.f32 v8;
	v59 =	vadd.f32 $1.000000000e+00, v9  }
0x71: {  	v0 =	vsub.f32 $1.000000000e+00, v0;
	v3 =	vmul.f32 v3, v3  }
0x72: {  	(erf) = vrcp.f32 v59  }
0x73: {  	v3 =	vmul.f32 $2.500000000e-01, v3;
	v0 =	vmul.f32 v6, v0;
	v4 =	vsub.f32 $1.000000000e+00, v56  }
0x74: {  	v2 =	vsub.f32 $1.000000000e+00, v2;
	v60 =	vpop (erf)  }
0x75: {  	v1 =	vadd.f32 v3, v1;
	v0 =	vmul.f32 v0, v0;
	v3 =	vmul.f32 v60, v4  }
0x76: {  	v2 =	vmul.f32 v7, v2  }
0x77: {  	v0 =	vmul.f32 $2.500000000e-01, v0  }
0x78: {  	v61 =	vsub.f32 $1.000000000e+00, v58;
	v2 =	vmul.f32 v2, v2  }
0x79: {  	v0 =	vadd.f32 v0, v1;
	v1 =	vmul.f32 v3, v3;
	v3 =	vpop (erf)  }
0x7a: {  	v2 =	vmul.f32 $2.500000000e-01, v2;
	v62 =	vsub.f32 $1.000000000e+00, v9;
	v3 =	vmul.f32 v3, v61  }
0x7b: {  	v1 =	vmul.f32 $2.500000000e-01, v1;
	v63 =	vpop (erf)  }
0x7c: {  	v0 =	vadd.f32 v2, v0;
	v2 =	vmul.f32 v3, v3;
	v3 =	vmul.f32 v63, v62;
	_ =	sdelay $0x1  }
0x7d: {  	v0 =	vadd.f32 v1, v0;
	v1 =	vmul.f32 $2.500000000e-01, v2;
	v2 =	vmul.f32 v3, v3;
	_ =	sdelay $0x1  }
0x7e: {  	v0 =	vadd.f32 v1, v0;
	v1 =	vmul.f32 $2.500000000e-01, v2;
	_ =	sdelay $0x1  }
0x7f: {  	v0 =	vadd.f32 v1, v0;
	v1 =	vld [tilespmem:s28+$0x100]  }
.LBB2_6:
0x80: {  	p0 =	sne.s32 s26, $0x4F0  }
.Ltmp2:
0x81: {  	s0 =	sand.u32 $0x70, s26;
	s25 =	sadd.s32 $0x80, s25;
	(pc) =	sbr.rel @p0 .LBB2_6-.Ltmp2, $4  }
0x82: {  	s26 =	sadd.s32 $0x10, s26;
	s1 =	sand.u32 $0x3C00, s25  }
0x83: {  	s0 =	sor.u32 s0, s1;
	v2 =	vmul.f32 v1, v1  }
0x84: {  	v1 =	vld [tilespmem:s0+$0x100]  }
0x85: {  	v0 =	vadd.f32 v2, v0  }
0x86: {  	_ =	sdelay $0x1  }
0x87: {  	s0 =	simm.s32 $0x0  }
0x88: {  	s1 =	sand.u32 $0x70, s0;
	s25 =	sand.u32 $0x3C00, s0;
	v1 =	vmul.f32 v1, v1  }
0x89: {  	s1 =	sor.u32 s1, s25  }
0x8a: {  	v0 =	vadd.f32 v1, v0;
	v1 =	vld [tilespmem:s1+$0x180]  }
0x8b: {  	s25 =	simm.s32 $0x10  }
.LBB2_8:
0x8c: {  	p0 =	sne.s32 s25, $0x4F0  }
.Ltmp3:
0x8d: {  	s26 =	sand.u32 $0x70, s25;
	s0 =	sadd.s32 $0x80, s0;
	(pc) =	sbr.rel @p0 .LBB2_8-.Ltmp3, $4  }
0x8e: {  	s25 =	sadd.s32 $0x10, s25;
	s28 =	sand.u32 $0x3C00, s0  }
0x8f: {  	s26 =	sor.u32 s26, s28;
	v2 =	vmul.f32 v1, v1  }
0x90: {  	v1 =	vld [tilespmem:s26+$0x180]  }
0x91: {  	v0 =	vadd.f32 v2, v0  }
0x92: {  	v2 =	vld [tilespmem:s1+$0x200];
	_ =	sdelay $0x2  }
0x93: {  	s0 =	simm.s32 $0x10;
	s28 =	simm.s32 $0x80  }
0x94: {  	s0 =	sand.u32 $0x70, s0;
	s1 =	sand.u32 $0x3C00, s28  }
0x95: {  	s0 =	sor.u32 s0, s1;
	v2 =	vsub.f32 $0.0e+00, v2  }
0x96: {  	v3 =	vld [tilespmem:s0+$0x200]  }
0x97: {  	v2 =	vmul.f32 $1.442695020e+00, v2  }
0x98: {  	s29 =	simm.s32 $0x20;
	s25 =	simm.s32 $0x100  }
0x99: {  	s30 =	sand.u32 $0x70, s29;
	s31 =	sand.u32 $0x3C00, s25;
	(erf) = vpow2.f32 v2  }
0x9a: {  	s0 =	sor.u32 s30, s31  }
0x9b: {  	v3 =	vsub.f32 $0.0e+00, v3;
	v2 =	vld [tilespmem:s0+$0x200];
	_ =	sdelay $0x1  }
0x9c: {  	v3 =	vmul.f32 $1.442695020e+00, v3  }
0x9d: {  	s14 =	simm.s32 $0x30;
	s23 =	simm.s32 $0x180  }
0x9e: {  	s1 =	sand.u32 $0x3C00, s23;
	s0 =	sand.u32 $0x70, s14;
	(erf) = vpow2.f32 v3  }
0x9f: {  	s0 =	sor.u32 s0, s1;
	v2 =	vsub.f32 $0.0e+00, v2  }
0xa0: {  	s26 =	simm.s32 $0x200;
	s25 =	simm.s32 $0x40;
	v4 =	vld [tilespmem:s0+$0x200]  }
0xa1: {  	s29 =	sand.u32 $0x3C00, s26;
	s28 =	sand.u32 $0x70, s25;
	v2 =	vmul.f32 $1.442695020e+00, v2;
	v3 =	vpop (erf)  }
0xa2: {  	s0 =	sor.u32 s28, s29;
	v3 =	vadd.f32 $1.000000000e+00, v3  }
0xa3: {  	(erf) = vpow2.f32 v2;
	v2 =	vld [tilespmem:s0+$0x200]  }
0xa4: {  	(erf) = vrcp.f32 v3  }
0xa5: {  	v3 =	vsub.f32 $0.0e+00, v4;
	_ =	sdelay $0x1  }
0xa6: {  	v4 =	vpop (erf);
	v3 =	vmul.f32 $1.442695020e+00, v3  }
0xa7: {  	v4 =	vadd.f32 $1.000000000e+00, v4;
	v2 =	vsub.f32 $0.0e+00, v2  }
0xa8: {  	v1 =	vmul.f32 v1, v1;
	s30 =	simm.s32 $0x50;
	s31 =	simm.s32 $0x280;
	(erf) = vpow2.f32 v3  }
0xa9: {  	s1 =	sand.u32 $0x3C00, s31;
	s0 =	sand.u32 $0x70, s30;
	v5 =	vmul.f32 $1.442695020e+00, v2;
	(erf) = vrcp.f32 v4  }
0xaa: {  	s0 =	sor.u32 s0, s1  }
0xab: {  	v2 =	vld [tilespmem:s0+$0x200];
	v3 =	vpop (erf);
	(erf) = vpow2.f32 v5  }
0xac: {  	v0 =	vadd.f32 v1, v0;
	v1 =	vpop (erf)  }
0xad: {  	v3 =	vadd.f32 $1.000000000e+00, v3;
	v1 =	vmul.f32 v1, v1  }
0xae: {  	s1 =	simm.s32 $0x60;
	s0 =	simm.s32 $0x300  }
.LBB2_10:
0xaf: {  	s25 =	sand.u32 $0x70, s1;
	s26 =	sand.u32 $0x3C00, s0;
	(erf) = vrcp.f32 v3;
	v0 =	vadd.f32 v1, v0;
	p0 =	sne.s32 s1, $0x4F0  }
.Ltmp4:
0xb0: {  	s1 =	sadd.s32 $0x10, s1;
	s25 =	sor.u32 s25, s26;
	v5 =	vsub.f32 $0.0e+00, v2;
	(pc) =	sbr.rel @p0 .LBB2_10-.Ltmp4, $4  }
0xb1: {  	v2 =	vld [tilespmem:s25+$0x200];
	v3 =	vpop (erf)  }
0xb2: {  	v4 =	vmul.f32 $1.442695020e+00, v5;
	v1 =	vpop (erf)  }
0xb3: {  	v3 =	vadd.f32 $1.000000000e+00, v3;
	v1 =	vmul.f32 v1, v1  }
0xb4: {  	s0 =	sadd.s32 $0x80, s0;
	(erf) = vpow2.f32 v4  }
0xb5: {  	_ = 	snop  }
0xb6: {  	v2 =	vsub.f32 $0.0e+00, v2;
	_ =	sdelay $0x1  }
0xb7: {  	v2 =	vmul.f32 $1.442695020e+00, v2  }
0xb8: {  	(erf) = vrcp.f32 v3  }
0xb9: {  	(erf) = vpow2.f32 v2;
	_ =	sdelay $0x1  }
0xba: {  	s25 =	simm.s32 $0x0  }
0xbb: {  	s0 =	sand.u32 $0x70, s25;
	s1 =	sand.u32 $0x3C00, s25  }
0xbc: {  	s0 =	sor.u32 s0, s1  }
0xbd: {  	v3 =	vpop (erf);
	v2 =	vld [tilespmem:s0+$0x300]  }
0xbe: {  	v4 =	vpop (erf)  }
0xbf: {  	v5 =	vpop (erf)  }
0xc0: {  	v3 =	vadd.f32 $1.000000000e+00, v3;
	v6 =	vpop (erf)  }
0xc1: {  	s14 =	simm.s32 $0x80;
	s1 =	simm.s32 $0x10;
	v5 =	vadd.f32 $1.000000000e+00, v5;
	v7 =	vpop (erf)  }
0xc2: {  	s0 =	sand.u32 $0x70, s1;
	s1 =	sand.u32 $0x3C00, s14;
	(erf) = vrcp.f32 v3;
	v2 =	vsub.f32 $0.0e+00, v2;
	v3 =	vadd.f32 $1.000000000e+00, v7  }
0xc3: {  	s0 =	sor.u32 s0, s1;
	(erf) = vrcp.f32 v5  }
0xc4: {  	s23 =	simm.s32 $0x20;
	s26 =	simm.s32 $0x100;
	v2 =	vmul.f32 $1.442695020e+00, v2;
	(erf) = vrcp.f32 v3;
	v3 =	vld [tilespmem:s0+$0x300]  }
0xc5: {  	s28 =	sand.u32 $0x70, s23;
	s29 =	sand.u32 $0x3C00, s26  }
0xc6: {  	s0 =	sor.u32 s28, s29;
	(erf) = vpow2.f32 v2  }
0xc7: {  	v2 =	vld [tilespmem:s0+$0x300];
	_ =	sdelay $0x1  }
0xc8: {  	v3 =	vsub.f32 $0.0e+00, v3;
	_ =	sdelay $0x1  }
0xc9: {  	v3 =	vmul.f32 $1.442695020e+00, v3  }
0xca: {  	s30 =	simm.s32 $0x30;
	s31 =	simm.s32 $0x180;
	v5 =	vpop (erf);
	v2 =	vsub.f32 $0.0e+00, v2  }
0xcb: {  	s1 =	sand.u32 $0x3C00, s31;
	s0 =	sand.u32 $0x70, s30;
	v7 =	vpop (erf);
	(erf) = vpow2.f32 v3  }
0xcc: {  	s0 =	sor.u32 s0, s1;
	v2 =	vmul.f32 $1.442695020e+00, v2;
	v8 =	vpop (erf)  }
0xcd: {  	v0 =	vadd.f32 v1, v0;
	s23 =	simm.s32 $0x200;
	v1 =	vmul.f32 v4, v4;
	s14 =	simm.s32 $0x40;
	v10 =	vld [tilespmem:s0+$0x300];
	v3 =	vpop (erf)  }
0xce: {  	s28 =	sand.u32 $0x70, s14;
	s29 =	sand.u32 $0x3C00, s23;
	(erf) = vpow2.f32 v2;
	v9 =	vadd.f32 $1.000000000e+00, v3  }
0xcf: {  	v0 =	vadd.f32 v1, v0;
	v1 =	vmul.f32 v6, v6;
	s0 =	sor.u32 s28, s29  }
0xd0: {  	v4 =	vld [tilespmem:s0+$0x300];
	(erf) = vrcp.f32 v9  }
0xd1: {  	v0 =	vadd.f32 v1, v0;
	v1 =	vmul.f32 v5, v5  }
0xd2: {  	v5 =	vsub.f32 $0.0e+00, v10  }
0xd3: {  	v0 =	vadd.f32 v1, v0;
	v1 =	vmul.f32 v7, v7  }
0xd4: {  	v5 =	vmul.f32 $1.442695020e+00, v5;
	v2 =	vpop (erf)  }
0xd5: {  	v4 =	vsub.f32 $0.0e+00, v4;
	v6 =	vmul.f32 v8, v8;
	v7 =	vadd.f32 $1.000000000e+00, v2  }
0xd6: {  	s31 =	simm.s32 $0x280;
	s30 =	simm.s32 $0x50;
	(erf) = vpow2.f32 v5  }
0xd7: {  	s1 =	sand.u32 $0x3C00, s31;
	s0 =	sand.u32 $0x70, s30;
	v0 =	vadd.f32 v1, v0;
	v63 =	vmul.f32 $1.442695020e+00, v4;
	v1 =	vpop (erf);
	(erf) = vrcp.f32 v7  }
0xd8: {  	s0 =	sor.u32 s0, s1  }
0xd9: {  	v4 =	vld [tilespmem:s0+$0x300];
	v3 =	vsub.f32 $1.000000000e+00, v3;
	v0 =	vadd.f32 v6, v0;
	v6 =	vpop (erf);
	(erf) = vpow2.f32 v63;
	_ =	sdelay $0x1  }
0xda: {  	v5 =	vadd.f32 $1.000000000e+00, v1;
	v3 =	vmul.f32 v6, v3  }
0xdb: {  	s26 =	simm.s32 $0x60;
	s1 =	simm.s32 $0x300  }
.LBB2_12:
0xdc: {  	s0 =	sand.u32 $0x70, s26;
	s28 =	sand.u32 $0x3C00, s1;
	(erf) = vrcp.f32 v5;
	v9 =	vmul.f32 v3, v3;
	p0 =	sne.s32 s26, $0x4F0  }
.Ltmp5:
0xdd: {  	s26 =	sadd.s32 $0x10, s26;
	s0 =	sor.u32 s0, s28;
	v5 =	vsub.f32 $0.0e+00, v4;
	(pc) =	sbr.rel @p0 .LBB2_12-.Ltmp5, $4  }
0xde: {  	v6 =	vsub.f32 $1.000000000e+00, v2;
	v2 =	vmov v1;
	v4 =	vld [tilespmem:s0+$0x300];
	v7 =	vmul.f32 $2.500000000e-01, v9;
	v1 =	vpop (erf)  }
0xdf: {  	v8 =	vmul.f32 $1.442695020e+00, v5;
	v3 =	vpop (erf)  }
0xe0: {  	v5 =	vadd.f32 $1.000000000e+00, v1;
	v3 =	vmul.f32 v3, v6;
	v0 =	vadd.f32 v7, v0  }
0xe1: {  	s1 =	sadd.s32 $0x80, s1;
	(erf) = vpow2.f32 v8  }
0xe2: {  	_ = 	snop  }
0xe3: {  	v4 =	vsub.f32 $0.0e+00, v4;
	_ =	sdelay $0x1  }
0xe4: {  	v4 =	vmul.f32 $1.442695020e+00, v4  }
0xe5: {  	(erf) = vrcp.f32 v5  }
0xe6: {  	s0 =	sand.u32 $0x7, s25;
	(erf) = vpow2.f32 v4  }
0xe7: {  	s0 =	sshll.u32 s0, $0x4  }
0xe8: {  	s0 =	sadd.s32 $0x0, s0  }
0xe9: {  	s0 =	sor.u32 $0x380, s0  }
0xea: {  	s25 =	simm.s32 $0x1;
	v4 =	vld [tilespmem:s0+$0x0]  }
0xeb: {  	v5 =	vpop (erf);
	s0 =	sand.u32 $0x7, s25  }
0xec: {  	v6 =	vpop (erf);
	s0 =	sshll.u32 s0, $0x4  }
0xed: {  	s0 =	sadd.s32 $0x80, s0;
	v7 =	vpop (erf)  }
0xee: {  	v8 =	vadd.f32 $1.000000000e+00, v5;
	s0 =	sor.u32 $0x380, s0;
	v9 =	vpop (erf)  }
0xef: {  	v10 =	vadd.f32 $1.000000000e+00, v7;
	v12 =	vld [tilespmem:s0+$0x0];
	v4 =	vsub.f32 $0.0e+00, v4;
	v11 =	vpop (erf)  }
0xf0: {  	s26 =	simm.s32 $0x2;
	(erf) = vrcp.f32 v8;
	v8 =	vadd.f32 $1.000000000e+00, v11  }
0xf1: {  	s0 =	sand.u32 $0x7, s26;
	v4 =	vmul.f32 $1.442695020e+00, v4;
	(erf) = vrcp.f32 v10  }
0xf2: {  	s0 =	sshll.u32 s0, $0x4;
	(erf) = vrcp.f32 v8  }
0xf3: {  	s0 =	sadd.s32 $0x100, s0;
	(erf) = vpow2.f32 v4  }
0xf4: {  	s0 =	sor.u32 $0x380, s0;
	v4 =	vsub.f32 $0.0e+00, v12  }
0xf5: {  	v8 =	vld [tilespmem:s0+$0x0]  }
0xf6: {  	s28 =	simm.s32 $0x3;
	v4 =	vmul.f32 $1.442695020e+00, v4  }
0xf7: {  	s0 =	sand.u32 $0x7, s28  }
0xf8: {  	s0 =	sshll.u32 s0, $0x4  }
0xf9: {  	s0 =	sadd.s32 $0x180, s0;
	v62 =	vpop (erf)  }
0xfa: {  	v2 =	vsub.f32 $1.000000000e+00, v2;
	s0 =	sor.u32 $0x380, s0;
	v8 =	vsub.f32 $0.0e+00, v8;
	(erf) = vpow2.f32 v4;
	v4 =	vpop (erf)  }
0xfb: {  	v3 =	vmul.f32 v3, v3;
	v13 =	vld [tilespmem:s0+$0x0];
	v63 =	vpop (erf)  }
0xfc: {  	v2 =	vmul.f32 v6, v2;
	v8 =	vmul.f32 $1.442695020e+00, v8;
	v14 =	vpop (erf)  }
0xfd: {  	s29 =	simm.s32 $0x4;
	v1 =	vsub.f32 $1.000000000e+00, v1;
	v3 =	vmul.f32 $2.500000000e-01, v3;
	v6 =	vadd.f32 $1.000000000e+00, v14  }
0xfe: {  	v2 =	vmul.f32 v2, v2;
	s0 =	sand.u32 $0x7, s29;
	(erf) = vpow2.f32 v8  }
0xff: {  	v5 =	vsub.f32 $1.000000000e+00, v5;
	v1 =	vmul.f32 v9, v1;
	s0 =	sshll.u32 s0, $0x4;
	(erf) = vrcp.f32 v6  }
0x100: {  	v2 =	vmul.f32 $2.500000000e-01, v2;
	v7 =	vsub.f32 $1.000000000e+00, v7;
	s0 =	sadd.s32 $0x200, s0;
	v6 =	vsub.f32 $0.0e+00, v13  }
0x101: {  	v0 =	vadd.f32 v3, v0;
	v1 =	vmul.f32 v1, v1;
	v3 =	vmul.f32 v62, v5;
	s0 =	sor.u32 $0x380, s0  }
0x102: {  	v4 =	vmul.f32 v4, v7;
	v5 =	vmul.f32 $1.442695020e+00, v6;
	v6 =	vld [tilespmem:s0+$0x0]  }
0x103: {  	s1 =	simm.s32 $0x5;
	v0 =	vadd.f32 v2, v0;
	v1 =	vmul.f32 $2.500000000e-01, v1;
	v2 =	vmul.f32 v3, v3;
	v8 =	vpop (erf)  }
0x104: {  	s30 =	sand.u32 $0x7, s1;
	v3 =	vsub.f32 $1.000000000e+00, v11;
	v4 =	vmul.f32 v4, v4;
	v7 =	vadd.f32 $1.000000000e+00, v8  }
0x105: {  	v2 =	vmul.f32 $2.500000000e-01, v2;
	s0 =	sshll.u32 s30, $0x4;
	(erf) = vpow2.f32 v5  }
0x106: {  	v1 =	vadd.f32 v1, v0;
	v3 =	vmul.f32 v63, v3;
	s0 =	sadd.s32 $0x280, s0;
	(erf) = vrcp.f32 v7  }
0x107: {  	s0 =	sor.u32 $0x380, s0;
	v0 =	vpop (erf);
	v7 =	vsub.f32 $1.000000000e+00, v14;
	v6 =	vsub.f32 $0.0e+00, v6  }
0x108: {  	v1 =	vadd.f32 v2, v1;
	v2 =	vmul.f32 $2.500000000e-01, v4;
	v3 =	vmul.f32 v3, v3;
	v5 =	vld [tilespmem:s0+$0x0];
	v4 =	vpop (erf)  }
0x109: {  	s31 =	simm.s32 $0x6;
	v6 =	vmul.f32 $1.442695020e+00, v6;
	v4 =	vmul.f32 v4, v7  }
0x10a: {  	v1 =	vadd.f32 v2, v1;
	v2 =	vmul.f32 $2.500000000e-01, v3;
	s0 =	sand.u32 $0x7, s31;
	v3 =	vadd.f32 $1.000000000e+00, v0  }
0x10b: {  	s0 =	sshll.u32 s0, $0x4;
	(erf) = vpow2.f32 v6;
	v6 =	vmul.f32 v4, v4  }
0x10c: {  	s0 =	sadd.s32 $0x300, s0;
	(erf) = vrcp.f32 v3  }
0x10d: {  	s0 =	sor.u32 $0x380, s0;
	v7 =	vsub.f32 $0.0e+00, v5  }
0x10e: {  	v1 =	vadd.f32 v2, v1;
	v5 =	vld [tilespmem:s0+$0x0];
	v4 =	vsub.f32 $1.000000000e+00, v8;
	v2 =	vpop (erf);
	v3 =	vmul.f32 $2.500000000e-01, v6  }
0x10f: {  	s1 =	simm.s32 $0x7;
	s25 =	simm.s32 $0x300;
	s26 =	simm.s32 $0x70;
	v7 =	vmul.f32 $1.442695020e+00, v7;
	v6 =	vpop (erf)  }
.LBB2_14:
0x110: {  	s0 =	sand.u32 $0x7, s1;
	s25 =	sadd.s32 $0x80, s25;
	v8 =	vadd.f32 $1.000000000e+00, v2;
	v4 =	vmul.f32 v6, v4;
	v1 =	vadd.f32 v3, v1;
	p0 =	sne.s32 s26, $0x4F0  }
.Ltmp6:
0x111: {  	s26 =	sadd.s32 $0x10, s26;
	s0 =	sshll.u32 s0, $0x4;
	(erf) = vpow2.f32 v7;
	(pc) =	sbr.rel @p0 .LBB2_14-.Ltmp6, $4  }
0x112: {  	s0 =	sadd.s32 s0, s25;
	(erf) = vrcp.f32 v8;
	v3 =	vmul.f32 v4, v4  }
0x113: {  	s0 =	sor.u32 $0x380, s0;
	v8 =	vsub.f32 $0.0e+00, v5  }
0x114: {  	v4 =	vsub.f32 $1.000000000e+00, v0;
	v0 =	vmov v2;
	v5 =	vld [tilespmem:s0+$0x0];
	v3 =	vmul.f32 $2.500000000e-01, v3;
	v2 =	vpop (erf)  }
0x115: {  	s1 =	sadd.s32 $0x1, s1;
	v7 =	vmul.f32 $1.442695020e+00, v8;
	v6 =	vpop (erf)  }
0x116: {  	_ =	sdelay $0x2  }
0x117: {  	v5 =	vsub.f32 $0.0e+00, v5  }
0x118: {  	v8 =	vadd.f32 $1.000000000e+00, v2  }
0x119: {  	(erf) = vpow2.f32 v7;
	v5 =	vmul.f32 $1.442695020e+00, v5  }
0x11a: {  	(erf) = vrcp.f32 v8  }
0x11b: {  	(erf) = vpow2.f32 v5;
	_ =	sdelay $0x1  }
0x11c: {  	v54 =	vpop (erf)  }
0x11d: {  	v55 =	vadd.f32 $1.000000000e+00, v54;
	_ =	sdelay $0x1  }
0x11e: {  	(erf) = vrcp.f32 v55  }
0x11f: {  	v56 =	vpop (erf)  }
0x120: {  	v57 =	vpop (erf)  }
0x121: {  	v9 =	vpop (erf);
	v10 =	vadd.f32 $1.000000000e+00, v57  }
0x122: {  	v4 =	vmul.f32 v6, v4;
	v11 =	vpop (erf)  }
0x123: {  	(erf) = vrcp.f32 v10;
	v58 =	vadd.f32 $1.000000000e+00, v11  }
0x124: {  	v0 =	vsub.f32 $1.000000000e+00, v0;
	v4 =	vmul.f32 v4, v4  }
0x125: {  	v1 =	vadd.f32 v3, v1;
	(erf) = vrcp.f32 v58  }
0x126: {  	v3 =	vmul.f32 $2.500000000e-01, v4;
	v59 =	vsub.f32 $1.000000000e+00, v54;
	v0 =	vmul.f32 v56, v0  }
0x127: {  	v2 =	vsub.f32 $1.000000000e+00, v2;
	v60 =	vpop (erf)  }
0x128: {  	v1 =	vadd.f32 v3, v1;
	v0 =	vmul.f32 v0, v0;
	v3 =	vmul.f32 v60, v59  }
0x129: {  	v2 =	vmul.f32 v9, v2  }
0x12a: {  	v0 =	vmul.f32 $2.500000000e-01, v0  }
0x12b: {  	v61 =	vsub.f32 $1.000000000e+00, v57;
	v2 =	vmul.f32 v2, v2  }
0x12c: {  	v0 =	vadd.f32 v0, v1;
	v1 =	vmul.f32 v3, v3;
	v3 =	vpop (erf)  }
0x12d: {  	v2 =	vmul.f32 $2.500000000e-01, v2;
	v62 =	vsub.f32 $1.000000000e+00, v11;
	v3 =	vmul.f32 v3, v61  }
0x12e: {  	v1 =	vmul.f32 $2.500000000e-01, v1;
	v63 =	vpop (erf)  }
0x12f: {  	v0 =	vadd.f32 v2, v0;
	v2 =	vmul.f32 v3, v3;
	v3 =	vmul.f32 v63, v62  }
0x130: {  	s25 =	simm.s32 $0x0  }
0x131: {  	[tilespmem:s25], [sflag:$0x1] =	stream.linear.gather [hbm4b:s4+s25], $0x2800, $0x38;
	v0 =	vadd.f32 v1, v0;
	v1 =	vmul.f32 $2.500000000e-01, v2;
	v2 =	vmul.f32 v3, v3;
	[tilespmem:$0x2880] =	vst v63  }
0x132: {  	_ =	swait.ge [sflag:s13], $0x2800  }
0x133: {  	s0 =	sand.u32 $0x70, s25;
	s1 =	sand.u32 $0x3C00, s25;
	v0 =	vadd.f32 v1, v0;
	[sflag:s13] =	ssyncset.done $0x0;
	v1 =	vmul.f32 $2.500000000e-01, v2  }
0x134: {  	s0 =	sor.u32 s0, s1;
	[sflag:s13] =	ssyncadd.s32 $0xFFFFD800  }
0x135: {  	v0 =	vadd.f32 v1, v0;
	v1 =	vld [tilespmem:s0+$0x0]  }
0x136: {  	s26 =	simm.s32 $0x0;
	s1 =	simm.s32 $0x10  }
.LBB2_16:
0x137: {  	p0 =	sne.s32 s1, $0x4F0  }
.Ltmp7:
0x138: {  	s28 =	sand.u32 $0x70, s1;
	s26 =	sadd.s32 $0x80, s26;
	(pc) =	sbr.rel @p0 .LBB2_16-.Ltmp7, $4  }
0x139: {  	s1 =	sadd.s32 $0x10, s1;
	s29 =	sand.u32 $0x3C00, s26  }
0x13a: {  	s28 =	sor.u32 s28, s29;
	v2 =	vmul.f32 v1, v1  }
0x13b: {  	v1 =	vld [tilespmem:s28+$0x0]  }
0x13c: {  	v0 =	vadd.f32 v2, v0  }
0x13d: {  	_ =	sdelay $0x2  }
0x13e: {  	v1 =	vmul.f32 v1, v1;
	_ =	sdelay $0x1  }
0x13f: {  	v0 =	vadd.f32 v1, v0;
	v1 =	vld [tilespmem:s0+$0x80]  }
0x140: {  	s1 =	simm.s32 $0x10  }
.LBB2_18:
0x141: {  	p0 =	sne.s32 s1, $0x4F0  }
.Ltmp8:
0x142: {  	s0 =	sand.u32 $0x70, s1;
	s25 =	sadd.s32 $0x80, s25;
	(pc) =	sbr.rel @p0 .LBB2_18-.Ltmp8, $4  }
0x143: {  	s1 =	sadd.s32 $0x10, s1;
	s26 =	sand.u32 $0x3C00, s25  }
0x144: {  	s0 =	sor.u32 s0, s26;
	v2 =	vmul.f32 v1, v1  }
0x145: {  	v1 =	vld [tilespmem:s0+$0x80]  }
0x146: {  	v0 =	vadd.f32 v2, v0  }
0x147: {  	s0 =	simm.s32 $0x0  }
0x148: {  	s1 =	sand.u32 $0x70, s0;
	s0 =	sand.u32 $0x3C00, s0  }
0x149: {  	s30 =	sor.u32 s1, s0  }
0x14a: {  	v2 =	vld [tilespmem:s30+$0x100];
	_ =	sdelay $0x2  }
0x14b: {  	s25 =	simm.s32 $0x10;
	s26 =	simm.s32 $0x80  }
0x14c: {  	s0 =	sand.u32 $0x70, s25;
	s1 =	sand.u32 $0x3C00, s26  }
0x14d: {  	s25 =	sor.u32 s0, s1;
	v2 =	vsub.f32 $0.0e+00, v2  }
0x14e: {  	v3 =	vld [tilespmem:s25+$0x100]  }
0x14f: {  	v2 =	vmul.f32 $1.442695020e+00, v2  }
0x150: {  	s14 =	simm.s32 $0x100;
	s1 =	simm.s32 $0x20  }
0x151: {  	s0 =	sand.u32 $0x70, s1;
	s1 =	sand.u32 $0x3C00, s14;
	(erf) = vpow2.f32 v2  }
0x152: {  	s28 =	sor.u32 s0, s1  }
0x153: {  	v3 =	vsub.f32 $0.0e+00, v3;
	v2 =	vld [tilespmem:s28+$0x100];
	_ =	sdelay $0x1  }
0x154: {  	v3 =	vmul.f32 $1.442695020e+00, v3  }
0x155: {  	s23 =	simm.s32 $0x30;
	s26 =	simm.s32 $0x180  }
0x156: {  	s0 =	sand.u32 $0x70, s23;
	s1 =	sand.u32 $0x3C00, s26;
	(erf) = vpow2.f32 v3  }
0x157: {  	s26 =	sor.u32 s0, s1;
	v2 =	vsub.f32 $0.0e+00, v2  }
0x158: {  	s14 =	simm.s32 $0x40;
	s23 =	simm.s32 $0x200;
	v4 =	vld [tilespmem:s26+$0x100]  }
0x159: {  	s0 =	sand.u32 $0x70, s14;
	s1 =	sand.u32 $0x3C00, s23;
	v2 =	vmul.f32 $1.442695020e+00, v2;
	v3 =	vpop (erf)  }
0x15a: {  	s31 =	sor.u32 s0, s1;
	v3 =	vadd.f32 $1.000000000e+00, v3  }
0x15b: {  	(erf) = vpow2.f32 v2;
	v2 =	vld [tilespmem:s31+$0x100]  }
0x15c: {  	(erf) = vrcp.f32 v3  }
0x15d: {  	v3 =	vsub.f32 $0.0e+00, v4;
	_ =	sdelay $0x1  }
0x15e: {  	v4 =	vpop (erf);
	v3 =	vmul.f32 $1.442695020e+00, v3  }
0x15f: {  	v4 =	vadd.f32 $1.000000000e+00, v4;
	v2 =	vsub.f32 $0.0e+00, v2  }
0x160: {  	v1 =	vmul.f32 v1, v1;
	s14 =	simm.s32 $0x50;
	s23 =	simm.s32 $0x280;
	(erf) = vpow2.f32 v3  }
0x161: {  	s0 =	sand.u32 $0x70, s14;
	s1 =	sand.u32 $0x3C00, s23;
	v5 =	vmul.f32 $1.442695020e+00, v2;
	(erf) = vrcp.f32 v4  }
0x162: {  	s29 =	sor.u32 s0, s1  }
0x163: {  	v2 =	vld [tilespmem:s29+$0x100];
	v3 =	vpop (erf);
	(erf) = vpow2.f32 v5  }
0x164: {  	v0 =	vadd.f32 v1, v0;
	v1 =	vpop (erf)  }
0x165: {  	v3 =	vadd.f32 $1.000000000e+00, v3;
	v1 =	vmul.f32 v1, v1  }
0x166: {  	s1 =	simm.s32 $0x60;
	s0 =	simm.s32 $0x300  }
.LBB2_20:
0x167: {  	s23 =	sand.u32 $0x70, s1;
	s14 =	sand.u32 $0x3C00, s0;
	(erf) = vrcp.f32 v3;
	v0 =	vadd.f32 v1, v0;
	p0 =	sne.s32 s1, $0x4F0  }
.Ltmp9:
0x168: {  	s1 =	sadd.s32 $0x10, s1;
	s14 =	sor.u32 s23, s14;
	v5 =	vsub.f32 $0.0e+00, v2;
	(pc) =	sbr.rel @p0 .LBB2_20-.Ltmp9, $4  }
0x169: {  	v2 =	vld [tilespmem:s14+$0x100];
	v3 =	vpop (erf)  }
0x16a: {  	v4 =	vmul.f32 $1.442695020e+00, v5;
	v1 =	vpop (erf)  }
0x16b: {  	v3 =	vadd.f32 $1.000000000e+00, v3;
	v1 =	vmul.f32 v1, v1  }
0x16c: {  	s0 =	sadd.s32 $0x80, s0;
	(erf) = vpow2.f32 v4  }
0x16d: {  	_ = 	snop  }
0x16e: {  	v2 =	vsub.f32 $0.0e+00, v2;
	_ =	sdelay $0x1  }
0x16f: {  	v2 =	vmul.f32 $1.442695020e+00, v2  }
0x170: {  	(erf) = vrcp.f32 v3  }
0x171: {  	(erf) = vpow2.f32 v2;
	_ =	sdelay $0x3  }
0x172: {  	v2 =	vld [tilespmem:s30+$0x200]  }
0x173: {  	v3 =	vpop (erf)  }
0x174: {  	v4 =	vpop (erf)  }
0x175: {  	v5 =	vpop (erf)  }
0x176: {  	v3 =	vadd.f32 $1.000000000e+00, v3;
	v6 =	vpop (erf)  }
0x177: {  	v5 =	vadd.f32 $1.000000000e+00, v5;
	v2 =	vsub.f32 $0.0e+00, v2;
	v7 =	vpop (erf)  }
0x178: {  	(erf) = vrcp.f32 v3;
	v3 =	vadd.f32 $1.000000000e+00, v7  }
0x179: {  	(erf) = vrcp.f32 v5;
	v2 =	vmul.f32 $1.442695020e+00, v2  }
0x17a: {  	(erf) = vrcp.f32 v3;
	v3 =	vld [tilespmem:s25+$0x200]  }
0x17b: {  	(erf) = vpow2.f32 v2;
	v2 =	vld [tilespmem:s28+$0x200];
	_ =	sdelay $0x3  }
0x17c: {  	v3 =	vsub.f32 $0.0e+00, v3  }
0x17d: {  	v2 =	vsub.f32 $0.0e+00, v2  }
0x17e: {  	v3 =	vmul.f32 $1.442695020e+00, v3  }
0x17f: {  	v5 =	vpop (erf);
	v2 =	vmul.f32 $1.442695020e+00, v2  }
0x180: {  	v7 =	vpop (erf);
	(erf) = vpow2.f32 v3  }
0x181: {  	v0 =	vadd.f32 v1, v0;
	v1 =	vmul.f32 v4, v4;
	v8 =	vpop (erf);
	(erf) = vpow2.f32 v2;
	v2 =	vld [tilespmem:s26+$0x200]  }
0x182: {  	v3 =	vpop (erf)  }
0x183: {  	v0 =	vadd.f32 v1, v0;
	v1 =	vmul.f32 v6, v6;
	v9 =	vadd.f32 $1.000000000e+00, v3;
	_ =	sdelay $0x1  }
0x184: {  	v4 =	vld [tilespmem:s31+$0x200];
	v0 =	vadd.f32 v1, v0;
	v1 =	vmul.f32 v5, v5;
	(erf) = vrcp.f32 v9  }
0x185: {  	v2 =	vsub.f32 $0.0e+00, v2;
	_ =	sdelay $0x1  }
0x186: {  	v2 =	vmul.f32 $1.442695020e+00, v2  }
0x187: {  	v0 =	vadd.f32 v1, v0;
	v1 =	vpop (erf)  }
0x188: {  	v4 =	vsub.f32 $0.0e+00, v4;
	v6 =	vadd.f32 $1.000000000e+00, v1  }
0x189: {  	v5 =	vmul.f32 v7, v7;
	(erf) = vpow2.f32 v2  }
0x18a: {  	v7 =	vmul.f32 $1.442695020e+00, v4;
	v2 =	vpop (erf);
	(erf) = vrcp.f32 v6  }
0x18b: {  	v0 =	vadd.f32 v5, v0  }
0x18c: {  	v4 =	vld [tilespmem:s29+$0x200];
	v5 =	vmul.f32 v8, v8;
	v3 =	vsub.f32 $1.000000000e+00, v3;
	v6 =	vpop (erf);
	(erf) = vpow2.f32 v7;
	_ =	sdelay $0x1  }
0x18d: {  	v0 =	vadd.f32 v5, v0;
	v5 =	vadd.f32 $1.000000000e+00, v2;
	v3 =	vmul.f32 v6, v3  }
0x18e: {  	s1 =	simm.s32 $0x300;
	s25 =	simm.s32 $0x60  }
.LBB2_22:
0x18f: {  	s0 =	sand.u32 $0x70, s25;
	s14 =	sand.u32 $0x3C00, s1;
	(erf) = vrcp.f32 v5;
	v9 =	vmul.f32 v3, v3;
	p0 =	sne.s32 s25, $0x4F0  }
.Ltmp10:
0x190: {  	s25 =	sadd.s32 $0x10, s25;
	s0 =	sor.u32 s0, s14;
	v5 =	vsub.f32 $0.0e+00, v4;
	(pc) =	sbr.rel @p0 .LBB2_22-.Ltmp10, $4  }
0x191: {  	v6 =	vsub.f32 $1.000000000e+00, v1;
	v1 =	vmov v2;
	v4 =	vld [tilespmem:s0+$0x200];
	v7 =	vmul.f32 $2.500000000e-01, v9;
	v2 =	vpop (erf)  }
0x192: {  	v8 =	vmul.f32 $1.442695020e+00, v5;
	v3 =	vpop (erf)  }
0x193: {  	v5 =	vadd.f32 $1.000000000e+00, v2;
	v3 =	vmul.f32 v3, v6;
	v0 =	vadd.f32 v7, v0  }
0x194: {  	s1 =	sadd.s32 $0x80, s1;
	(erf) = vpow2.f32 v8  }
0x195: {  	_ = 	snop  }
0x196: {  	v4 =	vsub.f32 $0.0e+00, v4;
	_ =	sdelay $0x1  }
0x197: {  	v4 =	vmul.f32 $1.442695020e+00, v4  }
0x198: {  	(erf) = vrcp.f32 v5  }
0x199: {  	(erf) = vpow2.f32 v4  }
0x19a: {  	s25 =	simm.s32 $0x0  }
0x19b: {  	s0 =	sand.u32 $0x70, s25;
	s1 =	sand.u32 $0x3C00, s25  }
0x19c: {  	s28 =	sor.u32 s0, s1  }
0x19d: {  	v4 =	vld [tilespmem:s28+$0x280]  }
0x19e: {  	v5 =	vpop (erf)  }
0x19f: {  	v6 =	vpop (erf)  }
0x1a0: {  	v7 =	vpop (erf)  }
0x1a1: {  	s26 =	simm.s32 $0x10;
	v8 =	vadd.f32 $1.000000000e+00, v5;
	s1 =	simm.s32 $0x80;
	v9 =	vpop (erf)  }
0x1a2: {  	s14 =	sand.u32 $0x70, s26;
	s0 =	sand.u32 $0x3C00, s1;
	v10 =	vadd.f32 $1.000000000e+00, v7;
	v4 =	vsub.f32 $0.0e+00, v4;
	v11 =	vpop (erf)  }
0x1a3: {  	s23 =	simm.s32 $0x20;
	s0 =	sor.u32 s14, s0;
	s14 =	simm.s32 $0x100;
	(erf) = vrcp.f32 v8;
	v60 =	vadd.f32 $1.000000000e+00, v11  }
0x1a4: {  	s30 =	sand.u32 $0x70, s23;
	v61 =	vld [tilespmem:s0+$0x280];
	s31 =	sand.u32 $0x3C00, s14;
	(erf) = vrcp.f32 v10;
	v4 =	vmul.f32 $1.442695020e+00, v4  }
0x1a5: {  	s0 =	sor.u32 s30, s31;
	(erf) = vrcp.f32 v60  }
0x1a6: {  	v1 =	vsub.f32 $1.000000000e+00, v1;
	(erf) = vpow2.f32 v4;
	v4 =	vld [tilespmem:s0+$0x280]  }
0x1a7: {  	v3 =	vmul.f32 v3, v3  }
0x1a8: {  	v2 =	vsub.f32 $1.000000000e+00, v2;
	v1 =	vmul.f32 v6, v1  }
0x1a9: {  	v3 =	vmul.f32 $2.500000000e-01, v3;
	v8 =	vsub.f32 $0.0e+00, v61  }
0x1aa: {  	v1 =	vmul.f32 v1, v1;
	v2 =	vmul.f32 v9, v2  }
0x1ab: {  	v8 =	vmul.f32 $1.442695020e+00, v8;
	v4 =	vsub.f32 $0.0e+00, v4  }
0x1ac: {  	s23 =	simm.s32 $0x180;
	v0 =	vadd.f32 v3, v0;
	s14 =	simm.s32 $0x30;
	v1 =	vmul.f32 $2.500000000e-01, v1;
	v2 =	vmul.f32 v2, v2;
	v6 =	vpop (erf)  }
0x1ad: {  	s1 =	sand.u32 $0x3C00, s23;
	s0 =	sand.u32 $0x70, s14;
	(erf) = vpow2.f32 v8;
	v10 =	vpop (erf);
	v4 =	vmul.f32 $1.442695020e+00, v4  }
0x1ae: {  	v5 =	vsub.f32 $1.000000000e+00, v5;
	v0 =	vadd.f32 v1, v0;
	s0 =	sor.u32 s0, s1;
	v62 =	vpop (erf)  }
0x1af: {  	s30 =	simm.s32 $0x40;
	s31 =	simm.s32 $0x200;
	v2 =	vmul.f32 $2.500000000e-01, v2;
	v63 =	vld [tilespmem:s0+$0x280];
	v3 =	vpop (erf);
	(erf) = vpow2.f32 v4;
	v4 =	vsub.f32 $1.000000000e+00, v7  }
0x1b0: {  	s23 =	sand.u32 $0x3C00, s31;
	v5 =	vmul.f32 v6, v5;
	s1 =	sand.u32 $0x70, s30;
	v6 =	vadd.f32 $1.000000000e+00, v3  }
0x1b1: {  	v0 =	vadd.f32 v2, v0;
	s0 =	sor.u32 s1, s23;
	v4 =	vmul.f32 v10, v4  }
0x1b2: {  	v1 =	vmul.f32 v5, v5;
	v5 =	vsub.f32 $1.000000000e+00, v11;
	(erf) = vrcp.f32 v6;
	v6 =	vld [tilespmem:s0+$0x280]  }
0x1b3: {  	v2 =	vmul.f32 v4, v4  }
0x1b4: {  	v1 =	vmul.f32 $2.500000000e-01, v1;
	v4 =	vmul.f32 v62, v5;
	v5 =	vsub.f32 $0.0e+00, v63  }
0x1b5: {  	v2 =	vmul.f32 $2.500000000e-01, v2  }
0x1b6: {  	v1 =	vadd.f32 v1, v0;
	v0 =	vpop (erf);
	v4 =	vmul.f32 v4, v4;
	v5 =	vmul.f32 $1.442695020e+00, v5  }
0x1b7: {  	v7 =	vadd.f32 $1.000000000e+00, v0;
	v6 =	vsub.f32 $0.0e+00, v6  }
0x1b8: {  	s31 =	simm.s32 $0x280;
	s30 =	simm.s32 $0x50;
	v4 =	vmul.f32 $2.500000000e-01, v4;
	(erf) = vpow2.f32 v5  }
0x1b9: {  	s1 =	sand.u32 $0x3C00, s31;
	s0 =	sand.u32 $0x70, s30;
	v1 =	vadd.f32 v2, v1;
	v2 =	vpop (erf);
	v6 =	vmul.f32 $1.442695020e+00, v6;
	(erf) = vrcp.f32 v7  }
0x1ba: {  	s0 =	sor.u32 s0, s1  }
0x1bb: {  	v3 =	vsub.f32 $1.000000000e+00, v3;
	v1 =	vadd.f32 v4, v1;
	v4 =	vld [tilespmem:s0+$0x280];
	v7 =	vpop (erf);
	(erf) = vpow2.f32 v6;
	_ =	sdelay $0x1  }
0x1bc: {  	v5 =	vadd.f32 $1.000000000e+00, v2;
	v3 =	vmul.f32 v7, v3  }
0x1bd: {  	s29 =	simm.s32 $0x60;
	s1 =	simm.s32 $0x300  }
.LBB2_24:
0x1be: {  	s0 =	sand.u32 $0x70, s29;
	s14 =	sand.u32 $0x3C00, s1;
	(erf) = vrcp.f32 v5;
	v9 =	vmul.f32 v3, v3;
	p0 =	sne.s32 s29, $0x4F0  }
.Ltmp11:
0x1bf: {  	s29 =	sadd.s32 $0x10, s29;
	s0 =	sor.u32 s0, s14;
	v5 =	vsub.f32 $0.0e+00, v4;
	(pc) =	sbr.rel @p0 .LBB2_24-.Ltmp11, $4  }
0x1c0: {  	v6 =	vsub.f32 $1.000000000e+00, v0;
	v0 =	vmov v2;
	v4 =	vld [tilespmem:s0+$0x280];
	v7 =	vmul.f32 $2.500000000e-01, v9;
	v2 =	vpop (erf)  }
0x1c1: {  	v8 =	vmul.f32 $1.442695020e+00, v5;
	v3 =	vpop (erf)  }
0x1c2: {  	v5 =	vadd.f32 $1.000000000e+00, v2;
	v3 =	vmul.f32 v3, v6;
	v1 =	vadd.f32 v7, v1  }
0x1c3: {  	s1 =	sadd.s32 $0x80, s1;
	(erf) = vpow2.f32 v8  }
0x1c4: {  	_ = 	snop  }
0x1c5: {  	v4 =	vsub.f32 $0.0e+00, v4;
	_ =	sdelay $0x1  }
0x1c6: {  	v4 =	vmul.f32 $1.442695020e+00, v4  }
0x1c7: {  	(erf) = vrcp.f32 v5  }
0x1c8: {  	(erf) = vpow2.f32 v4;
	_ =	sdelay $0x1  }
0x1c9: {  	v56 =	vpop (erf)  }
0x1ca: {  	v57 =	vadd.f32 $1.000000000e+00, v56;
	_ =	sdelay $0x1  }
0x1cb: {  	(erf) = vrcp.f32 v57  }
0x1cc: {  	v6 =	vpop (erf)  }
0x1cd: {  	v58 =	vpop (erf)  }
0x1ce: {  	v7 =	vpop (erf);
	v8 =	vadd.f32 $1.000000000e+00, v58  }
0x1cf: {  	v9 =	vpop (erf)  }
0x1d0: {  	(erf) = vrcp.f32 v8;
	v59 =	vadd.f32 $1.000000000e+00, v9  }
0x1d1: {  	v0 =	vsub.f32 $1.000000000e+00, v0;
	v3 =	vmul.f32 v3, v3  }
0x1d2: {  	(erf) = vrcp.f32 v59  }
0x1d3: {  	v3 =	vmul.f32 $2.500000000e-01, v3;
	v0 =	vmul.f32 v6, v0;
	v4 =	vsub.f32 $1.000000000e+00, v56  }
0x1d4: {  	v2 =	vsub.f32 $1.000000000e+00, v2;
	v60 =	vpop (erf)  }
0x1d5: {  	v1 =	vadd.f32 v3, v1;
	v0 =	vmul.f32 v0, v0;
	v3 =	vmul.f32 v60, v4  }
0x1d6: {  	v2 =	vmul.f32 v7, v2  }
0x1d7: {  	v0 =	vmul.f32 $2.500000000e-01, v0  }
0x1d8: {  	v61 =	vsub.f32 $1.000000000e+00, v58;
	v2 =	vmul.f32 v2, v2  }
0x1d9: {  	v0 =	vadd.f32 v0, v1;
	v1 =	vmul.f32 v3, v3;
	v3 =	vpop (erf)  }
0x1da: {  	v2 =	vmul.f32 $2.500000000e-01, v2;
	v62 =	vsub.f32 $1.000000000e+00, v9;
	v3 =	vmul.f32 v3, v61  }
0x1db: {  	v1 =	vmul.f32 $2.500000000e-01, v1;
	v63 =	vpop (erf)  }
0x1dc: {  	v0 =	vadd.f32 v2, v0;
	v2 =	vmul.f32 v3, v3;
	v3 =	vmul.f32 v63, v62;
	_ =	sdelay $0x1  }
0x1dd: {  	v0 =	vadd.f32 v1, v0;
	v1 =	vmul.f32 $2.500000000e-01, v2;
	v2 =	vmul.f32 v3, v3;
	_ =	sdelay $0x1  }
0x1de: {  	v0 =	vadd.f32 v1, v0;
	v1 =	vmul.f32 $2.500000000e-01, v2;
	_ =	sdelay $0x1  }
0x1df: {  	v0 =	vadd.f32 v1, v0;
	v1 =	vld [tilespmem:s28+$0x300]  }
.LBB2_26:
0x1e0: {  	p0 =	sne.s32 s26, $0x4F0  }
.Ltmp12:
0x1e1: {  	s0 =	sand.u32 $0x70, s26;
	s25 =	sadd.s32 $0x80, s25;
	(pc) =	sbr.rel @p0 .LBB2_26-.Ltmp12, $4  }
0x1e2: {  	s26 =	sadd.s32 $0x10, s26;
	s1 =	sand.u32 $0x3C00, s25  }
0x1e3: {  	s0 =	sor.u32 s0, s1;
	v2 =	vmul.f32 v1, v1  }
0x1e4: {  	v1 =	vld [tilespmem:s0+$0x300]  }
0x1e5: {  	v0 =	vadd.f32 v2, v0  }
0x1e6: {  	s0 =	simm.s32 $0x0  }
0x1e7: {  	s1 =	sand.u32 $0x7, s0  }
0x1e8: {  	s1 =	sshll.u32 s1, $0x4  }
0x1e9: {  	v1 =	vmul.f32 v1, v1;
	s1 =	sadd.s32 $0x0, s1  }
0x1ea: {  	s14 =	sor.u32 $0x380, s1  }
0x1eb: {  	v0 =	vadd.f32 v1, v0;
	v1 =	vld [tilespmem:s14+$0x0]  }
0x1ec: {  	s25 =	simm.s32 $0x1;
	s1 =	simm.s32 $0x10  }
.LBB2_28:
0x1ed: {  	s14 =	sand.u32 $0x7, s25;
	p0 =	sne.s32 s1, $0x4F0;
	s1 =	sadd.s32 $0x10, s1  }
.Ltmp13:
0x1ee: {  	s0 =	sadd.s32 $0x80, s0;
	s14 =	sshll.u32 s14, $0x4;
	(pc) =	sbr.rel @p0 .LBB2_28-.Ltmp13, $4  }
0x1ef: {  	s14 =	sadd.s32 s14, s0  }
0x1f0: {  	s14 =	sor.u32 $0x380, s14;
	v2 =	vmul.f32 v1, v1  }
0x1f1: {  	v1 =	vld [tilespmem:s14+$0x0]  }
0x1f2: {  	s25 =	sadd.s32 $0x1, s25;
	v0 =	vadd.f32 v2, v0  }
0x1f3: {  	s0 =	simm.s32 $0x0  }
0x1f4: {  	[tilespmem:s0], [sflag:$0x1] =	stream.linear.gather [hbm4b:s5+s0], $0x2800, $0x38;
	[tilespmem:$0x2880] =	vst v63  }
0x1f5: {  	_ =	swait.ge [sflag:s13], $0x2800  }
0x1f6: {  	s1 =	sand.u32 $0x70, s0;
	s0 =	sand.u32 $0x3C00, s0;
	[sflag:s13] =	ssyncset.done $0x0  }
0x1f7: {  	s30 =	sor.u32 s1, s0;
	[sflag:s13] =	ssyncadd.s32 $0xFFFFD800  }
0x1f8: {  	v2 =	vld [tilespmem:s30+$0x0];
	_ =	sdelay $0x2  }
0x1f9: {  	s25 =	simm.s32 $0x10;
	s26 =	simm.s32 $0x80  }
0x1fa: {  	s0 =	sand.u32 $0x70, s25;
	s1 =	sand.u32 $0x3C00, s26  }
0x1fb: {  	s25 =	sor.u32 s0, s1;
	v2 =	vsub.f32 $0.0e+00, v2  }
0x1fc: {  	v3 =	vld [tilespmem:s25+$0x0]  }
0x1fd: {  	v2 =	vmul.f32 $1.442695020e+00, v2  }
0x1fe: {  	s14 =	simm.s32 $0x100;
	s1 =	simm.s32 $0x20  }
0x1ff: {  	s0 =	sand.u32 $0x70, s1;
	s1 =	sand.u32 $0x3C00, s14;
	(erf) = vpow2.f32 v2  }
0x200: {  	s28 =	sor.u32 s0, s1  }
0x201: {  	v3 =	vsub.f32 $0.0e+00, v3;
	v2 =	vld [tilespmem:s28+$0x0];
	_ =	sdelay $0x1  }
0x202: {  	v3 =	vmul.f32 $1.442695020e+00, v3  }
0x203: {  	s23 =	simm.s32 $0x30;
	s26 =	simm.s32 $0x180  }
0x204: {  	s0 =	sand.u32 $0x70, s23;
	s1 =	sand.u32 $0x3C00, s26;
	(erf) = vpow2.f32 v3  }
0x205: {  	s26 =	sor.u32 s0, s1;
	v2 =	vsub.f32 $0.0e+00, v2  }
0x206: {  	s14 =	simm.s32 $0x40;
	s23 =	simm.s32 $0x200;
	v4 =	vld [tilespmem:s26+$0x0]  }
0x207: {  	s0 =	sand.u32 $0x70, s14;
	s1 =	sand.u32 $0x3C00, s23;
	v2 =	vmul.f32 $1.442695020e+00, v2;
	v3 =	vpop (erf)  }
0x208: {  	s31 =	sor.u32 s0, s1;
	v3 =	vadd.f32 $1.000000000e+00, v3  }
0x209: {  	(erf) = vpow2.f32 v2;
	v2 =	vld [tilespmem:s31+$0x0]  }
0x20a: {  	(erf) = vrcp.f32 v3  }
0x20b: {  	v3 =	vsub.f32 $0.0e+00, v4;
	_ =	sdelay $0x1  }
0x20c: {  	v4 =	vpop (erf);
	v3 =	vmul.f32 $1.442695020e+00, v3  }
0x20d: {  	v4 =	vadd.f32 $1.000000000e+00, v4;
	v2 =	vsub.f32 $0.0e+00, v2  }
0x20e: {  	v1 =	vmul.f32 v1, v1;
	s14 =	simm.s32 $0x50;
	s23 =	simm.s32 $0x280;
	(erf) = vpow2.f32 v3  }
0x20f: {  	s0 =	sand.u32 $0x70, s14;
	s1 =	sand.u32 $0x3C00, s23;
	v5 =	vmul.f32 $1.442695020e+00, v2;
	(erf) = vrcp.f32 v4  }
0x210: {  	s29 =	sor.u32 s0, s1  }
0x211: {  	v2 =	vld [tilespmem:s29+$0x0];
	v3 =	vpop (erf);
	(erf) = vpow2.f32 v5  }
0x212: {  	v0 =	vadd.f32 v1, v0;
	v1 =	vpop (erf)  }
0x213: {  	v3 =	vadd.f32 $1.000000000e+00, v3;
	v1 =	vmul.f32 v1, v1  }
0x214: {  	s1 =	simm.s32 $0x60;
	s0 =	simm.s32 $0x300  }
.LBB2_30:
0x215: {  	s14 =	sand.u32 $0x70, s1;
	s23 =	sand.u32 $0x3C00, s0;
	(erf) = vrcp.f32 v3;
	v0 =	vadd.f32 v1, v0;
	p0 =	sne.s32 s1, $0x4F0  }
.Ltmp14:
0x216: {  	s1 =	sadd.s32 $0x10, s1;
	s14 =	sor.u32 s14, s23;
	v5 =	vsub.f32 $0.0e+00, v2;
	(pc) =	sbr.rel @p0 .LBB2_30-.Ltmp14, $4  }
0x217: {  	v2 =	vld [tilespmem:s14+$0x0];
	v3 =	vpop (erf)  }
0x218: {  	v4 =	vmul.f32 $1.442695020e+00, v5;
	v1 =	vpop (erf)  }
0x219: {  	v3 =	vadd.f32 $1.000000000e+00, v3;
	v1 =	vmul.f32 v1, v1  }
0x21a: {  	s0 =	sadd.s32 $0x80, s0;
	(erf) = vpow2.f32 v4  }
0x21b: {  	_ = 	snop  }
0x21c: {  	v2 =	vsub.f32 $0.0e+00, v2;
	_ =	sdelay $0x1  }
0x21d: {  	v2 =	vmul.f32 $1.442695020e+00, v2  }
0x21e: {  	(erf) = vrcp.f32 v3  }
0x21f: {  	(erf) = vpow2.f32 v2;
	_ =	sdelay $0x3  }
0x220: {  	v2 =	vld [tilespmem:s30+$0x100]  }
0x221: {  	v3 =	vpop (erf)  }
0x222: {  	v4 =	vpop (erf)  }
0x223: {  	v5 =	vpop (erf)  }
0x224: {  	v3 =	vadd.f32 $1.000000000e+00, v3;
	v6 =	vpop (erf)  }
0x225: {  	v5 =	vadd.f32 $1.000000000e+00, v5;
	v2 =	vsub.f32 $0.0e+00, v2;
	v7 =	vpop (erf)  }
0x226: {  	(erf) = vrcp.f32 v3;
	v3 =	vadd.f32 $1.000000000e+00, v7  }
0x227: {  	(erf) = vrcp.f32 v5;
	v2 =	vmul.f32 $1.442695020e+00, v2  }
0x228: {  	(erf) = vrcp.f32 v3;
	v3 =	vld [tilespmem:s25+$0x100]  }
0x229: {  	(erf) = vpow2.f32 v2;
	v2 =	vld [tilespmem:s28+$0x100];
	_ =	sdelay $0x3  }
0x22a: {  	v3 =	vsub.f32 $0.0e+00, v3  }
0x22b: {  	v2 =	vsub.f32 $0.0e+00, v2  }
0x22c: {  	v3 =	vmul.f32 $1.442695020e+00, v3  }
0x22d: {  	v5 =	vpop (erf);
	v2 =	vmul.f32 $1.442695020e+00, v2  }
0x22e: {  	v7 =	vpop (erf);
	(erf) = vpow2.f32 v3  }
0x22f: {  	v0 =	vadd.f32 v1, v0;
	v1 =	vmul.f32 v4, v4;
	v8 =	vpop (erf);
	(erf) = vpow2.f32 v2;
	v2 =	vld [tilespmem:s26+$0x100]  }
0x230: {  	v3 =	vpop (erf)  }
0x231: {  	v0 =	vadd.f32 v1, v0;
	v1 =	vmul.f32 v6, v6;
	v9 =	vadd.f32 $1.000000000e+00, v3;
	_ =	sdelay $0x1  }
0x232: {  	v4 =	vld [tilespmem:s31+$0x100];
	v0 =	vadd.f32 v1, v0;
	v1 =	vmul.f32 v5, v5;
	(erf) = vrcp.f32 v9  }
0x233: {  	v2 =	vsub.f32 $0.0e+00, v2;
	_ =	sdelay $0x1  }
0x234: {  	v2 =	vmul.f32 $1.442695020e+00, v2  }
0x235: {  	v0 =	vadd.f32 v1, v0;
	v1 =	vpop (erf)  }
0x236: {  	v4 =	vsub.f32 $0.0e+00, v4;
	v6 =	vadd.f32 $1.000000000e+00, v1  }
0x237: {  	v5 =	vmul.f32 v7, v7;
	(erf) = vpow2.f32 v2  }
0x238: {  	v7 =	vmul.f32 $1.442695020e+00, v4;
	v2 =	vpop (erf);
	(erf) = vrcp.f32 v6  }
0x239: {  	v0 =	vadd.f32 v5, v0  }
0x23a: {  	v4 =	vld [tilespmem:s29+$0x100];
	v5 =	vmul.f32 v8, v8;
	v3 =	vsub.f32 $1.000000000e+00, v3;
	v6 =	vpop (erf);
	(erf) = vpow2.f32 v7;
	_ =	sdelay $0x1  }
0x23b: {  	v0 =	vadd.f32 v5, v0;
	v5 =	vadd.f32 $1.000000000e+00, v2;
	v3 =	vmul.f32 v6, v3  }
0x23c: {  	s1 =	simm.s32 $0x300;
	s25 =	simm.s32 $0x60  }
.LBB2_32:
0x23d: {  	s0 =	sand.u32 $0x70, s25;
	s14 =	sand.u32 $0x3C00, s1;
	(erf) = vrcp.f32 v5;
	v9 =	vmul.f32 v3, v3;
	p0 =	sne.s32 s25, $0x4F0  }
.Ltmp15:
0x23e: {  	s25 =	sadd.s32 $0x10, s25;
	s0 =	sor.u32 s0, s14;
	v5 =	vsub.f32 $0.0e+00, v4;
	(pc) =	sbr.rel @p0 .LBB2_32-.Ltmp15, $4  }
0x23f: {  	v6 =	vsub.f32 $1.000000000e+00, v1;
	v1 =	vmov v2;
	v4 =	vld [tilespmem:s0+$0x100];
	v7 =	vmul.f32 $2.500000000e-01, v9;
	v2 =	vpop (erf)  }
0x240: {  	v8 =	vmul.f32 $1.442695020e+00, v5;
	v3 =	vpop (erf)  }
0x241: {  	v5 =	vadd.f32 $1.000000000e+00, v2;
	v3 =	vmul.f32 v3, v6;
	v0 =	vadd.f32 v7, v0  }
0x242: {  	s1 =	sadd.s32 $0x80, s1;
	(erf) = vpow2.f32 v8  }
0x243: {  	_ = 	snop  }
0x244: {  	v4 =	vsub.f32 $0.0e+00, v4;
	_ =	sdelay $0x1  }
0x245: {  	v4 =	vmul.f32 $1.442695020e+00, v4  }
0x246: {  	(erf) = vrcp.f32 v5  }
0x247: {  	(erf) = vpow2.f32 v4  }
0x248: {  	s25 =	simm.s32 $0x0  }
0x249: {  	s0 =	sand.u32 $0x70, s25;
	s1 =	sand.u32 $0x3C00, s25  }
0x24a: {  	s28 =	sor.u32 s0, s1  }
0x24b: {  	v4 =	vld [tilespmem:s28+$0x180]  }
0x24c: {  	v5 =	vpop (erf)  }
0x24d: {  	v6 =	vpop (erf)  }
0x24e: {  	v7 =	vpop (erf)  }
0x24f: {  	s26 =	simm.s32 $0x10;
	v8 =	vadd.f32 $1.000000000e+00, v5;
	s1 =	simm.s32 $0x80;
	v9 =	vpop (erf)  }
0x250: {  	s14 =	sand.u32 $0x70, s26;
	s0 =	sand.u32 $0x3C00, s1;
	v10 =	vadd.f32 $1.000000000e+00, v7;
	v4 =	vsub.f32 $0.0e+00, v4;
	v11 =	vpop (erf)  }
0x251: {  	s23 =	simm.s32 $0x20;
	s0 =	sor.u32 s14, s0;
	s14 =	simm.s32 $0x100;
	(erf) = vrcp.f32 v8;
	v60 =	vadd.f32 $1.000000000e+00, v11  }
0x252: {  	s30 =	sand.u32 $0x70, s23;
	v61 =	vld [tilespmem:s0+$0x180];
	s31 =	sand.u32 $0x3C00, s14;
	(erf) = vrcp.f32 v10;
	v4 =	vmul.f32 $1.442695020e+00, v4  }
0x253: {  	s0 =	sor.u32 s30, s31;
	(erf) = vrcp.f32 v60  }
0x254: {  	v1 =	vsub.f32 $1.000000000e+00, v1;
	(erf) = vpow2.f32 v4;
	v4 =	vld [tilespmem:s0+$0x180]  }
0x255: {  	v3 =	vmul.f32 v3, v3  }
0x256: {  	v2 =	vsub.f32 $1.000000000e+00, v2;
	v1 =	vmul.f32 v6, v1  }
0x257: {  	v3 =	vmul.f32 $2.500000000e-01, v3;
	v8 =	vsub.f32 $0.0e+00, v61  }
0x258: {  	v1 =	vmul.f32 v1, v1;
	v2 =	vmul.f32 v9, v2  }
0x259: {  	v8 =	vmul.f32 $1.442695020e+00, v8;
	v4 =	vsub.f32 $0.0e+00, v4  }
0x25a: {  	s23 =	simm.s32 $0x180;
	v0 =	vadd.f32 v3, v0;
	s14 =	simm.s32 $0x30;
	v1 =	vmul.f32 $2.500000000e-01, v1;
	v2 =	vmul.f32 v2, v2;
	v6 =	vpop (erf)  }
0x25b: {  	s1 =	sand.u32 $0x3C00, s23;
	s0 =	sand.u32 $0x70, s14;
	(erf) = vpow2.f32 v8;
	v10 =	vpop (erf);
	v4 =	vmul.f32 $1.442695020e+00, v4  }
0x25c: {  	v5 =	vsub.f32 $1.000000000e+00, v5;
	v0 =	vadd.f32 v1, v0;
	s0 =	sor.u32 s0, s1;
	v62 =	vpop (erf)  }
0x25d: {  	s30 =	simm.s32 $0x40;
	s31 =	simm.s32 $0x200;
	v2 =	vmul.f32 $2.500000000e-01, v2;
	v63 =	vld [tilespmem:s0+$0x180];
	v3 =	vpop (erf);
	(erf) = vpow2.f32 v4;
	v4 =	vsub.f32 $1.000000000e+00, v7  }
0x25e: {  	s23 =	sand.u32 $0x3C00, s31;
	v5 =	vmul.f32 v6, v5;
	s1 =	sand.u32 $0x70, s30;
	v6 =	vadd.f32 $1.000000000e+00, v3  }
0x25f: {  	v0 =	vadd.f32 v2, v0;
	s0 =	sor.u32 s1, s23;
	v4 =	vmul.f32 v10, v4  }
0x260: {  	v1 =	vmul.f32 v5, v5;
	v5 =	vsub.f32 $1.000000000e+00, v11;
	(erf) = vrcp.f32 v6;
	v6 =	vld [tilespmem:s0+$0x180]  }
0x261: {  	v2 =	vmul.f32 v4, v4  }
0x262: {  	v1 =	vmul.f32 $2.500000000e-01, v1;
	v4 =	vmul.f32 v62, v5;
	v5 =	vsub.f32 $0.0e+00, v63  }
0x263: {  	v2 =	vmul.f32 $2.500000000e-01, v2  }
0x264: {  	v1 =	vadd.f32 v1, v0;
	v0 =	vpop (erf);
	v4 =	vmul.f32 v4, v4;
	v5 =	vmul.f32 $1.442695020e+00, v5  }
0x265: {  	v7 =	vadd.f32 $1.000000000e+00, v0;
	v6 =	vsub.f32 $0.0e+00, v6  }
0x266: {  	s31 =	simm.s32 $0x280;
	s30 =	simm.s32 $0x50;
	v4 =	vmul.f32 $2.500000000e-01, v4;
	(erf) = vpow2.f32 v5  }
0x267: {  	s1 =	sand.u32 $0x3C00, s31;
	s0 =	sand.u32 $0x70, s30;
	v1 =	vadd.f32 v2, v1;
	v2 =	vpop (erf);
	v6 =	vmul.f32 $1.442695020e+00, v6;
	(erf) = vrcp.f32 v7  }
0x268: {  	s0 =	sor.u32 s0, s1  }
0x269: {  	v3 =	vsub.f32 $1.000000000e+00, v3;
	v1 =	vadd.f32 v4, v1;
	v4 =	vld [tilespmem:s0+$0x180];
	v7 =	vpop (erf);
	(erf) = vpow2.f32 v6;
	_ =	sdelay $0x1  }
0x26a: {  	v5 =	vadd.f32 $1.000000000e+00, v2;
	v3 =	vmul.f32 v7, v3  }
0x26b: {  	s29 =	simm.s32 $0x60;
	s1 =	simm.s32 $0x300  }
.LBB2_34:
0x26c: {  	s0 =	sand.u32 $0x70, s29;
	s14 =	sand.u32 $0x3C00, s1;
	(erf) = vrcp.f32 v5;
	v9 =	vmul.f32 v3, v3;
	p0 =	sne.s32 s29, $0x4F0  }
.Ltmp16:
0x26d: {  	s29 =	sadd.s32 $0x10, s29;
	s0 =	sor.u32 s0, s14;
	v5 =	vsub.f32 $0.0e+00, v4;
	(pc) =	sbr.rel @p0 .LBB2_34-.Ltmp16, $4  }
0x26e: {  	v6 =	vsub.f32 $1.000000000e+00, v0;
	v0 =	vmov v2;
	v4 =	vld [tilespmem:s0+$0x180];
	v7 =	vmul.f32 $2.500000000e-01, v9;
	v2 =	vpop (erf)  }
0x26f: {  	v8 =	vmul.f32 $1.442695020e+00, v5;
	v3 =	vpop (erf)  }
0x270: {  	v5 =	vadd.f32 $1.000000000e+00, v2;
	v3 =	vmul.f32 v3, v6;
	v1 =	vadd.f32 v7, v1  }
0x271: {  	s1 =	sadd.s32 $0x80, s1;
	(erf) = vpow2.f32 v8  }
0x272: {  	_ = 	snop  }
0x273: {  	v4 =	vsub.f32 $0.0e+00, v4;
	_ =	sdelay $0x1  }
0x274: {  	v4 =	vmul.f32 $1.442695020e+00, v4  }
0x275: {  	(erf) = vrcp.f32 v5  }
0x276: {  	(erf) = vpow2.f32 v4;
	_ =	sdelay $0x1  }
0x277: {  	v56 =	vpop (erf)  }
0x278: {  	v57 =	vadd.f32 $1.000000000e+00, v56;
	_ =	sdelay $0x1  }
0x279: {  	(erf) = vrcp.f32 v57  }
0x27a: {  	v6 =	vpop (erf)  }
0x27b: {  	v58 =	vpop (erf)  }
0x27c: {  	v7 =	vpop (erf);
	v8 =	vadd.f32 $1.000000000e+00, v58  }
0x27d: {  	v9 =	vpop (erf)  }
0x27e: {  	(erf) = vrcp.f32 v8;
	v59 =	vadd.f32 $1.000000000e+00, v9  }
0x27f: {  	v0 =	vsub.f32 $1.000000000e+00, v0;
	v3 =	vmul.f32 v3, v3  }
0x280: {  	(erf) = vrcp.f32 v59  }
0x281: {  	v3 =	vmul.f32 $2.500000000e-01, v3;
	v0 =	vmul.f32 v6, v0;
	v4 =	vsub.f32 $1.000000000e+00, v56  }
0x282: {  	v2 =	vsub.f32 $1.000000000e+00, v2;
	v60 =	vpop (erf)  }
0x283: {  	v1 =	vadd.f32 v3, v1;
	v0 =	vmul.f32 v0, v0;
	v3 =	vmul.f32 v60, v4  }
0x284: {  	v2 =	vmul.f32 v7, v2  }
0x285: {  	v0 =	vmul.f32 $2.500000000e-01, v0  }
0x286: {  	v61 =	vsub.f32 $1.000000000e+00, v58;
	v2 =	vmul.f32 v2, v2  }
0x287: {  	v0 =	vadd.f32 v0, v1;
	v1 =	vmul.f32 v3, v3;
	v3 =	vpop (erf)  }
0x288: {  	v2 =	vmul.f32 $2.500000000e-01, v2;
	v62 =	vsub.f32 $1.000000000e+00, v9;
	v3 =	vmul.f32 v3, v61  }
0x289: {  	v1 =	vmul.f32 $2.500000000e-01, v1;
	v63 =	vpop (erf)  }
0x28a: {  	v0 =	vadd.f32 v2, v0;
	v2 =	vmul.f32 v3, v3;
	v3 =	vmul.f32 v63, v62;
	_ =	sdelay $0x1  }
0x28b: {  	v0 =	vadd.f32 v1, v0;
	v1 =	vmul.f32 $2.500000000e-01, v2;
	v2 =	vmul.f32 v3, v3;
	_ =	sdelay $0x1  }
0x28c: {  	v0 =	vadd.f32 v1, v0;
	v1 =	vmul.f32 $2.500000000e-01, v2;
	_ =	sdelay $0x1  }
0x28d: {  	v0 =	vadd.f32 v1, v0;
	v1 =	vld [tilespmem:s28+$0x200]  }
.LBB2_36:
0x28e: {  	p0 =	sne.s32 s26, $0x4F0  }
.Ltmp17:
0x28f: {  	s0 =	sand.u32 $0x70, s26;
	s25 =	sadd.s32 $0x80, s25;
	(pc) =	sbr.rel @p0 .LBB2_36-.Ltmp17, $4  }
0x290: {  	s26 =	sadd.s32 $0x10, s26;
	s1 =	sand.u32 $0x3C00, s25  }
0x291: {  	s0 =	sor.u32 s0, s1;
	v2 =	vmul.f32 v1, v1  }
0x292: {  	v1 =	vld [tilespmem:s0+$0x200]  }
0x293: {  	v0 =	vadd.f32 v2, v0  }
0x294: {  	_ =	sdelay $0x1  }
0x295: {  	s0 =	simm.s32 $0x0  }
0x296: {  	s1 =	sand.u32 $0x70, s0;
	s14 =	sand.u32 $0x3C00, s0;
	v1 =	vmul.f32 v1, v1  }
0x297: {  	s1 =	sor.u32 s1, s14  }
0x298: {  	v0 =	vadd.f32 v1, v0;
	v1 =	vld [tilespmem:s1+$0x280]  }
0x299: {  	s25 =	simm.s32 $0x10  }
.LBB2_38:
0x29a: {  	p0 =	sne.s32 s25, $0x4F0  }
.Ltmp18:
0x29b: {  	s14 =	sand.u32 $0x70, s25;
	s0 =	sadd.s32 $0x80, s0;
	(pc) =	sbr.rel @p0 .LBB2_38-.Ltmp18, $4  }
0x29c: {  	s25 =	sadd.s32 $0x10, s25;
	s23 =	sand.u32 $0x3C00, s0  }
0x29d: {  	s14 =	sor.u32 s14, s23;
	v2 =	vmul.f32 v1, v1  }
0x29e: {  	v1 =	vld [tilespmem:s14+$0x280]  }
0x29f: {  	v0 =	vadd.f32 v2, v0  }
0x2a0: {  	v2 =	vld [tilespmem:s1+$0x300];
	_ =	sdelay $0x2  }
0x2a1: {  	s0 =	simm.s32 $0x10;
	s28 =	simm.s32 $0x80  }
0x2a2: {  	s0 =	sand.u32 $0x70, s0;
	s1 =	sand.u32 $0x3C00, s28  }
0x2a3: {  	s0 =	sor.u32 s0, s1;
	v2 =	vsub.f32 $0.0e+00, v2  }
0x2a4: {  	v3 =	vld [tilespmem:s0+$0x300]  }
0x2a5: {  	v2 =	vmul.f32 $1.442695020e+00, v2  }
0x2a6: {  	s29 =	simm.s32 $0x20;
	s14 =	simm.s32 $0x100  }
0x2a7: {  	s30 =	sand.u32 $0x70, s29;
	s31 =	sand.u32 $0x3C00, s14;
	(erf) = vpow2.f32 v2  }
0x2a8: {  	s0 =	sor.u32 s30, s31  }
0x2a9: {  	v3 =	vsub.f32 $0.0e+00, v3;
	v2 =	vld [tilespmem:s0+$0x300];
	_ =	sdelay $0x1  }
0x2aa: {  	v3 =	vmul.f32 $1.442695020e+00, v3  }
0x2ab: {  	s23 =	simm.s32 $0x180;
	s14 =	simm.s32 $0x30  }
0x2ac: {  	s1 =	sand.u32 $0x3C00, s23;
	s0 =	sand.u32 $0x70, s14;
	(erf) = vpow2.f32 v3  }
0x2ad: {  	s0 =	sor.u32 s0, s1;
	v2 =	vsub.f32 $0.0e+00, v2  }
0x2ae: {  	s25 =	simm.s32 $0x40;
	s26 =	simm.s32 $0x200;
	v4 =	vld [tilespmem:s0+$0x300]  }
0x2af: {  	s28 =	sand.u32 $0x70, s25;
	s29 =	sand.u32 $0x3C00, s26;
	v2 =	vmul.f32 $1.442695020e+00, v2;
	v3 =	vpop (erf)  }
0x2b0: {  	s0 =	sor.u32 s28, s29;
	v3 =	vadd.f32 $1.000000000e+00, v3  }
0x2b1: {  	(erf) = vpow2.f32 v2;
	v2 =	vld [tilespmem:s0+$0x300]  }
0x2b2: {  	(erf) = vrcp.f32 v3  }
0x2b3: {  	v3 =	vsub.f32 $0.0e+00, v4;
	_ =	sdelay $0x1  }
0x2b4: {  	v4 =	vpop (erf);
	v3 =	vmul.f32 $1.442695020e+00, v3  }
0x2b5: {  	v4 =	vadd.f32 $1.000000000e+00, v4;
	v2 =	vsub.f32 $0.0e+00, v2  }
0x2b6: {  	v1 =	vmul.f32 v1, v1;
	s30 =	simm.s32 $0x50;
	s31 =	simm.s32 $0x280;
	(erf) = vpow2.f32 v3  }
0x2b7: {  	s1 =	sand.u32 $0x3C00, s31;
	s0 =	sand.u32 $0x70, s30;
	v5 =	vmul.f32 $1.442695020e+00, v2;
	(erf) = vrcp.f32 v4  }
0x2b8: {  	s0 =	sor.u32 s0, s1  }
0x2b9: {  	v2 =	vld [tilespmem:s0+$0x300];
	v3 =	vpop (erf);
	(erf) = vpow2.f32 v5  }
0x2ba: {  	v0 =	vadd.f32 v1, v0;
	v1 =	vpop (erf)  }
0x2bb: {  	v3 =	vadd.f32 $1.000000000e+00, v3;
	v1 =	vmul.f32 v1, v1  }
0x2bc: {  	s1 =	simm.s32 $0x60;
	s0 =	simm.s32 $0x300  }
.LBB2_40:
0x2bd: {  	s14 =	sand.u32 $0x70, s1;
	s23 =	sand.u32 $0x3C00, s0;
	(erf) = vrcp.f32 v3;
	v0 =	vadd.f32 v1, v0;
	p0 =	sne.s32 s1, $0x4F0  }
.Ltmp19:
0x2be: {  	s1 =	sadd.s32 $0x10, s1;
	s14 =	sor.u32 s14, s23;
	v5 =	vsub.f32 $0.0e+00, v2;
	(pc) =	sbr.rel @p0 .LBB2_40-.Ltmp19, $4  }
0x2bf: {  	v2 =	vld [tilespmem:s14+$0x300];
	v3 =	vpop (erf)  }
0x2c0: {  	v4 =	vmul.f32 $1.442695020e+00, v5;
	v1 =	vpop (erf)  }
0x2c1: {  	v3 =	vadd.f32 $1.000000000e+00, v3;
	v1 =	vmul.f32 v1, v1  }
0x2c2: {  	s0 =	sadd.s32 $0x80, s0;
	(erf) = vpow2.f32 v4  }
0x2c3: {  	_ = 	snop  }
0x2c4: {  	v2 =	vsub.f32 $0.0e+00, v2;
	_ =	sdelay $0x1  }
0x2c5: {  	v2 =	vmul.f32 $1.442695020e+00, v2  }
0x2c6: {  	(erf) = vrcp.f32 v3  }
0x2c7: {  	(erf) = vpow2.f32 v2;
	_ =	sdelay $0x1  }
0x2c8: {  	s0 =	simm.s32 $0x0  }
0x2c9: {  	[tilespmem:s0], [sflag:$0x1] =	stream.linear.gather [hbm4b:s6+s0], $0x300, $0x38;
	[tilespmem:$0x2880] =	vst v63  }
0x2ca: {  	s1 =	sadd.s32 $0x80, s6;
	s14 =	simm.s32 $0x400  }
0x2cb: {  	[tilespmem:s14], [sflag:$0x1] =	stream.linear.gather [hbm4b:s1+s0], $0x300, $0x38;
	v2 =	vpop (erf);
	[tilespmem:$0x2880] =	vst v63  }
0x2cc: {  	s26 =	sadd.s32 $0x100, s6;
	v3 =	vpop (erf)  }
0x2cd: {  	[tilespmem:s15], [sflag:$0x1] =	stream.linear.gather [hbm4b:s26+s0], $0x300, $0x38;
	v4 =	vpop (erf);
	[tilespmem:$0x2880] =	vst v63  }
0x2ce: {  	s14 =	sadd.s32 $0x180, s6;
	v2 =	vadd.f32 $1.000000000e+00, v2;
	v5 =	vpop (erf)  }
0x2cf: {  	[tilespmem:s16], [sflag:$0x1] =	stream.linear.gather [hbm4b:s14+s0], $0x300, $0x38;
	v4 =	vadd.f32 $1.000000000e+00, v4;
	v6 =	vpop (erf);
	[tilespmem:$0x2880] =	vst v63  }
0x2d0: {  	s23 =	sadd.s32 $0x200, s6;
	(erf) = vrcp.f32 v2;
	v2 =	vadd.f32 $1.000000000e+00, v6  }
0x2d1: {  	[tilespmem:s17], [sflag:$0x1] =	stream.linear.gather [hbm4b:s23+s0], $0x300, $0x38;
	(erf) = vrcp.f32 v4;
	[tilespmem:$0x2880] =	vst v63  }
0x2d2: {  	s25 =	sadd.s32 $0x280, s6;
	(erf) = vrcp.f32 v2  }
0x2d3: {  	[tilespmem:s18], [sflag:$0x1] =	stream.linear.gather [hbm4b:s25+s0], $0x300, $0x38;
	[tilespmem:$0x2880] =	vst v63  }
0x2d4: {  	s26 =	sadd.s32 $0x300, s6  }
0x2d5: {  	[tilespmem:s19], [sflag:$0x1] =	stream.linear.gather [hbm4b:s26+s0], $0x300, $0x38;
	[tilespmem:$0x2880] =	vst v63  }
0x2d6: {  	s14 =	sadd.s32 $0x380, s6  }
0x2d7: {  	[tilespmem:s20], [sflag:$0x1] =	stream.linear.gather [hbm4b:s14+s0], $0x300, $0x38;
	[tilespmem:$0x2880] =	vst v63  }
0x2d8: {  	s23 =	sadd.s32 $0x400, s6  }
0x2d9: {  	[tilespmem:s21], [sflag:$0x1] =	stream.linear.gather [hbm4b:s23+s0], $0x300, $0x38;
	v2 =	vpop (erf);
	[tilespmem:$0x2880] =	vst v63  }
0x2da: {  	s25 =	sadd.s32 $0x480, s6;
	v4 =	vpop (erf)  }
0x2db: {  	[tilespmem:s22], [sflag:$0x1] =	stream.linear.gather [hbm4b:s25+s0], $0x300, $0x38;
	v6 =	vpop (erf);
	[tilespmem:$0x2880] =	vst v63  }
0x2dc: {  	_ =	swait.ge [sflag:s13], $0x1E00  }
0x2dd: {  	s26 =	sand.u32 $0x70, s0;
	s0 =	sand.u32 $0x3C00, s0;
	[sflag:s13] =	ssyncset.done $0x0  }
0x2de: {  	s31 =	sor.u32 s26, s0;
	[sflag:s13] =	ssyncadd.s32 $0xFFFFE200  }
0x2df: {  	v7 =	vld [tilespmem:s31+$0x0];
	_ =	sdelay $0x2  }
0x2e0: {  	s14 =	simm.s32 $0x10;
	s23 =	simm.s32 $0x80  }
0x2e1: {  	s1 =	sand.u32 $0x3C00, s23;
	s0 =	sand.u32 $0x70, s14  }
0x2e2: {  	s29 =	sor.u32 s0, s1;
	v7 =	vsub.f32 $0.0e+00, v7  }
0x2e3: {  	v8 =	vld [tilespmem:s29+$0x0]  }
0x2e4: {  	v7 =	vmul.f32 $1.442695020e+00, v7  }
0x2e5: {  	s25 =	simm.s32 $0x20;
	s26 =	simm.s32 $0x100  }
0x2e6: {  	s0 =	sand.u32 $0x70, s25;
	s1 =	sand.u32 $0x3C00, s26;
	(erf) = vpow2.f32 v7  }
0x2e7: {  	s30 =	sor.u32 s0, s1  }
0x2e8: {  	v8 =	vsub.f32 $0.0e+00, v8;
	v7 =	vld [tilespmem:s30+$0x0];
	_ =	sdelay $0x1  }
0x2e9: {  	v8 =	vmul.f32 $1.442695020e+00, v8  }
0x2ea: {  	s14 =	simm.s32 $0x180;
	s1 =	simm.s32 $0x30  }
0x2eb: {  	s0 =	sand.u32 $0x70, s1;
	s1 =	sand.u32 $0x3C00, s14;
	(erf) = vpow2.f32 v8  }
0x2ec: {  	v0 =	vadd.f32 v1, v0;
	v1 =	vmul.f32 v3, v3;
	s25 =	sor.u32 s0, s1;
	v7 =	vsub.f32 $0.0e+00, v7  }
0x2ed: {  	s23 =	simm.s32 $0x40;
	s26 =	simm.s32 $0x200;
	v3 =	vld [tilespmem:s25+$0x0]  }
0x2ee: {  	v0 =	vadd.f32 v1, v0;
	v1 =	vmul.f32 v5, v5;
	s0 =	sand.u32 $0x70, s23;
	s1 =	sand.u32 $0x3C00, s26;
	v7 =	vmul.f32 $1.442695020e+00, v7;
	v63 =	vpop (erf)  }
0x2ef: {  	s26 =	sor.u32 s0, s1;
	v9 =	vadd.f32 $1.000000000e+00, v63  }
0x2f0: {  	v0 =	vadd.f32 v1, v0;
	v1 =	vmul.f32 v2, v2;
	v5 =	vld [tilespmem:s26+$0x0];
	(erf) = vpow2.f32 v7  }
0x2f1: {  	(erf) = vrcp.f32 v9  }
0x2f2: {  	v2 =	vsub.f32 $0.0e+00, v3;
	_ =	sdelay $0x1  }
0x2f3: {  	v0 =	vadd.f32 v1, v0;
	v3 =	vmul.f32 v4, v4;
	v2 =	vmul.f32 $1.442695020e+00, v2;
	v1 =	vpop (erf)  }
0x2f4: {  	v4 =	vsub.f32 $0.0e+00, v5;
	v5 =	vadd.f32 $1.000000000e+00, v1  }
0x2f5: {  	s14 =	simm.s32 $0x50;
	s23 =	simm.s32 $0x280;
	v0 =	vadd.f32 v3, v0;
	v3 =	vmul.f32 v6, v6;
	(erf) = vpow2.f32 v2  }
0x2f6: {  	s0 =	sand.u32 $0x70, s14;
	s1 =	sand.u32 $0x3C00, s23;
	v7 =	vmul.f32 $1.442695020e+00, v4;
	(erf) = vrcp.f32 v5  }
0x2f7: {  	s28 =	sor.u32 s0, s1  }
0x2f8: {  	v4 =	vld [tilespmem:s28+$0x0];
	v6 =	vsub.f32 $1.000000000e+00, v63;
	v2 =	vpop (erf);
	(erf) = vpow2.f32 v7  }
0x2f9: {  	v0 =	vadd.f32 v3, v0;
	v3 =	vpop (erf)  }
0x2fa: {  	v5 =	vadd.f32 $1.000000000e+00, v2;
	v3 =	vmul.f32 v3, v6  }
0x2fb: {  	s1 =	simm.s32 $0x60;
	s0 =	simm.s32 $0x300  }
.LBB2_42:
0x2fc: {  	s14 =	sand.u32 $0x70, s1;
	s23 =	sand.u32 $0x3C00, s0;
	(erf) = vrcp.f32 v5;
	v9 =	vmul.f32 v3, v3;
	p0 =	sne.s32 s1, $0x4F0  }
.Ltmp20:
0x2fd: {  	s1 =	sadd.s32 $0x10, s1;
	s14 =	sor.u32 s14, s23;
	v5 =	vsub.f32 $0.0e+00, v4;
	(pc) =	sbr.rel @p0 .LBB2_42-.Ltmp20, $4  }
0x2fe: {  	v6 =	vsub.f32 $1.000000000e+00, v1;
	v1 =	vmov v2;
	v4 =	vld [tilespmem:s14+$0x0];
	v7 =	vmul.f32 $2.500000000e-01, v9;
	v2 =	vpop (erf)  }
0x2ff: {  	v8 =	vmul.f32 $1.442695020e+00, v5;
	v3 =	vpop (erf)  }
0x300: {  	v5 =	vadd.f32 $1.000000000e+00, v2;
	v3 =	vmul.f32 v3, v6;
	v0 =	vadd.f32 v7, v0  }
0x301: {  	s0 =	sadd.s32 $0x80, s0;
	(erf) = vpow2.f32 v8  }
0x302: {  	_ = 	snop  }
0x303: {  	v4 =	vsub.f32 $0.0e+00, v4;
	_ =	sdelay $0x1  }
0x304: {  	v4 =	vmul.f32 $1.442695020e+00, v4  }
0x305: {  	(erf) = vrcp.f32 v5  }
0x306: {  	(erf) = vpow2.f32 v4;
	_ =	sdelay $0x3  }
0x307: {  	v4 =	vld [tilespmem:s31+$0x80]  }
0x308: {  	v5 =	vpop (erf)  }
0x309: {  	v6 =	vpop (erf)  }
0x30a: {  	v7 =	vpop (erf)  }
0x30b: {  	v8 =	vadd.f32 $1.000000000e+00, v5;
	v9 =	vpop (erf)  }
0x30c: {  	v10 =	vadd.f32 $1.000000000e+00, v7;
	v4 =	vsub.f32 $0.0e+00, v4;
	v11 =	vpop (erf)  }
0x30d: {  	(erf) = vrcp.f32 v8;
	v61 =	vadd.f32 $1.000000000e+00, v11  }
0x30e: {  	v62 =	vld [tilespmem:s29+$0x80];
	(erf) = vrcp.f32 v10;
	v4 =	vmul.f32 $1.442695020e+00, v4  }
0x30f: {  	(erf) = vrcp.f32 v61  }
0x310: {  	(erf) = vpow2.f32 v4;
	v4 =	vld [tilespmem:s30+$0x80];
	_ =	sdelay $0x1  }
0x311: {  	v1 =	vsub.f32 $1.000000000e+00, v1  }
0x312: {  	v3 =	vmul.f32 v3, v3;
	v8 =	vsub.f32 $0.0e+00, v62  }
0x313: {  	v2 =	vsub.f32 $1.000000000e+00, v2;
	v1 =	vmul.f32 v6, v1  }
0x314: {  	v3 =	vmul.f32 $2.500000000e-01, v3;
	v8 =	vmul.f32 $1.442695020e+00, v8;
	v4 =	vsub.f32 $0.0e+00, v4  }
0x315: {  	v5 =	vsub.f32 $1.000000000e+00, v5;
	v1 =	vmul.f32 v1, v1;
	v2 =	vmul.f32 v9, v2;
	v6 =	vpop (erf)  }
0x316: {  	(erf) = vpow2.f32 v8;
	v10 =	vpop (erf);
	v4 =	vmul.f32 $1.442695020e+00, v4  }
0x317: {  	v0 =	vadd.f32 v3, v0;
	v1 =	vmul.f32 $2.500000000e-01, v1;
	v5 =	vmul.f32 v6, v5;
	v63 =	vpop (erf)  }
0x318: {  	v7 =	vsub.f32 $1.000000000e+00, v7;
	v2 =	vmul.f32 v2, v2;
	v3 =	vpop (erf);
	(erf) = vpow2.f32 v4;
	v4 =	vld [tilespmem:s25+$0x80]  }
0x319: {  	v0 =	vadd.f32 v1, v0;
	v1 =	vmul.f32 v5, v5;
	v6 =	vadd.f32 $1.000000000e+00, v3  }
0x31a: {  	v2 =	vmul.f32 $2.500000000e-01, v2;
	v5 =	vmul.f32 v10, v7  }
0x31b: {  	v1 =	vmul.f32 $2.500000000e-01, v1;
	v7 =	vld [tilespmem:s26+$0x80];
	(erf) = vrcp.f32 v6  }
0x31c: {  	v0 =	vadd.f32 v2, v0;
	v2 =	vmul.f32 v5, v5  }
0x31d: {  	v6 =	vsub.f32 $1.000000000e+00, v11;
	v4 =	vsub.f32 $0.0e+00, v4  }
0x31e: {  	v2 =	vmul.f32 $2.500000000e-01, v2  }
0x31f: {  	v0 =	vadd.f32 v1, v0;
	v1 =	vpop (erf);
	v5 =	vmul.f32 v63, v6;
	v4 =	vmul.f32 $1.442695020e+00, v4  }
0x320: {  	v6 =	vsub.f32 $0.0e+00, v7;
	v7 =	vadd.f32 $1.000000000e+00, v1  }
0x321: {  	v5 =	vmul.f32 v5, v5;
	(erf) = vpow2.f32 v4  }
0x322: {  	v0 =	vadd.f32 v2, v0;
	v6 =	vmul.f32 $1.442695020e+00, v6;
	v2 =	vpop (erf);
	(erf) = vrcp.f32 v7;
	_ =	sdelay $0x1  }
0x323: {  	v3 =	vsub.f32 $1.000000000e+00, v3;
	v5 =	vmul.f32 $2.500000000e-01, v5;
	v4 =	vld [tilespmem:s28+$0x80];
	v7 =	vpop (erf);
	(erf) = vpow2.f32 v6;
	_ =	sdelay $0x1  }
0x324: {  	v0 =	vadd.f32 v5, v0;
	v5 =	vadd.f32 $1.000000000e+00, v2;
	v3 =	vmul.f32 v7, v3  }
0x325: {  	s1 =	simm.s32 $0x60;
	s0 =	simm.s32 $0x300  }
.LBB2_44:
0x326: {  	s14 =	sand.u32 $0x70, s1;
	s23 =	sand.u32 $0x3C00, s0;
	(erf) = vrcp.f32 v5;
	v9 =	vmul.f32 v3, v3;
	p0 =	sne.s32 s1, $0x4F0  }
.Ltmp21:
0x327: {  	s1 =	sadd.s32 $0x10, s1;
	s14 =	sor.u32 s14, s23;
	v5 =	vsub.f32 $0.0e+00, v4;
	(pc) =	sbr.rel @p0 .LBB2_44-.Ltmp21, $4  }
0x328: {  	v6 =	vsub.f32 $1.000000000e+00, v1;
	v1 =	vmov v2;
	v4 =	vld [tilespmem:s14+$0x80];
	v7 =	vmul.f32 $2.500000000e-01, v9;
	v2 =	vpop (erf)  }
0x329: {  	v8 =	vmul.f32 $1.442695020e+00, v5;
	v3 =	vpop (erf)  }
0x32a: {  	v5 =	vadd.f32 $1.000000000e+00, v2;
	v3 =	vmul.f32 v3, v6;
	v0 =	vadd.f32 v7, v0  }
0x32b: {  	s0 =	sadd.s32 $0x80, s0;
	(erf) = vpow2.f32 v8  }
0x32c: {  	_ = 	snop  }
0x32d: {  	v4 =	vsub.f32 $0.0e+00, v4;
	_ =	sdelay $0x1  }
0x32e: {  	v4 =	vmul.f32 $1.442695020e+00, v4  }
0x32f: {  	(erf) = vrcp.f32 v5  }
0x330: {  	(erf) = vpow2.f32 v4;
	_ =	sdelay $0x1  }
0x331: {  	v56 =	vpop (erf)  }
0x332: {  	v57 =	vadd.f32 $1.000000000e+00, v56;
	_ =	sdelay $0x1  }
0x333: {  	(erf) = vrcp.f32 v57  }
0x334: {  	v6 =	vpop (erf)  }
0x335: {  	v58 =	vpop (erf)  }
0x336: {  	v7 =	vpop (erf);
	v8 =	vadd.f32 $1.000000000e+00, v58  }
0x337: {  	v9 =	vpop (erf)  }
0x338: {  	(erf) = vrcp.f32 v8;
	v59 =	vadd.f32 $1.000000000e+00, v9  }
0x339: {  	v1 =	vsub.f32 $1.000000000e+00, v1;
	v3 =	vmul.f32 v3, v3  }
0x33a: {  	(erf) = vrcp.f32 v59  }
0x33b: {  	v3 =	vmul.f32 $2.500000000e-01, v3;
	v1 =	vmul.f32 v6, v1;
	v4 =	vsub.f32 $1.000000000e+00, v56  }
0x33c: {  	v2 =	vsub.f32 $1.000000000e+00, v2;
	v60 =	vpop (erf)  }
0x33d: {  	v0 =	vadd.f32 v3, v0;
	v1 =	vmul.f32 v1, v1;
	v3 =	vmul.f32 v60, v4  }
0x33e: {  	v2 =	vmul.f32 v7, v2  }
0x33f: {  	v1 =	vmul.f32 $2.500000000e-01, v1  }
0x340: {  	v61 =	vsub.f32 $1.000000000e+00, v58;
	v2 =	vmul.f32 v2, v2  }
0x341: {  	v0 =	vadd.f32 v1, v0;
	v1 =	vmul.f32 v3, v3;
	v3 =	vpop (erf)  }
0x342: {  	v2 =	vmul.f32 $2.500000000e-01, v2;
	v62 =	vsub.f32 $1.000000000e+00, v9;
	v3 =	vmul.f32 v3, v61  }
0x343: {  	v1 =	vmul.f32 $2.500000000e-01, v1;
	v63 =	vpop (erf)  }
0x344: {  	v0 =	vadd.f32 v2, v0;
	v2 =	vmul.f32 v3, v3;
	v3 =	vmul.f32 v63, v62;
	_ =	sdelay $0x1  }
0x345: {  	v0 =	vadd.f32 v1, v0;
	v1 =	vmul.f32 $2.500000000e-01, v2;
	v2 =	vmul.f32 v3, v3  }
0x346: {  	s25 =	simm.s32 $0x0  }
0x347: {  	s0 =	sand.u32 $0x70, s25;
	s1 =	sand.u32 $0x3C00, s25;
	v0 =	vadd.f32 v1, v0;
	v1 =	vmul.f32 $2.500000000e-01, v2  }
0x348: {  	s0 =	sor.u32 s0, s1  }
0x349: {  	v0 =	vadd.f32 v1, v0;
	v1 =	vld [tilespmem:s0+$0x100]  }
0x34a: {  	s26 =	simm.s32 $0x0;
	s1 =	simm.s32 $0x10  }
.LBB2_46:
0x34b: {  	p0 =	sne.s32 s1, $0x4F0  }
.Ltmp22:
0x34c: {  	s14 =	sand.u32 $0x70, s1;
	s26 =	sadd.s32 $0x80, s26;
	(pc) =	sbr.rel @p0 .LBB2_46-.Ltmp22, $4  }
0x34d: {  	s1 =	sadd.s32 $0x10, s1;
	s23 =	sand.u32 $0x3C00, s26  }
0x34e: {  	s14 =	sor.u32 s14, s23;
	v2 =	vmul.f32 v1, v1  }
0x34f: {  	v1 =	vld [tilespmem:s14+$0x100]  }
0x350: {  	v0 =	vadd.f32 v2, v0  }
0x351: {  	_ =	sdelay $0x2  }
0x352: {  	v1 =	vmul.f32 v1, v1;
	_ =	sdelay $0x1  }
0x353: {  	v0 =	vadd.f32 v1, v0;
	v1 =	vld [tilespmem:s0+$0x180]  }
0x354: {  	s1 =	simm.s32 $0x10  }
.LBB2_48:
0x355: {  	p0 =	sne.s32 s1, $0x4F0  }
.Ltmp23:
0x356: {  	s0 =	sand.u32 $0x70, s1;
	s25 =	sadd.s32 $0x80, s25;
	(pc) =	sbr.rel @p0 .LBB2_48-.Ltmp23, $4  }
0x357: {  	s1 =	sadd.s32 $0x10, s1;
	s14 =	sand.u32 $0x3C00, s25  }
0x358: {  	s0 =	sor.u32 s0, s14;
	v2 =	vmul.f32 v1, v1  }
0x359: {  	v1 =	vld [tilespmem:s0+$0x180]  }
0x35a: {  	v0 =	vadd.f32 v2, v0  }
0x35b: {  	s0 =	simm.s32 $0x0  }
0x35c: {  	s1 =	sand.u32 $0x70, s0;
	s0 =	sand.u32 $0x3C00, s0  }
0x35d: {  	s0 =	sor.u32 s1, s0  }
0x35e: {  	v2 =	vld [tilespmem:s0+$0x200];
	_ =	sdelay $0x2  }
0x35f: {  	s26 =	simm.s32 $0x10;
	s28 =	simm.s32 $0x80  }
0x360: {  	s1 =	sand.u32 $0x3C00, s28;
	s0 =	sand.u32 $0x70, s26  }
0x361: {  	s0 =	sor.u32 s0, s1;
	v2 =	vsub.f32 $0.0e+00, v2  }
0x362: {  	v3 =	vld [tilespmem:s0+$0x200]  }
0x363: {  	v2 =	vmul.f32 $1.442695020e+00, v2  }
0x364: {  	s29 =	simm.s32 $0x20;
	s14 =	simm.s32 $0x100  }
0x365: {  	s30 =	sand.u32 $0x70, s29;
	s31 =	sand.u32 $0x3C00, s14;
	(erf) = vpow2.f32 v2  }
0x366: {  	s0 =	sor.u32 s30, s31  }
0x367: {  	v3 =	vsub.f32 $0.0e+00, v3;
	v2 =	vld [tilespmem:s0+$0x200];
	_ =	sdelay $0x1  }
0x368: {  	v3 =	vmul.f32 $1.442695020e+00, v3  }
0x369: {  	s23 =	simm.s32 $0x180;
	s14 =	simm.s32 $0x30  }
0x36a: {  	s1 =	sand.u32 $0x3C00, s23;
	s0 =	sand.u32 $0x70, s14;
	(erf) = vpow2.f32 v3  }
0x36b: {  	s0 =	sor.u32 s0, s1;
	v2 =	vsub.f32 $0.0e+00, v2  }
0x36c: {  	s25 =	simm.s32 $0x40;
	s26 =	simm.s32 $0x200;
	v4 =	vld [tilespmem:s0+$0x200]  }
0x36d: {  	s28 =	sand.u32 $0x70, s25;
	s29 =	sand.u32 $0x3C00, s26;
	v2 =	vmul.f32 $1.442695020e+00, v2;
	v3 =	vpop (erf)  }
0x36e: {  	s0 =	sor.u32 s28, s29;
	v3 =	vadd.f32 $1.000000000e+00, v3  }
0x36f: {  	(erf) = vpow2.f32 v2;
	v2 =	vld [tilespmem:s0+$0x200]  }
0x370: {  	(erf) = vrcp.f32 v3  }
0x371: {  	v3 =	vsub.f32 $0.0e+00, v4;
	_ =	sdelay $0x1  }
0x372: {  	v4 =	vpop (erf);
	v3 =	vmul.f32 $1.442695020e+00, v3  }
0x373: {  	v4 =	vadd.f32 $1.000000000e+00, v4;
	v2 =	vsub.f32 $0.0e+00, v2  }
0x374: {  	v1 =	vmul.f32 v1, v1;
	s30 =	simm.s32 $0x50;
	s31 =	simm.s32 $0x280;
	(erf) = vpow2.f32 v3  }
0x375: {  	s1 =	sand.u32 $0x3C00, s31;
	s0 =	sand.u32 $0x70, s30;
	v5 =	vmul.f32 $1.442695020e+00, v2;
	(erf) = vrcp.f32 v4  }
0x376: {  	s1 =	sor.u32 s0, s1  }
0x377: {  	v2 =	vld [tilespmem:s1+$0x200];
	v3 =	vpop (erf);
	(erf) = vpow2.f32 v5  }
0x378: {  	v0 =	vadd.f32 v1, v0;
	v1 =	vpop (erf)  }
0x379: {  	v3 =	vadd.f32 $1.000000000e+00, v3;
	v1 =	vmul.f32 v1, v1  }
0x37a: {  	s0 =	simm.s32 $0x60;
	s1 =	simm.s32 $0x300  }
.LBB2_50:
0x37b: {  	s14 =	sand.u32 $0x70, s0;
	s23 =	sand.u32 $0x3C00, s1;
	(erf) = vrcp.f32 v3;
	v0 =	vadd.f32 v1, v0;
	p0 =	sne.s32 s0, $0x4F0  }
.Ltmp24:
0x37c: {  	s0 =	sadd.s32 $0x10, s0;
	s14 =	sor.u32 s14, s23;
	v5 =	vsub.f32 $0.0e+00, v2;
	(pc) =	sbr.rel @p0 .LBB2_50-.Ltmp24, $4  }
0x37d: {  	v2 =	vld [tilespmem:s14+$0x200];
	v3 =	vpop (erf)  }
0x37e: {  	v4 =	vmul.f32 $1.442695020e+00, v5;
	v1 =	vpop (erf)  }
0x37f: {  	v3 =	vadd.f32 $1.000000000e+00, v3;
	v1 =	vmul.f32 v1, v1  }
0x380: {  	s1 =	sadd.s32 $0x80, s1;
	(erf) = vpow2.f32 v4  }
0x381: {  	_ = 	snop  }
0x382: {  	v2 =	vsub.f32 $0.0e+00, v2;
	_ =	sdelay $0x1  }
0x383: {  	v2 =	vmul.f32 $1.442695020e+00, v2  }
0x384: {  	(erf) = vrcp.f32 v3  }
0x385: {  	(erf) = vpow2.f32 v2;
	_ =	sdelay $0x4  }
0x386: {  	v2 =	vpop (erf)  }
0x387: {  	v3 =	vpop (erf)  }
0x388: {  	v4 =	vpop (erf)  }
0x389: {  	v2 =	vadd.f32 $1.000000000e+00, v2;
	v5 =	vpop (erf)  }
0x38a: {  	v4 =	vadd.f32 $1.000000000e+00, v4;
	v6 =	vpop (erf)  }
0x38b: {  	(erf) = vrcp.f32 v2;
	v2 =	vadd.f32 $1.000000000e+00, v6  }
0x38c: {  	(erf) = vrcp.f32 v4  }
0x38d: {  	(erf) = vrcp.f32 v2;
	_ =	sdelay $0x6  }
0x38e: {  	v2 =	vpop (erf)  }
0x38f: {  	s0 =	simm.s32 $0x0;
	v4 =	vpop (erf)  }
0x390: {  	[tilespmem:s0], [sflag:$0x1] =	stream.linear.gather [hbm4b:s7+s0], $0x2800, $0x38;
	v6 =	vpop (erf);
	[tilespmem:$0x2880] =	vst v63  }
0x391: {  	_ =	swait.ge [sflag:s13], $0x2800  }
0x392: {  	s1 =	sand.u32 $0x70, s0;
	s0 =	sand.u32 $0x3C00, s0;
	[sflag:s13] =	ssyncset.done $0x0  }
0x393: {  	s31 =	sor.u32 s1, s0;
	[sflag:s13] =	ssyncadd.s32 $0xFFFFD800  }
0x394: {  	v7 =	vld [tilespmem:s31+$0x0];
	_ =	sdelay $0x2  }
0x395: {  	s14 =	simm.s32 $0x10;
	s23 =	simm.s32 $0x80  }
0x396: {  	s0 =	sand.u32 $0x70, s14;
	s1 =	sand.u32 $0x3C00, s23  }
0x397: {  	s29 =	sor.u32 s0, s1;
	v7 =	vsub.f32 $0.0e+00, v7  }
0x398: {  	v8 =	vld [tilespmem:s29+$0x0]  }
0x399: {  	v7 =	vmul.f32 $1.442695020e+00, v7  }
0x39a: {  	s25 =	simm.s32 $0x20;
	s26 =	simm.s32 $0x100  }
0x39b: {  	s0 =	sand.u32 $0x70, s25;
	s1 =	sand.u32 $0x3C00, s26;
	(erf) = vpow2.f32 v7  }
0x39c: {  	s30 =	sor.u32 s0, s1  }
0x39d: {  	v8 =	vsub.f32 $0.0e+00, v8;
	v7 =	vld [tilespmem:s30+$0x0];
	_ =	sdelay $0x1  }
0x39e: {  	v8 =	vmul.f32 $1.442695020e+00, v8  }
0x39f: {  	s14 =	simm.s32 $0x180;
	s1 =	simm.s32 $0x30  }
0x3a0: {  	s0 =	sand.u32 $0x70, s1;
	s1 =	sand.u32 $0x3C00, s14;
	(erf) = vpow2.f32 v8  }
0x3a1: {  	v0 =	vadd.f32 v1, v0;
	s25 =	sor.u32 s0, s1;
	v1 =	vmul.f32 v3, v3;
	v7 =	vsub.f32 $0.0e+00, v7  }
0x3a2: {  	s23 =	simm.s32 $0x40;
	s26 =	simm.s32 $0x200;
	v3 =	vld [tilespmem:s25+$0x0]  }
0x3a3: {  	s0 =	sand.u32 $0x70, s23;
	s1 =	sand.u32 $0x3C00, s26;
	v0 =	vadd.f32 v1, v0;
	v1 =	vmul.f32 v5, v5;
	v7 =	vmul.f32 $1.442695020e+00, v7;
	v63 =	vpop (erf)  }
0x3a4: {  	s26 =	sor.u32 s0, s1;
	v9 =	vadd.f32 $1.000000000e+00, v63  }
0x3a5: {  	v0 =	vadd.f32 v1, v0;
	v1 =	vmul.f32 v2, v2;
	v5 =	vld [tilespmem:s26+$0x0];
	(erf) = vpow2.f32 v7  }
0x3a6: {  	(erf) = vrcp.f32 v9  }
0x3a7: {  	v2 =	vsub.f32 $0.0e+00, v3;
	_ =	sdelay $0x1  }
0x3a8: {  	v0 =	vadd.f32 v1, v0;
	v3 =	vmul.f32 v4, v4;
	v2 =	vmul.f32 $1.442695020e+00, v2;
	v1 =	vpop (erf)  }
0x3a9: {  	v4 =	vsub.f32 $0.0e+00, v5;
	v5 =	vadd.f32 $1.000000000e+00, v1  }
0x3aa: {  	s14 =	simm.s32 $0x50;
	s23 =	simm.s32 $0x280;
	v0 =	vadd.f32 v3, v0;
	v3 =	vmul.f32 v6, v6;
	(erf) = vpow2.f32 v2  }
0x3ab: {  	s0 =	sand.u32 $0x70, s14;
	s1 =	sand.u32 $0x3C00, s23;
	v7 =	vmul.f32 $1.442695020e+00, v4;
	(erf) = vrcp.f32 v5  }
0x3ac: {  	s28 =	sor.u32 s0, s1  }
0x3ad: {  	v4 =	vld [tilespmem:s28+$0x0];
	v6 =	vsub.f32 $1.000000000e+00, v63;
	v2 =	vpop (erf);
	(erf) = vpow2.f32 v7  }
0x3ae: {  	v0 =	vadd.f32 v3, v0;
	v3 =	vpop (erf)  }
0x3af: {  	v5 =	vadd.f32 $1.000000000e+00, v2;
	v3 =	vmul.f32 v3, v6  }
0x3b0: {  	s1 =	simm.s32 $0x60;
	s0 =	simm.s32 $0x300  }
.LBB2_52:
0x3b1: {  	s14 =	sand.u32 $0x70, s1;
	s23 =	sand.u32 $0x3C00, s0;
	(erf) = vrcp.f32 v5;
	v9 =	vmul.f32 v3, v3;
	p0 =	sne.s32 s1, $0x4F0  }
.Ltmp25:
0x3b2: {  	s1 =	sadd.s32 $0x10, s1;
	s14 =	sor.u32 s14, s23;
	v5 =	vsub.f32 $0.0e+00, v4;
	(pc) =	sbr.rel @p0 .LBB2_52-.Ltmp25, $4  }
0x3b3: {  	v6 =	vsub.f32 $1.000000000e+00, v1;
	v1 =	vmov v2;
	v4 =	vld [tilespmem:s14+$0x0];
	v7 =	vmul.f32 $2.500000000e-01, v9;
	v2 =	vpop (erf)  }
0x3b4: {  	v8 =	vmul.f32 $1.442695020e+00, v5;
	v3 =	vpop (erf)  }
0x3b5: {  	v5 =	vadd.f32 $1.000000000e+00, v2;
	v3 =	vmul.f32 v3, v6;
	v0 =	vadd.f32 v7, v0  }
0x3b6: {  	s0 =	sadd.s32 $0x80, s0;
	(erf) = vpow2.f32 v8  }
0x3b7: {  	_ = 	snop  }
0x3b8: {  	v4 =	vsub.f32 $0.0e+00, v4;
	_ =	sdelay $0x1  }
0x3b9: {  	v4 =	vmul.f32 $1.442695020e+00, v4  }
0x3ba: {  	(erf) = vrcp.f32 v5  }
0x3bb: {  	(erf) = vpow2.f32 v4;
	_ =	sdelay $0x3  }
0x3bc: {  	v4 =	vld [tilespmem:s31+$0x80]  }
0x3bd: {  	v5 =	vpop (erf)  }
0x3be: {  	v6 =	vpop (erf)  }
0x3bf: {  	v7 =	vpop (erf)  }
0x3c0: {  	v8 =	vadd.f32 $1.000000000e+00, v5;
	v9 =	vpop (erf)  }
0x3c1: {  	v10 =	vadd.f32 $1.000000000e+00, v7;
	v4 =	vsub.f32 $0.0e+00, v4;
	v11 =	vpop (erf)  }
0x3c2: {  	(erf) = vrcp.f32 v8;
	v61 =	vadd.f32 $1.000000000e+00, v11  }
0x3c3: {  	v62 =	vld [tilespmem:s29+$0x80];
	(erf) = vrcp.f32 v10;
	v4 =	vmul.f32 $1.442695020e+00, v4  }
0x3c4: {  	(erf) = vrcp.f32 v61  }
0x3c5: {  	(erf) = vpow2.f32 v4;
	v4 =	vld [tilespmem:s30+$0x80];
	_ =	sdelay $0x1  }
0x3c6: {  	v1 =	vsub.f32 $1.000000000e+00, v1  }
0x3c7: {  	v3 =	vmul.f32 v3, v3;
	v8 =	vsub.f32 $0.0e+00, v62  }
0x3c8: {  	v2 =	vsub.f32 $1.000000000e+00, v2;
	v1 =	vmul.f32 v6, v1  }
0x3c9: {  	v3 =	vmul.f32 $2.500000000e-01, v3;
	v8 =	vmul.f32 $1.442695020e+00, v8;
	v4 =	vsub.f32 $0.0e+00, v4  }
0x3ca: {  	v5 =	vsub.f32 $1.000000000e+00, v5;
	v1 =	vmul.f32 v1, v1;
	v2 =	vmul.f32 v9, v2;
	v6 =	vpop (erf)  }
0x3cb: {  	(erf) = vpow2.f32 v8;
	v10 =	vpop (erf);
	v4 =	vmul.f32 $1.442695020e+00, v4  }
0x3cc: {  	v0 =	vadd.f32 v3, v0;
	v1 =	vmul.f32 $2.500000000e-01, v1;
	v5 =	vmul.f32 v6, v5;
	v63 =	vpop (erf)  }
0x3cd: {  	v7 =	vsub.f32 $1.000000000e+00, v7;
	v2 =	vmul.f32 v2, v2;
	v3 =	vpop (erf);
	(erf) = vpow2.f32 v4;
	v4 =	vld [tilespmem:s25+$0x80]  }
0x3ce: {  	v0 =	vadd.f32 v1, v0;
	v1 =	vmul.f32 v5, v5;
	v6 =	vadd.f32 $1.000000000e+00, v3  }
0x3cf: {  	v2 =	vmul.f32 $2.500000000e-01, v2;
	v5 =	vmul.f32 v10, v7  }
0x3d0: {  	v1 =	vmul.f32 $2.500000000e-01, v1;
	v7 =	vld [tilespmem:s26+$0x80];
	(erf) = vrcp.f32 v6  }
0x3d1: {  	v0 =	vadd.f32 v2, v0;
	v2 =	vmul.f32 v5, v5  }
0x3d2: {  	v6 =	vsub.f32 $1.000000000e+00, v11;
	v4 =	vsub.f32 $0.0e+00, v4  }
0x3d3: {  	v2 =	vmul.f32 $2.500000000e-01, v2  }
0x3d4: {  	v0 =	vadd.f32 v1, v0;
	v1 =	vpop (erf);
	v5 =	vmul.f32 v63, v6;
	v4 =	vmul.f32 $1.442695020e+00, v4  }
0x3d5: {  	v6 =	vsub.f32 $0.0e+00, v7;
	v7 =	vadd.f32 $1.000000000e+00, v1  }
0x3d6: {  	v5 =	vmul.f32 v5, v5;
	(erf) = vpow2.f32 v4  }
0x3d7: {  	v0 =	vadd.f32 v2, v0;
	v6 =	vmul.f32 $1.442695020e+00, v6;
	v2 =	vpop (erf);
	(erf) = vrcp.f32 v7;
	_ =	sdelay $0x1  }
0x3d8: {  	v3 =	vsub.f32 $1.000000000e+00, v3;
	v5 =	vmul.f32 $2.500000000e-01, v5;
	v4 =	vld [tilespmem:s28+$0x80];
	v7 =	vpop (erf);
	(erf) = vpow2.f32 v6;
	_ =	sdelay $0x1  }
0x3d9: {  	v0 =	vadd.f32 v5, v0;
	v5 =	vadd.f32 $1.000000000e+00, v2;
	v3 =	vmul.f32 v7, v3  }
0x3da: {  	s1 =	simm.s32 $0x60;
	s0 =	simm.s32 $0x300  }
.LBB2_54:
0x3db: {  	s14 =	sand.u32 $0x70, s1;
	s23 =	sand.u32 $0x3C00, s0;
	(erf) = vrcp.f32 v5;
	v9 =	vmul.f32 v3, v3;
	p0 =	sne.s32 s1, $0x4F0  }
.Ltmp26:
0x3dc: {  	s1 =	sadd.s32 $0x10, s1;
	s14 =	sor.u32 s14, s23;
	v5 =	vsub.f32 $0.0e+00, v4;
	(pc) =	sbr.rel @p0 .LBB2_54-.Ltmp26, $4  }
0x3dd: {  	v6 =	vsub.f32 $1.000000000e+00, v1;
	v1 =	vmov v2;
	v4 =	vld [tilespmem:s14+$0x80];
	v7 =	vmul.f32 $2.500000000e-01, v9;
	v2 =	vpop (erf)  }
0x3de: {  	v8 =	vmul.f32 $1.442695020e+00, v5;
	v3 =	vpop (erf)  }
0x3df: {  	v5 =	vadd.f32 $1.000000000e+00, v2;
	v3 =	vmul.f32 v3, v6;
	v0 =	vadd.f32 v7, v0  }
0x3e0: {  	s0 =	sadd.s32 $0x80, s0;
	(erf) = vpow2.f32 v8  }
0x3e1: {  	_ = 	snop  }
0x3e2: {  	v4 =	vsub.f32 $0.0e+00, v4;
	_ =	sdelay $0x1  }
0x3e3: {  	v4 =	vmul.f32 $1.442695020e+00, v4  }
0x3e4: {  	(erf) = vrcp.f32 v5  }
0x3e5: {  	(erf) = vpow2.f32 v4;
	_ =	sdelay $0x1  }
0x3e6: {  	v56 =	vpop (erf)  }
0x3e7: {  	v57 =	vadd.f32 $1.000000000e+00, v56;
	_ =	sdelay $0x1  }
0x3e8: {  	(erf) = vrcp.f32 v57  }
0x3e9: {  	v6 =	vpop (erf)  }
0x3ea: {  	v58 =	vpop (erf)  }
0x3eb: {  	v7 =	vpop (erf);
	v8 =	vadd.f32 $1.000000000e+00, v58  }
0x3ec: {  	v9 =	vpop (erf)  }
0x3ed: {  	(erf) = vrcp.f32 v8;
	v59 =	vadd.f32 $1.000000000e+00, v9  }
0x3ee: {  	v1 =	vsub.f32 $1.000000000e+00, v1;
	v3 =	vmul.f32 v3, v3  }
0x3ef: {  	(erf) = vrcp.f32 v59  }
0x3f0: {  	v3 =	vmul.f32 $2.500000000e-01, v3;
	v1 =	vmul.f32 v6, v1;
	v4 =	vsub.f32 $1.000000000e+00, v56  }
0x3f1: {  	v2 =	vsub.f32 $1.000000000e+00, v2;
	v60 =	vpop (erf)  }
0x3f2: {  	v0 =	vadd.f32 v3, v0;
	v1 =	vmul.f32 v1, v1;
	v3 =	vmul.f32 v60, v4  }
0x3f3: {  	v2 =	vmul.f32 v7, v2  }
0x3f4: {  	v1 =	vmul.f32 $2.500000000e-01, v1  }
0x3f5: {  	v61 =	vsub.f32 $1.000000000e+00, v58;
	v2 =	vmul.f32 v2, v2  }
0x3f6: {  	v0 =	vadd.f32 v1, v0;
	v1 =	vmul.f32 v3, v3;
	v3 =	vpop (erf)  }
0x3f7: {  	v2 =	vmul.f32 $2.500000000e-01, v2;
	v62 =	vsub.f32 $1.000000000e+00, v9;
	v3 =	vmul.f32 v3, v61  }
0x3f8: {  	v1 =	vmul.f32 $2.500000000e-01, v1;
	v63 =	vpop (erf)  }
0x3f9: {  	v0 =	vadd.f32 v2, v0;
	v2 =	vmul.f32 v3, v3;
	v3 =	vmul.f32 v63, v62;
	_ =	sdelay $0x1  }
0x3fa: {  	v0 =	vadd.f32 v1, v0;
	v1 =	vmul.f32 $2.500000000e-01, v2;
	v2 =	vmul.f32 v3, v3  }
0x3fb: {  	s25 =	simm.s32 $0x0  }
0x3fc: {  	s0 =	sand.u32 $0x70, s25;
	s1 =	sand.u32 $0x3C00, s25;
	v0 =	vadd.f32 v1, v0;
	v1 =	vmul.f32 $2.500000000e-01, v2  }
0x3fd: {  	s0 =	sor.u32 s0, s1  }
0x3fe: {  	v0 =	vadd.f32 v1, v0;
	v1 =	vld [tilespmem:s0+$0x100]  }
0x3ff: {  	s26 =	simm.s32 $0x0;
	s1 =	simm.s32 $0x10  }
.LBB2_56:
0x400: {  	p0 =	sne.s32 s1, $0x4F0  }
.Ltmp27:
0x401: {  	s14 =	sand.u32 $0x70, s1;
	s26 =	sadd.s32 $0x80, s26;
	(pc) =	sbr.rel @p0 .LBB2_56-.Ltmp27, $4  }
0x402: {  	s1 =	sadd.s32 $0x10, s1;
	s23 =	sand.u32 $0x3C00, s26  }
0x403: {  	s14 =	sor.u32 s14, s23;
	v2 =	vmul.f32 v1, v1  }
0x404: {  	v1 =	vld [tilespmem:s14+$0x100]  }
0x405: {  	v0 =	vadd.f32 v2, v0  }
0x406: {  	_ =	sdelay $0x2  }
0x407: {  	v1 =	vmul.f32 v1, v1;
	_ =	sdelay $0x1  }
0x408: {  	v0 =	vadd.f32 v1, v0;
	v1 =	vld [tilespmem:s0+$0x180]  }
0x409: {  	s1 =	simm.s32 $0x10  }
.LBB2_58:
0x40a: {  	p0 =	sne.s32 s1, $0x4F0  }
.Ltmp28:
0x40b: {  	s0 =	sand.u32 $0x70, s1;
	s25 =	sadd.s32 $0x80, s25;
	(pc) =	sbr.rel @p0 .LBB2_58-.Ltmp28, $4  }
0x40c: {  	s1 =	sadd.s32 $0x10, s1;
	s14 =	sand.u32 $0x3C00, s25  }
0x40d: {  	s0 =	sor.u32 s0, s14;
	v2 =	vmul.f32 v1, v1  }
0x40e: {  	v1 =	vld [tilespmem:s0+$0x180]  }
0x40f: {  	v0 =	vadd.f32 v2, v0  }
0x410: {  	s0 =	simm.s32 $0x0  }
0x411: {  	s1 =	sand.u32 $0x70, s0;
	s0 =	sand.u32 $0x3C00, s0  }
0x412: {  	s30 =	sor.u32 s1, s0  }
0x413: {  	v2 =	vld [tilespmem:s30+$0x200];
	_ =	sdelay $0x2  }
0x414: {  	s25 =	simm.s32 $0x10;
	s26 =	simm.s32 $0x80  }
0x415: {  	s0 =	sand.u32 $0x70, s25;
	s1 =	sand.u32 $0x3C00, s26  }
0x416: {  	s25 =	sor.u32 s0, s1;
	v2 =	vsub.f32 $0.0e+00, v2  }
0x417: {  	v3 =	vld [tilespmem:s25+$0x200]  }
0x418: {  	v2 =	vmul.f32 $1.442695020e+00, v2  }
0x419: {  	s14 =	simm.s32 $0x100;
	s1 =	simm.s32 $0x20  }
0x41a: {  	s0 =	sand.u32 $0x70, s1;
	s1 =	sand.u32 $0x3C00, s14;
	(erf) = vpow2.f32 v2  }
0x41b: {  	s28 =	sor.u32 s0, s1  }
0x41c: {  	v3 =	vsub.f32 $0.0e+00, v3;
	v2 =	vld [tilespmem:s28+$0x200];
	_ =	sdelay $0x1  }
0x41d: {  	v3 =	vmul.f32 $1.442695020e+00, v3  }
0x41e: {  	s23 =	simm.s32 $0x30;
	s26 =	simm.s32 $0x180  }
0x41f: {  	s0 =	sand.u32 $0x70, s23;
	s1 =	sand.u32 $0x3C00, s26;
	(erf) = vpow2.f32 v3  }
0x420: {  	s26 =	sor.u32 s0, s1;
	v2 =	vsub.f32 $0.0e+00, v2  }
0x421: {  	s14 =	simm.s32 $0x40;
	s23 =	simm.s32 $0x200;
	v4 =	vld [tilespmem:s26+$0x200]  }
0x422: {  	s0 =	sand.u32 $0x70, s14;
	s1 =	sand.u32 $0x3C00, s23;
	v2 =	vmul.f32 $1.442695020e+00, v2;
	v3 =	vpop (erf)  }
0x423: {  	s31 =	sor.u32 s0, s1;
	v3 =	vadd.f32 $1.000000000e+00, v3  }
0x424: {  	(erf) = vpow2.f32 v2;
	v2 =	vld [tilespmem:s31+$0x200]  }
0x425: {  	(erf) = vrcp.f32 v3  }
0x426: {  	v3 =	vsub.f32 $0.0e+00, v4;
	_ =	sdelay $0x1  }
0x427: {  	v4 =	vpop (erf);
	v3 =	vmul.f32 $1.442695020e+00, v3  }
0x428: {  	v4 =	vadd.f32 $1.000000000e+00, v4;
	v2 =	vsub.f32 $0.0e+00, v2  }
0x429: {  	v1 =	vmul.f32 v1, v1;
	s14 =	simm.s32 $0x50;
	s23 =	simm.s32 $0x280;
	(erf) = vpow2.f32 v3  }
0x42a: {  	s0 =	sand.u32 $0x70, s14;
	s1 =	sand.u32 $0x3C00, s23;
	v5 =	vmul.f32 $1.442695020e+00, v2;
	(erf) = vrcp.f32 v4  }
0x42b: {  	s29 =	sor.u32 s0, s1  }
0x42c: {  	v2 =	vld [tilespmem:s29+$0x200];
	v3 =	vpop (erf);
	(erf) = vpow2.f32 v5  }
0x42d: {  	v0 =	vadd.f32 v1, v0;
	v1 =	vpop (erf)  }
0x42e: {  	v3 =	vadd.f32 $1.000000000e+00, v3;
	v1 =	vmul.f32 v1, v1  }
0x42f: {  	s0 =	simm.s32 $0x60;
	s1 =	simm.s32 $0x300  }
.LBB2_60:
0x430: {  	s14 =	sand.u32 $0x70, s0;
	s23 =	sand.u32 $0x3C00, s1;
	(erf) = vrcp.f32 v3;
	v0 =	vadd.f32 v1, v0;
	p0 =	sne.s32 s0, $0x4F0  }
.Ltmp29:
0x431: {  	s0 =	sadd.s32 $0x10, s0;
	s14 =	sor.u32 s14, s23;
	v5 =	vsub.f32 $0.0e+00, v2;
	(pc) =	sbr.rel @p0 .LBB2_60-.Ltmp29, $4  }
0x432: {  	v2 =	vld [tilespmem:s14+$0x200];
	v3 =	vpop (erf)  }
0x433: {  	v4 =	vmul.f32 $1.442695020e+00, v5;
	v1 =	vpop (erf)  }
0x434: {  	v3 =	vadd.f32 $1.000000000e+00, v3;
	v1 =	vmul.f32 v1, v1  }
0x435: {  	s1 =	sadd.s32 $0x80, s1;
	(erf) = vpow2.f32 v4  }
0x436: {  	_ = 	snop  }
0x437: {  	v2 =	vsub.f32 $0.0e+00, v2;
	_ =	sdelay $0x1  }
0x438: {  	v2 =	vmul.f32 $1.442695020e+00, v2  }
0x439: {  	(erf) = vrcp.f32 v3  }
0x43a: {  	(erf) = vpow2.f32 v2;
	_ =	sdelay $0x4  }
0x43b: {  	v3 =	vpop (erf);
	v2 =	vld [tilespmem:s30+$0x300]  }
0x43c: {  	v4 =	vpop (erf)  }
0x43d: {  	v5 =	vpop (erf)  }
0x43e: {  	v3 =	vadd.f32 $1.000000000e+00, v3;
	v6 =	vpop (erf)  }
0x43f: {  	v5 =	vadd.f32 $1.000000000e+00, v5;
	v7 =	vpop (erf)  }
0x440: {  	(erf) = vrcp.f32 v3;
	v2 =	vsub.f32 $0.0e+00, v2;
	v3 =	vadd.f32 $1.000000000e+00, v7  }
0x441: {  	(erf) = vrcp.f32 v5  }
0x442: {  	v2 =	vmul.f32 $1.442695020e+00, v2;
	(erf) = vrcp.f32 v3;
	v3 =	vld [tilespmem:s25+$0x300];
	_ =	sdelay $0x1  }
0x443: {  	(erf) = vpow2.f32 v2;
	v2 =	vld [tilespmem:s28+$0x300];
	_ =	sdelay $0x2  }
0x444: {  	v3 =	vsub.f32 $0.0e+00, v3;
	_ =	sdelay $0x1  }
0x445: {  	v2 =	vsub.f32 $0.0e+00, v2;
	v3 =	vmul.f32 $1.442695020e+00, v3  }
0x446: {  	v5 =	vpop (erf)  }
0x447: {  	v7 =	vpop (erf);
	v2 =	vmul.f32 $1.442695020e+00, v2;
	(erf) = vpow2.f32 v3  }
0x448: {  	v8 =	vpop (erf)  }
0x449: {  	v0 =	vadd.f32 v1, v0;
	v1 =	vmul.f32 v4, v4;
	(erf) = vpow2.f32 v2;
	v2 =	vld [tilespmem:s26+$0x300];
	v3 =	vpop (erf)  }
0x44a: {  	v9 =	vadd.f32 $1.000000000e+00, v3  }
0x44b: {  	v0 =	vadd.f32 v1, v0;
	v1 =	vmul.f32 v6, v6  }
0x44c: {  	v4 =	vld [tilespmem:s31+$0x300];
	(erf) = vrcp.f32 v9  }
0x44d: {  	v0 =	vadd.f32 v1, v0;
	v1 =	vmul.f32 v5, v5  }
0x44e: {  	v5 =	vsub.f32 $0.0e+00, v2  }
0x44f: {  	v0 =	vadd.f32 v1, v0;
	v1 =	vmul.f32 v7, v7  }
0x450: {  	v5 =	vmul.f32 $1.442695020e+00, v5;
	v2 =	vpop (erf)  }
0x451: {  	v4 =	vsub.f32 $0.0e+00, v4;
	v6 =	vmul.f32 v8, v8;
	v7 =	vadd.f32 $1.000000000e+00, v2  }
0x452: {  	(erf) = vpow2.f32 v5  }
0x453: {  	v63 =	vmul.f32 $1.442695020e+00, v4;
	v0 =	vadd.f32 v1, v0;
	v1 =	vpop (erf);
	(erf) = vrcp.f32 v7;
	_ =	sdelay $0x1  }
0x454: {  	v4 =	vld [tilespmem:s29+$0x300];
	v3 =	vsub.f32 $1.000000000e+00, v3;
	v0 =	vadd.f32 v6, v0;
	v6 =	vpop (erf);
	(erf) = vpow2.f32 v63;
	_ =	sdelay $0x1  }
0x455: {  	v5 =	vadd.f32 $1.000000000e+00, v1;
	v3 =	vmul.f32 v6, v3  }
0x456: {  	s1 =	simm.s32 $0x60;
	s0 =	simm.s32 $0x300  }
.LBB2_62:
0x457: {  	s14 =	sand.u32 $0x70, s1;
	s23 =	sand.u32 $0x3C00, s0;
	(erf) = vrcp.f32 v5;
	v9 =	vmul.f32 v3, v3;
	p0 =	sne.s32 s1, $0x4F0  }
.Ltmp30:
0x458: {  	s1 =	sadd.s32 $0x10, s1;
	s14 =	sor.u32 s14, s23;
	v5 =	vsub.f32 $0.0e+00, v4;
	(pc) =	sbr.rel @p0 .LBB2_62-.Ltmp30, $4  }
0x459: {  	v6 =	vsub.f32 $1.000000000e+00, v2;
	v2 =	vmov v1;
	v4 =	vld [tilespmem:s14+$0x300];
	v7 =	vmul.f32 $2.500000000e-01, v9;
	v1 =	vpop (erf)  }
0x45a: {  	v8 =	vmul.f32 $1.442695020e+00, v5;
	v3 =	vpop (erf)  }
0x45b: {  	v5 =	vadd.f32 $1.000000000e+00, v1;
	v3 =	vmul.f32 v3, v6;
	v0 =	vadd.f32 v7, v0  }
0x45c: {  	s0 =	sadd.s32 $0x80, s0;
	(erf) = vpow2.f32 v8  }
0x45d: {  	_ = 	snop  }
0x45e: {  	v4 =	vsub.f32 $0.0e+00, v4;
	_ =	sdelay $0x1  }
0x45f: {  	v4 =	vmul.f32 $1.442695020e+00, v4  }
0x460: {  	(erf) = vrcp.f32 v5;
	s0 =	simm.s32 $0x0  }
0x461: {  	s0 =	sand.u32 $0x7, s0;
	(erf) = vpow2.f32 v4  }
0x462: {  	s0 =	sshll.u32 s0, $0x4  }
0x463: {  	s0 =	sadd.s32 $0x0, s0  }
0x464: {  	s0 =	sor.u32 $0x380, s0  }
0x465: {  	s25 =	simm.s32 $0x1;
	v4 =	vld [tilespmem:s0+$0x0]  }
0x466: {  	v5 =	vpop (erf);
	s0 =	sand.u32 $0x7, s25  }
0x467: {  	v6 =	vpop (erf);
	s0 =	sshll.u32 s0, $0x4  }
0x468: {  	s0 =	sadd.s32 $0x80, s0;
	v7 =	vpop (erf)  }
0x469: {  	v8 =	vadd.f32 $1.000000000e+00, v5;
	s0 =	sor.u32 $0x380, s0;
	v9 =	vpop (erf)  }
0x46a: {  	v10 =	vadd.f32 $1.000000000e+00, v7;
	v12 =	vld [tilespmem:s0+$0x0];
	v4 =	vsub.f32 $0.0e+00, v4;
	v11 =	vpop (erf)  }
0x46b: {  	s26 =	simm.s32 $0x2;
	(erf) = vrcp.f32 v8;
	v8 =	vadd.f32 $1.000000000e+00, v11  }
0x46c: {  	s0 =	sand.u32 $0x7, s26;
	v4 =	vmul.f32 $1.442695020e+00, v4;
	(erf) = vrcp.f32 v10  }
0x46d: {  	s0 =	sshll.u32 s0, $0x4;
	(erf) = vrcp.f32 v8  }
0x46e: {  	s0 =	sadd.s32 $0x100, s0;
	(erf) = vpow2.f32 v4  }
0x46f: {  	s0 =	sor.u32 $0x380, s0;
	v4 =	vsub.f32 $0.0e+00, v12  }
0x470: {  	v8 =	vld [tilespmem:s0+$0x0]  }
0x471: {  	s28 =	simm.s32 $0x3;
	v4 =	vmul.f32 $1.442695020e+00, v4  }
0x472: {  	s0 =	sand.u32 $0x7, s28  }
0x473: {  	s0 =	sshll.u32 s0, $0x4  }
0x474: {  	s0 =	sadd.s32 $0x180, s0;
	v62 =	vpop (erf)  }
0x475: {  	v2 =	vsub.f32 $1.000000000e+00, v2;
	s0 =	sor.u32 $0x380, s0;
	v8 =	vsub.f32 $0.0e+00, v8;
	(erf) = vpow2.f32 v4;
	v4 =	vpop (erf)  }
0x476: {  	v3 =	vmul.f32 v3, v3;
	v13 =	vld [tilespmem:s0+$0x0];
	v63 =	vpop (erf)  }
0x477: {  	v2 =	vmul.f32 v6, v2;
	v8 =	vmul.f32 $1.442695020e+00, v8;
	v14 =	vpop (erf)  }
0x478: {  	s29 =	simm.s32 $0x4;
	v1 =	vsub.f32 $1.000000000e+00, v1;
	v3 =	vmul.f32 $2.500000000e-01, v3;
	v6 =	vadd.f32 $1.000000000e+00, v14  }
0x479: {  	v2 =	vmul.f32 v2, v2;
	s0 =	sand.u32 $0x7, s29;
	(erf) = vpow2.f32 v8  }
0x47a: {  	v5 =	vsub.f32 $1.000000000e+00, v5;
	v1 =	vmul.f32 v9, v1;
	s0 =	sshll.u32 s0, $0x4;
	(erf) = vrcp.f32 v6  }
0x47b: {  	v2 =	vmul.f32 $2.500000000e-01, v2;
	v7 =	vsub.f32 $1.000000000e+00, v7;
	s0 =	sadd.s32 $0x200, s0;
	v6 =	vsub.f32 $0.0e+00, v13  }
0x47c: {  	v0 =	vadd.f32 v3, v0;
	v1 =	vmul.f32 v1, v1;
	v3 =	vmul.f32 v62, v5;
	s0 =	sor.u32 $0x380, s0  }
0x47d: {  	v4 =	vmul.f32 v4, v7;
	v5 =	vmul.f32 $1.442695020e+00, v6;
	v6 =	vld [tilespmem:s0+$0x0]  }
0x47e: {  	s1 =	simm.s32 $0x5;
	v0 =	vadd.f32 v2, v0;
	v1 =	vmul.f32 $2.500000000e-01, v1;
	v2 =	vmul.f32 v3, v3;
	v8 =	vpop (erf)  }
0x47f: {  	s30 =	sand.u32 $0x7, s1;
	v3 =	vsub.f32 $1.000000000e+00, v11;
	v4 =	vmul.f32 v4, v4;
	v7 =	vadd.f32 $1.000000000e+00, v8  }
0x480: {  	v2 =	vmul.f32 $2.500000000e-01, v2;
	s0 =	sshll.u32 s30, $0x4;
	(erf) = vpow2.f32 v5  }
0x481: {  	v1 =	vadd.f32 v1, v0;
	v3 =	vmul.f32 v63, v3;
	s0 =	sadd.s32 $0x280, s0;
	(erf) = vrcp.f32 v7  }
0x482: {  	s0 =	sor.u32 $0x380, s0;
	v0 =	vpop (erf);
	v7 =	vsub.f32 $1.000000000e+00, v14;
	v6 =	vsub.f32 $0.0e+00, v6  }
0x483: {  	v1 =	vadd.f32 v2, v1;
	v2 =	vmul.f32 $2.500000000e-01, v4;
	v3 =	vmul.f32 v3, v3;
	v5 =	vld [tilespmem:s0+$0x0];
	v4 =	vpop (erf)  }
0x484: {  	s31 =	simm.s32 $0x6;
	v6 =	vmul.f32 $1.442695020e+00, v6;
	v4 =	vmul.f32 v4, v7  }
0x485: {  	v1 =	vadd.f32 v2, v1;
	v2 =	vmul.f32 $2.500000000e-01, v3;
	s0 =	sand.u32 $0x7, s31;
	v3 =	vadd.f32 $1.000000000e+00, v0  }
0x486: {  	s0 =	sshll.u32 s0, $0x4;
	(erf) = vpow2.f32 v6;
	v6 =	vmul.f32 v4, v4  }
0x487: {  	s0 =	sadd.s32 $0x300, s0;
	(erf) = vrcp.f32 v3  }
0x488: {  	s0 =	sor.u32 $0x380, s0;
	v7 =	vsub.f32 $0.0e+00, v5  }
0x489: {  	v1 =	vadd.f32 v2, v1;
	v5 =	vld [tilespmem:s0+$0x0];
	v4 =	vsub.f32 $1.000000000e+00, v8;
	v2 =	vpop (erf);
	v3 =	vmul.f32 $2.500000000e-01, v6  }
0x48a: {  	s1 =	simm.s32 $0x7;
	s25 =	simm.s32 $0x300;
	s26 =	simm.s32 $0x70;
	v7 =	vmul.f32 $1.442695020e+00, v7;
	v6 =	vpop (erf)  }
.LBB2_64:
0x48b: {  	s0 =	sand.u32 $0x7, s1;
	s25 =	sadd.s32 $0x80, s25;
	v8 =	vadd.f32 $1.000000000e+00, v2;
	v4 =	vmul.f32 v6, v4;
	v1 =	vadd.f32 v3, v1;
	p0 =	sne.s32 s26, $0x4F0  }
.Ltmp31:
0x48c: {  	s26 =	sadd.s32 $0x10, s26;
	s0 =	sshll.u32 s0, $0x4;
	(erf) = vpow2.f32 v7;
	(pc) =	sbr.rel @p0 .LBB2_64-.Ltmp31, $4  }
0x48d: {  	s0 =	sadd.s32 s0, s25;
	(erf) = vrcp.f32 v8;
	v3 =	vmul.f32 v4, v4  }
0x48e: {  	s0 =	sor.u32 $0x380, s0;
	v8 =	vsub.f32 $0.0e+00, v5  }
0x48f: {  	v4 =	vsub.f32 $1.000000000e+00, v0;
	v0 =	vmov v2;
	v5 =	vld [tilespmem:s0+$0x0];
	v3 =	vmul.f32 $2.500000000e-01, v3;
	v2 =	vpop (erf)  }
0x490: {  	s1 =	sadd.s32 $0x1, s1;
	v7 =	vmul.f32 $1.442695020e+00, v8;
	v6 =	vpop (erf)  }
0x491: {  	_ =	sdelay $0x2  }
0x492: {  	v5 =	vsub.f32 $0.0e+00, v5  }
0x493: {  	v8 =	vadd.f32 $1.000000000e+00, v2  }
0x494: {  	(erf) = vpow2.f32 v7;
	v5 =	vmul.f32 $1.442695020e+00, v5  }
0x495: {  	(erf) = vrcp.f32 v8  }
0x496: {  	(erf) = vpow2.f32 v5;
	_ =	sdelay $0x1  }
0x497: {  	v54 =	vpop (erf)  }
0x498: {  	v55 =	vadd.f32 $1.000000000e+00, v54;
	_ =	sdelay $0x1  }
0x499: {  	(erf) = vrcp.f32 v55  }
0x49a: {  	v56 =	vpop (erf)  }
0x49b: {  	v57 =	vpop (erf)  }
0x49c: {  	v9 =	vpop (erf);
	v10 =	vadd.f32 $1.000000000e+00, v57  }
0x49d: {  	v4 =	vmul.f32 v6, v4;
	v11 =	vpop (erf)  }
0x49e: {  	(erf) = vrcp.f32 v10;
	v58 =	vadd.f32 $1.000000000e+00, v11  }
0x49f: {  	v0 =	vsub.f32 $1.000000000e+00, v0;
	v4 =	vmul.f32 v4, v4  }
0x4a0: {  	v1 =	vadd.f32 v3, v1;
	(erf) = vrcp.f32 v58  }
0x4a1: {  	v3 =	vmul.f32 $2.500000000e-01, v4;
	v59 =	vsub.f32 $1.000000000e+00, v54;
	v0 =	vmul.f32 v56, v0  }
0x4a2: {  	v2 =	vsub.f32 $1.000000000e+00, v2;
	v60 =	vpop (erf)  }
0x4a3: {  	v1 =	vadd.f32 v3, v1;
	v0 =	vmul.f32 v0, v0;
	v3 =	vmul.f32 v60, v59  }
0x4a4: {  	v2 =	vmul.f32 v9, v2  }
0x4a5: {  	v0 =	vmul.f32 $2.500000000e-01, v0  }
0x4a6: {  	v61 =	vsub.f32 $1.000000000e+00, v57;
	v2 =	vmul.f32 v2, v2  }
0x4a7: {  	v0 =	vadd.f32 v0, v1;
	v1 =	vmul.f32 v3, v3;
	v3 =	vpop (erf)  }
0x4a8: {  	v2 =	vmul.f32 $2.500000000e-01, v2;
	v62 =	vsub.f32 $1.000000000e+00, v11;
	v3 =	vmul.f32 v3, v61  }
0x4a9: {  	v1 =	vmul.f32 $2.500000000e-01, v1;
	v63 =	vpop (erf)  }
0x4aa: {  	v0 =	vadd.f32 v2, v0;
	v2 =	vmul.f32 v3, v3;
	v3 =	vmul.f32 v63, v62  }
0x4ab: {  	s25 =	simm.s32 $0x0  }
0x4ac: {  	[tilespmem:s25], [sflag:$0x1] =	stream.linear.gather [hbm4b:s8+s25], $0x2800, $0x38;
	v0 =	vadd.f32 v1, v0;
	v1 =	vmul.f32 $2.500000000e-01, v2;
	v2 =	vmul.f32 v3, v3;
	[tilespmem:$0x2880] =	vst v63  }
0x4ad: {  	_ =	swait.ge [sflag:s13], $0x2800  }
0x4ae: {  	s0 =	sand.u32 $0x70, s25;
	s1 =	sand.u32 $0x3C00, s25;
	v0 =	vadd.f32 v1, v0;
	[sflag:s13] =	ssyncset.done $0x0;
	v1 =	vmul.f32 $2.500000000e-01, v2  }
0x4af: {  	s0 =	sor.u32 s0, s1;
	[sflag:s13] =	ssyncadd.s32 $0xFFFFD800  }
0x4b0: {  	v0 =	vadd.f32 v1, v0;
	v1 =	vld [tilespmem:s0+$0x0]  }
0x4b1: {  	s26 =	simm.s32 $0x0;
	s1 =	simm.s32 $0x10  }
.LBB2_66:
0x4b2: {  	p0 =	sne.s32 s1, $0x4F0  }
.Ltmp32:
0x4b3: {  	s14 =	sand.u32 $0x70, s1;
	s26 =	sadd.s32 $0x80, s26;
	(pc) =	sbr.rel @p0 .LBB2_66-.Ltmp32, $4  }
0x4b4: {  	s1 =	sadd.s32 $0x10, s1;
	s23 =	sand.u32 $0x3C00, s26  }
0x4b5: {  	s14 =	sor.u32 s14, s23;
	v2 =	vmul.f32 v1, v1  }
0x4b6: {  	v1 =	vld [tilespmem:s14+$0x0]  }
0x4b7: {  	v0 =	vadd.f32 v2, v0  }
0x4b8: {  	_ =	sdelay $0x2  }
0x4b9: {  	v1 =	vmul.f32 v1, v1;
	_ =	sdelay $0x1  }
0x4ba: {  	v0 =	vadd.f32 v1, v0;
	v1 =	vld [tilespmem:s0+$0x80]  }
0x4bb: {  	s1 =	simm.s32 $0x10  }
.LBB2_68:
0x4bc: {  	p0 =	sne.s32 s1, $0x4F0  }
.Ltmp33:
0x4bd: {  	s0 =	sand.u32 $0x70, s1;
	s25 =	sadd.s32 $0x80, s25;
	(pc) =	sbr.rel @p0 .LBB2_68-.Ltmp33, $4  }
0x4be: {  	s1 =	sadd.s32 $0x10, s1;
	s14 =	sand.u32 $0x3C00, s25  }
0x4bf: {  	s0 =	sor.u32 s0, s14;
	v2 =	vmul.f32 v1, v1  }
0x4c0: {  	v1 =	vld [tilespmem:s0+$0x80]  }
0x4c1: {  	v0 =	vadd.f32 v2, v0  }
0x4c2: {  	s0 =	simm.s32 $0x0  }
0x4c3: {  	s1 =	sand.u32 $0x70, s0;
	s0 =	sand.u32 $0x3C00, s0  }
0x4c4: {  	s30 =	sor.u32 s1, s0  }
0x4c5: {  	v2 =	vld [tilespmem:s30+$0x100];
	_ =	sdelay $0x2  }
0x4c6: {  	s25 =	simm.s32 $0x10;
	s26 =	simm.s32 $0x80  }
0x4c7: {  	s0 =	sand.u32 $0x70, s25;
	s1 =	sand.u32 $0x3C00, s26  }
0x4c8: {  	s25 =	sor.u32 s0, s1;
	v2 =	vsub.f32 $0.0e+00, v2  }
0x4c9: {  	v3 =	vld [tilespmem:s25+$0x100]  }
0x4ca: {  	v2 =	vmul.f32 $1.442695020e+00, v2  }
0x4cb: {  	s14 =	simm.s32 $0x100;
	s1 =	simm.s32 $0x20  }
0x4cc: {  	s0 =	sand.u32 $0x70, s1;
	s1 =	sand.u32 $0x3C00, s14;
	(erf) = vpow2.f32 v2  }
0x4cd: {  	s28 =	sor.u32 s0, s1  }
0x4ce: {  	v3 =	vsub.f32 $0.0e+00, v3;
	v2 =	vld [tilespmem:s28+$0x100];
	_ =	sdelay $0x1  }
0x4cf: {  	v3 =	vmul.f32 $1.442695020e+00, v3  }
0x4d0: {  	s23 =	simm.s32 $0x30;
	s26 =	simm.s32 $0x180  }
0x4d1: {  	s0 =	sand.u32 $0x70, s23;
	s1 =	sand.u32 $0x3C00, s26;
	(erf) = vpow2.f32 v3  }
0x4d2: {  	s26 =	sor.u32 s0, s1;
	v2 =	vsub.f32 $0.0e+00, v2  }
0x4d3: {  	s14 =	simm.s32 $0x40;
	s23 =	simm.s32 $0x200;
	v4 =	vld [tilespmem:s26+$0x100]  }
0x4d4: {  	s0 =	sand.u32 $0x70, s14;
	s1 =	sand.u32 $0x3C00, s23;
	v2 =	vmul.f32 $1.442695020e+00, v2;
	v3 =	vpop (erf)  }
0x4d5: {  	s31 =	sor.u32 s0, s1;
	v3 =	vadd.f32 $1.000000000e+00, v3  }
0x4d6: {  	(erf) = vpow2.f32 v2;
	v2 =	vld [tilespmem:s31+$0x100]  }
0x4d7: {  	(erf) = vrcp.f32 v3  }
0x4d8: {  	v3 =	vsub.f32 $0.0e+00, v4;
	_ =	sdelay $0x1  }
0x4d9: {  	v4 =	vpop (erf);
	v3 =	vmul.f32 $1.442695020e+00, v3  }
0x4da: {  	v4 =	vadd.f32 $1.000000000e+00, v4;
	v2 =	vsub.f32 $0.0e+00, v2  }
0x4db: {  	v1 =	vmul.f32 v1, v1;
	s14 =	simm.s32 $0x50;
	s23 =	simm.s32 $0x280;
	(erf) = vpow2.f32 v3  }
0x4dc: {  	s0 =	sand.u32 $0x70, s14;
	s1 =	sand.u32 $0x3C00, s23;
	v5 =	vmul.f32 $1.442695020e+00, v2;
	(erf) = vrcp.f32 v4  }
0x4dd: {  	s29 =	sor.u32 s0, s1  }
0x4de: {  	v2 =	vld [tilespmem:s29+$0x100];
	v3 =	vpop (erf);
	(erf) = vpow2.f32 v5  }
0x4df: {  	v0 =	vadd.f32 v1, v0;
	v1 =	vpop (erf)  }
0x4e0: {  	v3 =	vadd.f32 $1.000000000e+00, v3;
	v1 =	vmul.f32 v1, v1  }
0x4e1: {  	s0 =	simm.s32 $0x60;
	s1 =	simm.s32 $0x300  }
.LBB2_70:
0x4e2: {  	s14 =	sand.u32 $0x70, s0;
	s23 =	sand.u32 $0x3C00, s1;
	(erf) = vrcp.f32 v3;
	v0 =	vadd.f32 v1, v0;
	p0 =	sne.s32 s0, $0x4F0  }
.Ltmp34:
0x4e3: {  	s0 =	sadd.s32 $0x10, s0;
	s14 =	sor.u32 s14, s23;
	v5 =	vsub.f32 $0.0e+00, v2;
	(pc) =	sbr.rel @p0 .LBB2_70-.Ltmp34, $4  }
0x4e4: {  	v2 =	vld [tilespmem:s14+$0x100];
	v3 =	vpop (erf)  }
0x4e5: {  	v4 =	vmul.f32 $1.442695020e+00, v5;
	v1 =	vpop (erf)  }
0x4e6: {  	v3 =	vadd.f32 $1.000000000e+00, v3;
	v1 =	vmul.f32 v1, v1  }
0x4e7: {  	s1 =	sadd.s32 $0x80, s1;
	(erf) = vpow2.f32 v4  }
0x4e8: {  	_ = 	snop  }
0x4e9: {  	v2 =	vsub.f32 $0.0e+00, v2;
	_ =	sdelay $0x1  }
0x4ea: {  	v2 =	vmul.f32 $1.442695020e+00, v2  }
0x4eb: {  	(erf) = vrcp.f32 v3  }
0x4ec: {  	(erf) = vpow2.f32 v2;
	_ =	sdelay $0x3  }
0x4ed: {  	v2 =	vld [tilespmem:s30+$0x200]  }
0x4ee: {  	v3 =	vpop (erf)  }
0x4ef: {  	v4 =	vpop (erf)  }
0x4f0: {  	v5 =	vpop (erf)  }
0x4f1: {  	v3 =	vadd.f32 $1.000000000e+00, v3;
	v6 =	vpop (erf)  }
0x4f2: {  	v5 =	vadd.f32 $1.000000000e+00, v5;
	v2 =	vsub.f32 $0.0e+00, v2;
	v7 =	vpop (erf)  }
0x4f3: {  	(erf) = vrcp.f32 v3;
	v3 =	vadd.f32 $1.000000000e+00, v7  }
0x4f4: {  	(erf) = vrcp.f32 v5;
	v2 =	vmul.f32 $1.442695020e+00, v2  }
0x4f5: {  	(erf) = vrcp.f32 v3;
	v3 =	vld [tilespmem:s25+$0x200]  }
0x4f6: {  	(erf) = vpow2.f32 v2;
	v2 =	vld [tilespmem:s28+$0x200];
	_ =	sdelay $0x3  }
0x4f7: {  	v3 =	vsub.f32 $0.0e+00, v3  }
0x4f8: {  	v2 =	vsub.f32 $0.0e+00, v2  }
0x4f9: {  	v3 =	vmul.f32 $1.442695020e+00, v3  }
0x4fa: {  	v5 =	vpop (erf);
	v2 =	vmul.f32 $1.442695020e+00, v2  }
0x4fb: {  	v7 =	vpop (erf);
	(erf) = vpow2.f32 v3  }
0x4fc: {  	v0 =	vadd.f32 v1, v0;
	v1 =	vmul.f32 v4, v4;
	v8 =	vpop (erf);
	(erf) = vpow2.f32 v2;
	v2 =	vld [tilespmem:s26+$0x200]  }
0x4fd: {  	v3 =	vpop (erf)  }
0x4fe: {  	v0 =	vadd.f32 v1, v0;
	v1 =	vmul.f32 v6, v6;
	v9 =	vadd.f32 $1.000000000e+00, v3;
	_ =	sdelay $0x1  }
0x4ff: {  	v4 =	vld [tilespmem:s31+$0x200];
	v0 =	vadd.f32 v1, v0;
	v1 =	vmul.f32 v5, v5;
	(erf) = vrcp.f32 v9  }
0x500: {  	v2 =	vsub.f32 $0.0e+00, v2;
	_ =	sdelay $0x1  }
0x501: {  	v2 =	vmul.f32 $1.442695020e+00, v2  }
0x502: {  	v0 =	vadd.f32 v1, v0;
	v1 =	vpop (erf)  }
0x503: {  	v4 =	vsub.f32 $0.0e+00, v4;
	v6 =	vadd.f32 $1.000000000e+00, v1  }
0x504: {  	v5 =	vmul.f32 v7, v7;
	(erf) = vpow2.f32 v2  }
0x505: {  	v7 =	vmul.f32 $1.442695020e+00, v4;
	v2 =	vpop (erf);
	(erf) = vrcp.f32 v6  }
0x506: {  	v0 =	vadd.f32 v5, v0  }
0x507: {  	v4 =	vld [tilespmem:s29+$0x200];
	v5 =	vmul.f32 v8, v8;
	v3 =	vsub.f32 $1.000000000e+00, v3;
	v6 =	vpop (erf);
	(erf) = vpow2.f32 v7;
	_ =	sdelay $0x1  }
0x508: {  	v0 =	vadd.f32 v5, v0;
	v5 =	vadd.f32 $1.000000000e+00, v2;
	v3 =	vmul.f32 v6, v3  }
0x509: {  	s1 =	simm.s32 $0x60;
	s0 =	simm.s32 $0x300  }
.LBB2_72:
0x50a: {  	s14 =	sand.u32 $0x70, s1;
	s23 =	sand.u32 $0x3C00, s0;
	(erf) = vrcp.f32 v5;
	v9 =	vmul.f32 v3, v3;
	p0 =	sne.s32 s1, $0x4F0  }
.Ltmp35:
0x50b: {  	s1 =	sadd.s32 $0x10, s1;
	s14 =	sor.u32 s14, s23;
	v5 =	vsub.f32 $0.0e+00, v4;
	(pc) =	sbr.rel @p0 .LBB2_72-.Ltmp35, $4  }
0x50c: {  	v6 =	vsub.f32 $1.000000000e+00, v1;
	v1 =	vmov v2;
	v4 =	vld [tilespmem:s14+$0x200];
	v7 =	vmul.f32 $2.500000000e-01, v9;
	v2 =	vpop (erf)  }
0x50d: {  	v8 =	vmul.f32 $1.442695020e+00, v5;
	v3 =	vpop (erf)  }
0x50e: {  	v5 =	vadd.f32 $1.000000000e+00, v2;
	v3 =	vmul.f32 v3, v6;
	v0 =	vadd.f32 v7, v0  }
0x50f: {  	s0 =	sadd.s32 $0x80, s0;
	(erf) = vpow2.f32 v8  }
0x510: {  	_ = 	snop  }
0x511: {  	v4 =	vsub.f32 $0.0e+00, v4;
	_ =	sdelay $0x1  }
0x512: {  	v4 =	vmul.f32 $1.442695020e+00, v4  }
0x513: {  	(erf) = vrcp.f32 v5  }
0x514: {  	(erf) = vpow2.f32 v4  }
0x515: {  	s25 =	simm.s32 $0x0  }
0x516: {  	s0 =	sand.u32 $0x70, s25;
	s1 =	sand.u32 $0x3C00, s25  }
0x517: {  	s28 =	sor.u32 s0, s1  }
0x518: {  	v4 =	vld [tilespmem:s28+$0x280]  }
0x519: {  	v5 =	vpop (erf)  }
0x51a: {  	v6 =	vpop (erf)  }
0x51b: {  	v7 =	vpop (erf)  }
0x51c: {  	s26 =	simm.s32 $0x10;
	s29 =	simm.s32 $0x80;
	v8 =	vadd.f32 $1.000000000e+00, v5;
	v9 =	vpop (erf)  }
0x51d: {  	s30 =	sand.u32 $0x70, s26;
	s0 =	sand.u32 $0x3C00, s29;
	v10 =	vadd.f32 $1.000000000e+00, v7;
	v4 =	vsub.f32 $0.0e+00, v4;
	v11 =	vpop (erf)  }
0x51e: {  	s31 =	simm.s32 $0x20;
	s14 =	simm.s32 $0x100;
	s0 =	sor.u32 s30, s0;
	(erf) = vrcp.f32 v8;
	v60 =	vadd.f32 $1.000000000e+00, v11  }
0x51f: {  	s14 =	sand.u32 $0x3C00, s14;
	s1 =	sand.u32 $0x70, s31;
	v61 =	vld [tilespmem:s0+$0x280];
	(erf) = vrcp.f32 v10;
	v4 =	vmul.f32 $1.442695020e+00, v4  }
0x520: {  	s0 =	sor.u32 s1, s14;
	(erf) = vrcp.f32 v60  }
0x521: {  	v1 =	vsub.f32 $1.000000000e+00, v1;
	(erf) = vpow2.f32 v4;
	v4 =	vld [tilespmem:s0+$0x280]  }
0x522: {  	v3 =	vmul.f32 v3, v3  }
0x523: {  	v2 =	vsub.f32 $1.000000000e+00, v2;
	v1 =	vmul.f32 v6, v1  }
0x524: {  	v3 =	vmul.f32 $2.500000000e-01, v3;
	v8 =	vsub.f32 $0.0e+00, v61  }
0x525: {  	v1 =	vmul.f32 v1, v1;
	v2 =	vmul.f32 v9, v2  }
0x526: {  	v8 =	vmul.f32 $1.442695020e+00, v8;
	v4 =	vsub.f32 $0.0e+00, v4  }
0x527: {  	s23 =	simm.s32 $0x30;
	s29 =	simm.s32 $0x180;
	v0 =	vadd.f32 v3, v0;
	v1 =	vmul.f32 $2.500000000e-01, v1;
	v2 =	vmul.f32 v2, v2;
	v6 =	vpop (erf)  }
0x528: {  	s1 =	sand.u32 $0x3C00, s29;
	s0 =	sand.u32 $0x70, s23;
	(erf) = vpow2.f32 v8;
	v10 =	vpop (erf);
	v4 =	vmul.f32 $1.442695020e+00, v4  }
0x529: {  	v5 =	vsub.f32 $1.000000000e+00, v5;
	v0 =	vadd.f32 v1, v0;
	s0 =	sor.u32 s0, s1;
	v62 =	vpop (erf)  }
0x52a: {  	s31 =	simm.s32 $0x200;
	s30 =	simm.s32 $0x40;
	v2 =	vmul.f32 $2.500000000e-01, v2;
	v63 =	vld [tilespmem:s0+$0x280];
	v3 =	vpop (erf);
	(erf) = vpow2.f32 v4;
	v4 =	vsub.f32 $1.000000000e+00, v7  }
0x52b: {  	s29 =	sand.u32 $0x3C00, s31;
	v5 =	vmul.f32 v6, v5;
	s23 =	sand.u32 $0x70, s30;
	v6 =	vadd.f32 $1.000000000e+00, v3  }
0x52c: {  	v0 =	vadd.f32 v2, v0;
	s0 =	sor.u32 s23, s29;
	v4 =	vmul.f32 v10, v4  }
0x52d: {  	v1 =	vmul.f32 v5, v5;
	v5 =	vsub.f32 $1.000000000e+00, v11;
	(erf) = vrcp.f32 v6;
	v6 =	vld [tilespmem:s0+$0x280]  }
0x52e: {  	v2 =	vmul.f32 v4, v4  }
0x52f: {  	v1 =	vmul.f32 $2.500000000e-01, v1;
	v4 =	vmul.f32 v62, v5;
	v5 =	vsub.f32 $0.0e+00, v63  }
0x530: {  	v2 =	vmul.f32 $2.500000000e-01, v2  }
0x531: {  	v1 =	vadd.f32 v1, v0;
	v0 =	vpop (erf);
	v4 =	vmul.f32 v4, v4;
	v5 =	vmul.f32 $1.442695020e+00, v5  }
0x532: {  	v7 =	vadd.f32 $1.000000000e+00, v0;
	v6 =	vsub.f32 $0.0e+00, v6  }
0x533: {  	s31 =	simm.s32 $0x280;
	s30 =	simm.s32 $0x50;
	v4 =	vmul.f32 $2.500000000e-01, v4;
	(erf) = vpow2.f32 v5  }
0x534: {  	s1 =	sand.u32 $0x3C00, s31;
	s0 =	sand.u32 $0x70, s30;
	v1 =	vadd.f32 v2, v1;
	v2 =	vpop (erf);
	v6 =	vmul.f32 $1.442695020e+00, v6;
	(erf) = vrcp.f32 v7  }
0x535: {  	s0 =	sor.u32 s0, s1  }
0x536: {  	v3 =	vsub.f32 $1.000000000e+00, v3;
	v1 =	vadd.f32 v4, v1;
	v4 =	vld [tilespmem:s0+$0x280];
	v7 =	vpop (erf);
	(erf) = vpow2.f32 v6;
	_ =	sdelay $0x1  }
0x537: {  	v5 =	vadd.f32 $1.000000000e+00, v2;
	v3 =	vmul.f32 v7, v3  }
0x538: {  	s1 =	simm.s32 $0x60;
	s0 =	simm.s32 $0x300  }
.LBB2_74:
0x539: {  	s14 =	sand.u32 $0x70, s1;
	s23 =	sand.u32 $0x3C00, s0;
	(erf) = vrcp.f32 v5;
	v9 =	vmul.f32 v3, v3;
	p0 =	sne.s32 s1, $0x4F0  }
.Ltmp36:
0x53a: {  	s1 =	sadd.s32 $0x10, s1;
	s14 =	sor.u32 s14, s23;
	v5 =	vsub.f32 $0.0e+00, v4;
	(pc) =	sbr.rel @p0 .LBB2_74-.Ltmp36, $4  }
0x53b: {  	v6 =	vsub.f32 $1.000000000e+00, v0;
	v0 =	vmov v2;
	v4 =	vld [tilespmem:s14+$0x280];
	v7 =	vmul.f32 $2.500000000e-01, v9;
	v2 =	vpop (erf)  }
0x53c: {  	v8 =	vmul.f32 $1.442695020e+00, v5;
	v3 =	vpop (erf)  }
0x53d: {  	v5 =	vadd.f32 $1.000000000e+00, v2;
	v3 =	vmul.f32 v3, v6;
	v1 =	vadd.f32 v7, v1  }
0x53e: {  	s0 =	sadd.s32 $0x80, s0;
	(erf) = vpow2.f32 v8  }
0x53f: {  	_ = 	snop  }
0x540: {  	v4 =	vsub.f32 $0.0e+00, v4;
	_ =	sdelay $0x1  }
0x541: {  	v4 =	vmul.f32 $1.442695020e+00, v4  }
0x542: {  	(erf) = vrcp.f32 v5  }
0x543: {  	(erf) = vpow2.f32 v4;
	_ =	sdelay $0x1  }
0x544: {  	v56 =	vpop (erf)  }
0x545: {  	v57 =	vadd.f32 $1.000000000e+00, v56;
	_ =	sdelay $0x1  }
0x546: {  	(erf) = vrcp.f32 v57  }
0x547: {  	v6 =	vpop (erf)  }
0x548: {  	v58 =	vpop (erf)  }
0x549: {  	v7 =	vpop (erf);
	v8 =	vadd.f32 $1.000000000e+00, v58  }
0x54a: {  	v9 =	vpop (erf)  }
0x54b: {  	(erf) = vrcp.f32 v8;
	v59 =	vadd.f32 $1.000000000e+00, v9  }
0x54c: {  	v0 =	vsub.f32 $1.000000000e+00, v0;
	v3 =	vmul.f32 v3, v3  }
0x54d: {  	(erf) = vrcp.f32 v59  }
0x54e: {  	v3 =	vmul.f32 $2.500000000e-01, v3;
	v0 =	vmul.f32 v6, v0;
	v4 =	vsub.f32 $1.000000000e+00, v56  }
0x54f: {  	v2 =	vsub.f32 $1.000000000e+00, v2;
	v60 =	vpop (erf)  }
0x550: {  	v1 =	vadd.f32 v3, v1;
	v0 =	vmul.f32 v0, v0;
	v3 =	vmul.f32 v60, v4  }
0x551: {  	v2 =	vmul.f32 v7, v2  }
0x552: {  	v0 =	vmul.f32 $2.500000000e-01, v0  }
0x553: {  	v61 =	vsub.f32 $1.000000000e+00, v58;
	v2 =	vmul.f32 v2, v2  }
0x554: {  	v0 =	vadd.f32 v0, v1;
	v1 =	vmul.f32 v3, v3;
	v3 =	vpop (erf)  }
0x555: {  	v2 =	vmul.f32 $2.500000000e-01, v2;
	v62 =	vsub.f32 $1.000000000e+00, v9;
	v3 =	vmul.f32 v3, v61  }
0x556: {  	v1 =	vmul.f32 $2.500000000e-01, v1;
	v63 =	vpop (erf)  }
0x557: {  	v0 =	vadd.f32 v2, v0;
	v2 =	vmul.f32 v3, v3;
	v3 =	vmul.f32 v63, v62;
	_ =	sdelay $0x1  }
0x558: {  	v0 =	vadd.f32 v1, v0;
	v1 =	vmul.f32 $2.500000000e-01, v2;
	v2 =	vmul.f32 v3, v3;
	_ =	sdelay $0x1  }
0x559: {  	v0 =	vadd.f32 v1, v0;
	v1 =	vmul.f32 $2.500000000e-01, v2;
	_ =	sdelay $0x1  }
0x55a: {  	v0 =	vadd.f32 v1, v0;
	v1 =	vld [tilespmem:s28+$0x300]  }
.LBB2_76:
0x55b: {  	p0 =	sne.s32 s26, $0x4F0  }
.Ltmp37:
0x55c: {  	s0 =	sand.u32 $0x70, s26;
	s25 =	sadd.s32 $0x80, s25;
	(pc) =	sbr.rel @p0 .LBB2_76-.Ltmp37, $4  }
0x55d: {  	s26 =	sadd.s32 $0x10, s26;
	s1 =	sand.u32 $0x3C00, s25  }
0x55e: {  	s0 =	sor.u32 s0, s1;
	v2 =	vmul.f32 v1, v1  }
0x55f: {  	v1 =	vld [tilespmem:s0+$0x300]  }
0x560: {  	v0 =	vadd.f32 v2, v0  }
0x561: {  	s0 =	simm.s32 $0x0  }
0x562: {  	s1 =	sand.u32 $0x7, s0  }
0x563: {  	s1 =	sshll.u32 s1, $0x4  }
0x564: {  	v1 =	vmul.f32 v1, v1;
	s1 =	sadd.s32 $0x0, s1  }
0x565: {  	s14 =	sor.u32 $0x380, s1  }
0x566: {  	v0 =	vadd.f32 v1, v0;
	v1 =	vld [tilespmem:s14+$0x0]  }
0x567: {  	s25 =	simm.s32 $0x1;
	s1 =	simm.s32 $0x10  }
.LBB2_78:
0x568: {  	s14 =	sand.u32 $0x7, s25;
	p0 =	sne.s32 s1, $0x4F0;
	s1 =	sadd.s32 $0x10, s1  }
.Ltmp38:
0x569: {  	s0 =	sadd.s32 $0x80, s0;
	s14 =	sshll.u32 s14, $0x4;
	(pc) =	sbr.rel @p0 .LBB2_78-.Ltmp38, $4  }
0x56a: {  	s14 =	sadd.s32 s14, s0  }
0x56b: {  	s14 =	sor.u32 $0x380, s14;
	v2 =	vmul.f32 v1, v1  }
0x56c: {  	v1 =	vld [tilespmem:s14+$0x0]  }
0x56d: {  	s25 =	sadd.s32 $0x1, s25;
	v0 =	vadd.f32 v2, v0  }
0x56e: {  	s0 =	simm.s32 $0x0  }
0x56f: {  	[tilespmem:s0], [sflag:$0x1] =	stream.linear.gather [hbm4b:s9+s0], $0x2800, $0x38;
	[tilespmem:$0x2880] =	vst v63  }
0x570: {  	_ =	swait.ge [sflag:s13], $0x2800  }
0x571: {  	s1 =	sand.u32 $0x70, s0;
	s0 =	sand.u32 $0x3C00, s0;
	[sflag:s13] =	ssyncset.done $0x0  }
0x572: {  	s30 =	sor.u32 s1, s0;
	[sflag:s13] =	ssyncadd.s32 $0xFFFFD800  }
0x573: {  	v2 =	vld [tilespmem:s30+$0x0];
	_ =	sdelay $0x2  }
0x574: {  	s25 =	simm.s32 $0x10;
	s26 =	simm.s32 $0x80  }
0x575: {  	s0 =	sand.u32 $0x70, s25;
	s1 =	sand.u32 $0x3C00, s26  }
0x576: {  	s25 =	sor.u32 s0, s1;
	v2 =	vsub.f32 $0.0e+00, v2  }
0x577: {  	v3 =	vld [tilespmem:s25+$0x0]  }
0x578: {  	v2 =	vmul.f32 $1.442695020e+00, v2  }
0x579: {  	s14 =	simm.s32 $0x100;
	s1 =	simm.s32 $0x20  }
0x57a: {  	s0 =	sand.u32 $0x70, s1;
	s1 =	sand.u32 $0x3C00, s14;
	(erf) = vpow2.f32 v2  }
0x57b: {  	s28 =	sor.u32 s0, s1  }
0x57c: {  	v3 =	vsub.f32 $0.0e+00, v3;
	v2 =	vld [tilespmem:s28+$0x0];
	_ =	sdelay $0x1  }
0x57d: {  	v3 =	vmul.f32 $1.442695020e+00, v3  }
0x57e: {  	s23 =	simm.s32 $0x30;
	s26 =	simm.s32 $0x180  }
0x57f: {  	s0 =	sand.u32 $0x70, s23;
	s1 =	sand.u32 $0x3C00, s26;
	(erf) = vpow2.f32 v3  }
0x580: {  	s26 =	sor.u32 s0, s1;
	v2 =	vsub.f32 $0.0e+00, v2  }
0x581: {  	s14 =	simm.s32 $0x40;
	s23 =	simm.s32 $0x200;
	v4 =	vld [tilespmem:s26+$0x0]  }
0x582: {  	s0 =	sand.u32 $0x70, s14;
	s1 =	sand.u32 $0x3C00, s23;
	v2 =	vmul.f32 $1.442695020e+00, v2;
	v3 =	vpop (erf)  }
0x583: {  	s31 =	sor.u32 s0, s1;
	v3 =	vadd.f32 $1.000000000e+00, v3  }
0x584: {  	(erf) = vpow2.f32 v2;
	v2 =	vld [tilespmem:s31+$0x0]  }
0x585: {  	(erf) = vrcp.f32 v3  }
0x586: {  	v3 =	vsub.f32 $0.0e+00, v4;
	_ =	sdelay $0x1  }
0x587: {  	v4 =	vpop (erf);
	v3 =	vmul.f32 $1.442695020e+00, v3  }
0x588: {  	v4 =	vadd.f32 $1.000000000e+00, v4;
	v2 =	vsub.f32 $0.0e+00, v2  }
0x589: {  	v1 =	vmul.f32 v1, v1;
	s14 =	simm.s32 $0x50;
	s23 =	simm.s32 $0x280;
	(erf) = vpow2.f32 v3  }
0x58a: {  	s0 =	sand.u32 $0x70, s14;
	s1 =	sand.u32 $0x3C00, s23;
	v5 =	vmul.f32 $1.442695020e+00, v2;
	(erf) = vrcp.f32 v4  }
0x58b: {  	s29 =	sor.u32 s0, s1  }
0x58c: {  	v2 =	vld [tilespmem:s29+$0x0];
	v3 =	vpop (erf);
	(erf) = vpow2.f32 v5  }
0x58d: {  	v0 =	vadd.f32 v1, v0;
	v1 =	vpop (erf)  }
0x58e: {  	v3 =	vadd.f32 $1.000000000e+00, v3;
	v1 =	vmul.f32 v1, v1  }
0x58f: {  	s0 =	simm.s32 $0x60;
	s1 =	simm.s32 $0x300  }
.LBB2_80:
0x590: {  	s14 =	sand.u32 $0x70, s0;
	s23 =	sand.u32 $0x3C00, s1;
	(erf) = vrcp.f32 v3;
	v0 =	vadd.f32 v1, v0;
	p0 =	sne.s32 s0, $0x4F0  }
.Ltmp39:
0x591: {  	s0 =	sadd.s32 $0x10, s0;
	s14 =	sor.u32 s14, s23;
	v5 =	vsub.f32 $0.0e+00, v2;
	(pc) =	sbr.rel @p0 .LBB2_80-.Ltmp39, $4  }
0x592: {  	v2 =	vld [tilespmem:s14+$0x0];
	v3 =	vpop (erf)  }
0x593: {  	v4 =	vmul.f32 $1.442695020e+00, v5;
	v1 =	vpop (erf)  }
0x594: {  	v3 =	vadd.f32 $1.000000000e+00, v3;
	v1 =	vmul.f32 v1, v1  }
0x595: {  	s1 =	sadd.s32 $0x80, s1;
	(erf) = vpow2.f32 v4  }
0x596: {  	_ = 	snop  }
0x597: {  	v2 =	vsub.f32 $0.0e+00, v2;
	_ =	sdelay $0x1  }
0x598: {  	v2 =	vmul.f32 $1.442695020e+00, v2  }
0x599: {  	(erf) = vrcp.f32 v3  }
0x59a: {  	(erf) = vpow2.f32 v2;
	_ =	sdelay $0x3  }
0x59b: {  	v2 =	vld [tilespmem:s30+$0x100]  }
0x59c: {  	v3 =	vpop (erf)  }
0x59d: {  	v4 =	vpop (erf)  }
0x59e: {  	v5 =	vpop (erf)  }
0x59f: {  	v3 =	vadd.f32 $1.000000000e+00, v3;
	v6 =	vpop (erf)  }
0x5a0: {  	v5 =	vadd.f32 $1.000000000e+00, v5;
	v2 =	vsub.f32 $0.0e+00, v2;
	v7 =	vpop (erf)  }
0x5a1: {  	(erf) = vrcp.f32 v3;
	v3 =	vadd.f32 $1.000000000e+00, v7  }
0x5a2: {  	(erf) = vrcp.f32 v5;
	v2 =	vmul.f32 $1.442695020e+00, v2  }
0x5a3: {  	(erf) = vrcp.f32 v3;
	v3 =	vld [tilespmem:s25+$0x100]  }
0x5a4: {  	(erf) = vpow2.f32 v2;
	v2 =	vld [tilespmem:s28+$0x100];
	_ =	sdelay $0x3  }
0x5a5: {  	v3 =	vsub.f32 $0.0e+00, v3  }
0x5a6: {  	v2 =	vsub.f32 $0.0e+00, v2  }
0x5a7: {  	v3 =	vmul.f32 $1.442695020e+00, v3  }
0x5a8: {  	v5 =	vpop (erf);
	v2 =	vmul.f32 $1.442695020e+00, v2  }
0x5a9: {  	v7 =	vpop (erf);
	(erf) = vpow2.f32 v3  }
0x5aa: {  	v0 =	vadd.f32 v1, v0;
	v1 =	vmul.f32 v4, v4;
	v8 =	vpop (erf);
	(erf) = vpow2.f32 v2;
	v2 =	vld [tilespmem:s26+$0x100]  }
0x5ab: {  	v3 =	vpop (erf)  }
0x5ac: {  	v0 =	vadd.f32 v1, v0;
	v1 =	vmul.f32 v6, v6;
	v9 =	vadd.f32 $1.000000000e+00, v3;
	_ =	sdelay $0x1  }
0x5ad: {  	v4 =	vld [tilespmem:s31+$0x100];
	v0 =	vadd.f32 v1, v0;
	v1 =	vmul.f32 v5, v5;
	(erf) = vrcp.f32 v9  }
0x5ae: {  	v2 =	vsub.f32 $0.0e+00, v2;
	_ =	sdelay $0x1  }
0x5af: {  	v2 =	vmul.f32 $1.442695020e+00, v2  }
0x5b0: {  	v0 =	vadd.f32 v1, v0;
	v1 =	vpop (erf)  }
0x5b1: {  	v4 =	vsub.f32 $0.0e+00, v4;
	v6 =	vadd.f32 $1.000000000e+00, v1  }
0x5b2: {  	v5 =	vmul.f32 v7, v7;
	(erf) = vpow2.f32 v2  }
0x5b3: {  	v7 =	vmul.f32 $1.442695020e+00, v4;
	v2 =	vpop (erf);
	(erf) = vrcp.f32 v6  }
0x5b4: {  	v0 =	vadd.f32 v5, v0  }
0x5b5: {  	v4 =	vld [tilespmem:s29+$0x100];
	v5 =	vmul.f32 v8, v8;
	v3 =	vsub.f32 $1.000000000e+00, v3;
	v6 =	vpop (erf);
	(erf) = vpow2.f32 v7;
	_ =	sdelay $0x1  }
0x5b6: {  	v0 =	vadd.f32 v5, v0;
	v5 =	vadd.f32 $1.000000000e+00, v2;
	v3 =	vmul.f32 v6, v3  }
0x5b7: {  	s1 =	simm.s32 $0x60;
	s0 =	simm.s32 $0x300  }
.LBB2_82:
0x5b8: {  	s14 =	sand.u32 $0x70, s1;
	s23 =	sand.u32 $0x3C00, s0;
	(erf) = vrcp.f32 v5;
	v9 =	vmul.f32 v3, v3;
	p0 =	sne.s32 s1, $0x4F0  }
.Ltmp40:
0x5b9: {  	s1 =	sadd.s32 $0x10, s1;
	s14 =	sor.u32 s14, s23;
	v5 =	vsub.f32 $0.0e+00, v4;
	(pc) =	sbr.rel @p0 .LBB2_82-.Ltmp40, $4  }
0x5ba: {  	v6 =	vsub.f32 $1.000000000e+00, v1;
	v1 =	vmov v2;
	v4 =	vld [tilespmem:s14+$0x100];
	v7 =	vmul.f32 $2.500000000e-01, v9;
	v2 =	vpop (erf)  }
0x5bb: {  	v8 =	vmul.f32 $1.442695020e+00, v5;
	v3 =	vpop (erf)  }
0x5bc: {  	v5 =	vadd.f32 $1.000000000e+00, v2;
	v3 =	vmul.f32 v3, v6;
	v0 =	vadd.f32 v7, v0  }
0x5bd: {  	s0 =	sadd.s32 $0x80, s0;
	(erf) = vpow2.f32 v8  }
0x5be: {  	_ = 	snop  }
0x5bf: {  	v4 =	vsub.f32 $0.0e+00, v4;
	_ =	sdelay $0x1  }
0x5c0: {  	v4 =	vmul.f32 $1.442695020e+00, v4  }
0x5c1: {  	(erf) = vrcp.f32 v5  }
0x5c2: {  	(erf) = vpow2.f32 v4  }
0x5c3: {  	s25 =	simm.s32 $0x0  }
0x5c4: {  	s0 =	sand.u32 $0x70, s25;
	s1 =	sand.u32 $0x3C00, s25  }
0x5c5: {  	s28 =	sor.u32 s0, s1  }
0x5c6: {  	v4 =	vld [tilespmem:s28+$0x180]  }
0x5c7: {  	v5 =	vpop (erf)  }
0x5c8: {  	v6 =	vpop (erf)  }
0x5c9: {  	v7 =	vpop (erf)  }
0x5ca: {  	s26 =	simm.s32 $0x10;
	s29 =	simm.s32 $0x80;
	v8 =	vadd.f32 $1.000000000e+00, v5;
	v9 =	vpop (erf)  }
0x5cb: {  	s30 =	sand.u32 $0x70, s26;
	s0 =	sand.u32 $0x3C00, s29;
	v10 =	vadd.f32 $1.000000000e+00, v7;
	v4 =	vsub.f32 $0.0e+00, v4;
	v11 =	vpop (erf)  }
0x5cc: {  	s31 =	simm.s32 $0x20;
	s14 =	simm.s32 $0x100;
	s0 =	sor.u32 s30, s0;
	(erf) = vrcp.f32 v8;
	v60 =	vadd.f32 $1.000000000e+00, v11  }
0x5cd: {  	s14 =	sand.u32 $0x3C00, s14;
	s1 =	sand.u32 $0x70, s31;
	v61 =	vld [tilespmem:s0+$0x180];
	(erf) = vrcp.f32 v10;
	v4 =	vmul.f32 $1.442695020e+00, v4  }
0x5ce: {  	s0 =	sor.u32 s1, s14;
	(erf) = vrcp.f32 v60  }
0x5cf: {  	v1 =	vsub.f32 $1.000000000e+00, v1;
	(erf) = vpow2.f32 v4;
	v4 =	vld [tilespmem:s0+$0x180]  }
0x5d0: {  	v3 =	vmul.f32 v3, v3  }
0x5d1: {  	v2 =	vsub.f32 $1.000000000e+00, v2;
	v1 =	vmul.f32 v6, v1  }
0x5d2: {  	v3 =	vmul.f32 $2.500000000e-01, v3;
	v8 =	vsub.f32 $0.0e+00, v61  }
0x5d3: {  	v1 =	vmul.f32 v1, v1;
	v2 =	vmul.f32 v9, v2  }
0x5d4: {  	v8 =	vmul.f32 $1.442695020e+00, v8;
	v4 =	vsub.f32 $0.0e+00, v4  }
0x5d5: {  	s23 =	simm.s32 $0x30;
	s29 =	simm.s32 $0x180;
	v0 =	vadd.f32 v3, v0;
	v1 =	vmul.f32 $2.500000000e-01, v1;
	v2 =	vmul.f32 v2, v2;
	v6 =	vpop (erf)  }
0x5d6: {  	s1 =	sand.u32 $0x3C00, s29;
	s0 =	sand.u32 $0x70, s23;
	(erf) = vpow2.f32 v8;
	v10 =	vpop (erf);
	v4 =	vmul.f32 $1.442695020e+00, v4  }
0x5d7: {  	v5 =	vsub.f32 $1.000000000e+00, v5;
	v0 =	vadd.f32 v1, v0;
	s0 =	sor.u32 s0, s1;
	v62 =	vpop (erf)  }
0x5d8: {  	s31 =	simm.s32 $0x200;
	s30 =	simm.s32 $0x40;
	v2 =	vmul.f32 $2.500000000e-01, v2;
	v63 =	vld [tilespmem:s0+$0x180];
	v3 =	vpop (erf);
	(erf) = vpow2.f32 v4;
	v4 =	vsub.f32 $1.000000000e+00, v7  }
0x5d9: {  	s29 =	sand.u32 $0x3C00, s31;
	v5 =	vmul.f32 v6, v5;
	s23 =	sand.u32 $0x70, s30;
	v6 =	vadd.f32 $1.000000000e+00, v3  }
0x5da: {  	v0 =	vadd.f32 v2, v0;
	s0 =	sor.u32 s23, s29;
	v4 =	vmul.f32 v10, v4  }
0x5db: {  	v1 =	vmul.f32 v5, v5;
	v5 =	vsub.f32 $1.000000000e+00, v11;
	(erf) = vrcp.f32 v6;
	v6 =	vld [tilespmem:s0+$0x180]  }
0x5dc: {  	v2 =	vmul.f32 v4, v4  }
0x5dd: {  	v1 =	vmul.f32 $2.500000000e-01, v1;
	v4 =	vmul.f32 v62, v5;
	v5 =	vsub.f32 $0.0e+00, v63  }
0x5de: {  	v2 =	vmul.f32 $2.500000000e-01, v2  }
0x5df: {  	v1 =	vadd.f32 v1, v0;
	v0 =	vpop (erf);
	v4 =	vmul.f32 v4, v4;
	v5 =	vmul.f32 $1.442695020e+00, v5  }
0x5e0: {  	v7 =	vadd.f32 $1.000000000e+00, v0;
	v6 =	vsub.f32 $0.0e+00, v6  }
0x5e1: {  	s31 =	simm.s32 $0x280;
	s30 =	simm.s32 $0x50;
	v4 =	vmul.f32 $2.500000000e-01, v4;
	(erf) = vpow2.f32 v5  }
0x5e2: {  	s1 =	sand.u32 $0x3C00, s31;
	s0 =	sand.u32 $0x70, s30;
	v1 =	vadd.f32 v2, v1;
	v2 =	vpop (erf);
	v6 =	vmul.f32 $1.442695020e+00, v6;
	(erf) = vrcp.f32 v7  }
0x5e3: {  	s0 =	sor.u32 s0, s1  }
0x5e4: {  	v3 =	vsub.f32 $1.000000000e+00, v3;
	v1 =	vadd.f32 v4, v1;
	v4 =	vld [tilespmem:s0+$0x180];
	v7 =	vpop (erf);
	(erf) = vpow2.f32 v6;
	_ =	sdelay $0x1  }
0x5e5: {  	v5 =	vadd.f32 $1.000000000e+00, v2;
	v3 =	vmul.f32 v7, v3  }
0x5e6: {  	s1 =	simm.s32 $0x60;
	s0 =	simm.s32 $0x300  }
.LBB2_84:
0x5e7: {  	s14 =	sand.u32 $0x70, s1;
	s23 =	sand.u32 $0x3C00, s0;
	(erf) = vrcp.f32 v5;
	v9 =	vmul.f32 v3, v3;
	p0 =	sne.s32 s1, $0x4F0  }
.Ltmp41:
0x5e8: {  	s1 =	sadd.s32 $0x10, s1;
	s14 =	sor.u32 s14, s23;
	v5 =	vsub.f32 $0.0e+00, v4;
	(pc) =	sbr.rel @p0 .LBB2_84-.Ltmp41, $4  }
0x5e9: {  	v6 =	vsub.f32 $1.000000000e+00, v0;
	v0 =	vmov v2;
	v4 =	vld [tilespmem:s14+$0x180];
	v7 =	vmul.f32 $2.500000000e-01, v9;
	v2 =	vpop (erf)  }
0x5ea: {  	v8 =	vmul.f32 $1.442695020e+00, v5;
	v3 =	vpop (erf)  }
0x5eb: {  	v5 =	vadd.f32 $1.000000000e+00, v2;
	v3 =	vmul.f32 v3, v6;
	v1 =	vadd.f32 v7, v1  }
0x5ec: {  	s0 =	sadd.s32 $0x80, s0;
	(erf) = vpow2.f32 v8  }
0x5ed: {  	_ = 	snop  }
0x5ee: {  	v4 =	vsub.f32 $0.0e+00, v4;
	_ =	sdelay $0x1  }
0x5ef: {  	v4 =	vmul.f32 $1.442695020e+00, v4  }
0x5f0: {  	(erf) = vrcp.f32 v5  }
0x5f1: {  	(erf) = vpow2.f32 v4;
	_ =	sdelay $0x1  }
0x5f2: {  	v56 =	vpop (erf)  }
0x5f3: {  	v57 =	vadd.f32 $1.000000000e+00, v56;
	_ =	sdelay $0x1  }
0x5f4: {  	(erf) = vrcp.f32 v57  }
0x5f5: {  	v6 =	vpop (erf)  }
0x5f6: {  	v58 =	vpop (erf)  }
0x5f7: {  	v7 =	vpop (erf);
	v8 =	vadd.f32 $1.000000000e+00, v58  }
0x5f8: {  	v9 =	vpop (erf)  }
0x5f9: {  	(erf) = vrcp.f32 v8;
	v59 =	vadd.f32 $1.000000000e+00, v9  }
0x5fa: {  	v0 =	vsub.f32 $1.000000000e+00, v0;
	v3 =	vmul.f32 v3, v3  }
0x5fb: {  	(erf) = vrcp.f32 v59  }
0x5fc: {  	v3 =	vmul.f32 $2.500000000e-01, v3;
	v0 =	vmul.f32 v6, v0;
	v4 =	vsub.f32 $1.000000000e+00, v56  }
0x5fd: {  	v2 =	vsub.f32 $1.000000000e+00, v2;
	v60 =	vpop (erf)  }
0x5fe: {  	v1 =	vadd.f32 v3, v1;
	v0 =	vmul.f32 v0, v0;
	v3 =	vmul.f32 v60, v4  }
0x5ff: {  	v2 =	vmul.f32 v7, v2  }
0x600: {  	v0 =	vmul.f32 $2.500000000e-01, v0  }
0x601: {  	v61 =	vsub.f32 $1.000000000e+00, v58;
	v2 =	vmul.f32 v2, v2  }
0x602: {  	v0 =	vadd.f32 v0, v1;
	v1 =	vmul.f32 v3, v3;
	v3 =	vpop (erf)  }
0x603: {  	v2 =	vmul.f32 $2.500000000e-01, v2;
	v62 =	vsub.f32 $1.000000000e+00, v9;
	v3 =	vmul.f32 v3, v61  }
0x604: {  	v1 =	vmul.f32 $2.500000000e-01, v1;
	v63 =	vpop (erf)  }
0x605: {  	v0 =	vadd.f32 v2, v0;
	v2 =	vmul.f32 v3, v3;
	v3 =	vmul.f32 v63, v62;
	_ =	sdelay $0x1  }
0x606: {  	v0 =	vadd.f32 v1, v0;
	v1 =	vmul.f32 $2.500000000e-01, v2;
	v2 =	vmul.f32 v3, v3;
	_ =	sdelay $0x1  }
0x607: {  	v0 =	vadd.f32 v1, v0;
	v1 =	vmul.f32 $2.500000000e-01, v2;
	_ =	sdelay $0x1  }
0x608: {  	v0 =	vadd.f32 v1, v0;
	v1 =	vld [tilespmem:s28+$0x200]  }
.LBB2_86:
0x609: {  	p0 =	sne.s32 s26, $0x4F0  }
.Ltmp42:
0x60a: {  	s0 =	sand.u32 $0x70, s26;
	s25 =	sadd.s32 $0x80, s25;
	(pc) =	sbr.rel @p0 .LBB2_86-.Ltmp42, $4  }
0x60b: {  	s26 =	sadd.s32 $0x10, s26;
	s1 =	sand.u32 $0x3C00, s25  }
0x60c: {  	s0 =	sor.u32 s0, s1;
	v2 =	vmul.f32 v1, v1  }
0x60d: {  	v1 =	vld [tilespmem:s0+$0x200]  }
0x60e: {  	v0 =	vadd.f32 v2, v0  }
0x60f: {  	_ =	sdelay $0x1  }
0x610: {  	s0 =	simm.s32 $0x0  }
0x611: {  	s1 =	sand.u32 $0x70, s0;
	s14 =	sand.u32 $0x3C00, s0;
	v1 =	vmul.f32 v1, v1  }
0x612: {  	s1 =	sor.u32 s1, s14  }
0x613: {  	v0 =	vadd.f32 v1, v0;
	v1 =	vld [tilespmem:s1+$0x280]  }
0x614: {  	s25 =	simm.s32 $0x10  }
.LBB2_88:
0x615: {  	p0 =	sne.s32 s25, $0x4F0  }
.Ltmp43:
0x616: {  	s14 =	sand.u32 $0x70, s25;
	s0 =	sadd.s32 $0x80, s0;
	(pc) =	sbr.rel @p0 .LBB2_88-.Ltmp43, $4  }
0x617: {  	s25 =	sadd.s32 $0x10, s25;
	s23 =	sand.u32 $0x3C00, s0  }
0x618: {  	s14 =	sor.u32 s14, s23;
	v2 =	vmul.f32 v1, v1  }
0x619: {  	v1 =	vld [tilespmem:s14+$0x280]  }
0x61a: {  	v0 =	vadd.f32 v2, v0  }
0x61b: {  	v2 =	vld [tilespmem:s1+$0x300];
	_ =	sdelay $0x2  }
0x61c: {  	s0 =	simm.s32 $0x10;
	s28 =	simm.s32 $0x80  }
0x61d: {  	s0 =	sand.u32 $0x70, s0;
	s1 =	sand.u32 $0x3C00, s28  }
0x61e: {  	s0 =	sor.u32 s0, s1;
	v2 =	vsub.f32 $0.0e+00, v2  }
0x61f: {  	v3 =	vld [tilespmem:s0+$0x300]  }
0x620: {  	v2 =	vmul.f32 $1.442695020e+00, v2  }
0x621: {  	s29 =	simm.s32 $0x20;
	s14 =	simm.s32 $0x100  }
0x622: {  	s30 =	sand.u32 $0x70, s29;
	s31 =	sand.u32 $0x3C00, s14;
	(erf) = vpow2.f32 v2  }
0x623: {  	s0 =	sor.u32 s30, s31  }
0x624: {  	v3 =	vsub.f32 $0.0e+00, v3;
	v2 =	vld [tilespmem:s0+$0x300];
	_ =	sdelay $0x1  }
0x625: {  	v3 =	vmul.f32 $1.442695020e+00, v3  }
0x626: {  	s23 =	simm.s32 $0x180;
	s14 =	simm.s32 $0x30  }
0x627: {  	s1 =	sand.u32 $0x3C00, s23;
	s0 =	sand.u32 $0x70, s14;
	(erf) = vpow2.f32 v3  }
0x628: {  	s0 =	sor.u32 s0, s1;
	v2 =	vsub.f32 $0.0e+00, v2  }
0x629: {  	s25 =	simm.s32 $0x40;
	s26 =	simm.s32 $0x200;
	v4 =	vld [tilespmem:s0+$0x300]  }
0x62a: {  	s28 =	sand.u32 $0x70, s25;
	s29 =	sand.u32 $0x3C00, s26;
	v2 =	vmul.f32 $1.442695020e+00, v2;
	v3 =	vpop (erf)  }
0x62b: {  	s0 =	sor.u32 s28, s29;
	v3 =	vadd.f32 $1.000000000e+00, v3  }
0x62c: {  	(erf) = vpow2.f32 v2;
	v2 =	vld [tilespmem:s0+$0x300]  }
0x62d: {  	(erf) = vrcp.f32 v3  }
0x62e: {  	v3 =	vsub.f32 $0.0e+00, v4;
	_ =	sdelay $0x1  }
0x62f: {  	v4 =	vpop (erf);
	v3 =	vmul.f32 $1.442695020e+00, v3  }
0x630: {  	v4 =	vadd.f32 $1.000000000e+00, v4;
	v2 =	vsub.f32 $0.0e+00, v2  }
0x631: {  	v1 =	vmul.f32 v1, v1;
	s30 =	simm.s32 $0x50;
	s31 =	simm.s32 $0x280;
	(erf) = vpow2.f32 v3  }
0x632: {  	s1 =	sand.u32 $0x3C00, s31;
	s0 =	sand.u32 $0x70, s30;
	v5 =	vmul.f32 $1.442695020e+00, v2;
	(erf) = vrcp.f32 v4  }
0x633: {  	s1 =	sor.u32 s0, s1  }
0x634: {  	v2 =	vld [tilespmem:s1+$0x300];
	v3 =	vpop (erf);
	(erf) = vpow2.f32 v5  }
0x635: {  	v0 =	vadd.f32 v1, v0;
	v1 =	vpop (erf)  }
0x636: {  	v3 =	vadd.f32 $1.000000000e+00, v3;
	v1 =	vmul.f32 v1, v1  }
0x637: {  	s0 =	simm.s32 $0x60;
	s1 =	simm.s32 $0x300  }
.LBB2_90:
0x638: {  	s14 =	sand.u32 $0x70, s0;
	s23 =	sand.u32 $0x3C00, s1;
	(erf) = vrcp.f32 v3;
	v0 =	vadd.f32 v1, v0;
	p0 =	sne.s32 s0, $0x4F0  }
.Ltmp44:
0x639: {  	s0 =	sadd.s32 $0x10, s0;
	s14 =	sor.u32 s14, s23;
	v5 =	vsub.f32 $0.0e+00, v2;
	(pc) =	sbr.rel @p0 .LBB2_90-.Ltmp44, $4  }
0x63a: {  	v2 =	vld [tilespmem:s14+$0x300];
	v3 =	vpop (erf)  }
0x63b: {  	v4 =	vmul.f32 $1.442695020e+00, v5;
	v1 =	vpop (erf)  }
0x63c: {  	v3 =	vadd.f32 $1.000000000e+00, v3;
	v1 =	vmul.f32 v1, v1  }
0x63d: {  	s1 =	sadd.s32 $0x80, s1;
	(erf) = vpow2.f32 v4  }
0x63e: {  	_ = 	snop  }
0x63f: {  	v2 =	vsub.f32 $0.0e+00, v2;
	_ =	sdelay $0x1  }
0x640: {  	v2 =	vmul.f32 $1.442695020e+00, v2  }
0x641: {  	(erf) = vrcp.f32 v3  }
0x642: {  	(erf) = vpow2.f32 v2;
	_ =	sdelay $0x1  }
0x643: {  	s0 =	simm.s32 $0x0  }
0x644: {  	[tilespmem:s0], [sflag:$0x1] =	stream.linear.gather [hbm4b:s10+s0], $0x300, $0x38;
	[tilespmem:$0x2880] =	vst v63  }
0x645: {  	s1 =	sadd.s32 $0x80, s10;
	s14 =	simm.s32 $0x400  }
0x646: {  	[tilespmem:s14], [sflag:$0x1] =	stream.linear.gather [hbm4b:s1+s0], $0x300, $0x38;
	v2 =	vpop (erf);
	[tilespmem:$0x2880] =	vst v63  }
0x647: {  	s26 =	sadd.s32 $0x100, s10;
	v3 =	vpop (erf)  }
0x648: {  	[tilespmem:s15], [sflag:$0x1] =	stream.linear.gather [hbm4b:s26+s0], $0x300, $0x38;
	v4 =	vpop (erf);
	[tilespmem:$0x2880] =	vst v63  }
0x649: {  	s14 =	sadd.s32 $0x180, s10;
	v2 =	vadd.f32 $1.000000000e+00, v2;
	v5 =	vpop (erf)  }
0x64a: {  	[tilespmem:s16], [sflag:$0x1] =	stream.linear.gather [hbm4b:s14+s0], $0x300, $0x38;
	v4 =	vadd.f32 $1.000000000e+00, v4;
	v6 =	vpop (erf);
	[tilespmem:$0x2880] =	vst v63  }
0x64b: {  	s23 =	sadd.s32 $0x200, s10;
	(erf) = vrcp.f32 v2;
	v2 =	vadd.f32 $1.000000000e+00, v6  }
0x64c: {  	[tilespmem:s17], [sflag:$0x1] =	stream.linear.gather [hbm4b:s23+s0], $0x300, $0x38;
	(erf) = vrcp.f32 v4;
	[tilespmem:$0x2880] =	vst v63  }
0x64d: {  	s25 =	sadd.s32 $0x280, s10;
	(erf) = vrcp.f32 v2  }
0x64e: {  	[tilespmem:s18], [sflag:$0x1] =	stream.linear.gather [hbm4b:s25+s0], $0x300, $0x38;
	[tilespmem:$0x2880] =	vst v63  }
0x64f: {  	s26 =	sadd.s32 $0x300, s10  }
0x650: {  	[tilespmem:s19], [sflag:$0x1] =	stream.linear.gather [hbm4b:s26+s0], $0x300, $0x38;
	[tilespmem:$0x2880] =	vst v63  }
0x651: {  	s14 =	sadd.s32 $0x380, s10  }
0x652: {  	[tilespmem:s20], [sflag:$0x1] =	stream.linear.gather [hbm4b:s14+s0], $0x300, $0x38;
	[tilespmem:$0x2880] =	vst v63  }
0x653: {  	s23 =	sadd.s32 $0x400, s10  }
0x654: {  	[tilespmem:s21], [sflag:$0x1] =	stream.linear.gather [hbm4b:s23+s0], $0x300, $0x38;
	v2 =	vpop (erf);
	[tilespmem:$0x2880] =	vst v63  }
0x655: {  	s25 =	sadd.s32 $0x480, s10;
	v4 =	vpop (erf)  }
0x656: {  	[tilespmem:s22], [sflag:$0x1] =	stream.linear.gather [hbm4b:s25+s0], $0x300, $0x38;
	v6 =	vpop (erf);
	[tilespmem:$0x2880] =	vst v63  }
0x657: {  	_ =	swait.ge [sflag:s13], $0x1E00  }
0x658: {  	s26 =	sand.u32 $0x70, s0;
	s0 =	sand.u32 $0x3C00, s0;
	[sflag:s13] =	ssyncset.done $0x0  }
0x659: {  	s31 =	sor.u32 s26, s0;
	[sflag:s13] =	ssyncadd.s32 $0xFFFFE200  }
0x65a: {  	v7 =	vld [tilespmem:s31+$0x0];
	_ =	sdelay $0x2  }
0x65b: {  	s14 =	simm.s32 $0x10;
	s23 =	simm.s32 $0x80  }
0x65c: {  	s1 =	sand.u32 $0x3C00, s23;
	s0 =	sand.u32 $0x70, s14  }
0x65d: {  	s29 =	sor.u32 s0, s1;
	v7 =	vsub.f32 $0.0e+00, v7  }
0x65e: {  	v8 =	vld [tilespmem:s29+$0x0]  }
0x65f: {  	v7 =	vmul.f32 $1.442695020e+00, v7  }
0x660: {  	s25 =	simm.s32 $0x20;
	s26 =	simm.s32 $0x100  }
0x661: {  	s0 =	sand.u32 $0x70, s25;
	s1 =	sand.u32 $0x3C00, s26;
	(erf) = vpow2.f32 v7  }
0x662: {  	s30 =	sor.u32 s0, s1  }
0x663: {  	v8 =	vsub.f32 $0.0e+00, v8;
	v7 =	vld [tilespmem:s30+$0x0];
	_ =	sdelay $0x1  }
0x664: {  	v8 =	vmul.f32 $1.442695020e+00, v8  }
0x665: {  	s14 =	simm.s32 $0x180;
	s1 =	simm.s32 $0x30  }
0x666: {  	s0 =	sand.u32 $0x70, s1;
	s1 =	sand.u32 $0x3C00, s14;
	(erf) = vpow2.f32 v8  }
0x667: {  	v0 =	vadd.f32 v1, v0;
	v1 =	vmul.f32 v3, v3;
	s25 =	sor.u32 s0, s1;
	v7 =	vsub.f32 $0.0e+00, v7  }
0x668: {  	s23 =	simm.s32 $0x40;
	s26 =	simm.s32 $0x200;
	v3 =	vld [tilespmem:s25+$0x0]  }
0x669: {  	v0 =	vadd.f32 v1, v0;
	v1 =	vmul.f32 v5, v5;
	s0 =	sand.u32 $0x70, s23;
	s1 =	sand.u32 $0x3C00, s26;
	v7 =	vmul.f32 $1.442695020e+00, v7;
	v63 =	vpop (erf)  }
0x66a: {  	s26 =	sor.u32 s0, s1;
	v9 =	vadd.f32 $1.000000000e+00, v63  }
0x66b: {  	v0 =	vadd.f32 v1, v0;
	v1 =	vmul.f32 v2, v2;
	v5 =	vld [tilespmem:s26+$0x0];
	(erf) = vpow2.f32 v7  }
0x66c: {  	(erf) = vrcp.f32 v9  }
0x66d: {  	v2 =	vsub.f32 $0.0e+00, v3;
	_ =	sdelay $0x1  }
0x66e: {  	v0 =	vadd.f32 v1, v0;
	v3 =	vmul.f32 v4, v4;
	v2 =	vmul.f32 $1.442695020e+00, v2;
	v1 =	vpop (erf)  }
0x66f: {  	v4 =	vsub.f32 $0.0e+00, v5;
	v5 =	vadd.f32 $1.000000000e+00, v1  }
0x670: {  	s14 =	simm.s32 $0x50;
	s23 =	simm.s32 $0x280;
	v0 =	vadd.f32 v3, v0;
	v3 =	vmul.f32 v6, v6;
	(erf) = vpow2.f32 v2  }
0x671: {  	s0 =	sand.u32 $0x70, s14;
	s1 =	sand.u32 $0x3C00, s23;
	v7 =	vmul.f32 $1.442695020e+00, v4;
	(erf) = vrcp.f32 v5  }
0x672: {  	s28 =	sor.u32 s0, s1  }
0x673: {  	v4 =	vld [tilespmem:s28+$0x0];
	v6 =	vsub.f32 $1.000000000e+00, v63;
	v2 =	vpop (erf);
	(erf) = vpow2.f32 v7  }
0x674: {  	v0 =	vadd.f32 v3, v0;
	v3 =	vpop (erf)  }
0x675: {  	v5 =	vadd.f32 $1.000000000e+00, v2;
	v3 =	vmul.f32 v3, v6  }
0x676: {  	s1 =	simm.s32 $0x60;
	s0 =	simm.s32 $0x300  }
.LBB2_92:
0x677: {  	s14 =	sand.u32 $0x70, s1;
	s23 =	sand.u32 $0x3C00, s0;
	(erf) = vrcp.f32 v5;
	v9 =	vmul.f32 v3, v3;
	p0 =	sne.s32 s1, $0x4F0  }
.Ltmp45:
0x678: {  	s1 =	sadd.s32 $0x10, s1;
	s14 =	sor.u32 s14, s23;
	v5 =	vsub.f32 $0.0e+00, v4;
	(pc) =	sbr.rel @p0 .LBB2_92-.Ltmp45, $4  }
0x679: {  	v6 =	vsub.f32 $1.000000000e+00, v1;
	v1 =	vmov v2;
	v4 =	vld [tilespmem:s14+$0x0];
	v7 =	vmul.f32 $2.500000000e-01, v9;
	v2 =	vpop (erf)  }
0x67a: {  	v8 =	vmul.f32 $1.442695020e+00, v5;
	v3 =	vpop (erf)  }
0x67b: {  	v5 =	vadd.f32 $1.000000000e+00, v2;
	v3 =	vmul.f32 v3, v6;
	v0 =	vadd.f32 v7, v0  }
0x67c: {  	s0 =	sadd.s32 $0x80, s0;
	(erf) = vpow2.f32 v8  }
0x67d: {  	_ = 	snop  }
0x67e: {  	v4 =	vsub.f32 $0.0e+00, v4;
	_ =	sdelay $0x1  }
0x67f: {  	v4 =	vmul.f32 $1.442695020e+00, v4  }
0x680: {  	(erf) = vrcp.f32 v5  }
0x681: {  	(erf) = vpow2.f32 v4;
	_ =	sdelay $0x3  }
0x682: {  	v4 =	vld [tilespmem:s31+$0x80]  }
0x683: {  	v5 =	vpop (erf)  }
0x684: {  	v6 =	vpop (erf)  }
0x685: {  	v7 =	vpop (erf)  }
0x686: {  	v8 =	vadd.f32 $1.000000000e+00, v5;
	v9 =	vpop (erf)  }
0x687: {  	v10 =	vadd.f32 $1.000000000e+00, v7;
	v4 =	vsub.f32 $0.0e+00, v4;
	v11 =	vpop (erf)  }
0x688: {  	(erf) = vrcp.f32 v8;
	v61 =	vadd.f32 $1.000000000e+00, v11  }
0x689: {  	v62 =	vld [tilespmem:s29+$0x80];
	(erf) = vrcp.f32 v10;
	v4 =	vmul.f32 $1.442695020e+00, v4  }
0x68a: {  	(erf) = vrcp.f32 v61  }
0x68b: {  	(erf) = vpow2.f32 v4;
	v4 =	vld [tilespmem:s30+$0x80];
	_ =	sdelay $0x1  }
0x68c: {  	v1 =	vsub.f32 $1.000000000e+00, v1  }
0x68d: {  	v3 =	vmul.f32 v3, v3;
	v8 =	vsub.f32 $0.0e+00, v62  }
0x68e: {  	v2 =	vsub.f32 $1.000000000e+00, v2;
	v1 =	vmul.f32 v6, v1  }
0x68f: {  	v3 =	vmul.f32 $2.500000000e-01, v3;
	v8 =	vmul.f32 $1.442695020e+00, v8;
	v4 =	vsub.f32 $0.0e+00, v4  }
0x690: {  	v5 =	vsub.f32 $1.000000000e+00, v5;
	v1 =	vmul.f32 v1, v1;
	v2 =	vmul.f32 v9, v2;
	v6 =	vpop (erf)  }
0x691: {  	(erf) = vpow2.f32 v8;
	v10 =	vpop (erf);
	v4 =	vmul.f32 $1.442695020e+00, v4  }
0x692: {  	v0 =	vadd.f32 v3, v0;
	v1 =	vmul.f32 $2.500000000e-01, v1;
	v5 =	vmul.f32 v6, v5;
	v63 =	vpop (erf)  }
0x693: {  	v7 =	vsub.f32 $1.000000000e+00, v7;
	v2 =	vmul.f32 v2, v2;
	v3 =	vpop (erf);
	(erf) = vpow2.f32 v4;
	v4 =	vld [tilespmem:s25+$0x80]  }
0x694: {  	v0 =	vadd.f32 v1, v0;
	v1 =	vmul.f32 v5, v5;
	v6 =	vadd.f32 $1.000000000e+00, v3  }
0x695: {  	v2 =	vmul.f32 $2.500000000e-01, v2;
	v5 =	vmul.f32 v10, v7  }
0x696: {  	v1 =	vmul.f32 $2.500000000e-01, v1;
	v7 =	vld [tilespmem:s26+$0x80];
	(erf) = vrcp.f32 v6  }
0x697: {  	v0 =	vadd.f32 v2, v0;
	v2 =	vmul.f32 v5, v5  }
0x698: {  	v6 =	vsub.f32 $1.000000000e+00, v11;
	v4 =	vsub.f32 $0.0e+00, v4  }
0x699: {  	v2 =	vmul.f32 $2.500000000e-01, v2  }
0x69a: {  	v0 =	vadd.f32 v1, v0;
	v1 =	vpop (erf);
	v5 =	vmul.f32 v63, v6;
	v4 =	vmul.f32 $1.442695020e+00, v4  }
0x69b: {  	v6 =	vsub.f32 $0.0e+00, v7;
	v7 =	vadd.f32 $1.000000000e+00, v1  }
0x69c: {  	v5 =	vmul.f32 v5, v5;
	(erf) = vpow2.f32 v4  }
0x69d: {  	v0 =	vadd.f32 v2, v0;
	v6 =	vmul.f32 $1.442695020e+00, v6;
	v2 =	vpop (erf);
	(erf) = vrcp.f32 v7;
	_ =	sdelay $0x1  }
0x69e: {  	v3 =	vsub.f32 $1.000000000e+00, v3;
	v5 =	vmul.f32 $2.500000000e-01, v5;
	v4 =	vld [tilespmem:s28+$0x80];
	v7 =	vpop (erf);
	(erf) = vpow2.f32 v6;
	_ =	sdelay $0x1  }
0x69f: {  	v0 =	vadd.f32 v5, v0;
	v5 =	vadd.f32 $1.000000000e+00, v2;
	v3 =	vmul.f32 v7, v3  }
0x6a0: {  	s1 =	simm.s32 $0x60;
	s0 =	simm.s32 $0x300  }
.LBB2_94:
0x6a1: {  	s14 =	sand.u32 $0x70, s1;
	s23 =	sand.u32 $0x3C00, s0;
	(erf) = vrcp.f32 v5;
	v9 =	vmul.f32 v3, v3;
	p0 =	sne.s32 s1, $0x4F0  }
.Ltmp46:
0x6a2: {  	s1 =	sadd.s32 $0x10, s1;
	s14 =	sor.u32 s14, s23;
	v5 =	vsub.f32 $0.0e+00, v4;
	(pc) =	sbr.rel @p0 .LBB2_94-.Ltmp46, $4  }
0x6a3: {  	v6 =	vsub.f32 $1.000000000e+00, v1;
	v1 =	vmov v2;
	v4 =	vld [tilespmem:s14+$0x80];
	v7 =	vmul.f32 $2.500000000e-01, v9;
	v2 =	vpop (erf)  }
0x6a4: {  	v8 =	vmul.f32 $1.442695020e+00, v5;
	v3 =	vpop (erf)  }
0x6a5: {  	v5 =	vadd.f32 $1.000000000e+00, v2;
	v3 =	vmul.f32 v3, v6;
	v0 =	vadd.f32 v7, v0  }
0x6a6: {  	s0 =	sadd.s32 $0x80, s0;
	(erf) = vpow2.f32 v8  }
0x6a7: {  	_ = 	snop  }
0x6a8: {  	v4 =	vsub.f32 $0.0e+00, v4;
	_ =	sdelay $0x1  }
0x6a9: {  	v4 =	vmul.f32 $1.442695020e+00, v4  }
0x6aa: {  	(erf) = vrcp.f32 v5  }
0x6ab: {  	(erf) = vpow2.f32 v4;
	_ =	sdelay $0x1  }
0x6ac: {  	v56 =	vpop (erf)  }
0x6ad: {  	v57 =	vadd.f32 $1.000000000e+00, v56;
	_ =	sdelay $0x1  }
0x6ae: {  	(erf) = vrcp.f32 v57  }
0x6af: {  	v6 =	vpop (erf)  }
0x6b0: {  	v58 =	vpop (erf)  }
0x6b1: {  	v7 =	vpop (erf);
	v8 =	vadd.f32 $1.000000000e+00, v58  }
0x6b2: {  	v9 =	vpop (erf)  }
0x6b3: {  	(erf) = vrcp.f32 v8;
	v59 =	vadd.f32 $1.000000000e+00, v9  }
0x6b4: {  	v1 =	vsub.f32 $1.000000000e+00, v1;
	v3 =	vmul.f32 v3, v3  }
0x6b5: {  	(erf) = vrcp.f32 v59  }
0x6b6: {  	v3 =	vmul.f32 $2.500000000e-01, v3;
	v1 =	vmul.f32 v6, v1;
	v4 =	vsub.f32 $1.000000000e+00, v56  }
0x6b7: {  	v2 =	vsub.f32 $1.000000000e+00, v2;
	v60 =	vpop (erf)  }
0x6b8: {  	v0 =	vadd.f32 v3, v0;
	v1 =	vmul.f32 v1, v1;
	v3 =	vmul.f32 v60, v4  }
0x6b9: {  	v2 =	vmul.f32 v7, v2  }
0x6ba: {  	v1 =	vmul.f32 $2.500000000e-01, v1  }
0x6bb: {  	v61 =	vsub.f32 $1.000000000e+00, v58;
	v2 =	vmul.f32 v2, v2  }
0x6bc: {  	v0 =	vadd.f32 v1, v0;
	v1 =	vmul.f32 v3, v3;
	v3 =	vpop (erf)  }
0x6bd: {  	v2 =	vmul.f32 $2.500000000e-01, v2;
	v62 =	vsub.f32 $1.000000000e+00, v9;
	v3 =	vmul.f32 v3, v61  }
0x6be: {  	v1 =	vmul.f32 $2.500000000e-01, v1;
	v63 =	vpop (erf)  }
0x6bf: {  	v0 =	vadd.f32 v2, v0;
	v2 =	vmul.f32 v3, v3;
	v3 =	vmul.f32 v63, v62;
	_ =	sdelay $0x1  }
0x6c0: {  	v0 =	vadd.f32 v1, v0;
	v1 =	vmul.f32 $2.500000000e-01, v2;
	v2 =	vmul.f32 v3, v3  }
0x6c1: {  	s25 =	simm.s32 $0x0  }
0x6c2: {  	s0 =	sand.u32 $0x70, s25;
	s1 =	sand.u32 $0x3C00, s25;
	v0 =	vadd.f32 v1, v0;
	v1 =	vmul.f32 $2.500000000e-01, v2  }
0x6c3: {  	s0 =	sor.u32 s0, s1  }
0x6c4: {  	v0 =	vadd.f32 v1, v0;
	v1 =	vld [tilespmem:s0+$0x100]  }
0x6c5: {  	s26 =	simm.s32 $0x0;
	s1 =	simm.s32 $0x10  }
.LBB2_96:
0x6c6: {  	p0 =	sne.s32 s1, $0x4F0  }
.Ltmp47:
0x6c7: {  	s14 =	sand.u32 $0x70, s1;
	s26 =	sadd.s32 $0x80, s26;
	(pc) =	sbr.rel @p0 .LBB2_96-.Ltmp47, $4  }
0x6c8: {  	s1 =	sadd.s32 $0x10, s1;
	s23 =	sand.u32 $0x3C00, s26  }
0x6c9: {  	s14 =	sor.u32 s14, s23;
	v2 =	vmul.f32 v1, v1  }
0x6ca: {  	v1 =	vld [tilespmem:s14+$0x100]  }
0x6cb: {  	v0 =	vadd.f32 v2, v0  }
0x6cc: {  	_ =	sdelay $0x2  }
0x6cd: {  	v1 =	vmul.f32 v1, v1;
	_ =	sdelay $0x1  }
0x6ce: {  	v0 =	vadd.f32 v1, v0;
	v1 =	vld [tilespmem:s0+$0x180]  }
0x6cf: {  	s1 =	simm.s32 $0x10  }
.LBB2_98:
0x6d0: {  	p0 =	sne.s32 s1, $0x4F0  }
.Ltmp48:
0x6d1: {  	s0 =	sand.u32 $0x70, s1;
	s25 =	sadd.s32 $0x80, s25;
	(pc) =	sbr.rel @p0 .LBB2_98-.Ltmp48, $4  }
0x6d2: {  	s1 =	sadd.s32 $0x10, s1;
	s14 =	sand.u32 $0x3C00, s25  }
0x6d3: {  	s0 =	sor.u32 s0, s14;
	v2 =	vmul.f32 v1, v1  }
0x6d4: {  	v1 =	vld [tilespmem:s0+$0x180]  }
0x6d5: {  	v0 =	vadd.f32 v2, v0  }
0x6d6: {  	s0 =	simm.s32 $0x0  }
0x6d7: {  	s1 =	sand.u32 $0x70, s0;
	s0 =	sand.u32 $0x3C00, s0  }
0x6d8: {  	s0 =	sor.u32 s1, s0  }
0x6d9: {  	v2 =	vld [tilespmem:s0+$0x200];
	_ =	sdelay $0x2  }
0x6da: {  	s26 =	simm.s32 $0x10;
	s28 =	simm.s32 $0x80  }
0x6db: {  	s1 =	sand.u32 $0x3C00, s28;
	s0 =	sand.u32 $0x70, s26  }
0x6dc: {  	s0 =	sor.u32 s0, s1;
	v2 =	vsub.f32 $0.0e+00, v2  }
0x6dd: {  	v3 =	vld [tilespmem:s0+$0x200]  }
0x6de: {  	v2 =	vmul.f32 $1.442695020e+00, v2  }
0x6df: {  	s29 =	simm.s32 $0x20;
	s14 =	simm.s32 $0x100  }
0x6e0: {  	s30 =	sand.u32 $0x70, s29;
	s31 =	sand.u32 $0x3C00, s14;
	(erf) = vpow2.f32 v2  }
0x6e1: {  	s0 =	sor.u32 s30, s31  }
0x6e2: {  	v3 =	vsub.f32 $0.0e+00, v3;
	v2 =	vld [tilespmem:s0+$0x200];
	_ =	sdelay $0x1  }
0x6e3: {  	v3 =	vmul.f32 $1.442695020e+00, v3  }
0x6e4: {  	s23 =	simm.s32 $0x180;
	s14 =	simm.s32 $0x30  }
0x6e5: {  	s1 =	sand.u32 $0x3C00, s23;
	s0 =	sand.u32 $0x70, s14;
	(erf) = vpow2.f32 v3  }
0x6e6: {  	s0 =	sor.u32 s0, s1;
	v2 =	vsub.f32 $0.0e+00, v2  }
0x6e7: {  	s25 =	simm.s32 $0x40;
	s26 =	simm.s32 $0x200;
	v4 =	vld [tilespmem:s0+$0x200]  }
0x6e8: {  	s28 =	sand.u32 $0x70, s25;
	s29 =	sand.u32 $0x3C00, s26;
	v2 =	vmul.f32 $1.442695020e+00, v2;
	v3 =	vpop (erf)  }
0x6e9: {  	s0 =	sor.u32 s28, s29;
	v3 =	vadd.f32 $1.000000000e+00, v3  }
0x6ea: {  	(erf) = vpow2.f32 v2;
	v2 =	vld [tilespmem:s0+$0x200]  }
0x6eb: {  	(erf) = vrcp.f32 v3  }
0x6ec: {  	v3 =	vsub.f32 $0.0e+00, v4;
	_ =	sdelay $0x1  }
0x6ed: {  	v4 =	vpop (erf);
	v3 =	vmul.f32 $1.442695020e+00, v3  }
0x6ee: {  	v4 =	vadd.f32 $1.000000000e+00, v4;
	v2 =	vsub.f32 $0.0e+00, v2  }
0x6ef: {  	v1 =	vmul.f32 v1, v1;
	s30 =	simm.s32 $0x50;
	s31 =	simm.s32 $0x280;
	(erf) = vpow2.f32 v3  }
0x6f0: {  	s1 =	sand.u32 $0x3C00, s31;
	s0 =	sand.u32 $0x70, s30;
	v5 =	vmul.f32 $1.442695020e+00, v2;
	(erf) = vrcp.f32 v4  }
0x6f1: {  	s1 =	sor.u32 s0, s1  }
0x6f2: {  	v2 =	vld [tilespmem:s1+$0x200];
	v3 =	vpop (erf);
	(erf) = vpow2.f32 v5  }
0x6f3: {  	v0 =	vadd.f32 v1, v0;
	v1 =	vpop (erf)  }
0x6f4: {  	v3 =	vadd.f32 $1.000000000e+00, v3;
	v1 =	vmul.f32 v1, v1  }
0x6f5: {  	s0 =	simm.s32 $0x60;
	s1 =	simm.s32 $0x300  }
.LBB2_100:
0x6f6: {  	s14 =	sand.u32 $0x70, s0;
	s23 =	sand.u32 $0x3C00, s1;
	(erf) = vrcp.f32 v3;
	v0 =	vadd.f32 v1, v0;
	p0 =	sne.s32 s0, $0x4F0  }
.Ltmp49:
0x6f7: {  	s0 =	sadd.s32 $0x10, s0;
	s14 =	sor.u32 s14, s23;
	v5 =	vsub.f32 $0.0e+00, v2;
	(pc) =	sbr.rel @p0 .LBB2_100-.Ltmp49, $4  }
0x6f8: {  	v2 =	vld [tilespmem:s14+$0x200];
	v3 =	vpop (erf)  }
0x6f9: {  	v4 =	vmul.f32 $1.442695020e+00, v5;
	v1 =	vpop (erf)  }
0x6fa: {  	v3 =	vadd.f32 $1.000000000e+00, v3;
	v1 =	vmul.f32 v1, v1  }
0x6fb: {  	s1 =	sadd.s32 $0x80, s1;
	(erf) = vpow2.f32 v4  }
0x6fc: {  	_ = 	snop  }
0x6fd: {  	v2 =	vsub.f32 $0.0e+00, v2;
	_ =	sdelay $0x1  }
0x6fe: {  	v2 =	vmul.f32 $1.442695020e+00, v2  }
0x6ff: {  	(erf) = vrcp.f32 v3  }
0x700: {  	(erf) = vpow2.f32 v2;
	_ =	sdelay $0x4  }
0x701: {  	v52 =	vpop (erf)  }
0x702: {  	v53 =	vpop (erf);
	v2 =	vadd.f32 $1.000000000e+00, v52  }
0x703: {  	v4 =	vpop (erf)  }
0x704: {  	(erf) = vrcp.f32 v2;
	v54 =	vpop (erf);
	v4 =	vadd.f32 $1.000000000e+00, v4  }
0x705: {  	v5 =	vpop (erf)  }
0x706: {  	(erf) = vrcp.f32 v4;
	v55 =	vadd.f32 $1.000000000e+00, v5;
	_ =	sdelay $0x1  }
0x707: {  	(erf) = vrcp.f32 v55;
	_ =	sdelay $0x1  }
0x708: {  	v0 =	vadd.f32 v1, v0;
	v56 =	vmul.f32 v53, v53;
	_ =	sdelay $0x1  }
0x709: {  	v0 =	vadd.f32 v56, v0;
	v57 =	vmul.f32 v54, v54  }
0x70a: {  	v58 =	vpop (erf)  }
0x70b: {  	v0 =	vadd.f32 v57, v0;
	v59 =	vmul.f32 v58, v58  }
0x70c: {  	v60 =	vpop (erf)  }
0x70d: {  	v0 =	vadd.f32 v59, v0;
	v61 =	vmul.f32 v60, v60  }
0x70e: {  	v62 =	vpop (erf)  }
0x70f: {  	v0 =	vadd.f32 v61, v0;
	v63 =	vmul.f32 v62, v62;
	_ =	sdelay $0x1  }
0x710: {  	s24 =	sadd.s32 $0x1, s24;
	v0 =	vadd.f32 v63, v0  }
0x711: {  	p0 =	sne.s32 s24, s12  }
.Ltmp50:
0x712: {  	s0 =	simm.s32 $0x2800;
	[tilespmem:$0x2800] =	vst v0;
	(pc) =	sbr.rel @p0 .LBB2_1-.Ltmp50, $4  }
0x713: {  	[hbm4b:s11+s2] =	stream.linear.scatter [tilespmem:s0], [sflag:$0x1], $0x80, $0x38;
	[tilespmem:$0x2880] =	vst v63  }
0x714: {  	_ =	swait.ge [sflag:s13], $0x80  }
0x715: {  	[sflag:s13] =	ssyncset.done $0x0  }
0x716: {  	[sflag:s13] =	ssyncadd.s32 $0xFFFFFF80  }
0x717: {  	_ =	sfence.sel $0x180000  }
0x718: {  	[bflag:$0x0] =	sbarrier.arrive $0xFFFF  }
0x719: {  	_ =	strace $0x90000047  }
0x71a: {  	s0 =	stileid.u32;
	[bflag:$0x2] =	sbarrier.arrive $0xFFFF  }
0x71b: {  	p0 =	sne.s32 s0, $0x0;
	s0 =	rddreg [dreg:$0x2]  }
0x71c: {  	s0 =	sadd.s32 @!p0 $0x100000, s0  }
0x71d: {  	[sflag:s0] =	ssyncadd.tile.s32 @!p0 $0x1;
	_ =	shalt  }
.Lfunc_end2:
_tile_overlayer_lowered:
.L_overlay_start_2:
0x71e: {  	(tag) =	ssettag $0x2  }
0x71f: {  	s0 =	rddreg [dreg:$0x0];
	s2 =	stileid.u32  }
0x720: {  	s1 =	rddreg [dreg:$0x1];
	p0 =	sne.s32 s2, $0x0  }
0x721: {  	s3 =	rddreg [dreg:$0x2];
	[bflag:$0x3] =	sbarrier.arrive $0xFFFF;
	s2 =	simm.s32 @!p0 $0x1C01  }
0x722: {  	[timem:s3], [sflag:s2] =	dma.local @!p0 [hbm:s0], s1  }
0x723: {  	s0 =	simm.s32 @!p0 $0x1  }
0x724: {  	_ =	swait.ge @!p0 [sflag:s0], s1  }
0x725: {  	s1 =	ssub.s32 @!p0 $0x0, s1;
	[sflag:s0] =	ssyncset.done @!p0 $0x0  }
0x726: {  	[sflag:s0] =	ssyncadd.s32 @!p0 s1  }
0x727: {  	[bflag:$0x3] =	sbarrier.arrive $0xFFFF  }
0x728: {  	_ =	shalt  }

</sc_bundles>
